<compile_context>
chip_gen: v7x
topology: tpu7x:2x2x1
jax: 0.10.2.dev20260603
libtpu: 0.0.44.dev20260713+nightly
codegen_flags: <defaults>
</compile_context>

<pallas_src>
import jax
import jax.numpy as jnp
from jax import lax
from jax.experimental import pallas as pl
from jax.experimental.pallas import tpu as pltpu
from jax.experimental.pallas import tpu_sc as plsc

NUM_VERTICES = 1_000_000
NUM_TRIANGLES = 2_000_000
LB = 128
NB = NUM_TRIANGLES // LB
CHB = 125
CH = CHB * LB
NCH = NUM_TRIANGLES // CH
NW = 32


def _gather_body(
    t0, t1, t2, v0, v1, v2, out_hbm, idx_v, row_a, row_b, blk_v, sem_g
):
    wid = lax.axis_index("s") * 2 + lax.axis_index("c")
    tri_planes = (t0, t1, t2)
    vert_planes = (v0, v1, v2)

    def repack_and_store(row_v, i, k, c):
        def to_blocks(b, _):
            for l in range(LB // 16):
                blk_v[b, pl.ds(l * 16, 16)] = row_v[pl.ds(b * LB + l * 16, 16)]
            return 0

        lax.fori_loop(0, CHB, to_blocks, 0)
        pltpu.sync_copy(
            blk_v,
            out_hbm.at[i].at[pl.ds(c * CHB, CHB)].at[:, k, :],
        )

    for i in range(3):
        tri = tri_planes[i]

        def body(n, _):
            c = wid + n * NW
            pltpu.sync_copy(tri.at[pl.ds(c * CH, CH)], idx_v)
            cp0 = pltpu.async_copy(vert_planes[0].at[idx_v], row_a, sem_g)
            cp0.wait()
            cp1 = pltpu.async_copy(vert_planes[1].at[idx_v], row_b, sem_g)
            repack_and_store(row_a, i, 0, c)
            cp1.wait()
            cp2 = pltpu.async_copy(vert_planes[2].at[idx_v], row_a, sem_g)
            repack_and_store(row_b, i, 1, c)
            cp2.wait()
            repack_and_store(row_a, i, 2, c)
            return 0

        nloc = (NCH - wid + NW - 1) // NW
        lax.fori_loop(0, nloc, body, 0)


@jax.jit
def _gather(t0, t1, t2, v0, v1, v2):
    mesh = plsc.VectorSubcoreMesh(core_axis_name="c", subcore_axis_name="s")
    fn = pl.kernel(
        _gather_body,
        mesh=mesh,
        compiler_params=pltpu.CompilerParams(use_tc_tiling_on_sc=False),
        out_type=jax.ShapeDtypeStruct((3, NB, 4, LB), jnp.float32),
        scratch_types=[
            pltpu.VMEM((CH,), jnp.int32),
            pltpu.VMEM((CH,), jnp.float32),
            pltpu.VMEM((CH,), jnp.float32),
            pltpu.VMEM((CHB, LB), jnp.float32),
            pltpu.SemaphoreType.DMA,
        ],
    )
    return fn(t0, t1, t2, v0, v1, v2)


def kernel(vertices, triangles):
    tri = triangles.astype(jnp.int32)
    t0, t1, t2 = tri[:, 0], tri[:, 1], tri[:, 2]
    v0, v1, v2 = vertices[:, 0], vertices[:, 1], vertices[:, 2]
    out = _gather(t0, t1, t2, v0, v1, v2)
    return (
        out[:, :, :3, :]
        .transpose(1, 3, 0, 2)
        .reshape(NUM_TRIANGLES, 3, 3)
    )

# --- scband reference (transcript-rebuilt; emitter-appended) ---
"""Pipeline reference for scband-triangle-mesh-1202590843718 (READ-ONLY COPY).

The authoritative reference and input builder live on the scoring server;
editing this copy changes nothing except your own understanding.
"""

import jax, jax.numpy as jnp
import numpy as np

NUM_VERTICES = 1000000
NUM_TRIANGLES = 2000000

def setup_inputs(seed: int = 0) -> dict:
    key = jax.random.key(seed)
    k1, k2 = jax.random.split(key)
    vertices = jax.random.normal(k1, (NUM_VERTICES, 3), dtype=jnp.float32)
    triangles = jax.random.randint(k2, (NUM_TRIANGLES, 3), 0, NUM_VERTICES, dtype=jnp.int64 if jax.config.jax_enable_x64 else jnp.int32)
    return {"vertices": vertices, "triangles": triangles}

def reference(vertices, triangles):
    # Faithful translation of TriangleMesh.triangle_vertices property:
    #   if self.triangles.size == 0: return jnp.empty_like(...)
    #   return jnp.take(self.vertices, self.triangles, axis=0)
    if triangles.size == 0:
        return jnp.empty_like(vertices, shape=(0, 3, 3))
    return jnp.take(vertices, triangles, axis=0)

if __name__ == "__main__":
    import jax
    _d = setup_inputs()
    print(jax.jit(kernel)(*tuple(_d.values())))

</pallas_src>

<mosaic_0001>
#map = affine_map<(d0, d1) -> (0)>
#map1 = affine_map<(d0, d1) -> (0, 0, 0, 0)>
module attributes {stable_mosaic.version = 14 : i64} {
  func.func @_gather_body(%arg0: i32, %arg1: i32, %arg2: memref<2000000xi32, #tpu.memory_space<hbm>>, %arg3: memref<2000000xi32, #tpu.memory_space<hbm>>, %arg4: memref<2000000xi32, #tpu.memory_space<hbm>>, %arg5: memref<1000000xf32, #tpu.memory_space<hbm>>, %arg6: memref<1000000xf32, #tpu.memory_space<hbm>>, %arg7: memref<1000000xf32, #tpu.memory_space<hbm>>, %arg8: memref<3x15625x4x128xf32, #tpu.memory_space<hbm>>, %arg9: memref<16000xi32, #tpu.memory_space<vmem>>, %arg10: memref<16000xf32, #tpu.memory_space<vmem>>, %arg11: memref<16000xf32, #tpu.memory_space<vmem>>, %arg12: memref<125x128xf32, #tpu.memory_space<vmem>>, %arg13: memref<!tpu.dma_semaphore, #tpu.memory_space<semaphore_mem>>) attributes {dimension_semantics = [#tpu.dimension_semantics<core_parallel>, #tpu.dimension_semantics<subcore_parallel>], iteration_bounds = array<i64: 2, 16>, scalar_prefetch = 0 : i64, scratch_operands = 5 : i64, tpu.core_type = #tpu.core_type<sc_vector_subcore>, window_params = [{transform_indices = #map}, {transform_indices = #map}, {transform_indices = #map}, {transform_indices = #map}, {transform_indices = #map}, {transform_indices = #map}, {transform_indices = #map1}]} {
    %mul3A = arith.constant 2 : i32
    %mul3A_0 = arith.muli %arg1, %mul3A : i32
    %add3A = arith.addi %mul3A_0, %arg0 : i32
    %sub3A = arith.constant 125 : i32
    %sub3A_1 = arith.subi %sub3A, %add3A : i32
    %add3A_2 = arith.constant 32 : i32
    %add3A_3 = arith.addi %sub3A_1, %add3A_2 : i32
    %sub3A_4 = arith.constant 1 : i32
    %sub3A_5 = arith.subi %add3A_3, %sub3A_4 : i32
    %jit3A = arith.constant 32 : i32
    %div3A = arith.divsi %sub3A_5, %jit3A : i32
    %sign3A = arith.constant 0 : i32
    %sign3A_6 = arith.cmpi sgt, %sub3A_5, %sign3A : i32
    %sign3A_7 = arith.extui %sign3A_6 : i1 to i32
    %sign3A_8 = arith.constant 0 : i32
    %sign3A_9 = arith.cmpi slt, %sub3A_5, %sign3A_8 : i32
    %sign3A_10 = arith.extui %sign3A_9 : i1 to i32
    %sign3A_11 = arith.subi %sign3A_7, %sign3A_10 : i32
    %sign3A_12 = arith.constant 0 : i32
    %sign3A_13 = arith.cmpi sgt, %jit3A, %sign3A_12 : i32
    %sign3A_14 = arith.extui %sign3A_13 : i1 to i32
    %sign3A_15 = arith.constant 0 : i32
    %sign3A_16 = arith.cmpi slt, %jit3A, %sign3A_15 : i32
    %sign3A_17 = arith.extui %sign3A_16 : i1 to i32
    %sign3A_18 = arith.subi %sign3A_14, %sign3A_17 : i32
    %ne3A = arith.cmpi ne, %sign3A_11, %sign3A_18 : i32
    %rem3A = arith.remsi %sub3A_5, %jit3A : i32
    %ne3A_19 = arith.constant 0 : i32
    %ne3A_20 = arith.cmpi ne, %rem3A, %ne3A_19 : i32
    %and3A = arith.andi %ne3A, %ne3A_20 : i1
    %sub3A_21 = arith.constant 1 : i32
    %sub3A_22 = arith.subi %div3A, %sub3A_21 : i32
    %select_n3A = arith.select %and3A, %sub3A_22, %div3A : i32
    %while3A = arith.constant 0 : i32
    %while3A_23 = arith.constant 0 : i32
    %while3A_24 = arith.subi %select_n3A, %while3A : i32
    %while3A_25 = arith.addi %while3A, %while3A_24 : i32
    %while3A_26 = arith.constant 1 : i32
    %while3A_27 = arith.divsi %while3A_24, %while3A_26 : i32
    %while3A_28 = arith.muli %while3A_27, %while3A_26 : i32
    %while3A_29 = arith.addi %while3A, %while3A_28 : i32
    %while3A_30 = arith.constant 1 : i32
    %while3A_31 = scf.for %while3A_118 = %while3A to %while3A_29 step %while3A_30 iter_args(%while3A_119 = %while3A_23) -> (i32)  : i32 {
      %mul3A_120 = arith.constant 32 : i32
      %mul3A_121 = arith.muli %while3A_118, %mul3A_120 : i32
      %add3A_122 = arith.addi %add3A, %mul3A_121 : i32
      %mul3A_123 = arith.constant 16000 : i32
      %mul3A_124 = arith.muli %add3A_122, %mul3A_123 : i32
      "tpu.region"() ({
        %run_scoped3A_167 = tpu.sem_alloc : memref<!tpu.dma_semaphore, #tpu.memory_space<semaphore_mem>>
        %dma_start3A_168 = tpu.memref_slice %arg2[%mul3A_124] : memref<2000000xi32, #tpu.memory_space<hbm>> -> memref<16000xi32, #tpu.memory_space<hbm>>
        %dma_start3A_169 = tpu.memref_slice %arg2[%mul3A_124] : memref<2000000xi32, #tpu.memory_space<hbm>> -> memref<16000xi32, #tpu.memory_space<hbm>>
        tpu.enqueue_dma source(%dma_start3A_169 : memref<16000xi32, #tpu.memory_space<hbm>>) target(%arg9 : memref<16000xi32, #tpu.memory_space<vmem>>) target_semaphore(%run_scoped3A_167 : memref<!tpu.dma_semaphore, #tpu.memory_space<semaphore_mem>>)
        %dma_wait3A_170 = tpu.memref_slice %arg2[%mul3A_124] : memref<2000000xi32, #tpu.memory_space<hbm>> -> memref<16000xi32, #tpu.memory_space<hbm>>
        %dma_wait3A_171 = tpu.memref_slice %arg2[%mul3A_124] : memref<2000000xi32, #tpu.memory_space<hbm>> -> memref<16000xi32, #tpu.memory_space<hbm>>
        tpu.wait_dma2 semaphore(%run_scoped3A_167 : memref<!tpu.dma_semaphore, #tpu.memory_space<semaphore_mem>>) src(%dma_wait3A_171 : memref<16000xi32, #tpu.memory_space<hbm>>) dst(%arg9 : memref<16000xi32, #tpu.memory_space<vmem>>)
        tpu.yield
      }) : () -> ()
      %dma_start3A = arith.constant 0 : i32
      %dma_start3A_125 = tpu.memref_slice %arg5[%dma_start3A] : memref<1000000xf32, #tpu.memory_space<hbm>> -> memref<1000000xf32, #tpu.memory_space<hbm>>
      tpu.enqueue_indirect_dma source(%dma_start3A_125 : memref<1000000xf32, #tpu.memory_space<hbm>>) target(%arg10 : memref<16000xf32, #tpu.memory_space<vmem>>) offsets(%arg9 : memref<16000xi32, #tpu.memory_space<vmem>>) semaphore(%arg13 : memref<!tpu.dma_semaphore, #tpu.memory_space<semaphore_mem>>)
      %dma_wait3A = arith.constant 0 : i32
      %dma_wait3A_126 = tpu.memref_slice %arg5[%dma_wait3A] : memref<1000000xf32, #tpu.memory_space<hbm>> -> memref<1000000xf32, #tpu.memory_space<hbm>>
      tpu.wait_indirect_dma semaphore(%arg13 : memref<!tpu.dma_semaphore, #tpu.memory_space<semaphore_mem>>) src(%dma_wait3A_126 : memref<1000000xf32, #tpu.memory_space<hbm>>) dst(%arg10 : memref<16000xf32, #tpu.memory_space<vmem>>)
      %dma_start3A_127 = arith.constant 0 : i32
      %dma_start3A_128 = tpu.memref_slice %arg6[%dma_start3A_127] : memref<1000000xf32, #tpu.memory_space<hbm>> -> memref<1000000xf32, #tpu.memory_space<hbm>>
      tpu.enqueue_indirect_dma source(%dma_start3A_128 : memref<1000000xf32, #tpu.memory_space<hbm>>) target(%arg11 : memref<16000xf32, #tpu.memory_space<vmem>>) offsets(%arg9 : memref<16000xi32, #tpu.memory_space<vmem>>) semaphore(%arg13 : memref<!tpu.dma_semaphore, #tpu.memory_space<semaphore_mem>>)
      %scan3A = arith.constant 0 : i32
      %scan3A_129 = arith.constant 0 : i32
      %scan3A_130 = arith.constant 125 : i32
      %scan3A_131 = arith.addi %scan3A_129, %scan3A_130 : i32
      %scan3A_132 = arith.constant 1 : i32
      %scan3A_133 = scf.for %scan3A_167 = %scan3A_129 to %scan3A_131 step %scan3A_132 iter_args(%scan3A_168 = %scan3A) -> (i32)  : i32 {
        %mul3A_169 = arith.constant 128 : i32
        %mul3A_170 = arith.muli %scan3A_167, %mul3A_169 : i32
        %add3A_171 = arith.constant 0 : i32
        %add3A_172 = arith.addi %mul3A_170, %add3A_171 : i32
        %get3A = arith.index_cast %add3A_172 : i32 to index
        %get3A_173 = tpu.vector_load %arg10[%get3A] {strides = array<i32>} : memref<16000xf32, #tpu.memory_space<vmem>>, vector<16xf32>,
        %get3A_174 = vector.shape_cast %get3A_173 : vector<16xf32> to vector<16xf32>
        %swap3A = arith.index_cast %scan3A_167 : i32 to index
        %swap3A_175 = arith.constant 0 : index
        %swap3A_176 = tpu.vector_load %arg12[%swap3A, %swap3A_175] {strides = array<i32>} : memref<125x128xf32, #tpu.memory_space<vmem>>, vector<1x16xf32>,
        %swap3A_177 = vector.shape_cast %swap3A_176 : vector<1x16xf32> to vector<16xf32>
        %swap3A_178 = vector.shape_cast %get3A_174 : vector<16xf32> to vector<1x16xf32>
        tpu.vector_store %arg12[%swap3A, %swap3A_175], %swap3A_178 {strides = array<i32>} : memref<125x128xf32, #tpu.memory_space<vmem>>, vector<1x16xf32>,
        %mul3A_179 = arith.constant 128 : i32
        %mul3A_180 = arith.muli %scan3A_167, %mul3A_179 : i32
        %add3A_181 = arith.constant 16 : i32
        %add3A_182 = arith.addi %mul3A_180, %add3A_181 : i32
        %get3A_183 = arith.index_cast %add3A_182 : i32 to index
        %get3A_184 = tpu.vector_load %arg10[%get3A_183] {strides = array<i32>} : memref<16000xf32, #tpu.memory_space<vmem>>, vector<16xf32>,
        %get3A_185 = vector.shape_cast %get3A_184 : vector<16xf32> to vector<16xf32>
        %swap3A_186 = arith.index_cast %scan3A_167 : i32 to index
        %swap3A_187 = arith.constant 16 : index
        %swap3A_188 = tpu.vector_load %arg12[%swap3A_186, %swap3A_187] {strides = array<i32>} : memref<125x128xf32, #tpu.memory_space<vmem>>, vector<1x16xf32>,
        %swap3A_189 = vector.shape_cast %swap3A_188 : vector<1x16xf32> to vector<16xf32>
        %swap3A_190 = vector.shape_cast %get3A_185 : vector<16xf32> to vector<1x16xf32>
        tpu.vector_store %arg12[%swap3A_186, %swap3A_187], %swap3A_190 {strides = array<i32>} : memref<125x128xf32, #tpu.memory_space<vmem>>, vector<1x16xf32>,
        %mul3A_191 = arith.constant 128 : i32
        %mul3A_192 = arith.muli %scan3A_167, %mul3A_191 : i32
        %add3A_193 = arith.constant 32 : i32
        %add3A_194 = arith.addi %mul3A_192, %add3A_193 : i32
        %get3A_195 = arith.index_cast %add3A_194 : i32 to index
        %get3A_196 = tpu.vector_load %arg10[%get3A_195] {strides = array<i32>} : memref<16000xf32, #tpu.memory_space<vmem>>, vector<16xf32>,
        %get3A_197 = vector.shape_cast %get3A_196 : vector<16xf32> to vector<16xf32>
        %swap3A_198 = arith.index_cast %scan3A_167 : i32 to index
        %swap3A_199 = arith.constant 32 : index
        %swap3A_200 = tpu.vector_load %arg12[%swap3A_198, %swap3A_199] {strides = array<i32>} : memref<125x128xf32, #tpu.memory_space<vmem>>, vector<1x16xf32>,
        %swap3A_201 = vector.shape_cast %swap3A_200 : vector<1x16xf32> to vector<16xf32>
        %swap3A_202 = vector.shape_cast %get3A_197 : vector<16xf32> to vector<1x16xf32>
        tpu.vector_store %arg12[%swap3A_198, %swap3A_199], %swap3A_202 {strides = array<i32>} : memref<125x128xf32, #tpu.memory_space<vmem>>, vector<1x16xf32>,
        %mul3A_203 = arith.constant 128 : i32
        %mul3A_204 = arith.muli %scan3A_167, %mul3A_203 : i32
        %add3A_205 = arith.constant 48 : i32
        %add3A_206 = arith.addi %mul3A_204, %add3A_205 : i32
        %get3A_207 = arith.index_cast %add3A_206 : i32 to index
        %get3A_208 = tpu.vector_load %arg10[%get3A_207] {strides = array<i32>} : memref<16000xf32, #tpu.memory_space<vmem>>, vector<16xf32>,
        %get3A_209 = vector.shape_cast %get3A_208 : vector<16xf32> to vector<16xf32>
        %swap3A_210 = arith.index_cast %scan3A_167 : i32 to index
        %swap3A_211 = arith.constant 48 : index
        %swap3A_212 = tpu.vector_load %arg12[%swap3A_210, %swap3A_211] {strides = array<i32>} : memref<125x128xf32, #tpu.memory_space<vmem>>, vector<1x16xf32>,
        %swap3A_213 = vector.shape_cast %swap3A_212 : vector<1x16xf32> to vector<16xf32>
        %swap3A_214 = vector.shape_cast %get3A_209 : vector<16xf32> to vector<1x16xf32>
        tpu.vector_store %arg12[%swap3A_210, %swap3A_211], %swap3A_214 {strides = array<i32>} : memref<125x128xf32, #tpu.memory_space<vmem>>, vector<1x16xf32>,
        %mul3A_215 = arith.constant 128 : i32
        %mul3A_216 = arith.muli %scan3A_167, %mul3A_215 : i32
        %add3A_217 = arith.constant 64 : i32
        %add3A_218 = arith.addi %mul3A_216, %add3A_217 : i32
        %get3A_219 = arith.index_cast %add3A_218 : i32 to index
        %get3A_220 = tpu.vector_load %arg10[%get3A_219] {strides = array<i32>} : memref<16000xf32, #tpu.memory_space<vmem>>, vector<16xf32>,
        %get3A_221 = vector.shape_cast %get3A_220 : vector<16xf32> to vector<16xf32>
        %swap3A_222 = arith.index_cast %scan3A_167 : i32 to index
        %swap3A_223 = arith.constant 64 : index
        %swap3A_224 = tpu.vector_load %arg12[%swap3A_222, %swap3A_223] {strides = array<i32>} : memref<125x128xf32, #tpu.memory_space<vmem>>, vector<1x16xf32>,
        %swap3A_225 = vector.shape_cast %swap3A_224 : vector<1x16xf32> to vector<16xf32>
        %swap3A_226 = vector.shape_cast %get3A_221 : vector<16xf32> to vector<1x16xf32>
        tpu.vector_store %arg12[%swap3A_222, %swap3A_223], %swap3A_226 {strides = array<i32>} : memref<125x128xf32, #tpu.memory_space<vmem>>, vector<1x16xf32>,
        %mul3A_227 = arith.constant 128 : i32
        %mul3A_228 = arith.muli %scan3A_167, %mul3A_227 : i32
        %add3A_229 = arith.constant 80 : i32
        %add3A_230 = arith.addi %mul3A_228, %add3A_229 : i32
        %get3A_231 = arith.index_cast %add3A_230 : i32 to index
        %get3A_232 = tpu.vector_load %arg10[%get3A_231] {strides = array<i32>} : memref<16000xf32, #tpu.memory_space<vmem>>, vector<16xf32>,
        %get3A_233 = vector.shape_cast %get3A_232 : vector<16xf32> to vector<16xf32>
        %swap3A_234 = arith.index_cast %scan3A_167 : i32 to index
        %swap3A_235 = arith.constant 80 : index
        %swap3A_236 = tpu.vector_load %arg12[%swap3A_234, %swap3A_235] {strides = array<i32>} : memref<125x128xf32, #tpu.memory_space<vmem>>, vector<1x16xf32>,
        %swap3A_237 = vector.shape_cast %swap3A_236 : vector<1x16xf32> to vector<16xf32>
        %swap3A_238 = vector.shape_cast %get3A_233 : vector<16xf32> to vector<1x16xf32>
        tpu.vector_store %arg12[%swap3A_234, %swap3A_235], %swap3A_238 {strides = array<i32>} : memref<125x128xf32, #tpu.memory_space<vmem>>, vector<1x16xf32>,
        %mul3A_239 = arith.constant 128 : i32
        %mul3A_240 = arith.muli %scan3A_167, %mul3A_239 : i32
        %add3A_241 = arith.constant 96 : i32
        %add3A_242 = arith.addi %mul3A_240, %add3A_241 : i32
        %get3A_243 = arith.index_cast %add3A_242 : i32 to index
        %get3A_244 = tpu.vector_load %arg10[%get3A_243] {strides = array<i32>} : memref<16000xf32, #tpu.memory_space<vmem>>, vector<16xf32>,
        %get3A_245 = vector.shape_cast %get3A_244 : vector<16xf32> to vector<16xf32>
        %swap3A_246 = arith.index_cast %scan3A_167 : i32 to index
        %swap3A_247 = arith.constant 96 : index
        %swap3A_248 = tpu.vector_load %arg12[%swap3A_246, %swap3A_247] {strides = array<i32>} : memref<125x128xf32, #tpu.memory_space<vmem>>, vector<1x16xf32>,
        %swap3A_249 = vector.shape_cast %swap3A_248 : vector<1x16xf32> to vector<16xf32>
        %swap3A_250 = vector.shape_cast %get3A_245 : vector<16xf32> to vector<1x16xf32>
        tpu.vector_store %arg12[%swap3A_246, %swap3A_247], %swap3A_250 {strides = array<i32>} : memref<125x128xf32, #tpu.memory_space<vmem>>, vector<1x16xf32>,
        %mul3A_251 = arith.constant 128 : i32
        %mul3A_252 = arith.muli %scan3A_167, %mul3A_251 : i32
        %add3A_253 = arith.constant 112 : i32
        %add3A_254 = arith.addi %mul3A_252, %add3A_253 : i32
        %get3A_255 = arith.index_cast %add3A_254 : i32 to index
        %get3A_256 = tpu.vector_load %arg10[%get3A_255] {strides = array<i32>} : memref<16000xf32, #tpu.memory_space<vmem>>, vector<16xf32>,
        %get3A_257 = vector.shape_cast %get3A_256 : vector<16xf32> to vector<16xf32>
        %swap3A_258 = arith.index_cast %scan3A_167 : i32 to index
        %swap3A_259 = arith.constant 112 : index
        %swap3A_260 = tpu.vector_load %arg12[%swap3A_258, %swap3A_259] {strides = array<i32>} : memref<125x128xf32, #tpu.memory_space<vmem>>, vector<1x16xf32>,
        %swap3A_261 = vector.shape_cast %swap3A_260 : vector<1x16xf32> to vector<16xf32>
        %swap3A_262 = vector.shape_cast %get3A_257 : vector<16xf32> to vector<1x16xf32>
        tpu.vector_store %arg12[%swap3A_258, %swap3A_259], %swap3A_262 {strides = array<i32>} : memref<125x128xf32, #tpu.memory_space<vmem>>, vector<1x16xf32>,
        %scan3A_263 = arith.constant 0 : i32
        scf.yield %scan3A_263 : i32
      }
      %scan3A_134 = arith.constant 125 : i32
      %mul3A_135 = arith.constant 125 : i32
      %mul3A_136 = arith.muli %add3A_122, %mul3A_135 : i32
      %run_scoped3A = arith.constant 0 : i32
      %run_scoped3A_137 = arith.constant 0 : i32
      "tpu.region"() ({
        %run_scoped3A_167 = tpu.sem_alloc : memref<!tpu.dma_semaphore, #tpu.memory_space<semaphore_mem>>
        %dma_start3A_168 = arith.constant 0 : i32
        %dma_start3A_169 = arith.constant 0 : i32
        %dma_start3A_170 = arith.constant 0 : i32
        %dma_start3A_171 = tpu.memref_slice %arg8[%run_scoped3A, %dma_start3A_168, %dma_start3A_169, %dma_start3A_170] : memref<3x15625x4x128xf32, #tpu.memory_space<hbm>> -> memref<1x15625x4x128xf32, #tpu.memory_space<hbm>>
        %dma_start3A_172 = tpu.memref_squeeze %dma_start3A_171 : memref<1x15625x4x128xf32, #tpu.memory_space<hbm>> -> memref<15625x4x128xf32, #tpu.memory_space<hbm>>
        %dma_start3A_173 = arith.constant 0 : i32
        %dma_start3A_174 = arith.constant 0 : i32
        %dma_start3A_175 = tpu.memref_slice %dma_start3A_172[%mul3A_136, %dma_start3A_173, %dma_start3A_174] : memref<15625x4x128xf32, #tpu.memory_space<hbm>> -> memref<125x4x128xf32, #tpu.memory_space<hbm>>
        %dma_start3A_176 = arith.constant 0 : i32
        %dma_start3A_177 = arith.constant 0 : i32
        %dma_start3A_178 = tpu.memref_slice %dma_start3A_175[%dma_start3A_176, %run_scoped3A_137, %dma_start3A_177] : memref<125x4x128xf32, #tpu.memory_space<hbm>> -> memref<125x1x128xf32, #tpu.memory_space<hbm>>
        %dma_start3A_179 = tpu.memref_squeeze %dma_start3A_178 : memref<125x1x128xf32, #tpu.memory_space<hbm>> -> memref<125x128xf32, #tpu.memory_space<hbm>>
        %dma_start3A_180 = arith.constant 0 : i32
        %dma_start3A_181 = arith.constant 0 : i32
        %dma_start3A_182 = arith.constant 0 : i32
        %dma_start3A_183 = tpu.memref_slice %arg8[%run_scoped3A, %dma_start3A_180, %dma_start3A_181, %dma_start3A_182] : memref<3x15625x4x128xf32, #tpu.memory_space<hbm>> -> memref<1x15625x4x128xf32, #tpu.memory_space<hbm>>
        %dma_start3A_184 = tpu.memref_squeeze %dma_start3A_183 : memref<1x15625x4x128xf32, #tpu.memory_space<hbm>> -> memref<15625x4x128xf32, #tpu.memory_space<hbm>>
        %dma_start3A_185 = arith.constant 0 : i32
        %dma_start3A_186 = arith.constant 0 : i32
        %dma_start3A_187 = tpu.memref_slice %dma_start3A_184[%mul3A_136, %dma_start3A_185, %dma_start3A_186] : memref<15625x4x128xf32, #tpu.memory_space<hbm>> -> memref<125x4x128xf32, #tpu.memory_space<hbm>>
        %dma_start3A_188 = arith.constant 0 : i32
        %dma_start3A_189 = arith.constant 0 : i32
        %dma_start3A_190 = tpu.memref_slice %dma_start3A_187[%dma_start3A_188, %run_scoped3A_137, %dma_start3A_189] : memref<125x4x128xf32, #tpu.memory_space<hbm>> -> memref<125x1x128xf32, #tpu.memory_space<hbm>>
        %dma_start3A_191 = tpu.memref_squeeze %dma_start3A_190 : memref<125x1x128xf32, #tpu.memory_space<hbm>> -> memref<125x128xf32, #tpu.memory_space<hbm>>
        tpu.enqueue_dma source(%arg12 : memref<125x128xf32, #tpu.memory_space<vmem>>) target(%dma_start3A_191 : memref<125x128xf32, #tpu.memory_space<hbm>>) target_semaphore(%run_scoped3A_167 : memref<!tpu.dma_semaphore, #tpu.memory_space<semaphore_mem>>)
        %dma_wait3A_192 = arith.constant 0 : i32
        %dma_wait3A_193 = arith.constant 0 : i32
        %dma_wait3A_194 = arith.constant 0 : i32
        %dma_wait3A_195 = tpu.memref_slice %arg8[%run_scoped3A, %dma_wait3A_192, %dma_wait3A_193, %dma_wait3A_194] : memref<3x15625x4x128xf32, #tpu.memory_space<hbm>> -> memref<1x15625x4x128xf32, #tpu.memory_space<hbm>>
        %dma_wait3A_196 = tpu.memref_squeeze %dma_wait3A_195 : memref<1x15625x4x128xf32, #tpu.memory_space<hbm>> -> memref<15625x4x128xf32, #tpu.memory_space<hbm>>
        %dma_wait3A_197 = arith.constant 0 : i32
        %dma_wait3A_198 = arith.constant 0 : i32
        %dma_wait3A_199 = tpu.memref_slice %dma_wait3A_196[%mul3A_136, %dma_wait3A_197, %dma_wait3A_198] : memref<15625x4x128xf32, #tpu.memory_space<hbm>> -> memref<125x4x128xf32, #tpu.memory_space<hbm>>
        %dma_wait3A_200 = arith.constant 0 : i32
        %dma_wait3A_201 = arith.constant 0 : i32
        %dma_wait3A_202 = tpu.memref_slice %dma_wait3A_199[%dma_wait3A_200, %run_scoped3A_137, %dma_wait3A_201] : memref<125x4x128xf32, #tpu.memory_space<hbm>> -> memref<125x1x128xf32, #tpu.memory_space<hbm>>
        %dma_wait3A_203 = tpu.memref_squeeze %dma_wait3A_202 : memref<125x1x128xf32, #tpu.memory_space<hbm>> -> memref<125x128xf32, #tpu.memory_space<hbm>>
        %dma_wait3A_204 = arith.constant 0 : i32
        %dma_wait3A_205 = arith.constant 0 : i32
        %dma_wait3A_206 = arith.constant 0 : i32
        %dma_wait3A_207 = tpu.memref_slice %arg8[%run_scoped3A, %dma_wait3A_204, %dma_wait3A_205, %dma_wait3A_206] : memref<3x15625x4x128xf32, #tpu.memory_space<hbm>> -> memref<1x15625x4x128xf32, #tpu.memory_space<hbm>>
        %dma_wait3A_208 = tpu.memref_squeeze %dma_wait3A_207 : memref<1x15625x4x128xf32, #tpu.memory_space<hbm>> -> memref<15625x4x128xf32, #tpu.memory_space<hbm>>
        %dma_wait3A_209 = arith.constant 0 : i32
        %dma_wait3A_210 = arith.constant 0 : i32
        %dma_wait3A_211 = tpu.memref_slice %dma_wait3A_208[%mul3A_136, %dma_wait3A_209, %dma_wait3A_210] : memref<15625x4x128xf32, #tpu.memory_space<hbm>> -> memref<125x4x128xf32, #tpu.memory_space<hbm>>
        %dma_wait3A_212 = arith.constant 0 : i32
        %dma_wait3A_213 = arith.constant 0 : i32
        %dma_wait3A_214 = tpu.memref_slice %dma_wait3A_211[%dma_wait3A_212, %run_scoped3A_137, %dma_wait3A_213] : memref<125x4x128xf32, #tpu.memory_space<hbm>> -> memref<125x1x128xf32, #tpu.memory_space<hbm>>
        %dma_wait3A_215 = tpu.memref_squeeze %dma_wait3A_214 : memref<125x1x128xf32, #tpu.memory_space<hbm>> -> memref<125x128xf32, #tpu.memory_space<hbm>>
        tpu.wait_dma2 semaphore(%run_scoped3A_167 : memref<!tpu.dma_semaphore, #tpu.memory_space<semaphore_mem>>) src(%arg12 : memref<125x128xf32, #tpu.memory_space<vmem>>) dst(%dma_wait3A_215 : memref<125x128xf32, #tpu.memory_space<hbm>>)
        tpu.yield
      }) : () -> ()
      %dma_wait3A_138 = arith.constant 0 : i32
      %dma_wait3A_139 = tpu.memref_slice %arg6[%dma_wait3A_138] : memref<1000000xf32, #tpu.memory_space<hbm>> -> memref<1000000xf32, #tpu.memory_space<hbm>>
      tpu.wait_indirect_dma semaphore(%arg13 : memref<!tpu.dma_semaphore, #tpu.memory_space<semaphore_mem>>) src(%dma_wait3A_139 : memref<1000000xf32, #tpu.memory_space<hbm>>) dst(%arg11 : memref<16000xf32, #tpu.memory_space<vmem>>)
      %dma_start3A_140 = arith.constant 0 : i32
      %dma_start3A_141 = tpu.memref_slice %arg7[%dma_start3A_140] : memref<1000000xf32, #tpu.memory_space<hbm>> -> memref<1000000xf32, #tpu.memory_space<hbm>>
      tpu.enqueue_indirect_dma source(%dma_start3A_141 : memref<1000000xf32, #tpu.memory_space<hbm>>) target(%arg10 : memref<16000xf32, #tpu.memory_space<vmem>>) offsets(%arg9 : memref<16000xi32, #tpu.memory_space<vmem>>) semaphore(%arg13 : memref<!tpu.dma_semaphore, #tpu.memory_space<semaphore_mem>>)
      %scan3A_142 = arith.constant 0 : i32
      %scan3A_143 = arith.constant 0 : i32
      %scan3A_144 = arith.constant 125 : i32
      %scan3A_145 = arith.addi %scan3A_143, %scan3A_144 : i32
      %scan3A_146 = arith.constant 1 : i32
      %scan3A_147 = scf.for %scan3A_167 = %scan3A_143 to %scan3A_145 step %scan3A_146 iter_args(%scan3A_168 = %scan3A_142) -> (i32)  : i32 {
        %mul3A_169 = arith.constant 128 : i32
        %mul3A_170 = arith.muli %scan3A_167, %mul3A_169 : i32
        %add3A_171 = arith.constant 0 : i32
        %add3A_172 = arith.addi %mul3A_170, %add3A_171 : i32
        %get3A = arith.index_cast %add3A_172 : i32 to index
        %get3A_173 = tpu.vector_load %arg11[%get3A] {strides = array<i32>} : memref<16000xf32, #tpu.memory_space<vmem>>, vector<16xf32>,
        %get3A_174 = vector.shape_cast %get3A_173 : vector<16xf32> to vector<16xf32>
        %swap3A = arith.index_cast %scan3A_167 : i32 to index
        %swap3A_175 = arith.constant 0 : index
        %swap3A_176 = tpu.vector_load %arg12[%swap3A, %swap3A_175] {strides = array<i32>} : memref<125x128xf32, #tpu.memory_space<vmem>>, vector<1x16xf32>,
        %swap3A_177 = vector.shape_cast %swap3A_176 : vector<1x16xf32> to vector<16xf32>
        %swap3A_178 = vector.shape_cast %get3A_174 : vector<16xf32> to vector<1x16xf32>
        tpu.vector_store %arg12[%swap3A, %swap3A_175], %swap3A_178 {strides = array<i32>} : memref<125x128xf32, #tpu.memory_space<vmem>>, vector<1x16xf32>,
        %mul3A_179 = arith.constant 128 : i32
        %mul3A_180 = arith.muli %scan3A_167, %mul3A_179 : i32
        %add3A_181 = arith.constant 16 : i32
        %add3A_182 = arith.addi %mul3A_180, %add3A_181 : i32
        %get3A_183 = arith.index_cast %add3A_182 : i32 to index
        %get3A_184 = tpu.vector_load %arg11[%get3A_183] {strides = array<i32>} : memref<16000xf32, #tpu.memory_space<vmem>>, vector<16xf32>,
        %get3A_185 = vector.shape_cast %get3A_184 : vector<16xf32> to vector<16xf32>
        %swap3A_186 = arith.index_cast %scan3A_167 : i32 to index
        %swap3A_187 = arith.constant 16 : index
        %swap3A_188 = tpu.vector_load %arg12[%swap3A_186, %swap3A_187] {strides = array<i32>} : memref<125x128xf32, #tpu.memory_space<vmem>>, vector<1x16xf32>,
        %swap3A_189 = vector.shape_cast %swap3A_188 : vector<1x16xf32> to vector<16xf32>
        %swap3A_190 = vector.shape_cast %get3A_185 : vector<16xf32> to vector<1x16xf32>
        tpu.vector_store %arg12[%swap3A_186, %swap3A_187], %swap3A_190 {strides = array<i32>} : memref<125x128xf32, #tpu.memory_space<vmem>>, vector<1x16xf32>,
        %mul3A_191 = arith.constant 128 : i32
        %mul3A_192 = arith.muli %scan3A_167, %mul3A_191 : i32
        %add3A_193 = arith.constant 32 : i32
        %add3A_194 = arith.addi %mul3A_192, %add3A_193 : i32
        %get3A_195 = arith.index_cast %add3A_194 : i32 to index
        %get3A_196 = tpu.vector_load %arg11[%get3A_195] {strides = array<i32>} : memref<16000xf32, #tpu.memory_space<vmem>>, vector<16xf32>,
        %get3A_197 = vector.shape_cast %get3A_196 : vector<16xf32> to vector<16xf32>
        %swap3A_198 = arith.index_cast %scan3A_167 : i32 to index
        %swap3A_199 = arith.constant 32 : index
        %swap3A_200 = tpu.vector_load %arg12[%swap3A_198, %swap3A_199] {strides = array<i32>} : memref<125x128xf32, #tpu.memory_space<vmem>>, vector<1x16xf32>,
        %swap3A_201 = vector.shape_cast %swap3A_200 : vector<1x16xf32> to vector<16xf32>
        %swap3A_202 = vector.shape_cast %get3A_197 : vector<16xf32> to vector<1x16xf32>
        tpu.vector_store %arg12[%swap3A_198, %swap3A_199], %swap3A_202 {strides = array<i32>} : memref<125x128xf32, #tpu.memory_space<vmem>>, vector<1x16xf32>,
        %mul3A_203 = arith.constant 128 : i32
        %mul3A_204 = arith.muli %scan3A_167, %mul3A_203 : i32
        %add3A_205 = arith.constant 48 : i32
        %add3A_206 = arith.addi %mul3A_204, %add3A_205 : i32
        %get3A_207 = arith.index_cast %add3A_206 : i32 to index
        %get3A_208 = tpu.vector_load %arg11[%get3A_207] {strides = array<i32>} : memref<16000xf32, #tpu.memory_space<vmem>>, vector<16xf32>,
        %get3A_209 = vector.shape_cast %get3A_208 : vector<16xf32> to vector<16xf32>
        %swap3A_210 = arith.index_cast %scan3A_167 : i32 to index
        %swap3A_211 = arith.constant 48 : index
        %swap3A_212 = tpu.vector_load %arg12[%swap3A_210, %swap3A_211] {strides = array<i32>} : memref<125x128xf32, #tpu.memory_space<vmem>>, vector<1x16xf32>,
        %swap3A_213 = vector.shape_cast %swap3A_212 : vector<1x16xf32> to vector<16xf32>
        %swap3A_214 = vector.shape_cast %get3A_209 : vector<16xf32> to vector<1x16xf32>
        tpu.vector_store %arg12[%swap3A_210, %swap3A_211], %swap3A_214 {strides = array<i32>} : memref<125x128xf32, #tpu.memory_space<vmem>>, vector<1x16xf32>,
        %mul3A_215 = arith.constant 128 : i32
        %mul3A_216 = arith.muli %scan3A_167, %mul3A_215 : i32
        %add3A_217 = arith.constant 64 : i32
        %add3A_218 = arith.addi %mul3A_216, %add3A_217 : i32
        %get3A_219 = arith.index_cast %add3A_218 : i32 to index
        %get3A_220 = tpu.vector_load %arg11[%get3A_219] {strides = array<i32>} : memref<16000xf32, #tpu.memory_space<vmem>>, vector<16xf32>,
        %get3A_221 = vector.shape_cast %get3A_220 : vector<16xf32> to vector<16xf32>
        %swap3A_222 = arith.index_cast %scan3A_167 : i32 to index
        %swap3A_223 = arith.constant 64 : index
        %swap3A_224 = tpu.vector_load %arg12[%swap3A_222, %swap3A_223] {strides = array<i32>} : memref<125x128xf32, #tpu.memory_space<vmem>>, vector<1x16xf32>,
        %swap3A_225 = vector.shape_cast %swap3A_224 : vector<1x16xf32> to vector<16xf32>
        %swap3A_226 = vector.shape_cast %get3A_221 : vector<16xf32> to vector<1x16xf32>
        tpu.vector_store %arg12[%swap3A_222, %swap3A_223], %swap3A_226 {strides = array<i32>} : memref<125x128xf32, #tpu.memory_space<vmem>>, vector<1x16xf32>,
        %mul3A_227 = arith.constant 128 : i32
        %mul3A_228 = arith.muli %scan3A_167, %mul3A_227 : i32
        %add3A_229 = arith.constant 80 : i32
        %add3A_230 = arith.addi %mul3A_228, %add3A_229 : i32
        %get3A_231 = arith.index_cast %add3A_230 : i32 to index
        %get3A_232 = tpu.vector_load %arg11[%get3A_231] {strides = array<i32>} : memref<16000xf32, #tpu.memory_space<vmem>>, vector<16xf32>,
        %get3A_233 = vector.shape_cast %get3A_232 : vector<16xf32> to vector<16xf32>
        %swap3A_234 = arith.index_cast %scan3A_167 : i32 to index
        %swap3A_235 = arith.constant 80 : index
        %swap3A_236 = tpu.vector_load %arg12[%swap3A_234, %swap3A_235] {strides = array<i32>} : memref<125x128xf32, #tpu.memory_space<vmem>>, vector<1x16xf32>,
        %swap3A_237 = vector.shape_cast %swap3A_236 : vector<1x16xf32> to vector<16xf32>
        %swap3A_238 = vector.shape_cast %get3A_233 : vector<16xf32> to vector<1x16xf32>
        tpu.vector_store %arg12[%swap3A_234, %swap3A_235], %swap3A_238 {strides = array<i32>} : memref<125x128xf32, #tpu.memory_space<vmem>>, vector<1x16xf32>,
        %mul3A_239 = arith.constant 128 : i32
        %mul3A_240 = arith.muli %scan3A_167, %mul3A_239 : i32
        %add3A_241 = arith.constant 96 : i32
        %add3A_242 = arith.addi %mul3A_240, %add3A_241 : i32
        %get3A_243 = arith.index_cast %add3A_242 : i32 to index
        %get3A_244 = tpu.vector_load %arg11[%get3A_243] {strides = array<i32>} : memref<16000xf32, #tpu.memory_space<vmem>>, vector<16xf32>,
        %get3A_245 = vector.shape_cast %get3A_244 : vector<16xf32> to vector<16xf32>
        %swap3A_246 = arith.index_cast %scan3A_167 : i32 to index
        %swap3A_247 = arith.constant 96 : index
        %swap3A_248 = tpu.vector_load %arg12[%swap3A_246, %swap3A_247] {strides = array<i32>} : memref<125x128xf32, #tpu.memory_space<vmem>>, vector<1x16xf32>,
        %swap3A_249 = vector.shape_cast %swap3A_248 : vector<1x16xf32> to vector<16xf32>
        %swap3A_250 = vector.shape_cast %get3A_245 : vector<16xf32> to vector<1x16xf32>
        tpu.vector_store %arg12[%swap3A_246, %swap3A_247], %swap3A_250 {strides = array<i32>} : memref<125x128xf32, #tpu.memory_space<vmem>>, vector<1x16xf32>,
        %mul3A_251 = arith.constant 128 : i32
        %mul3A_252 = arith.muli %scan3A_167, %mul3A_251 : i32
        %add3A_253 = arith.constant 112 : i32
        %add3A_254 = arith.addi %mul3A_252, %add3A_253 : i32
        %get3A_255 = arith.index_cast %add3A_254 : i32 to index
        %get3A_256 = tpu.vector_load %arg11[%get3A_255] {strides = array<i32>} : memref<16000xf32, #tpu.memory_space<vmem>>, vector<16xf32>,
        %get3A_257 = vector.shape_cast %get3A_256 : vector<16xf32> to vector<16xf32>
        %swap3A_258 = arith.index_cast %scan3A_167 : i32 to index
        %swap3A_259 = arith.constant 112 : index
        %swap3A_260 = tpu.vector_load %arg12[%swap3A_258, %swap3A_259] {strides = array<i32>} : memref<125x128xf32, #tpu.memory_space<vmem>>, vector<1x16xf32>,
        %swap3A_261 = vector.shape_cast %swap3A_260 : vector<1x16xf32> to vector<16xf32>
        %swap3A_262 = vector.shape_cast %get3A_257 : vector<16xf32> to vector<1x16xf32>
        tpu.vector_store %arg12[%swap3A_258, %swap3A_259], %swap3A_262 {strides = array<i32>} : memref<125x128xf32, #tpu.memory_space<vmem>>, vector<1x16xf32>,
        %scan3A_263 = arith.constant 0 : i32
        scf.yield %scan3A_263 : i32
      }
      %scan3A_148 = arith.constant 125 : i32
      %mul3A_149 = arith.constant 125 : i32
      %mul3A_150 = arith.muli %add3A_122, %mul3A_149 : i32
      %run_scoped3A_151 = arith.constant 0 : i32
      %run_scoped3A_152 = arith.constant 1 : i32
      "tpu.region"() ({
        %run_scoped3A_167 = tpu.sem_alloc : memref<!tpu.dma_semaphore, #tpu.memory_space<semaphore_mem>>
        %dma_start3A_168 = arith.constant 0 : i32
        %dma_start3A_169 = arith.constant 0 : i32
        %dma_start3A_170 = arith.constant 0 : i32
        %dma_start3A_171 = tpu.memref_slice %arg8[%run_scoped3A_151, %dma_start3A_168, %dma_start3A_169, %dma_start3A_170] : memref<3x15625x4x128xf32, #tpu.memory_space<hbm>> -> memref<1x15625x4x128xf32, #tpu.memory_space<hbm>>
        %dma_start3A_172 = tpu.memref_squeeze %dma_start3A_171 : memref<1x15625x4x128xf32, #tpu.memory_space<hbm>> -> memref<15625x4x128xf32, #tpu.memory_space<hbm>>
        %dma_start3A_173 = arith.constant 0 : i32
        %dma_start3A_174 = arith.constant 0 : i32
        %dma_start3A_175 = tpu.memref_slice %dma_start3A_172[%mul3A_150, %dma_start3A_173, %dma_start3A_174] : memref<15625x4x128xf32, #tpu.memory_space<hbm>> -> memref<125x4x128xf32, #tpu.memory_space<hbm>>
        %dma_start3A_176 = arith.constant 0 : i32
        %dma_start3A_177 = arith.constant 0 : i32
        %dma_start3A_178 = tpu.memref_slice %dma_start3A_175[%dma_start3A_176, %run_scoped3A_152, %dma_start3A_177] : memref<125x4x128xf32, #tpu.memory_space<hbm>> -> memref<125x1x128xf32, #tpu.memory_space<hbm>>
        %dma_start3A_179 = tpu.memref_squeeze %dma_start3A_178 : memref<125x1x128xf32, #tpu.memory_space<hbm>> -> memref<125x128xf32, #tpu.memory_space<hbm>>
        %dma_start3A_180 = arith.constant 0 : i32
        %dma_start3A_181 = arith.constant 0 : i32
        %dma_start3A_182 = arith.constant 0 : i32
        %dma_start3A_183 = tpu.memref_slice %arg8[%run_scoped3A_151, %dma_start3A_180, %dma_start3A_181, %dma_start3A_182] : memref<3x15625x4x128xf32, #tpu.memory_space<hbm>> -> memref<1x15625x4x128xf32, #tpu.memory_space<hbm>>
        %dma_start3A_184 = tpu.memref_squeeze %dma_start3A_183 : memref<1x15625x4x128xf32, #tpu.memory_space<hbm>> -> memref<15625x4x128xf32, #tpu.memory_space<hbm>>
        %dma_start3A_185 = arith.constant 0 : i32
        %dma_start3A_186 = arith.constant 0 : i32
        %dma_start3A_187 = tpu.memref_slice %dma_start3A_184[%mul3A_150, %dma_start3A_185, %dma_start3A_186] : memref<15625x4x128xf32, #tpu.memory_space<hbm>> -> memref<125x4x128xf32, #tpu.memory_space<hbm>>
        %dma_start3A_188 = arith.constant 0 : i32
        %dma_start3A_189 = arith.constant 0 : i32
        %dma_start3A_190 = tpu.memref_slice %dma_start3A_187[%dma_start3A_188, %run_scoped3A_152, %dma_start3A_189] : memref<125x4x128xf32, #tpu.memory_space<hbm>> -> memref<125x1x128xf32, #tpu.memory_space<hbm>>
        %dma_start3A_191 = tpu.memref_squeeze %dma_start3A_190 : memref<125x1x128xf32, #tpu.memory_space<hbm>> -> memref<125x128xf32, #tpu.memory_space<hbm>>
        tpu.enqueue_dma source(%arg12 : memref<125x128xf32, #tpu.memory_space<vmem>>) target(%dma_start3A_191 : memref<125x128xf32, #tpu.memory_space<hbm>>) target_semaphore(%run_scoped3A_167 : memref<!tpu.dma_semaphore, #tpu.memory_space<semaphore_mem>>)
        %dma_wait3A_192 = arith.constant 0 : i32
        %dma_wait3A_193 = arith.constant 0 : i32
        %dma_wait3A_194 = arith.constant 0 : i32
        %dma_wait3A_195 = tpu.memref_slice %arg8[%run_scoped3A_151, %dma_wait3A_192, %dma_wait3A_193, %dma_wait3A_194] : memref<3x15625x4x128xf32, #tpu.memory_space<hbm>> -> memref<1x15625x4x128xf32, #tpu.memory_space<hbm>>
        %dma_wait3A_196 = tpu.memref_squeeze %dma_wait3A_195 : memref<1x15625x4x128xf32, #tpu.memory_space<hbm>> -> memref<15625x4x128xf32, #tpu.memory_space<hbm>>
        %dma_wait3A_197 = arith.constant 0 : i32
        %dma_wait3A_198 = arith.constant 0 : i32
        %dma_wait3A_199 = tpu.memref_slice %dma_wait3A_196[%mul3A_150, %dma_wait3A_197, %dma_wait3A_198] : memref<15625x4x128xf32, #tpu.memory_space<hbm>> -> memref<125x4x128xf32, #tpu.memory_space<hbm>>
        %dma_wait3A_200 = arith.constant 0 : i32
        %dma_wait3A_201 = arith.constant 0 : i32
        %dma_wait3A_202 = tpu.memref_slice %dma_wait3A_199[%dma_wait3A_200, %run_scoped3A_152, %dma_wait3A_201] : memref<125x4x128xf32, #tpu.memory_space<hbm>> -> memref<125x1x128xf32, #tpu.memory_space<hbm>>
        %dma_wait3A_203 = tpu.memref_squeeze %dma_wait3A_202 : memref<125x1x128xf32, #tpu.memory_space<hbm>> -> memref<125x128xf32, #tpu.memory_space<hbm>>
        %dma_wait3A_204 = arith.constant 0 : i32
        %dma_wait3A_205 = arith.constant 0 : i32
        %dma_wait3A_206 = arith.constant 0 : i32
        %dma_wait3A_207 = tpu.memref_slice %arg8[%run_scoped3A_151, %dma_wait3A_204, %dma_wait3A_205, %dma_wait3A_206] : memref<3x15625x4x128xf32, #tpu.memory_space<hbm>> -> memref<1x15625x4x128xf32, #tpu.memory_space<hbm>>
        %dma_wait3A_208 = tpu.memref_squeeze %dma_wait3A_207 : memref<1x15625x4x128xf32, #tpu.memory_space<hbm>> -> memref<15625x4x128xf32, #tpu.memory_space<hbm>>
        %dma_wait3A_209 = arith.constant 0 : i32
        %dma_wait3A_210 = arith.constant 0 : i32
        %dma_wait3A_211 = tpu.memref_slice %dma_wait3A_208[%mul3A_150, %dma_wait3A_209, %dma_wait3A_210] : memref<15625x4x128xf32, #tpu.memory_space<hbm>> -> memref<125x4x128xf32, #tpu.memory_space<hbm>>
        %dma_wait3A_212 = arith.constant 0 : i32
        %dma_wait3A_213 = arith.constant 0 : i32
        %dma_wait3A_214 = tpu.memref_slice %dma_wait3A_211[%dma_wait3A_212, %run_scoped3A_152, %dma_wait3A_213] : memref<125x4x128xf32, #tpu.memory_space<hbm>> -> memref<125x1x128xf32, #tpu.memory_space<hbm>>
        %dma_wait3A_215 = tpu.memref_squeeze %dma_wait3A_214 : memref<125x1x128xf32, #tpu.memory_space<hbm>> -> memref<125x128xf32, #tpu.memory_space<hbm>>
        tpu.wait_dma2 semaphore(%run_scoped3A_167 : memref<!tpu.dma_semaphore, #tpu.memory_space<semaphore_mem>>) src(%arg12 : memref<125x128xf32, #tpu.memory_space<vmem>>) dst(%dma_wait3A_215 : memref<125x128xf32, #tpu.memory_space<hbm>>)
        tpu.yield
      }) : () -> ()
      %dma_wait3A_153 = arith.constant 0 : i32
      %dma_wait3A_154 = tpu.memref_slice %arg7[%dma_wait3A_153] : memref<1000000xf32, #tpu.memory_space<hbm>> -> memref<1000000xf32, #tpu.memory_space<hbm>>
      tpu.wait_indirect_dma semaphore(%arg13 : memref<!tpu.dma_semaphore, #tpu.memory_space<semaphore_mem>>) src(%dma_wait3A_154 : memref<1000000xf32, #tpu.memory_space<hbm>>) dst(%arg10 : memref<16000xf32, #tpu.memory_space<vmem>>)
      %scan3A_155 = arith.constant 0 : i32
      %scan3A_156 = arith.constant 0 : i32
      %scan3A_157 = arith.constant 125 : i32
      %scan3A_158 = arith.addi %scan3A_156, %scan3A_157 : i32
      %scan3A_159 = arith.constant 1 : i32
      %scan3A_160 = scf.for %scan3A_167 = %scan3A_156 to %scan3A_158 step %scan3A_159 iter_args(%scan3A_168 = %scan3A_155) -> (i32)  : i32 {
        %mul3A_169 = arith.constant 128 : i32
        %mul3A_170 = arith.muli %scan3A_167, %mul3A_169 : i32
        %add3A_171 = arith.constant 0 : i32
        %add3A_172 = arith.addi %mul3A_170, %add3A_171 : i32
        %get3A = arith.index_cast %add3A_172 : i32 to index
        %get3A_173 = tpu.vector_load %arg10[%get3A] {strides = array<i32>} : memref<16000xf32, #tpu.memory_space<vmem>>, vector<16xf32>,
        %get3A_174 = vector.shape_cast %get3A_173 : vector<16xf32> to vector<16xf32>
        %swap3A = arith.index_cast %scan3A_167 : i32 to index
        %swap3A_175 = arith.constant 0 : index
        %swap3A_176 = tpu.vector_load %arg12[%swap3A, %swap3A_175] {strides = array<i32>} : memref<125x128xf32, #tpu.memory_space<vmem>>, vector<1x16xf32>,
        %swap3A_177 = vector.shape_cast %swap3A_176 : vector<1x16xf32> to vector<16xf32>
        %swap3A_178 = vector.shape_cast %get3A_174 : vector<16xf32> to vector<1x16xf32>
        tpu.vector_store %arg12[%swap3A, %swap3A_175], %swap3A_178 {strides = array<i32>} : memref<125x128xf32, #tpu.memory_space<vmem>>, vector<1x16xf32>,
        %mul3A_179 = arith.constant 128 : i32
        %mul3A_180 = arith.muli %scan3A_167, %mul3A_179 : i32
        %add3A_181 = arith.constant 16 : i32
        %add3A_182 = arith.addi %mul3A_180, %add3A_181 : i32
        %get3A_183 = arith.index_cast %add3A_182 : i32 to index
        %get3A_184 = tpu.vector_load %arg10[%get3A_183] {strides = array<i32>} : memref<16000xf32, #tpu.memory_space<vmem>>, vector<16xf32>,
        %get3A_185 = vector.shape_cast %get3A_184 : vector<16xf32> to vector<16xf32>
        %swap3A_186 = arith.index_cast %scan3A_167 : i32 to index
        %swap3A_187 = arith.constant 16 : index
        %swap3A_188 = tpu.vector_load %arg12[%swap3A_186, %swap3A_187] {strides = array<i32>} : memref<125x128xf32, #tpu.memory_space<vmem>>, vector<1x16xf32>,
        %swap3A_189 = vector.shape_cast %swap3A_188 : vector<1x16xf32> to vector<16xf32>
        %swap3A_190 = vector.shape_cast %get3A_185 : vector<16xf32> to vector<1x16xf32>
        tpu.vector_store %arg12[%swap3A_186, %swap3A_187], %swap3A_190 {strides = array<i32>} : memref<125x128xf32, #tpu.memory_space<vmem>>, vector<1x16xf32>,
        %mul3A_191 = arith.constant 128 : i32
        %mul3A_192 = arith.muli %scan3A_167, %mul3A_191 : i32
        %add3A_193 = arith.constant 32 : i32
        %add3A_194 = arith.addi %mul3A_192, %add3A_193 : i32
        %get3A_195 = arith.index_cast %add3A_194 : i32 to index
        %get3A_196 = tpu.vector_load %arg10[%get3A_195] {strides = array<i32>} : memref<16000xf32, #tpu.memory_space<vmem>>, vector<16xf32>,
        %get3A_197 = vector.shape_cast %get3A_196 : vector<16xf32> to vector<16xf32>
        %swap3A_198 = arith.index_cast %scan3A_167 : i32 to index
        %swap3A_199 = arith.constant 32 : index
        %swap3A_200 = tpu.vector_load %arg12[%swap3A_198, %swap3A_199] {strides = array<i32>} : memref<125x128xf32, #tpu.memory_space<vmem>>, vector<1x16xf32>,
        %swap3A_201 = vector.shape_cast %swap3A_200 : vector<1x16xf32> to vector<16xf32>
        %swap3A_202 = vector.shape_cast %get3A_197 : vector<16xf32> to vector<1x16xf32>
        tpu.vector_store %arg12[%swap3A_198, %swap3A_199], %swap3A_202 {strides = array<i32>} : memref<125x128xf32, #tpu.memory_space<vmem>>, vector<1x16xf32>,
        %mul3A_203 = arith.constant 128 : i32
        %mul3A_204 = arith.muli %scan3A_167, %mul3A_203 : i32
        %add3A_205 = arith.constant 48 : i32
        %add3A_206 = arith.addi %mul3A_204, %add3A_205 : i32
        %get3A_207 = arith.index_cast %add3A_206 : i32 to index
        %get3A_208 = tpu.vector_load %arg10[%get3A_207] {strides = array<i32>} : memref<16000xf32, #tpu.memory_space<vmem>>, vector<16xf32>,
        %get3A_209 = vector.shape_cast %get3A_208 : vector<16xf32> to vector<16xf32>
        %swap3A_210 = arith.index_cast %scan3A_167 : i32 to index
        %swap3A_211 = arith.constant 48 : index
        %swap3A_212 = tpu.vector_load %arg12[%swap3A_210, %swap3A_211] {strides = array<i32>} : memref<125x128xf32, #tpu.memory_space<vmem>>, vector<1x16xf32>,
        %swap3A_213 = vector.shape_cast %swap3A_212 : vector<1x16xf32> to vector<16xf32>
        %swap3A_214 = vector.shape_cast %get3A_209 : vector<16xf32> to vector<1x16xf32>
        tpu.vector_store %arg12[%swap3A_210, %swap3A_211], %swap3A_214 {strides = array<i32>} : memref<125x128xf32, #tpu.memory_space<vmem>>, vector<1x16xf32>,
        %mul3A_215 = arith.constant 128 : i32
        %mul3A_216 = arith.muli %scan3A_167, %mul3A_215 : i32
        %add3A_217 = arith.constant 64 : i32
        %add3A_218 = arith.addi %mul3A_216, %add3A_217 : i32
        %get3A_219 = arith.index_cast %add3A_218 : i32 to index
        %get3A_220 = tpu.vector_load %arg10[%get3A_219] {strides = array<i32>} : memref<16000xf32, #tpu.memory_space<vmem>>, vector<16xf32>,
        %get3A_221 = vector.shape_cast %get3A_220 : vector<16xf32> to vector<16xf32>
        %swap3A_222 = arith.index_cast %scan3A_167 : i32 to index
        %swap3A_223 = arith.constant 64 : index
        %swap3A_224 = tpu.vector_load %arg12[%swap3A_222, %swap3A_223] {strides = array<i32>} : memref<125x128xf32, #tpu.memory_space<vmem>>, vector<1x16xf32>,
        %swap3A_225 = vector.shape_cast %swap3A_224 : vector<1x16xf32> to vector<16xf32>
        %swap3A_226 = vector.shape_cast %get3A_221 : vector<16xf32> to vector<1x16xf32>
        tpu.vector_store %arg12[%swap3A_222, %swap3A_223], %swap3A_226 {strides = array<i32>} : memref<125x128xf32, #tpu.memory_space<vmem>>, vector<1x16xf32>,
        %mul3A_227 = arith.constant 128 : i32
        %mul3A_228 = arith.muli %scan3A_167, %mul3A_227 : i32
        %add3A_229 = arith.constant 80 : i32
        %add3A_230 = arith.addi %mul3A_228, %add3A_229 : i32
        %get3A_231 = arith.index_cast %add3A_230 : i32 to index
        %get3A_232 = tpu.vector_load %arg10[%get3A_231] {strides = array<i32>} : memref<16000xf32, #tpu.memory_space<vmem>>, vector<16xf32>,
        %get3A_233 = vector.shape_cast %get3A_232 : vector<16xf32> to vector<16xf32>
        %swap3A_234 = arith.index_cast %scan3A_167 : i32 to index
        %swap3A_235 = arith.constant 80 : index
        %swap3A_236 = tpu.vector_load %arg12[%swap3A_234, %swap3A_235] {strides = array<i32>} : memref<125x128xf32, #tpu.memory_space<vmem>>, vector<1x16xf32>,
        %swap3A_237 = vector.shape_cast %swap3A_236 : vector<1x16xf32> to vector<16xf32>
        %swap3A_238 = vector.shape_cast %get3A_233 : vector<16xf32> to vector<1x16xf32>
        tpu.vector_store %arg12[%swap3A_234, %swap3A_235], %swap3A_238 {strides = array<i32>} : memref<125x128xf32, #tpu.memory_space<vmem>>, vector<1x16xf32>,
        %mul3A_239 = arith.constant 128 : i32
        %mul3A_240 = arith.muli %scan3A_167, %mul3A_239 : i32
        %add3A_241 = arith.constant 96 : i32
        %add3A_242 = arith.addi %mul3A_240, %add3A_241 : i32
        %get3A_243 = arith.index_cast %add3A_242 : i32 to index
        %get3A_244 = tpu.vector_load %arg10[%get3A_243] {strides = array<i32>} : memref<16000xf32, #tpu.memory_space<vmem>>, vector<16xf32>,
        %get3A_245 = vector.shape_cast %get3A_244 : vector<16xf32> to vector<16xf32>
        %swap3A_246 = arith.index_cast %scan3A_167 : i32 to index
        %swap3A_247 = arith.constant 96 : index
        %swap3A_248 = tpu.vector_load %arg12[%swap3A_246, %swap3A_247] {strides = array<i32>} : memref<125x128xf32, #tpu.memory_space<vmem>>, vector<1x16xf32>,
        %swap3A_249 = vector.shape_cast %swap3A_248 : vector<1x16xf32> to vector<16xf32>
        %swap3A_250 = vector.shape_cast %get3A_245 : vector<16xf32> to vector<1x16xf32>
        tpu.vector_store %arg12[%swap3A_246, %swap3A_247], %swap3A_250 {strides = array<i32>} : memref<125x128xf32, #tpu.memory_space<vmem>>, vector<1x16xf32>,
        %mul3A_251 = arith.constant 128 : i32
        %mul3A_252 = arith.muli %scan3A_167, %mul3A_251 : i32
        %add3A_253 = arith.constant 112 : i32
        %add3A_254 = arith.addi %mul3A_252, %add3A_253 : i32
        %get3A_255 = arith.index_cast %add3A_254 : i32 to index
        %get3A_256 = tpu.vector_load %arg10[%get3A_255] {strides = array<i32>} : memref<16000xf32, #tpu.memory_space<vmem>>, vector<16xf32>,
        %get3A_257 = vector.shape_cast %get3A_256 : vector<16xf32> to vector<16xf32>
        %swap3A_258 = arith.index_cast %scan3A_167 : i32 to index
        %swap3A_259 = arith.constant 112 : index
        %swap3A_260 = tpu.vector_load %arg12[%swap3A_258, %swap3A_259] {strides = array<i32>} : memref<125x128xf32, #tpu.memory_space<vmem>>, vector<1x16xf32>,
        %swap3A_261 = vector.shape_cast %swap3A_260 : vector<1x16xf32> to vector<16xf32>
        %swap3A_262 = vector.shape_cast %get3A_257 : vector<16xf32> to vector<1x16xf32>
        tpu.vector_store %arg12[%swap3A_258, %swap3A_259], %swap3A_262 {strides = array<i32>} : memref<125x128xf32, #tpu.memory_space<vmem>>, vector<1x16xf32>,
        %scan3A_263 = arith.constant 0 : i32
        scf.yield %scan3A_263 : i32
      }
      %scan3A_161 = arith.constant 125 : i32
      %mul3A_162 = arith.constant 125 : i32
      %mul3A_163 = arith.muli %add3A_122, %mul3A_162 : i32
      %run_scoped3A_164 = arith.constant 0 : i32
      %run_scoped3A_165 = arith.constant 2 : i32
      "tpu.region"() ({
        %run_scoped3A_167 = tpu.sem_alloc : memref<!tpu.dma_semaphore, #tpu.memory_space<semaphore_mem>>
        %dma_start3A_168 = arith.constant 0 : i32
        %dma_start3A_169 = arith.constant 0 : i32
        %dma_start3A_170 = arith.constant 0 : i32
        %dma_start3A_171 = tpu.memref_slice %arg8[%run_scoped3A_164, %dma_start3A_168, %dma_start3A_169, %dma_start3A_170] : memref<3x15625x4x128xf32, #tpu.memory_space<hbm>> -> memref<1x15625x4x128xf32, #tpu.memory_space<hbm>>
        %dma_start3A_172 = tpu.memref_squeeze %dma_start3A_171 : memref<1x15625x4x128xf32, #tpu.memory_space<hbm>> -> memref<15625x4x128xf32, #tpu.memory_space<hbm>>
        %dma_start3A_173 = arith.constant 0 : i32
        %dma_start3A_174 = arith.constant 0 : i32
        %dma_start3A_175 = tpu.memref_slice %dma_start3A_172[%mul3A_163, %dma_start3A_173, %dma_start3A_174] : memref<15625x4x128xf32, #tpu.memory_space<hbm>> -> memref<125x4x128xf32, #tpu.memory_space<hbm>>
        %dma_start3A_176 = arith.constant 0 : i32
        %dma_start3A_177 = arith.constant 0 : i32
        %dma_start3A_178 = tpu.memref_slice %dma_start3A_175[%dma_start3A_176, %run_scoped3A_165, %dma_start3A_177] : memref<125x4x128xf32, #tpu.memory_space<hbm>> -> memref<125x1x128xf32, #tpu.memory_space<hbm>>
        %dma_start3A_179 = tpu.memref_squeeze %dma_start3A_178 : memref<125x1x128xf32, #tpu.memory_space<hbm>> -> memref<125x128xf32, #tpu.memory_space<hbm>>
        %dma_start3A_180 = arith.constant 0 : i32
        %dma_start3A_181 = arith.constant 0 : i32
        %dma_start3A_182 = arith.constant 0 : i32
        %dma_start3A_183 = tpu.memref_slice %arg8[%run_scoped3A_164, %dma_start3A_180, %dma_start3A_181, %dma_start3A_182] : memref<3x15625x4x128xf32, #tpu.memory_space<hbm>> -> memref<1x15625x4x128xf32, #tpu.memory_space<hbm>>
        %dma_start3A_184 = tpu.memref_squeeze %dma_start3A_183 : memref<1x15625x4x128xf32, #tpu.memory_space<hbm>> -> memref<15625x4x128xf32, #tpu.memory_space<hbm>>
        %dma_start3A_185 = arith.constant 0 : i32
        %dma_start3A_186 = arith.constant 0 : i32
        %dma_start3A_187 = tpu.memref_slice %dma_start3A_184[%mul3A_163, %dma_start3A_185, %dma_start3A_186] : memref<15625x4x128xf32, #tpu.memory_space<hbm>> -> memref<125x4x128xf32, #tpu.memory_space<hbm>>
        %dma_start3A_188 = arith.constant 0 : i32
        %dma_start3A_189 = arith.constant 0 : i32
        %dma_start3A_190 = tpu.memref_slice %dma_start3A_187[%dma_start3A_188, %run_scoped3A_165, %dma_start3A_189] : memref<125x4x128xf32, #tpu.memory_space<hbm>> -> memref<125x1x128xf32, #tpu.memory_space<hbm>>
        %dma_start3A_191 = tpu.memref_squeeze %dma_start3A_190 : memref<125x1x128xf32, #tpu.memory_space<hbm>> -> memref<125x128xf32, #tpu.memory_space<hbm>>
        tpu.enqueue_dma source(%arg12 : memref<125x128xf32, #tpu.memory_space<vmem>>) target(%dma_start3A_191 : memref<125x128xf32, #tpu.memory_space<hbm>>) target_semaphore(%run_scoped3A_167 : memref<!tpu.dma_semaphore, #tpu.memory_space<semaphore_mem>>)
        %dma_wait3A_192 = arith.constant 0 : i32
        %dma_wait3A_193 = arith.constant 0 : i32
        %dma_wait3A_194 = arith.constant 0 : i32
        %dma_wait3A_195 = tpu.memref_slice %arg8[%run_scoped3A_164, %dma_wait3A_192, %dma_wait3A_193, %dma_wait3A_194] : memref<3x15625x4x128xf32, #tpu.memory_space<hbm>> -> memref<1x15625x4x128xf32, #tpu.memory_space<hbm>>
        %dma_wait3A_196 = tpu.memref_squeeze %dma_wait3A_195 : memref<1x15625x4x128xf32, #tpu.memory_space<hbm>> -> memref<15625x4x128xf32, #tpu.memory_space<hbm>>
        %dma_wait3A_197 = arith.constant 0 : i32
        %dma_wait3A_198 = arith.constant 0 : i32
        %dma_wait3A_199 = tpu.memref_slice %dma_wait3A_196[%mul3A_163, %dma_wait3A_197, %dma_wait3A_198] : memref<15625x4x128xf32, #tpu.memory_space<hbm>> -> memref<125x4x128xf32, #tpu.memory_space<hbm>>
        %dma_wait3A_200 = arith.constant 0 : i32
        %dma_wait3A_201 = arith.constant 0 : i32
        %dma_wait3A_202 = tpu.memref_slice %dma_wait3A_199[%dma_wait3A_200, %run_scoped3A_165, %dma_wait3A_201] : memref<125x4x128xf32, #tpu.memory_space<hbm>> -> memref<125x1x128xf32, #tpu.memory_space<hbm>>
        %dma_wait3A_203 = tpu.memref_squeeze %dma_wait3A_202 : memref<125x1x128xf32, #tpu.memory_space<hbm>> -> memref<125x128xf32, #tpu.memory_space<hbm>>
        %dma_wait3A_204 = arith.constant 0 : i32
        %dma_wait3A_205 = arith.constant 0 : i32
        %dma_wait3A_206 = arith.constant 0 : i32
        %dma_wait3A_207 = tpu.memref_slice %arg8[%run_scoped3A_164, %dma_wait3A_204, %dma_wait3A_205, %dma_wait3A_206] : memref<3x15625x4x128xf32, #tpu.memory_space<hbm>> -> memref<1x15625x4x128xf32, #tpu.memory_space<hbm>>
        %dma_wait3A_208 = tpu.memref_squeeze %dma_wait3A_207 : memref<1x15625x4x128xf32, #tpu.memory_space<hbm>> -> memref<15625x4x128xf32, #tpu.memory_space<hbm>>
        %dma_wait3A_209 = arith.constant 0 : i32
        %dma_wait3A_210 = arith.constant 0 : i32
        %dma_wait3A_211 = tpu.memref_slice %dma_wait3A_208[%mul3A_163, %dma_wait3A_209, %dma_wait3A_210] : memref<15625x4x128xf32, #tpu.memory_space<hbm>> -> memref<125x4x128xf32, #tpu.memory_space<hbm>>
        %dma_wait3A_212 = arith.constant 0 : i32
        %dma_wait3A_213 = arith.constant 0 : i32
        %dma_wait3A_214 = tpu.memref_slice %dma_wait3A_211[%dma_wait3A_212, %run_scoped3A_165, %dma_wait3A_213] : memref<125x4x128xf32, #tpu.memory_space<hbm>> -> memref<125x1x128xf32, #tpu.memory_space<hbm>>
        %dma_wait3A_215 = tpu.memref_squeeze %dma_wait3A_214 : memref<125x1x128xf32, #tpu.memory_space<hbm>> -> memref<125x128xf32, #tpu.memory_space<hbm>>
        tpu.wait_dma2 semaphore(%run_scoped3A_167 : memref<!tpu.dma_semaphore, #tpu.memory_space<semaphore_mem>>) src(%arg12 : memref<125x128xf32, #tpu.memory_space<vmem>>) dst(%dma_wait3A_215 : memref<125x128xf32, #tpu.memory_space<hbm>>)
        tpu.yield
      }) : () -> ()
      %while3A_166 = arith.constant 0 : i32
      scf.yield %while3A_166 : i32
    }
    %while3A_32 = arith.constant 1 : i32
    %while3A_33 = scf.for %while3A_118 = %while3A_29 to %while3A_25 step %while3A_32 iter_args(%while3A_119 = %while3A_31) -> (i32)  : i32 {
      %mul3A_120 = arith.constant 32 : i32
      %mul3A_121 = arith.muli %while3A_118, %mul3A_120 : i32
      %add3A_122 = arith.addi %add3A, %mul3A_121 : i32
      %mul3A_123 = arith.constant 16000 : i32
      %mul3A_124 = arith.muli %add3A_122, %mul3A_123 : i32
      "tpu.region"() ({
        %run_scoped3A_167 = tpu.sem_alloc : memref<!tpu.dma_semaphore, #tpu.memory_space<semaphore_mem>>
        %dma_start3A_168 = tpu.memref_slice %arg2[%mul3A_124] : memref<2000000xi32, #tpu.memory_space<hbm>> -> memref<16000xi32, #tpu.memory_space<hbm>>
        %dma_start3A_169 = tpu.memref_slice %arg2[%mul3A_124] : memref<2000000xi32, #tpu.memory_space<hbm>> -> memref<16000xi32, #tpu.memory_space<hbm>>
        tpu.enqueue_dma source(%dma_start3A_169 : memref<16000xi32, #tpu.memory_space<hbm>>) target(%arg9 : memref<16000xi32, #tpu.memory_space<vmem>>) target_semaphore(%run_scoped3A_167 : memref<!tpu.dma_semaphore, #tpu.memory_space<semaphore_mem>>)
        %dma_wait3A_170 = tpu.memref_slice %arg2[%mul3A_124] : memref<2000000xi32, #tpu.memory_space<hbm>> -> memref<16000xi32, #tpu.memory_space<hbm>>
        %dma_wait3A_171 = tpu.memref_slice %arg2[%mul3A_124] : memref<2000000xi32, #tpu.memory_space<hbm>> -> memref<16000xi32, #tpu.memory_space<hbm>>
        tpu.wait_dma2 semaphore(%run_scoped3A_167 : memref<!tpu.dma_semaphore, #tpu.memory_space<semaphore_mem>>) src(%dma_wait3A_171 : memref<16000xi32, #tpu.memory_space<hbm>>) dst(%arg9 : memref<16000xi32, #tpu.memory_space<vmem>>)
        tpu.yield
      }) : () -> ()
      %dma_start3A = arith.constant 0 : i32
      %dma_start3A_125 = tpu.memref_slice %arg5[%dma_start3A] : memref<1000000xf32, #tpu.memory_space<hbm>> -> memref<1000000xf32, #tpu.memory_space<hbm>>
      tpu.enqueue_indirect_dma source(%dma_start3A_125 : memref<1000000xf32, #tpu.memory_space<hbm>>) target(%arg10 : memref<16000xf32, #tpu.memory_space<vmem>>) offsets(%arg9 : memref<16000xi32, #tpu.memory_space<vmem>>) semaphore(%arg13 : memref<!tpu.dma_semaphore, #tpu.memory_space<semaphore_mem>>)
      %dma_wait3A = arith.constant 0 : i32
      %dma_wait3A_126 = tpu.memref_slice %arg5[%dma_wait3A] : memref<1000000xf32, #tpu.memory_space<hbm>> -> memref<1000000xf32, #tpu.memory_space<hbm>>
      tpu.wait_indirect_dma semaphore(%arg13 : memref<!tpu.dma_semaphore, #tpu.memory_space<semaphore_mem>>) src(%dma_wait3A_126 : memref<1000000xf32, #tpu.memory_space<hbm>>) dst(%arg10 : memref<16000xf32, #tpu.memory_space<vmem>>)
      %dma_start3A_127 = arith.constant 0 : i32
      %dma_start3A_128 = tpu.memref_slice %arg6[%dma_start3A_127] : memref<1000000xf32, #tpu.memory_space<hbm>> -> memref<1000000xf32, #tpu.memory_space<hbm>>
      tpu.enqueue_indirect_dma source(%dma_start3A_128 : memref<1000000xf32, #tpu.memory_space<hbm>>) target(%arg11 : memref<16000xf32, #tpu.memory_space<vmem>>) offsets(%arg9 : memref<16000xi32, #tpu.memory_space<vmem>>) semaphore(%arg13 : memref<!tpu.dma_semaphore, #tpu.memory_space<semaphore_mem>>)
      %scan3A = arith.constant 0 : i32
      %scan3A_129 = arith.constant 0 : i32
      %scan3A_130 = arith.constant 125 : i32
      %scan3A_131 = arith.addi %scan3A_129, %scan3A_130 : i32
      %scan3A_132 = arith.constant 1 : i32
      %scan3A_133 = scf.for %scan3A_167 = %scan3A_129 to %scan3A_131 step %scan3A_132 iter_args(%scan3A_168 = %scan3A) -> (i32)  : i32 {
        %mul3A_169 = arith.constant 128 : i32
        %mul3A_170 = arith.muli %scan3A_167, %mul3A_169 : i32
        %add3A_171 = arith.constant 0 : i32
        %add3A_172 = arith.addi %mul3A_170, %add3A_171 : i32
        %get3A = arith.index_cast %add3A_172 : i32 to index
        %get3A_173 = tpu.vector_load %arg10[%get3A] {strides = array<i32>} : memref<16000xf32, #tpu.memory_space<vmem>>, vector<16xf32>,
        %get3A_174 = vector.shape_cast %get3A_173 : vector<16xf32> to vector<16xf32>
        %swap3A = arith.index_cast %scan3A_167 : i32 to index
        %swap3A_175 = arith.constant 0 : index
        %swap3A_176 = tpu.vector_load %arg12[%swap3A, %swap3A_175] {strides = array<i32>} : memref<125x128xf32, #tpu.memory_space<vmem>>, vector<1x16xf32>,
        %swap3A_177 = vector.shape_cast %swap3A_176 : vector<1x16xf32> to vector<16xf32>
        %swap3A_178 = vector.shape_cast %get3A_174 : vector<16xf32> to vector<1x16xf32>
        tpu.vector_store %arg12[%swap3A, %swap3A_175], %swap3A_178 {strides = array<i32>} : memref<125x128xf32, #tpu.memory_space<vmem>>, vector<1x16xf32>,
        %mul3A_179 = arith.constant 128 : i32
        %mul3A_180 = arith.muli %scan3A_167, %mul3A_179 : i32
        %add3A_181 = arith.constant 16 : i32
        %add3A_182 = arith.addi %mul3A_180, %add3A_181 : i32
        %get3A_183 = arith.index_cast %add3A_182 : i32 to index
        %get3A_184 = tpu.vector_load %arg10[%get3A_183] {strides = array<i32>} : memref<16000xf32, #tpu.memory_space<vmem>>, vector<16xf32>,
        %get3A_185 = vector.shape_cast %get3A_184 : vector<16xf32> to vector<16xf32>
        %swap3A_186 = arith.index_cast %scan3A_167 : i32 to index
        %swap3A_187 = arith.constant 16 : index
        %swap3A_188 = tpu.vector_load %arg12[%swap3A_186, %swap3A_187] {strides = array<i32>} : memref<125x128xf32, #tpu.memory_space<vmem>>, vector<1x16xf32>,
        %swap3A_189 = vector.shape_cast %swap3A_188 : vector<1x16xf32> to vector<16xf32>
        %swap3A_190 = vector.shape_cast %get3A_185 : vector<16xf32> to vector<1x16xf32>
        tpu.vector_store %arg12[%swap3A_186, %swap3A_187], %swap3A_190 {strides = array<i32>} : memref<125x128xf32, #tpu.memory_space<vmem>>, vector<1x16xf32>,
        %mul3A_191 = arith.constant 128 : i32
        %mul3A_192 = arith.muli %scan3A_167, %mul3A_191 : i32
        %add3A_193 = arith.constant 32 : i32
        %add3A_194 = arith.addi %mul3A_192, %add3A_193 : i32
        %get3A_195 = arith.index_cast %add3A_194 : i32 to index
        %get3A_196 = tpu.vector_load %arg10[%get3A_195] {strides = array<i32>} : memref<16000xf32, #tpu.memory_space<vmem>>, vector<16xf32>,
        %get3A_197 = vector.shape_cast %get3A_196 : vector<16xf32> to vector<16xf32>
        %swap3A_198 = arith.index_cast %scan3A_167 : i32 to index
        %swap3A_199 = arith.constant 32 : index
        %swap3A_200 = tpu.vector_load %arg12[%swap3A_198, %swap3A_199] {strides = array<i32>} : memref<125x128xf32, #tpu.memory_space<vmem>>, vector<1x16xf32>,
        %swap3A_201 = vector.shape_cast %swap3A_200 : vector<1x16xf32> to vector<16xf32>
        %swap3A_202 = vector.shape_cast %get3A_197 : vector<16xf32> to vector<1x16xf32>
        tpu.vector_store %arg12[%swap3A_198, %swap3A_199], %swap3A_202 {strides = array<i32>} : memref<125x128xf32, #tpu.memory_space<vmem>>, vector<1x16xf32>,
        %mul3A_203 = arith.constant 128 : i32
        %mul3A_204 = arith.muli %scan3A_167, %mul3A_203 : i32
        %add3A_205 = arith.constant 48 : i32
        %add3A_206 = arith.addi %mul3A_204, %add3A_205 : i32
        %get3A_207 = arith.index_cast %add3A_206 : i32 to index
        %get3A_208 = tpu.vector_load %arg10[%get3A_207] {strides = array<i32>} : memref<16000xf32, #tpu.memory_space<vmem>>, vector<16xf32>,
        %get3A_209 = vector.shape_cast %get3A_208 : vector<16xf32> to vector<16xf32>
        %swap3A_210 = arith.index_cast %scan3A_167 : i32 to index
        %swap3A_211 = arith.constant 48 : index
        %swap3A_212 = tpu.vector_load %arg12[%swap3A_210, %swap3A_211] {strides = array<i32>} : memref<125x128xf32, #tpu.memory_space<vmem>>, vector<1x16xf32>,
        %swap3A_213 = vector.shape_cast %swap3A_212 : vector<1x16xf32> to vector<16xf32>
        %swap3A_214 = vector.shape_cast %get3A_209 : vector<16xf32> to vector<1x16xf32>
        tpu.vector_store %arg12[%swap3A_210, %swap3A_211], %swap3A_214 {strides = array<i32>} : memref<125x128xf32, #tpu.memory_space<vmem>>, vector<1x16xf32>,
        %mul3A_215 = arith.constant 128 : i32
        %mul3A_216 = arith.muli %scan3A_167, %mul3A_215 : i32
        %add3A_217 = arith.constant 64 : i32
        %add3A_218 = arith.addi %mul3A_216, %add3A_217 : i32
        %get3A_219 = arith.index_cast %add3A_218 : i32 to index
        %get3A_220 = tpu.vector_load %arg10[%get3A_219] {strides = array<i32>} : memref<16000xf32, #tpu.memory_space<vmem>>, vector<16xf32>,
        %get3A_221 = vector.shape_cast %get3A_220 : vector<16xf32> to vector<16xf32>
        %swap3A_222 = arith.index_cast %scan3A_167 : i32 to index
        %swap3A_223 = arith.constant 64 : index
        %swap3A_224 = tpu.vector_load %arg12[%swap3A_222, %swap3A_223] {strides = array<i32>} : memref<125x128xf32, #tpu.memory_space<vmem>>, vector<1x16xf32>,
        %swap3A_225 = vector.shape_cast %swap3A_224 : vector<1x16xf32> to vector<16xf32>
        %swap3A_226 = vector.shape_cast %get3A_221 : vector<16xf32> to vector<1x16xf32>
        tpu.vector_store %arg12[%swap3A_222, %swap3A_223], %swap3A_226 {strides = array<i32>} : memref<125x128xf32, #tpu.memory_space<vmem>>, vector<1x16xf32>,
        %mul3A_227 = arith.constant 128 : i32
        %mul3A_228 = arith.muli %scan3A_167, %mul3A_227 : i32
        %add3A_229 = arith.constant 80 : i32
        %add3A_230 = arith.addi %mul3A_228, %add3A_229 : i32
        %get3A_231 = arith.index_cast %add3A_230 : i32 to index
        %get3A_232 = tpu.vector_load %arg10[%get3A_231] {strides = array<i32>} : memref<16000xf32, #tpu.memory_space<vmem>>, vector<16xf32>,
        %get3A_233 = vector.shape_cast %get3A_232 : vector<16xf32> to vector<16xf32>
        %swap3A_234 = arith.index_cast %scan3A_167 : i32 to index
        %swap3A_235 = arith.constant 80 : index
        %swap3A_236 = tpu.vector_load %arg12[%swap3A_234, %swap3A_235] {strides = array<i32>} : memref<125x128xf32, #tpu.memory_space<vmem>>, vector<1x16xf32>,
        %swap3A_237 = vector.shape_cast %swap3A_236 : vector<1x16xf32> to vector<16xf32>
        %swap3A_238 = vector.shape_cast %get3A_233 : vector<16xf32> to vector<1x16xf32>
        tpu.vector_store %arg12[%swap3A_234, %swap3A_235], %swap3A_238 {strides = array<i32>} : memref<125x128xf32, #tpu.memory_space<vmem>>, vector<1x16xf32>,
        %mul3A_239 = arith.constant 128 : i32
        %mul3A_240 = arith.muli %scan3A_167, %mul3A_239 : i32
        %add3A_241 = arith.constant 96 : i32
        %add3A_242 = arith.addi %mul3A_240, %add3A_241 : i32
        %get3A_243 = arith.index_cast %add3A_242 : i32 to index
        %get3A_244 = tpu.vector_load %arg10[%get3A_243] {strides = array<i32>} : memref<16000xf32, #tpu.memory_space<vmem>>, vector<16xf32>,
        %get3A_245 = vector.shape_cast %get3A_244 : vector<16xf32> to vector<16xf32>
        %swap3A_246 = arith.index_cast %scan3A_167 : i32 to index
        %swap3A_247 = arith.constant 96 : index
        %swap3A_248 = tpu.vector_load %arg12[%swap3A_246, %swap3A_247] {strides = array<i32>} : memref<125x128xf32, #tpu.memory_space<vmem>>, vector<1x16xf32>,
        %swap3A_249 = vector.shape_cast %swap3A_248 : vector<1x16xf32> to vector<16xf32>
        %swap3A_250 = vector.shape_cast %get3A_245 : vector<16xf32> to vector<1x16xf32>
        tpu.vector_store %arg12[%swap3A_246, %swap3A_247], %swap3A_250 {strides = array<i32>} : memref<125x128xf32, #tpu.memory_space<vmem>>, vector<1x16xf32>,
        %mul3A_251 = arith.constant 128 : i32
        %mul3A_252 = arith.muli %scan3A_167, %mul3A_251 : i32
        %add3A_253 = arith.constant 112 : i32
        %add3A_254 = arith.addi %mul3A_252, %add3A_253 : i32
        %get3A_255 = arith.index_cast %add3A_254 : i32 to index
        %get3A_256 = tpu.vector_load %arg10[%get3A_255] {strides = array<i32>} : memref<16000xf32, #tpu.memory_space<vmem>>, vector<16xf32>,
        %get3A_257 = vector.shape_cast %get3A_256 : vector<16xf32> to vector<16xf32>
        %swap3A_258 = arith.index_cast %scan3A_167 : i32 to index
        %swap3A_259 = arith.constant 112 : index
        %swap3A_260 = tpu.vector_load %arg12[%swap3A_258, %swap3A_259] {strides = array<i32>} : memref<125x128xf32, #tpu.memory_space<vmem>>, vector<1x16xf32>,
        %swap3A_261 = vector.shape_cast %swap3A_260 : vector<1x16xf32> to vector<16xf32>
        %swap3A_262 = vector.shape_cast %get3A_257 : vector<16xf32> to vector<1x16xf32>
        tpu.vector_store %arg12[%swap3A_258, %swap3A_259], %swap3A_262 {strides = array<i32>} : memref<125x128xf32, #tpu.memory_space<vmem>>, vector<1x16xf32>,
        %scan3A_263 = arith.constant 0 : i32
        scf.yield %scan3A_263 : i32
      }
      %scan3A_134 = arith.constant 125 : i32
      %mul3A_135 = arith.constant 125 : i32
      %mul3A_136 = arith.muli %add3A_122, %mul3A_135 : i32
      %run_scoped3A = arith.constant 0 : i32
      %run_scoped3A_137 = arith.constant 0 : i32
      "tpu.region"() ({
        %run_scoped3A_167 = tpu.sem_alloc : memref<!tpu.dma_semaphore, #tpu.memory_space<semaphore_mem>>
        %dma_start3A_168 = arith.constant 0 : i32
        %dma_start3A_169 = arith.constant 0 : i32
        %dma_start3A_170 = arith.constant 0 : i32
        %dma_start3A_171 = tpu.memref_slice %arg8[%run_scoped3A, %dma_start3A_168, %dma_start3A_169, %dma_start3A_170] : memref<3x15625x4x128xf32, #tpu.memory_space<hbm>> -> memref<1x15625x4x128xf32, #tpu.memory_space<hbm>>
        %dma_start3A_172 = tpu.memref_squeeze %dma_start3A_171 : memref<1x15625x4x128xf32, #tpu.memory_space<hbm>> -> memref<15625x4x128xf32, #tpu.memory_space<hbm>>
        %dma_start3A_173 = arith.constant 0 : i32
        %dma_start3A_174 = arith.constant 0 : i32
        %dma_start3A_175 = tpu.memref_slice %dma_start3A_172[%mul3A_136, %dma_start3A_173, %dma_start3A_174] : memref<15625x4x128xf32, #tpu.memory_space<hbm>> -> memref<125x4x128xf32, #tpu.memory_space<hbm>>
        %dma_start3A_176 = arith.constant 0 : i32
        %dma_start3A_177 = arith.constant 0 : i32
        %dma_start3A_178 = tpu.memref_slice %dma_start3A_175[%dma_start3A_176, %run_scoped3A_137, %dma_start3A_177] : memref<125x4x128xf32, #tpu.memory_space<hbm>> -> memref<125x1x128xf32, #tpu.memory_space<hbm>>
        %dma_start3A_179 = tpu.memref_squeeze %dma_start3A_178 : memref<125x1x128xf32, #tpu.memory_space<hbm>> -> memref<125x128xf32, #tpu.memory_space<hbm>>
        %dma_start3A_180 = arith.constant 0 : i32
        %dma_start3A_181 = arith.constant 0 : i32
        %dma_start3A_182 = arith.constant 0 : i32
        %dma_start3A_183 = tpu.memref_slice %arg8[%run_scoped3A, %dma_start3A_180, %dma_start3A_181, %dma_start3A_182] : memref<3x15625x4x128xf32, #tpu.memory_space<hbm>> -> memref<1x15625x4x128xf32, #tpu.memory_space<hbm>>
        %dma_start3A_184 = tpu.memref_squeeze %dma_start3A_183 : memref<1x15625x4x128xf32, #tpu.memory_space<hbm>> -> memref<15625x4x128xf32, #tpu.memory_space<hbm>>
        %dma_start3A_185 = arith.constant 0 : i32
        %dma_start3A_186 = arith.constant 0 : i32
        %dma_start3A_187 = tpu.memref_slice %dma_start3A_184[%mul3A_136, %dma_start3A_185, %dma_start3A_186] : memref<15625x4x128xf32, #tpu.memory_space<hbm>> -> memref<125x4x128xf32, #tpu.memory_space<hbm>>
        %dma_start3A_188 = arith.constant 0 : i32
        %dma_start3A_189 = arith.constant 0 : i32
        %dma_start3A_190 = tpu.memref_slice %dma_start3A_187[%dma_start3A_188, %run_scoped3A_137, %dma_start3A_189] : memref<125x4x128xf32, #tpu.memory_space<hbm>> -> memref<125x1x128xf32, #tpu.memory_space<hbm>>
        %dma_start3A_191 = tpu.memref_squeeze %dma_start3A_190 : memref<125x1x128xf32, #tpu.memory_space<hbm>> -> memref<125x128xf32, #tpu.memory_space<hbm>>
        tpu.enqueue_dma source(%arg12 : memref<125x128xf32, #tpu.memory_space<vmem>>) target(%dma_start3A_191 : memref<125x128xf32, #tpu.memory_space<hbm>>) target_semaphore(%run_scoped3A_167 : memref<!tpu.dma_semaphore, #tpu.memory_space<semaphore_mem>>)
        %dma_wait3A_192 = arith.constant 0 : i32
        %dma_wait3A_193 = arith.constant 0 : i32
        %dma_wait3A_194 = arith.constant 0 : i32
        %dma_wait3A_195 = tpu.memref_slice %arg8[%run_scoped3A, %dma_wait3A_192, %dma_wait3A_193, %dma_wait3A_194] : memref<3x15625x4x128xf32, #tpu.memory_space<hbm>> -> memref<1x15625x4x128xf32, #tpu.memory_space<hbm>>
        %dma_wait3A_196 = tpu.memref_squeeze %dma_wait3A_195 : memref<1x15625x4x128xf32, #tpu.memory_space<hbm>> -> memref<15625x4x128xf32, #tpu.memory_space<hbm>>
        %dma_wait3A_197 = arith.constant 0 : i32
        %dma_wait3A_198 = arith.constant 0 : i32
        %dma_wait3A_199 = tpu.memref_slice %dma_wait3A_196[%mul3A_136, %dma_wait3A_197, %dma_wait3A_198] : memref<15625x4x128xf32, #tpu.memory_space<hbm>> -> memref<125x4x128xf32, #tpu.memory_space<hbm>>
        %dma_wait3A_200 = arith.constant 0 : i32
        %dma_wait3A_201 = arith.constant 0 : i32
        %dma_wait3A_202 = tpu.memref_slice %dma_wait3A_199[%dma_wait3A_200, %run_scoped3A_137, %dma_wait3A_201] : memref<125x4x128xf32, #tpu.memory_space<hbm>> -> memref<125x1x128xf32, #tpu.memory_space<hbm>>
        %dma_wait3A_203 = tpu.memref_squeeze %dma_wait3A_202 : memref<125x1x128xf32, #tpu.memory_space<hbm>> -> memref<125x128xf32, #tpu.memory_space<hbm>>
        %dma_wait3A_204 = arith.constant 0 : i32
        %dma_wait3A_205 = arith.constant 0 : i32
        %dma_wait3A_206 = arith.constant 0 : i32
        %dma_wait3A_207 = tpu.memref_slice %arg8[%run_scoped3A, %dma_wait3A_204, %dma_wait3A_205, %dma_wait3A_206] : memref<3x15625x4x128xf32, #tpu.memory_space<hbm>> -> memref<1x15625x4x128xf32, #tpu.memory_space<hbm>>
        %dma_wait3A_208 = tpu.memref_squeeze %dma_wait3A_207 : memref<1x15625x4x128xf32, #tpu.memory_space<hbm>> -> memref<15625x4x128xf32, #tpu.memory_space<hbm>>
        %dma_wait3A_209 = arith.constant 0 : i32
        %dma_wait3A_210 = arith.constant 0 : i32
        %dma_wait3A_211 = tpu.memref_slice %dma_wait3A_208[%mul3A_136, %dma_wait3A_209, %dma_wait3A_210] : memref<15625x4x128xf32, #tpu.memory_space<hbm>> -> memref<125x4x128xf32, #tpu.memory_space<hbm>>
        %dma_wait3A_212 = arith.constant 0 : i32
        %dma_wait3A_213 = arith.constant 0 : i32
        %dma_wait3A_214 = tpu.memref_slice %dma_wait3A_211[%dma_wait3A_212, %run_scoped3A_137, %dma_wait3A_213] : memref<125x4x128xf32, #tpu.memory_space<hbm>> -> memref<125x1x128xf32, #tpu.memory_space<hbm>>
        %dma_wait3A_215 = tpu.memref_squeeze %dma_wait3A_214 : memref<125x1x128xf32, #tpu.memory_space<hbm>> -> memref<125x128xf32, #tpu.memory_space<hbm>>
        tpu.wait_dma2 semaphore(%run_scoped3A_167 : memref<!tpu.dma_semaphore, #tpu.memory_space<semaphore_mem>>) src(%arg12 : memref<125x128xf32, #tpu.memory_space<vmem>>) dst(%dma_wait3A_215 : memref<125x128xf32, #tpu.memory_space<hbm>>)
        tpu.yield
      }) : () -> ()
      %dma_wait3A_138 = arith.constant 0 : i32
      %dma_wait3A_139 = tpu.memref_slice %arg6[%dma_wait3A_138] : memref<1000000xf32, #tpu.memory_space<hbm>> -> memref<1000000xf32, #tpu.memory_space<hbm>>
      tpu.wait_indirect_dma semaphore(%arg13 : memref<!tpu.dma_semaphore, #tpu.memory_space<semaphore_mem>>) src(%dma_wait3A_139 : memref<1000000xf32, #tpu.memory_space<hbm>>) dst(%arg11 : memref<16000xf32, #tpu.memory_space<vmem>>)
      %dma_start3A_140 = arith.constant 0 : i32
      %dma_start3A_141 = tpu.memref_slice %arg7[%dma_start3A_140] : memref<1000000xf32, #tpu.memory_space<hbm>> -> memref<1000000xf32, #tpu.memory_space<hbm>>
      tpu.enqueue_indirect_dma source(%dma_start3A_141 : memref<1000000xf32, #tpu.memory_space<hbm>>) target(%arg10 : memref<16000xf32, #tpu.memory_space<vmem>>) offsets(%arg9 : memref<16000xi32, #tpu.memory_space<vmem>>) semaphore(%arg13 : memref<!tpu.dma_semaphore, #tpu.memory_space<semaphore_mem>>)
      %scan3A_142 = arith.constant 0 : i32
      %scan3A_143 = arith.constant 0 : i32
      %scan3A_144 = arith.constant 125 : i32
      %scan3A_145 = arith.addi %scan3A_143, %scan3A_144 : i32
      %scan3A_146 = arith.constant 1 : i32
      %scan3A_147 = scf.for %scan3A_167 = %scan3A_143 to %scan3A_145 step %scan3A_146 iter_args(%scan3A_168 = %scan3A_142) -> (i32)  : i32 {
        %mul3A_169 = arith.constant 128 : i32
        %mul3A_170 = arith.muli %scan3A_167, %mul3A_169 : i32
        %add3A_171 = arith.constant 0 : i32
        %add3A_172 = arith.addi %mul3A_170, %add3A_171 : i32
        %get3A = arith.index_cast %add3A_172 : i32 to index
        %get3A_173 = tpu.vector_load %arg11[%get3A] {strides = array<i32>} : memref<16000xf32, #tpu.memory_space<vmem>>, vector<16xf32>,
        %get3A_174 = vector.shape_cast %get3A_173 : vector<16xf32> to vector<16xf32>
        %swap3A = arith.index_cast %scan3A_167 : i32 to index
        %swap3A_175 = arith.constant 0 : index
        %swap3A_176 = tpu.vector_load %arg12[%swap3A, %swap3A_175] {strides = array<i32>} : memref<125x128xf32, #tpu.memory_space<vmem>>, vector<1x16xf32>,
        %swap3A_177 = vector.shape_cast %swap3A_176 : vector<1x16xf32> to vector<16xf32>
        %swap3A_178 = vector.shape_cast %get3A_174 : vector<16xf32> to vector<1x16xf32>
        tpu.vector_store %arg12[%swap3A, %swap3A_175], %swap3A_178 {strides = array<i32>} : memref<125x128xf32, #tpu.memory_space<vmem>>, vector<1x16xf32>,
        %mul3A_179 = arith.constant 128 : i32
        %mul3A_180 = arith.muli %scan3A_167, %mul3A_179 : i32
        %add3A_181 = arith.constant 16 : i32
        %add3A_182 = arith.addi %mul3A_180, %add3A_181 : i32
        %get3A_183 = arith.index_cast %add3A_182 : i32 to index
        %get3A_184 = tpu.vector_load %arg11[%get3A_183] {strides = array<i32>} : memref<16000xf32, #tpu.memory_space<vmem>>, vector<16xf32>,
        %get3A_185 = vector.shape_cast %get3A_184 : vector<16xf32> to vector<16xf32>
        %swap3A_186 = arith.index_cast %scan3A_167 : i32 to index
        %swap3A_187 = arith.constant 16 : index
        %swap3A_188 = tpu.vector_load %arg12[%swap3A_186, %swap3A_187] {strides = array<i32>} : memref<125x128xf32, #tpu.memory_space<vmem>>, vector<1x16xf32>,
        %swap3A_189 = vector.shape_cast %swap3A_188 : vector<1x16xf32> to vector<16xf32>
        %swap3A_190 = vector.shape_cast %get3A_185 : vector<16xf32> to vector<1x16xf32>
        tpu.vector_store %arg12[%swap3A_186, %swap3A_187], %swap3A_190 {strides = array<i32>} : memref<125x128xf32, #tpu.memory_space<vmem>>, vector<1x16xf32>,
        %mul3A_191 = arith.constant 128 : i32
        %mul3A_192 = arith.muli %scan3A_167, %mul3A_191 : i32
        %add3A_193 = arith.constant 32 : i32
        %add3A_194 = arith.addi %mul3A_192, %add3A_193 : i32
        %get3A_195 = arith.index_cast %add3A_194 : i32 to index
        %get3A_196 = tpu.vector_load %arg11[%get3A_195] {strides = array<i32>} : memref<16000xf32, #tpu.memory_space<vmem>>, vector<16xf32>,
        %get3A_197 = vector.shape_cast %get3A_196 : vector<16xf32> to vector<16xf32>
        %swap3A_198 = arith.index_cast %scan3A_167 : i32 to index
        %swap3A_199 = arith.constant 32 : index
        %swap3A_200 = tpu.vector_load %arg12[%swap3A_198, %swap3A_199] {strides = array<i32>} : memref<125x128xf32, #tpu.memory_space<vmem>>, vector<1x16xf32>,
        %swap3A_201 = vector.shape_cast %swap3A_200 : vector<1x16xf32> to vector<16xf32>
        %swap3A_202 = vector.shape_cast %get3A_197 : vector<16xf32> to vector<1x16xf32>
        tpu.vector_store %arg12[%swap3A_198, %swap3A_199], %swap3A_202 {strides = array<i32>} : memref<125x128xf32, #tpu.memory_space<vmem>>, vector<1x16xf32>,
        %mul3A_203 = arith.constant 128 : i32
        %mul3A_204 = arith.muli %scan3A_167, %mul3A_203 : i32
        %add3A_205 = arith.constant 48 : i32
        %add3A_206 = arith.addi %mul3A_204, %add3A_205 : i32
        %get3A_207 = arith.index_cast %add3A_206 : i32 to index
        %get3A_208 = tpu.vector_load %arg11[%get3A_207] {strides = array<i32>} : memref<16000xf32, #tpu.memory_space<vmem>>, vector<16xf32>,
        %get3A_209 = vector.shape_cast %get3A_208 : vector<16xf32> to vector<16xf32>
        %swap3A_210 = arith.index_cast %scan3A_167 : i32 to index
        %swap3A_211 = arith.constant 48 : index
        %swap3A_212 = tpu.vector_load %arg12[%swap3A_210, %swap3A_211] {strides = array<i32>} : memref<125x128xf32, #tpu.memory_space<vmem>>, vector<1x16xf32>,
        %swap3A_213 = vector.shape_cast %swap3A_212 : vector<1x16xf32> to vector<16xf32>
        %swap3A_214 = vector.shape_cast %get3A_209 : vector<16xf32> to vector<1x16xf32>
        tpu.vector_store %arg12[%swap3A_210, %swap3A_211], %swap3A_214 {strides = array<i32>} : memref<125x128xf32, #tpu.memory_space<vmem>>, vector<1x16xf32>,
        %mul3A_215 = arith.constant 128 : i32
        %mul3A_216 = arith.muli %scan3A_167, %mul3A_215 : i32
        %add3A_217 = arith.constant 64 : i32
        %add3A_218 = arith.addi %mul3A_216, %add3A_217 : i32
        %get3A_219 = arith.index_cast %add3A_218 : i32 to index
        %get3A_220 = tpu.vector_load %arg11[%get3A_219] {strides = array<i32>} : memref<16000xf32, #tpu.memory_space<vmem>>, vector<16xf32>,
        %get3A_221 = vector.shape_cast %get3A_220 : vector<16xf32> to vector<16xf32>
        %swap3A_222 = arith.index_cast %scan3A_167 : i32 to index
        %swap3A_223 = arith.constant 64 : index
        %swap3A_224 = tpu.vector_load %arg12[%swap3A_222, %swap3A_223] {strides = array<i32>} : memref<125x128xf32, #tpu.memory_space<vmem>>, vector<1x16xf32>,
        %swap3A_225 = vector.shape_cast %swap3A_224 : vector<1x16xf32> to vector<16xf32>
        %swap3A_226 = vector.shape_cast %get3A_221 : vector<16xf32> to vector<1x16xf32>
        tpu.vector_store %arg12[%swap3A_222, %swap3A_223], %swap3A_226 {strides = array<i32>} : memref<125x128xf32, #tpu.memory_space<vmem>>, vector<1x16xf32>,
        %mul3A_227 = arith.constant 128 : i32
        %mul3A_228 = arith.muli %scan3A_167, %mul3A_227 : i32
        %add3A_229 = arith.constant 80 : i32
        %add3A_230 = arith.addi %mul3A_228, %add3A_229 : i32
        %get3A_231 = arith.index_cast %add3A_230 : i32 to index
        %get3A_232 = tpu.vector_load %arg11[%get3A_231] {strides = array<i32>} : memref<16000xf32, #tpu.memory_space<vmem>>, vector<16xf32>,
        %get3A_233 = vector.shape_cast %get3A_232 : vector<16xf32> to vector<16xf32>
        %swap3A_234 = arith.index_cast %scan3A_167 : i32 to index
        %swap3A_235 = arith.constant 80 : index
        %swap3A_236 = tpu.vector_load %arg12[%swap3A_234, %swap3A_235] {strides = array<i32>} : memref<125x128xf32, #tpu.memory_space<vmem>>, vector<1x16xf32>,
        %swap3A_237 = vector.shape_cast %swap3A_236 : vector<1x16xf32> to vector<16xf32>
        %swap3A_238 = vector.shape_cast %get3A_233 : vector<16xf32> to vector<1x16xf32>
        tpu.vector_store %arg12[%swap3A_234, %swap3A_235], %swap3A_238 {strides = array<i32>} : memref<125x128xf32, #tpu.memory_space<vmem>>, vector<1x16xf32>,
        %mul3A_239 = arith.constant 128 : i32
        %mul3A_240 = arith.muli %scan3A_167, %mul3A_239 : i32
        %add3A_241 = arith.constant 96 : i32
        %add3A_242 = arith.addi %mul3A_240, %add3A_241 : i32
        %get3A_243 = arith.index_cast %add3A_242 : i32 to index
        %get3A_244 = tpu.vector_load %arg11[%get3A_243] {strides = array<i32>} : memref<16000xf32, #tpu.memory_space<vmem>>, vector<16xf32>,
        %get3A_245 = vector.shape_cast %get3A_244 : vector<16xf32> to vector<16xf32>
        %swap3A_246 = arith.index_cast %scan3A_167 : i32 to index
        %swap3A_247 = arith.constant 96 : index
        %swap3A_248 = tpu.vector_load %arg12[%swap3A_246, %swap3A_247] {strides = array<i32>} : memref<125x128xf32, #tpu.memory_space<vmem>>, vector<1x16xf32>,
        %swap3A_249 = vector.shape_cast %swap3A_248 : vector<1x16xf32> to vector<16xf32>
        %swap3A_250 = vector.shape_cast %get3A_245 : vector<16xf32> to vector<1x16xf32>
        tpu.vector_store %arg12[%swap3A_246, %swap3A_247], %swap3A_250 {strides = array<i32>} : memref<125x128xf32, #tpu.memory_space<vmem>>, vector<1x16xf32>,
        %mul3A_251 = arith.constant 128 : i32
        %mul3A_252 = arith.muli %scan3A_167, %mul3A_251 : i32
        %add3A_253 = arith.constant 112 : i32
        %add3A_254 = arith.addi %mul3A_252, %add3A_253 : i32
        %get3A_255 = arith.index_cast %add3A_254 : i32 to index
        %get3A_256 = tpu.vector_load %arg11[%get3A_255] {strides = array<i32>} : memref<16000xf32, #tpu.memory_space<vmem>>, vector<16xf32>,
        %get3A_257 = vector.shape_cast %get3A_256 : vector<16xf32> to vector<16xf32>
        %swap3A_258 = arith.index_cast %scan3A_167 : i32 to index
        %swap3A_259 = arith.constant 112 : index
        %swap3A_260 = tpu.vector_load %arg12[%swap3A_258, %swap3A_259] {strides = array<i32>} : memref<125x128xf32, #tpu.memory_space<vmem>>, vector<1x16xf32>,
        %swap3A_261 = vector.shape_cast %swap3A_260 : vector<1x16xf32> to vector<16xf32>
        %swap3A_262 = vector.shape_cast %get3A_257 : vector<16xf32> to vector<1x16xf32>
        tpu.vector_store %arg12[%swap3A_258, %swap3A_259], %swap3A_262 {strides = array<i32>} : memref<125x128xf32, #tpu.memory_space<vmem>>, vector<1x16xf32>,
        %scan3A_263 = arith.constant 0 : i32
        scf.yield %scan3A_263 : i32
      }
      %scan3A_148 = arith.constant 125 : i32
      %mul3A_149 = arith.constant 125 : i32
      %mul3A_150 = arith.muli %add3A_122, %mul3A_149 : i32
      %run_scoped3A_151 = arith.constant 0 : i32
      %run_scoped3A_152 = arith.constant 1 : i32
      "tpu.region"() ({
        %run_scoped3A_167 = tpu.sem_alloc : memref<!tpu.dma_semaphore, #tpu.memory_space<semaphore_mem>>
        %dma_start3A_168 = arith.constant 0 : i32
        %dma_start3A_169 = arith.constant 0 : i32
        %dma_start3A_170 = arith.constant 0 : i32
        %dma_start3A_171 = tpu.memref_slice %arg8[%run_scoped3A_151, %dma_start3A_168, %dma_start3A_169, %dma_start3A_170] : memref<3x15625x4x128xf32, #tpu.memory_space<hbm>> -> memref<1x15625x4x128xf32, #tpu.memory_space<hbm>>
        %dma_start3A_172 = tpu.memref_squeeze %dma_start3A_171 : memref<1x15625x4x128xf32, #tpu.memory_space<hbm>> -> memref<15625x4x128xf32, #tpu.memory_space<hbm>>
        %dma_start3A_173 = arith.constant 0 : i32
        %dma_start3A_174 = arith.constant 0 : i32
        %dma_start3A_175 = tpu.memref_slice %dma_start3A_172[%mul3A_150, %dma_start3A_173, %dma_start3A_174] : memref<15625x4x128xf32, #tpu.memory_space<hbm>> -> memref<125x4x128xf32, #tpu.memory_space<hbm>>
        %dma_start3A_176 = arith.constant 0 : i32
        %dma_start3A_177 = arith.constant 0 : i32
        %dma_start3A_178 = tpu.memref_slice %dma_start3A_175[%dma_start3A_176, %run_scoped3A_152, %dma_start3A_177] : memref<125x4x128xf32, #tpu.memory_space<hbm>> -> memref<125x1x128xf32, #tpu.memory_space<hbm>>
        %dma_start3A_179 = tpu.memref_squeeze %dma_start3A_178 : memref<125x1x128xf32, #tpu.memory_space<hbm>> -> memref<125x128xf32, #tpu.memory_space<hbm>>
        %dma_start3A_180 = arith.constant 0 : i32
        %dma_start3A_181 = arith.constant 0 : i32
        %dma_start3A_182 = arith.constant 0 : i32
        %dma_start3A_183 = tpu.memref_slice %arg8[%run_scoped3A_151, %dma_start3A_180, %dma_start3A_181, %dma_start3A_182] : memref<3x15625x4x128xf32, #tpu.memory_space<hbm>> -> memref<1x15625x4x128xf32, #tpu.memory_space<hbm>>
        %dma_start3A_184 = tpu.memref_squeeze %dma_start3A_183 : memref<1x15625x4x128xf32, #tpu.memory_space<hbm>> -> memref<15625x4x128xf32, #tpu.memory_space<hbm>>
        %dma_start3A_185 = arith.constant 0 : i32
        %dma_start3A_186 = arith.constant 0 : i32
        %dma_start3A_187 = tpu.memref_slice %dma_start3A_184[%mul3A_150, %dma_start3A_185, %dma_start3A_186] : memref<15625x4x128xf32, #tpu.memory_space<hbm>> -> memref<125x4x128xf32, #tpu.memory_space<hbm>>
        %dma_start3A_188 = arith.constant 0 : i32
        %dma_start3A_189 = arith.constant 0 : i32
        %dma_start3A_190 = tpu.memref_slice %dma_start3A_187[%dma_start3A_188, %run_scoped3A_152, %dma_start3A_189] : memref<125x4x128xf32, #tpu.memory_space<hbm>> -> memref<125x1x128xf32, #tpu.memory_space<hbm>>
        %dma_start3A_191 = tpu.memref_squeeze %dma_start3A_190 : memref<125x1x128xf32, #tpu.memory_space<hbm>> -> memref<125x128xf32, #tpu.memory_space<hbm>>
        tpu.enqueue_dma source(%arg12 : memref<125x128xf32, #tpu.memory_space<vmem>>) target(%dma_start3A_191 : memref<125x128xf32, #tpu.memory_space<hbm>>) target_semaphore(%run_scoped3A_167 : memref<!tpu.dma_semaphore, #tpu.memory_space<semaphore_mem>>)
        %dma_wait3A_192 = arith.constant 0 : i32
        %dma_wait3A_193 = arith.constant 0 : i32
        %dma_wait3A_194 = arith.constant 0 : i32
        %dma_wait3A_195 = tpu.memref_slice %arg8[%run_scoped3A_151, %dma_wait3A_192, %dma_wait3A_193, %dma_wait3A_194] : memref<3x15625x4x128xf32, #tpu.memory_space<hbm>> -> memref<1x15625x4x128xf32, #tpu.memory_space<hbm>>
        %dma_wait3A_196 = tpu.memref_squeeze %dma_wait3A_195 : memref<1x15625x4x128xf32, #tpu.memory_space<hbm>> -> memref<15625x4x128xf32, #tpu.memory_space<hbm>>
        %dma_wait3A_197 = arith.constant 0 : i32
        %dma_wait3A_198 = arith.constant 0 : i32
        %dma_wait3A_199 = tpu.memref_slice %dma_wait3A_196[%mul3A_150, %dma_wait3A_197, %dma_wait3A_198] : memref<15625x4x128xf32, #tpu.memory_space<hbm>> -> memref<125x4x128xf32, #tpu.memory_space<hbm>>
        %dma_wait3A_200 = arith.constant 0 : i32
        %dma_wait3A_201 = arith.constant 0 : i32
        %dma_wait3A_202 = tpu.memref_slice %dma_wait3A_199[%dma_wait3A_200, %run_scoped3A_152, %dma_wait3A_201] : memref<125x4x128xf32, #tpu.memory_space<hbm>> -> memref<125x1x128xf32, #tpu.memory_space<hbm>>
        %dma_wait3A_203 = tpu.memref_squeeze %dma_wait3A_202 : memref<125x1x128xf32, #tpu.memory_space<hbm>> -> memref<125x128xf32, #tpu.memory_space<hbm>>
        %dma_wait3A_204 = arith.constant 0 : i32
        %dma_wait3A_205 = arith.constant 0 : i32
        %dma_wait3A_206 = arith.constant 0 : i32
        %dma_wait3A_207 = tpu.memref_slice %arg8[%run_scoped3A_151, %dma_wait3A_204, %dma_wait3A_205, %dma_wait3A_206] : memref<3x15625x4x128xf32, #tpu.memory_space<hbm>> -> memref<1x15625x4x128xf32, #tpu.memory_space<hbm>>
        %dma_wait3A_208 = tpu.memref_squeeze %dma_wait3A_207 : memref<1x15625x4x128xf32, #tpu.memory_space<hbm>> -> memref<15625x4x128xf32, #tpu.memory_space<hbm>>
        %dma_wait3A_209 = arith.constant 0 : i32
        %dma_wait3A_210 = arith.constant 0 : i32
        %dma_wait3A_211 = tpu.memref_slice %dma_wait3A_208[%mul3A_150, %dma_wait3A_209, %dma_wait3A_210] : memref<15625x4x128xf32, #tpu.memory_space<hbm>> -> memref<125x4x128xf32, #tpu.memory_space<hbm>>
        %dma_wait3A_212 = arith.constant 0 : i32
        %dma_wait3A_213 = arith.constant 0 : i32
        %dma_wait3A_214 = tpu.memref_slice %dma_wait3A_211[%dma_wait3A_212, %run_scoped3A_152, %dma_wait3A_213] : memref<125x4x128xf32, #tpu.memory_space<hbm>> -> memref<125x1x128xf32, #tpu.memory_space<hbm>>
        %dma_wait3A_215 = tpu.memref_squeeze %dma_wait3A_214 : memref<125x1x128xf32, #tpu.memory_space<hbm>> -> memref<125x128xf32, #tpu.memory_space<hbm>>
        tpu.wait_dma2 semaphore(%run_scoped3A_167 : memref<!tpu.dma_semaphore, #tpu.memory_space<semaphore_mem>>) src(%arg12 : memref<125x128xf32, #tpu.memory_space<vmem>>) dst(%dma_wait3A_215 : memref<125x128xf32, #tpu.memory_space<hbm>>)
        tpu.yield
      }) : () -> ()
      %dma_wait3A_153 = arith.constant 0 : i32
      %dma_wait3A_154 = tpu.memref_slice %arg7[%dma_wait3A_153] : memref<1000000xf32, #tpu.memory_space<hbm>> -> memref<1000000xf32, #tpu.memory_space<hbm>>
      tpu.wait_indirect_dma semaphore(%arg13 : memref<!tpu.dma_semaphore, #tpu.memory_space<semaphore_mem>>) src(%dma_wait3A_154 : memref<1000000xf32, #tpu.memory_space<hbm>>) dst(%arg10 : memref<16000xf32, #tpu.memory_space<vmem>>)
      %scan3A_155 = arith.constant 0 : i32
      %scan3A_156 = arith.constant 0 : i32
      %scan3A_157 = arith.constant 125 : i32
      %scan3A_158 = arith.addi %scan3A_156, %scan3A_157 : i32
      %scan3A_159 = arith.constant 1 : i32
      %scan3A_160 = scf.for %scan3A_167 = %scan3A_156 to %scan3A_158 step %scan3A_159 iter_args(%scan3A_168 = %scan3A_155) -> (i32)  : i32 {
        %mul3A_169 = arith.constant 128 : i32
        %mul3A_170 = arith.muli %scan3A_167, %mul3A_169 : i32
        %add3A_171 = arith.constant 0 : i32
        %add3A_172 = arith.addi %mul3A_170, %add3A_171 : i32
        %get3A = arith.index_cast %add3A_172 : i32 to index
        %get3A_173 = tpu.vector_load %arg10[%get3A] {strides = array<i32>} : memref<16000xf32, #tpu.memory_space<vmem>>, vector<16xf32>,
        %get3A_174 = vector.shape_cast %get3A_173 : vector<16xf32> to vector<16xf32>
        %swap3A = arith.index_cast %scan3A_167 : i32 to index
        %swap3A_175 = arith.constant 0 : index
        %swap3A_176 = tpu.vector_load %arg12[%swap3A, %swap3A_175] {strides = array<i32>} : memref<125x128xf32, #tpu.memory_space<vmem>>, vector<1x16xf32>,
        %swap3A_177 = vector.shape_cast %swap3A_176 : vector<1x16xf32> to vector<16xf32>
        %swap3A_178 = vector.shape_cast %get3A_174 : vector<16xf32> to vector<1x16xf32>
        tpu.vector_store %arg12[%swap3A, %swap3A_175], %swap3A_178 {strides = array<i32>} : memref<125x128xf32, #tpu.memory_space<vmem>>, vector<1x16xf32>,
        %mul3A_179 = arith.constant 128 : i32
        %mul3A_180 = arith.muli %scan3A_167, %mul3A_179 : i32
        %add3A_181 = arith.constant 16 : i32
        %add3A_182 = arith.addi %mul3A_180, %add3A_181 : i32
        %get3A_183 = arith.index_cast %add3A_182 : i32 to index
        %get3A_184 = tpu.vector_load %arg10[%get3A_183] {strides = array<i32>} : memref<16000xf32, #tpu.memory_space<vmem>>, vector<16xf32>,
        %get3A_185 = vector.shape_cast %get3A_184 : vector<16xf32> to vector<16xf32>
        %swap3A_186 = arith.index_cast %scan3A_167 : i32 to index
        %swap3A_187 = arith.constant 16 : index
        %swap3A_188 = tpu.vector_load %arg12[%swap3A_186, %swap3A_187] {strides = array<i32>} : memref<125x128xf32, #tpu.memory_space<vmem>>, vector<1x16xf32>,
        %swap3A_189 = vector.shape_cast %swap3A_188 : vector<1x16xf32> to vector<16xf32>
        %swap3A_190 = vector.shape_cast %get3A_185 : vector<16xf32> to vector<1x16xf32>
        tpu.vector_store %arg12[%swap3A_186, %swap3A_187], %swap3A_190 {strides = array<i32>} : memref<125x128xf32, #tpu.memory_space<vmem>>, vector<1x16xf32>,
        %mul3A_191 = arith.constant 128 : i32
        %mul3A_192 = arith.muli %scan3A_167, %mul3A_191 : i32
        %add3A_193 = arith.constant 32 : i32
        %add3A_194 = arith.addi %mul3A_192, %add3A_193 : i32
        %get3A_195 = arith.index_cast %add3A_194 : i32 to index
        %get3A_196 = tpu.vector_load %arg10[%get3A_195] {strides = array<i32>} : memref<16000xf32, #tpu.memory_space<vmem>>, vector<16xf32>,
        %get3A_197 = vector.shape_cast %get3A_196 : vector<16xf32> to vector<16xf32>
        %swap3A_198 = arith.index_cast %scan3A_167 : i32 to index
        %swap3A_199 = arith.constant 32 : index
        %swap3A_200 = tpu.vector_load %arg12[%swap3A_198, %swap3A_199] {strides = array<i32>} : memref<125x128xf32, #tpu.memory_space<vmem>>, vector<1x16xf32>,
        %swap3A_201 = vector.shape_cast %swap3A_200 : vector<1x16xf32> to vector<16xf32>
        %swap3A_202 = vector.shape_cast %get3A_197 : vector<16xf32> to vector<1x16xf32>
        tpu.vector_store %arg12[%swap3A_198, %swap3A_199], %swap3A_202 {strides = array<i32>} : memref<125x128xf32, #tpu.memory_space<vmem>>, vector<1x16xf32>,
        %mul3A_203 = arith.constant 128 : i32
        %mul3A_204 = arith.muli %scan3A_167, %mul3A_203 : i32
        %add3A_205 = arith.constant 48 : i32
        %add3A_206 = arith.addi %mul3A_204, %add3A_205 : i32
        %get3A_207 = arith.index_cast %add3A_206 : i32 to index
        %get3A_208 = tpu.vector_load %arg10[%get3A_207] {strides = array<i32>} : memref<16000xf32, #tpu.memory_space<vmem>>, vector<16xf32>,
        %get3A_209 = vector.shape_cast %get3A_208 : vector<16xf32> to vector<16xf32>
        %swap3A_210 = arith.index_cast %scan3A_167 : i32 to index
        %swap3A_211 = arith.constant 48 : index
        %swap3A_212 = tpu.vector_load %arg12[%swap3A_210, %swap3A_211] {strides = array<i32>} : memref<125x128xf32, #tpu.memory_space<vmem>>, vector<1x16xf32>,
        %swap3A_213 = vector.shape_cast %swap3A_212 : vector<1x16xf32> to vector<16xf32>
        %swap3A_214 = vector.shape_cast %get3A_209 : vector<16xf32> to vector<1x16xf32>
        tpu.vector_store %arg12[%swap3A_210, %swap3A_211], %swap3A_214 {strides = array<i32>} : memref<125x128xf32, #tpu.memory_space<vmem>>, vector<1x16xf32>,
        %mul3A_215 = arith.constant 128 : i32
        %mul3A_216 = arith.muli %scan3A_167, %mul3A_215 : i32
        %add3A_217 = arith.constant 64 : i32
        %add3A_218 = arith.addi %mul3A_216, %add3A_217 : i32
        %get3A_219 = arith.index_cast %add3A_218 : i32 to index
        %get3A_220 = tpu.vector_load %arg10[%get3A_219] {strides = array<i32>} : memref<16000xf32, #tpu.memory_space<vmem>>, vector<16xf32>,
        %get3A_221 = vector.shape_cast %get3A_220 : vector<16xf32> to vector<16xf32>
        %swap3A_222 = arith.index_cast %scan3A_167 : i32 to index
        %swap3A_223 = arith.constant 64 : index
        %swap3A_224 = tpu.vector_load %arg12[%swap3A_222, %swap3A_223] {strides = array<i32>} : memref<125x128xf32, #tpu.memory_space<vmem>>, vector<1x16xf32>,
        %swap3A_225 = vector.shape_cast %swap3A_224 : vector<1x16xf32> to vector<16xf32>
        %swap3A_226 = vector.shape_cast %get3A_221 : vector<16xf32> to vector<1x16xf32>
        tpu.vector_store %arg12[%swap3A_222, %swap3A_223], %swap3A_226 {strides = array<i32>} : memref<125x128xf32, #tpu.memory_space<vmem>>, vector<1x16xf32>,
        %mul3A_227 = arith.constant 128 : i32
        %mul3A_228 = arith.muli %scan3A_167, %mul3A_227 : i32
        %add3A_229 = arith.constant 80 : i32
        %add3A_230 = arith.addi %mul3A_228, %add3A_229 : i32
        %get3A_231 = arith.index_cast %add3A_230 : i32 to index
        %get3A_232 = tpu.vector_load %arg10[%get3A_231] {strides = array<i32>} : memref<16000xf32, #tpu.memory_space<vmem>>, vector<16xf32>,
        %get3A_233 = vector.shape_cast %get3A_232 : vector<16xf32> to vector<16xf32>
        %swap3A_234 = arith.index_cast %scan3A_167 : i32 to index
        %swap3A_235 = arith.constant 80 : index
        %swap3A_236 = tpu.vector_load %arg12[%swap3A_234, %swap3A_235] {strides = array<i32>} : memref<125x128xf32, #tpu.memory_space<vmem>>, vector<1x16xf32>,
        %swap3A_237 = vector.shape_cast %swap3A_236 : vector<1x16xf32> to vector<16xf32>
        %swap3A_238 = vector.shape_cast %get3A_233 : vector<16xf32> to vector<1x16xf32>
        tpu.vector_store %arg12[%swap3A_234, %swap3A_235], %swap3A_238 {strides = array<i32>} : memref<125x128xf32, #tpu.memory_space<vmem>>, vector<1x16xf32>,
        %mul3A_239 = arith.constant 128 : i32
        %mul3A_240 = arith.muli %scan3A_167, %mul3A_239 : i32
        %add3A_241 = arith.constant 96 : i32
        %add3A_242 = arith.addi %mul3A_240, %add3A_241 : i32
        %get3A_243 = arith.index_cast %add3A_242 : i32 to index
        %get3A_244 = tpu.vector_load %arg10[%get3A_243] {strides = array<i32>} : memref<16000xf32, #tpu.memory_space<vmem>>, vector<16xf32>,
        %get3A_245 = vector.shape_cast %get3A_244 : vector<16xf32> to vector<16xf32>
        %swap3A_246 = arith.index_cast %scan3A_167 : i32 to index
        %swap3A_247 = arith.constant 96 : index
        %swap3A_248 = tpu.vector_load %arg12[%swap3A_246, %swap3A_247] {strides = array<i32>} : memref<125x128xf32, #tpu.memory_space<vmem>>, vector<1x16xf32>,
        %swap3A_249 = vector.shape_cast %swap3A_248 : vector<1x16xf32> to vector<16xf32>
        %swap3A_250 = vector.shape_cast %get3A_245 : vector<16xf32> to vector<1x16xf32>
        tpu.vector_store %arg12[%swap3A_246, %swap3A_247], %swap3A_250 {strides = array<i32>} : memref<125x128xf32, #tpu.memory_space<vmem>>, vector<1x16xf32>,
        %mul3A_251 = arith.constant 128 : i32
        %mul3A_252 = arith.muli %scan3A_167, %mul3A_251 : i32
        %add3A_253 = arith.constant 112 : i32
        %add3A_254 = arith.addi %mul3A_252, %add3A_253 : i32
        %get3A_255 = arith.index_cast %add3A_254 : i32 to index
        %get3A_256 = tpu.vector_load %arg10[%get3A_255] {strides = array<i32>} : memref<16000xf32, #tpu.memory_space<vmem>>, vector<16xf32>,
        %get3A_257 = vector.shape_cast %get3A_256 : vector<16xf32> to vector<16xf32>
        %swap3A_258 = arith.index_cast %scan3A_167 : i32 to index
        %swap3A_259 = arith.constant 112 : index
        %swap3A_260 = tpu.vector_load %arg12[%swap3A_258, %swap3A_259] {strides = array<i32>} : memref<125x128xf32, #tpu.memory_space<vmem>>, vector<1x16xf32>,
        %swap3A_261 = vector.shape_cast %swap3A_260 : vector<1x16xf32> to vector<16xf32>
        %swap3A_262 = vector.shape_cast %get3A_257 : vector<16xf32> to vector<1x16xf32>
        tpu.vector_store %arg12[%swap3A_258, %swap3A_259], %swap3A_262 {strides = array<i32>} : memref<125x128xf32, #tpu.memory_space<vmem>>, vector<1x16xf32>,
        %scan3A_263 = arith.constant 0 : i32
        scf.yield %scan3A_263 : i32
      }
      %scan3A_161 = arith.constant 125 : i32
      %mul3A_162 = arith.constant 125 : i32
      %mul3A_163 = arith.muli %add3A_122, %mul3A_162 : i32
      %run_scoped3A_164 = arith.constant 0 : i32
      %run_scoped3A_165 = arith.constant 2 : i32
      "tpu.region"() ({
        %run_scoped3A_167 = tpu.sem_alloc : memref<!tpu.dma_semaphore, #tpu.memory_space<semaphore_mem>>
        %dma_start3A_168 = arith.constant 0 : i32
        %dma_start3A_169 = arith.constant 0 : i32
        %dma_start3A_170 = arith.constant 0 : i32
        %dma_start3A_171 = tpu.memref_slice %arg8[%run_scoped3A_164, %dma_start3A_168, %dma_start3A_169, %dma_start3A_170] : memref<3x15625x4x128xf32, #tpu.memory_space<hbm>> -> memref<1x15625x4x128xf32, #tpu.memory_space<hbm>>
        %dma_start3A_172 = tpu.memref_squeeze %dma_start3A_171 : memref<1x15625x4x128xf32, #tpu.memory_space<hbm>> -> memref<15625x4x128xf32, #tpu.memory_space<hbm>>
        %dma_start3A_173 = arith.constant 0 : i32
        %dma_start3A_174 = arith.constant 0 : i32
        %dma_start3A_175 = tpu.memref_slice %dma_start3A_172[%mul3A_163, %dma_start3A_173, %dma_start3A_174] : memref<15625x4x128xf32, #tpu.memory_space<hbm>> -> memref<125x4x128xf32, #tpu.memory_space<hbm>>
        %dma_start3A_176 = arith.constant 0 : i32
        %dma_start3A_177 = arith.constant 0 : i32
        %dma_start3A_178 = tpu.memref_slice %dma_start3A_175[%dma_start3A_176, %run_scoped3A_165, %dma_start3A_177] : memref<125x4x128xf32, #tpu.memory_space<hbm>> -> memref<125x1x128xf32, #tpu.memory_space<hbm>>
        %dma_start3A_179 = tpu.memref_squeeze %dma_start3A_178 : memref<125x1x128xf32, #tpu.memory_space<hbm>> -> memref<125x128xf32, #tpu.memory_space<hbm>>
        %dma_start3A_180 = arith.constant 0 : i32
        %dma_start3A_181 = arith.constant 0 : i32
        %dma_start3A_182 = arith.constant 0 : i32
        %dma_start3A_183 = tpu.memref_slice %arg8[%run_scoped3A_164, %dma_start3A_180, %dma_start3A_181, %dma_start3A_182] : memref<3x15625x4x128xf32, #tpu.memory_space<hbm>> -> memref<1x15625x4x128xf32, #tpu.memory_space<hbm>>
        %dma_start3A_184 = tpu.memref_squeeze %dma_start3A_183 : memref<1x15625x4x128xf32, #tpu.memory_space<hbm>> -> memref<15625x4x128xf32, #tpu.memory_space<hbm>>
        %dma_start3A_185 = arith.constant 0 : i32
        %dma_start3A_186 = arith.constant 0 : i32
        %dma_start3A_187 = tpu.memref_slice %dma_start3A_184[%mul3A_163, %dma_start3A_185, %dma_start3A_186] : memref<15625x4x128xf32, #tpu.memory_space<hbm>> -> memref<125x4x128xf32, #tpu.memory_space<hbm>>
        %dma_start3A_188 = arith.constant 0 : i32
        %dma_start3A_189 = arith.constant 0 : i32
        %dma_start3A_190 = tpu.memref_slice %dma_start3A_187[%dma_start3A_188, %run_scoped3A_165, %dma_start3A_189] : memref<125x4x128xf32, #tpu.memory_space<hbm>> -> memref<125x1x128xf32, #tpu.memory_space<hbm>>
        %dma_start3A_191 = tpu.memref_squeeze %dma_start3A_190 : memref<125x1x128xf32, #tpu.memory_space<hbm>> -> memref<125x128xf32, #tpu.memory_space<hbm>>
        tpu.enqueue_dma source(%arg12 : memref<125x128xf32, #tpu.memory_space<vmem>>) target(%dma_start3A_191 : memref<125x128xf32, #tpu.memory_space<hbm>>) target_semaphore(%run_scoped3A_167 : memref<!tpu.dma_semaphore, #tpu.memory_space<semaphore_mem>>)
        %dma_wait3A_192 = arith.constant 0 : i32
        %dma_wait3A_193 = arith.constant 0 : i32
        %dma_wait3A_194 = arith.constant 0 : i32
        %dma_wait3A_195 = tpu.memref_slice %arg8[%run_scoped3A_164, %dma_wait3A_192, %dma_wait3A_193, %dma_wait3A_194] : memref<3x15625x4x128xf32, #tpu.memory_space<hbm>> -> memref<1x15625x4x128xf32, #tpu.memory_space<hbm>>
        %dma_wait3A_196 = tpu.memref_squeeze %dma_wait3A_195 : memref<1x15625x4x128xf32, #tpu.memory_space<hbm>> -> memref<15625x4x128xf32, #tpu.memory_space<hbm>>
        %dma_wait3A_197 = arith.constant 0 : i32
        %dma_wait3A_198 = arith.constant 0 : i32
        %dma_wait3A_199 = tpu.memref_slice %dma_wait3A_196[%mul3A_163, %dma_wait3A_197, %dma_wait3A_198] : memref<15625x4x128xf32, #tpu.memory_space<hbm>> -> memref<125x4x128xf32, #tpu.memory_space<hbm>>
        %dma_wait3A_200 = arith.constant 0 : i32
        %dma_wait3A_201 = arith.constant 0 : i32
        %dma_wait3A_202 = tpu.memref_slice %dma_wait3A_199[%dma_wait3A_200, %run_scoped3A_165, %dma_wait3A_201] : memref<125x4x128xf32, #tpu.memory_space<hbm>> -> memref<125x1x128xf32, #tpu.memory_space<hbm>>
        %dma_wait3A_203 = tpu.memref_squeeze %dma_wait3A_202 : memref<125x1x128xf32, #tpu.memory_space<hbm>> -> memref<125x128xf32, #tpu.memory_space<hbm>>
        %dma_wait3A_204 = arith.constant 0 : i32
        %dma_wait3A_205 = arith.constant 0 : i32
        %dma_wait3A_206 = arith.constant 0 : i32
        %dma_wait3A_207 = tpu.memref_slice %arg8[%run_scoped3A_164, %dma_wait3A_204, %dma_wait3A_205, %dma_wait3A_206] : memref<3x15625x4x128xf32, #tpu.memory_space<hbm>> -> memref<1x15625x4x128xf32, #tpu.memory_space<hbm>>
        %dma_wait3A_208 = tpu.memref_squeeze %dma_wait3A_207 : memref<1x15625x4x128xf32, #tpu.memory_space<hbm>> -> memref<15625x4x128xf32, #tpu.memory_space<hbm>>
        %dma_wait3A_209 = arith.constant 0 : i32
        %dma_wait3A_210 = arith.constant 0 : i32
        %dma_wait3A_211 = tpu.memref_slice %dma_wait3A_208[%mul3A_163, %dma_wait3A_209, %dma_wait3A_210] : memref<15625x4x128xf32, #tpu.memory_space<hbm>> -> memref<125x4x128xf32, #tpu.memory_space<hbm>>
        %dma_wait3A_212 = arith.constant 0 : i32
        %dma_wait3A_213 = arith.constant 0 : i32
        %dma_wait3A_214 = tpu.memref_slice %dma_wait3A_211[%dma_wait3A_212, %run_scoped3A_165, %dma_wait3A_213] : memref<125x4x128xf32, #tpu.memory_space<hbm>> -> memref<125x1x128xf32, #tpu.memory_space<hbm>>
        %dma_wait3A_215 = tpu.memref_squeeze %dma_wait3A_214 : memref<125x1x128xf32, #tpu.memory_space<hbm>> -> memref<125x128xf32, #tpu.memory_space<hbm>>
        tpu.wait_dma2 semaphore(%run_scoped3A_167 : memref<!tpu.dma_semaphore, #tpu.memory_space<semaphore_mem>>) src(%arg12 : memref<125x128xf32, #tpu.memory_space<vmem>>) dst(%dma_wait3A_215 : memref<125x128xf32, #tpu.memory_space<hbm>>)
        tpu.yield
      }) : () -> ()
      %while3A_166 = arith.constant 0 : i32
      scf.yield %while3A_166 : i32
    }
    %sub3A_34 = arith.constant 125 : i32
    %sub3A_35 = arith.subi %sub3A_34, %add3A : i32
    %add3A_36 = arith.constant 32 : i32
    %add3A_37 = arith.addi %sub3A_35, %add3A_36 : i32
    %sub3A_38 = arith.constant 1 : i32
    %sub3A_39 = arith.subi %add3A_37, %sub3A_38 : i32
    %jit3A_40 = arith.constant 32 : i32
    %div3A_41 = arith.divsi %sub3A_39, %jit3A_40 : i32
    %sign3A_42 = arith.constant 0 : i32
    %sign3A_43 = arith.cmpi sgt, %sub3A_39, %sign3A_42 : i32
    %sign3A_44 = arith.extui %sign3A_43 : i1 to i32
    %sign3A_45 = arith.constant 0 : i32
    %sign3A_46 = arith.cmpi slt, %sub3A_39, %sign3A_45 : i32
    %sign3A_47 = arith.extui %sign3A_46 : i1 to i32
    %sign3A_48 = arith.subi %sign3A_44, %sign3A_47 : i32
    %sign3A_49 = arith.constant 0 : i32
    %sign3A_50 = arith.cmpi sgt, %jit3A_40, %sign3A_49 : i32
    %sign3A_51 = arith.extui %sign3A_50 : i1 to i32
    %sign3A_52 = arith.constant 0 : i32
    %sign3A_53 = arith.cmpi slt, %jit3A_40, %sign3A_52 : i32
    %sign3A_54 = arith.extui %sign3A_53 : i1 to i32
    %sign3A_55 = arith.subi %sign3A_51, %sign3A_54 : i32
    %ne3A_56 = arith.cmpi ne, %sign3A_48, %sign3A_55 : i32
    %rem3A_57 = arith.remsi %sub3A_39, %jit3A_40 : i32
    %ne3A_58 = arith.constant 0 : i32
    %ne3A_59 = arith.cmpi ne, %rem3A_57, %ne3A_58 : i32
    %and3A_60 = arith.andi %ne3A_56, %ne3A_59 : i1
    %sub3A_61 = arith.constant 1 : i32
    %sub3A_62 = arith.subi %div3A_41, %sub3A_61 : i32
    %select_n3A_63 = arith.select %and3A_60, %sub3A_62, %div3A_41 : i32
    %while3A_64 = arith.constant 0 : i32
    %while3A_65 = arith.constant 0 : i32
    %while3A_66 = arith.subi %select_n3A_63, %while3A_64 : i32
    %while3A_67 = arith.addi %while3A_64, %while3A_66 : i32
    %while3A_68 = arith.constant 1 : i32
    %while3A_69 = arith.divsi %while3A_66, %while3A_68 : i32
    %while3A_70 = arith.muli %while3A_69, %while3A_68 : i32
    %while3A_71 = arith.addi %while3A_64, %while3A_70 : i32
    %while3A_72 = arith.constant 1 : i32
    %while3A_73 = scf.for %while3A_118 = %while3A_64 to %while3A_71 step %while3A_72 iter_args(%while3A_119 = %while3A_65) -> (i32)  : i32 {
      %mul3A_120 = arith.constant 32 : i32
      %mul3A_121 = arith.muli %while3A_118, %mul3A_120 : i32
      %add3A_122 = arith.addi %add3A, %mul3A_121 : i32
      %mul3A_123 = arith.constant 16000 : i32
      %mul3A_124 = arith.muli %add3A_122, %mul3A_123 : i32
      "tpu.region"() ({
        %run_scoped3A_167 = tpu.sem_alloc : memref<!tpu.dma_semaphore, #tpu.memory_space<semaphore_mem>>
        %dma_start3A_168 = tpu.memref_slice %arg3[%mul3A_124] : memref<2000000xi32, #tpu.memory_space<hbm>> -> memref<16000xi32, #tpu.memory_space<hbm>>
        %dma_start3A_169 = tpu.memref_slice %arg3[%mul3A_124] : memref<2000000xi32, #tpu.memory_space<hbm>> -> memref<16000xi32, #tpu.memory_space<hbm>>
        tpu.enqueue_dma source(%dma_start3A_169 : memref<16000xi32, #tpu.memory_space<hbm>>) target(%arg9 : memref<16000xi32, #tpu.memory_space<vmem>>) target_semaphore(%run_scoped3A_167 : memref<!tpu.dma_semaphore, #tpu.memory_space<semaphore_mem>>)
        %dma_wait3A_170 = tpu.memref_slice %arg3[%mul3A_124] : memref<2000000xi32, #tpu.memory_space<hbm>> -> memref<16000xi32, #tpu.memory_space<hbm>>
        %dma_wait3A_171 = tpu.memref_slice %arg3[%mul3A_124] : memref<2000000xi32, #tpu.memory_space<hbm>> -> memref<16000xi32, #tpu.memory_space<hbm>>
        tpu.wait_dma2 semaphore(%run_scoped3A_167 : memref<!tpu.dma_semaphore, #tpu.memory_space<semaphore_mem>>) src(%dma_wait3A_171 : memref<16000xi32, #tpu.memory_space<hbm>>) dst(%arg9 : memref<16000xi32, #tpu.memory_space<vmem>>)
        tpu.yield
      }) : () -> ()
      %dma_start3A = arith.constant 0 : i32
      %dma_start3A_125 = tpu.memref_slice %arg5[%dma_start3A] : memref<1000000xf32, #tpu.memory_space<hbm>> -> memref<1000000xf32, #tpu.memory_space<hbm>>
      tpu.enqueue_indirect_dma source(%dma_start3A_125 : memref<1000000xf32, #tpu.memory_space<hbm>>) target(%arg10 : memref<16000xf32, #tpu.memory_space<vmem>>) offsets(%arg9 : memref<16000xi32, #tpu.memory_space<vmem>>) semaphore(%arg13 : memref<!tpu.dma_semaphore, #tpu.memory_space<semaphore_mem>>)
      %dma_wait3A = arith.constant 0 : i32
      %dma_wait3A_126 = tpu.memref_slice %arg5[%dma_wait3A] : memref<1000000xf32, #tpu.memory_space<hbm>> -> memref<1000000xf32, #tpu.memory_space<hbm>>
      tpu.wait_indirect_dma semaphore(%arg13 : memref<!tpu.dma_semaphore, #tpu.memory_space<semaphore_mem>>) src(%dma_wait3A_126 : memref<1000000xf32, #tpu.memory_space<hbm>>) dst(%arg10 : memref<16000xf32, #tpu.memory_space<vmem>>)
      %dma_start3A_127 = arith.constant 0 : i32
      %dma_start3A_128 = tpu.memref_slice %arg6[%dma_start3A_127] : memref<1000000xf32, #tpu.memory_space<hbm>> -> memref<1000000xf32, #tpu.memory_space<hbm>>
      tpu.enqueue_indirect_dma source(%dma_start3A_128 : memref<1000000xf32, #tpu.memory_space<hbm>>) target(%arg11 : memref<16000xf32, #tpu.memory_space<vmem>>) offsets(%arg9 : memref<16000xi32, #tpu.memory_space<vmem>>) semaphore(%arg13 : memref<!tpu.dma_semaphore, #tpu.memory_space<semaphore_mem>>)
      %scan3A = arith.constant 0 : i32
      %scan3A_129 = arith.constant 0 : i32
      %scan3A_130 = arith.constant 125 : i32
      %scan3A_131 = arith.addi %scan3A_129, %scan3A_130 : i32
      %scan3A_132 = arith.constant 1 : i32
      %scan3A_133 = scf.for %scan3A_167 = %scan3A_129 to %scan3A_131 step %scan3A_132 iter_args(%scan3A_168 = %scan3A) -> (i32)  : i32 {
        %mul3A_169 = arith.constant 128 : i32
        %mul3A_170 = arith.muli %scan3A_167, %mul3A_169 : i32
        %add3A_171 = arith.constant 0 : i32
        %add3A_172 = arith.addi %mul3A_170, %add3A_171 : i32
        %get3A = arith.index_cast %add3A_172 : i32 to index
        %get3A_173 = tpu.vector_load %arg10[%get3A] {strides = array<i32>} : memref<16000xf32, #tpu.memory_space<vmem>>, vector<16xf32>,
        %get3A_174 = vector.shape_cast %get3A_173 : vector<16xf32> to vector<16xf32>
        %swap3A = arith.index_cast %scan3A_167 : i32 to index
        %swap3A_175 = arith.constant 0 : index
        %swap3A_176 = tpu.vector_load %arg12[%swap3A, %swap3A_175] {strides = array<i32>} : memref<125x128xf32, #tpu.memory_space<vmem>>, vector<1x16xf32>,
        %swap3A_177 = vector.shape_cast %swap3A_176 : vector<1x16xf32> to vector<16xf32>
        %swap3A_178 = vector.shape_cast %get3A_174 : vector<16xf32> to vector<1x16xf32>
        tpu.vector_store %arg12[%swap3A, %swap3A_175], %swap3A_178 {strides = array<i32>} : memref<125x128xf32, #tpu.memory_space<vmem>>, vector<1x16xf32>,
        %mul3A_179 = arith.constant 128 : i32
        %mul3A_180 = arith.muli %scan3A_167, %mul3A_179 : i32
        %add3A_181 = arith.constant 16 : i32
        %add3A_182 = arith.addi %mul3A_180, %add3A_181 : i32
        %get3A_183 = arith.index_cast %add3A_182 : i32 to index
        %get3A_184 = tpu.vector_load %arg10[%get3A_183] {strides = array<i32>} : memref<16000xf32, #tpu.memory_space<vmem>>, vector<16xf32>,
        %get3A_185 = vector.shape_cast %get3A_184 : vector<16xf32> to vector<16xf32>
        %swap3A_186 = arith.index_cast %scan3A_167 : i32 to index
        %swap3A_187 = arith.constant 16 : index
        %swap3A_188 = tpu.vector_load %arg12[%swap3A_186, %swap3A_187] {strides = array<i32>} : memref<125x128xf32, #tpu.memory_space<vmem>>, vector<1x16xf32>,
        %swap3A_189 = vector.shape_cast %swap3A_188 : vector<1x16xf32> to vector<16xf32>
        %swap3A_190 = vector.shape_cast %get3A_185 : vector<16xf32> to vector<1x16xf32>
        tpu.vector_store %arg12[%swap3A_186, %swap3A_187], %swap3A_190 {strides = array<i32>} : memref<125x128xf32, #tpu.memory_space<vmem>>, vector<1x16xf32>,
        %mul3A_191 = arith.constant 128 : i32
        %mul3A_192 = arith.muli %scan3A_167, %mul3A_191 : i32
        %add3A_193 = arith.constant 32 : i32
        %add3A_194 = arith.addi %mul3A_192, %add3A_193 : i32
        %get3A_195 = arith.index_cast %add3A_194 : i32 to index
        %get3A_196 = tpu.vector_load %arg10[%get3A_195] {strides = array<i32>} : memref<16000xf32, #tpu.memory_space<vmem>>, vector<16xf32>,
        %get3A_197 = vector.shape_cast %get3A_196 : vector<16xf32> to vector<16xf32>
        %swap3A_198 = arith.index_cast %scan3A_167 : i32 to index
        %swap3A_199 = arith.constant 32 : index
        %swap3A_200 = tpu.vector_load %arg12[%swap3A_198, %swap3A_199] {strides = array<i32>} : memref<125x128xf32, #tpu.memory_space<vmem>>, vector<1x16xf32>,
        %swap3A_201 = vector.shape_cast %swap3A_200 : vector<1x16xf32> to vector<16xf32>
        %swap3A_202 = vector.shape_cast %get3A_197 : vector<16xf32> to vector<1x16xf32>
        tpu.vector_store %arg12[%swap3A_198, %swap3A_199], %swap3A_202 {strides = array<i32>} : memref<125x128xf32, #tpu.memory_space<vmem>>, vector<1x16xf32>,
        %mul3A_203 = arith.constant 128 : i32
        %mul3A_204 = arith.muli %scan3A_167, %mul3A_203 : i32
        %add3A_205 = arith.constant 48 : i32
        %add3A_206 = arith.addi %mul3A_204, %add3A_205 : i32
        %get3A_207 = arith.index_cast %add3A_206 : i32 to index
        %get3A_208 = tpu.vector_load %arg10[%get3A_207] {strides = array<i32>} : memref<16000xf32, #tpu.memory_space<vmem>>, vector<16xf32>,
        %get3A_209 = vector.shape_cast %get3A_208 : vector<16xf32> to vector<16xf32>
        %swap3A_210 = arith.index_cast %scan3A_167 : i32 to index
        %swap3A_211 = arith.constant 48 : index
        %swap3A_212 = tpu.vector_load %arg12[%swap3A_210, %swap3A_211] {strides = array<i32>} : memref<125x128xf32, #tpu.memory_space<vmem>>, vector<1x16xf32>,
        %swap3A_213 = vector.shape_cast %swap3A_212 : vector<1x16xf32> to vector<16xf32>
        %swap3A_214 = vector.shape_cast %get3A_209 : vector<16xf32> to vector<1x16xf32>
        tpu.vector_store %arg12[%swap3A_210, %swap3A_211], %swap3A_214 {strides = array<i32>} : memref<125x128xf32, #tpu.memory_space<vmem>>, vector<1x16xf32>,
        %mul3A_215 = arith.constant 128 : i32
        %mul3A_216 = arith.muli %scan3A_167, %mul3A_215 : i32
        %add3A_217 = arith.constant 64 : i32
        %add3A_218 = arith.addi %mul3A_216, %add3A_217 : i32
        %get3A_219 = arith.index_cast %add3A_218 : i32 to index
        %get3A_220 = tpu.vector_load %arg10[%get3A_219] {strides = array<i32>} : memref<16000xf32, #tpu.memory_space<vmem>>, vector<16xf32>,
        %get3A_221 = vector.shape_cast %get3A_220 : vector<16xf32> to vector<16xf32>
        %swap3A_222 = arith.index_cast %scan3A_167 : i32 to index
        %swap3A_223 = arith.constant 64 : index
        %swap3A_224 = tpu.vector_load %arg12[%swap3A_222, %swap3A_223] {strides = array<i32>} : memref<125x128xf32, #tpu.memory_space<vmem>>, vector<1x16xf32>,
        %swap3A_225 = vector.shape_cast %swap3A_224 : vector<1x16xf32> to vector<16xf32>
        %swap3A_226 = vector.shape_cast %get3A_221 : vector<16xf32> to vector<1x16xf32>
        tpu.vector_store %arg12[%swap3A_222, %swap3A_223], %swap3A_226 {strides = array<i32>} : memref<125x128xf32, #tpu.memory_space<vmem>>, vector<1x16xf32>,
        %mul3A_227 = arith.constant 128 : i32
        %mul3A_228 = arith.muli %scan3A_167, %mul3A_227 : i32
        %add3A_229 = arith.constant 80 : i32
        %add3A_230 = arith.addi %mul3A_228, %add3A_229 : i32
        %get3A_231 = arith.index_cast %add3A_230 : i32 to index
        %get3A_232 = tpu.vector_load %arg10[%get3A_231] {strides = array<i32>} : memref<16000xf32, #tpu.memory_space<vmem>>, vector<16xf32>,
        %get3A_233 = vector.shape_cast %get3A_232 : vector<16xf32> to vector<16xf32>
        %swap3A_234 = arith.index_cast %scan3A_167 : i32 to index
        %swap3A_235 = arith.constant 80 : index
        %swap3A_236 = tpu.vector_load %arg12[%swap3A_234, %swap3A_235] {strides = array<i32>} : memref<125x128xf32, #tpu.memory_space<vmem>>, vector<1x16xf32>,
        %swap3A_237 = vector.shape_cast %swap3A_236 : vector<1x16xf32> to vector<16xf32>
        %swap3A_238 = vector.shape_cast %get3A_233 : vector<16xf32> to vector<1x16xf32>
        tpu.vector_store %arg12[%swap3A_234, %swap3A_235], %swap3A_238 {strides = array<i32>} : memref<125x128xf32, #tpu.memory_space<vmem>>, vector<1x16xf32>,
        %mul3A_239 = arith.constant 128 : i32
        %mul3A_240 = arith.muli %scan3A_167, %mul3A_239 : i32
        %add3A_241 = arith.constant 96 : i32
        %add3A_242 = arith.addi %mul3A_240, %add3A_241 : i32
        %get3A_243 = arith.index_cast %add3A_242 : i32 to index
        %get3A_244 = tpu.vector_load %arg10[%get3A_243] {strides = array<i32>} : memref<16000xf32, #tpu.memory_space<vmem>>, vector<16xf32>,
        %get3A_245 = vector.shape_cast %get3A_244 : vector<16xf32> to vector<16xf32>
        %swap3A_246 = arith.index_cast %scan3A_167 : i32 to index
        %swap3A_247 = arith.constant 96 : index
        %swap3A_248 = tpu.vector_load %arg12[%swap3A_246, %swap3A_247] {strides = array<i32>} : memref<125x128xf32, #tpu.memory_space<vmem>>, vector<1x16xf32>,
        %swap3A_249 = vector.shape_cast %swap3A_248 : vector<1x16xf32> to vector<16xf32>
        %swap3A_250 = vector.shape_cast %get3A_245 : vector<16xf32> to vector<1x16xf32>
        tpu.vector_store %arg12[%swap3A_246, %swap3A_247], %swap3A_250 {strides = array<i32>} : memref<125x128xf32, #tpu.memory_space<vmem>>, vector<1x16xf32>,
        %mul3A_251 = arith.constant 128 : i32
        %mul3A_252 = arith.muli %scan3A_167, %mul3A_251 : i32
        %add3A_253 = arith.constant 112 : i32
        %add3A_254 = arith.addi %mul3A_252, %add3A_253 : i32
        %get3A_255 = arith.index_cast %add3A_254 : i32 to index
        %get3A_256 = tpu.vector_load %arg10[%get3A_255] {strides = array<i32>} : memref<16000xf32, #tpu.memory_space<vmem>>, vector<16xf32>,
        %get3A_257 = vector.shape_cast %get3A_256 : vector<16xf32> to vector<16xf32>
        %swap3A_258 = arith.index_cast %scan3A_167 : i32 to index
        %swap3A_259 = arith.constant 112 : index
        %swap3A_260 = tpu.vector_load %arg12[%swap3A_258, %swap3A_259] {strides = array<i32>} : memref<125x128xf32, #tpu.memory_space<vmem>>, vector<1x16xf32>,
        %swap3A_261 = vector.shape_cast %swap3A_260 : vector<1x16xf32> to vector<16xf32>
        %swap3A_262 = vector.shape_cast %get3A_257 : vector<16xf32> to vector<1x16xf32>
        tpu.vector_store %arg12[%swap3A_258, %swap3A_259], %swap3A_262 {strides = array<i32>} : memref<125x128xf32, #tpu.memory_space<vmem>>, vector<1x16xf32>,
        %scan3A_263 = arith.constant 0 : i32
        scf.yield %scan3A_263 : i32
      }
      %scan3A_134 = arith.constant 125 : i32
      %mul3A_135 = arith.constant 125 : i32
      %mul3A_136 = arith.muli %add3A_122, %mul3A_135 : i32
      %run_scoped3A = arith.constant 1 : i32
      %run_scoped3A_137 = arith.constant 0 : i32
      "tpu.region"() ({
        %run_scoped3A_167 = tpu.sem_alloc : memref<!tpu.dma_semaphore, #tpu.memory_space<semaphore_mem>>
        %dma_start3A_168 = arith.constant 0 : i32
        %dma_start3A_169 = arith.constant 0 : i32
        %dma_start3A_170 = arith.constant 0 : i32
        %dma_start3A_171 = tpu.memref_slice %arg8[%run_scoped3A, %dma_start3A_168, %dma_start3A_169, %dma_start3A_170] : memref<3x15625x4x128xf32, #tpu.memory_space<hbm>> -> memref<1x15625x4x128xf32, #tpu.memory_space<hbm>>
        %dma_start3A_172 = tpu.memref_squeeze %dma_start3A_171 : memref<1x15625x4x128xf32, #tpu.memory_space<hbm>> -> memref<15625x4x128xf32, #tpu.memory_space<hbm>>
        %dma_start3A_173 = arith.constant 0 : i32
        %dma_start3A_174 = arith.constant 0 : i32
        %dma_start3A_175 = tpu.memref_slice %dma_start3A_172[%mul3A_136, %dma_start3A_173, %dma_start3A_174] : memref<15625x4x128xf32, #tpu.memory_space<hbm>> -> memref<125x4x128xf32, #tpu.memory_space<hbm>>
        %dma_start3A_176 = arith.constant 0 : i32
        %dma_start3A_177 = arith.constant 0 : i32
        %dma_start3A_178 = tpu.memref_slice %dma_start3A_175[%dma_start3A_176, %run_scoped3A_137, %dma_start3A_177] : memref<125x4x128xf32, #tpu.memory_space<hbm>> -> memref<125x1x128xf32, #tpu.memory_space<hbm>>
        %dma_start3A_179 = tpu.memref_squeeze %dma_start3A_178 : memref<125x1x128xf32, #tpu.memory_space<hbm>> -> memref<125x128xf32, #tpu.memory_space<hbm>>
        %dma_start3A_180 = arith.constant 0 : i32
        %dma_start3A_181 = arith.constant 0 : i32
        %dma_start3A_182 = arith.constant 0 : i32
        %dma_start3A_183 = tpu.memref_slice %arg8[%run_scoped3A, %dma_start3A_180, %dma_start3A_181, %dma_start3A_182] : memref<3x15625x4x128xf32, #tpu.memory_space<hbm>> -> memref<1x15625x4x128xf32, #tpu.memory_space<hbm>>
        %dma_start3A_184 = tpu.memref_squeeze %dma_start3A_183 : memref<1x15625x4x128xf32, #tpu.memory_space<hbm>> -> memref<15625x4x128xf32, #tpu.memory_space<hbm>>
        %dma_start3A_185 = arith.constant 0 : i32
        %dma_start3A_186 = arith.constant 0 : i32
        %dma_start3A_187 = tpu.memref_slice %dma_start3A_184[%mul3A_136, %dma_start3A_185, %dma_start3A_186] : memref<15625x4x128xf32, #tpu.memory_space<hbm>> -> memref<125x4x128xf32, #tpu.memory_space<hbm>>
        %dma_start3A_188 = arith.constant 0 : i32
        %dma_start3A_189 = arith.constant 0 : i32
        %dma_start3A_190 = tpu.memref_slice %dma_start3A_187[%dma_start3A_188, %run_scoped3A_137, %dma_start3A_189] : memref<125x4x128xf32, #tpu.memory_space<hbm>> -> memref<125x1x128xf32, #tpu.memory_space<hbm>>
        %dma_start3A_191 = tpu.memref_squeeze %dma_start3A_190 : memref<125x1x128xf32, #tpu.memory_space<hbm>> -> memref<125x128xf32, #tpu.memory_space<hbm>>
        tpu.enqueue_dma source(%arg12 : memref<125x128xf32, #tpu.memory_space<vmem>>) target(%dma_start3A_191 : memref<125x128xf32, #tpu.memory_space<hbm>>) target_semaphore(%run_scoped3A_167 : memref<!tpu.dma_semaphore, #tpu.memory_space<semaphore_mem>>)
        %dma_wait3A_192 = arith.constant 0 : i32
        %dma_wait3A_193 = arith.constant 0 : i32
        %dma_wait3A_194 = arith.constant 0 : i32
        %dma_wait3A_195 = tpu.memref_slice %arg8[%run_scoped3A, %dma_wait3A_192, %dma_wait3A_193, %dma_wait3A_194] : memref<3x15625x4x128xf32, #tpu.memory_space<hbm>> -> memref<1x15625x4x128xf32, #tpu.memory_space<hbm>>
        %dma_wait3A_196 = tpu.memref_squeeze %dma_wait3A_195 : memref<1x15625x4x128xf32, #tpu.memory_space<hbm>> -> memref<15625x4x128xf32, #tpu.memory_space<hbm>>
        %dma_wait3A_197 = arith.constant 0 : i32
        %dma_wait3A_198 = arith.constant 0 : i32
        %dma_wait3A_199 = tpu.memref_slice %dma_wait3A_196[%mul3A_136, %dma_wait3A_197, %dma_wait3A_198] : memref<15625x4x128xf32, #tpu.memory_space<hbm>> -> memref<125x4x128xf32, #tpu.memory_space<hbm>>
        %dma_wait3A_200 = arith.constant 0 : i32
        %dma_wait3A_201 = arith.constant 0 : i32
        %dma_wait3A_202 = tpu.memref_slice %dma_wait3A_199[%dma_wait3A_200, %run_scoped3A_137, %dma_wait3A_201] : memref<125x4x128xf32, #tpu.memory_space<hbm>> -> memref<125x1x128xf32, #tpu.memory_space<hbm>>
        %dma_wait3A_203 = tpu.memref_squeeze %dma_wait3A_202 : memref<125x1x128xf32, #tpu.memory_space<hbm>> -> memref<125x128xf32, #tpu.memory_space<hbm>>
        %dma_wait3A_204 = arith.constant 0 : i32
        %dma_wait3A_205 = arith.constant 0 : i32
        %dma_wait3A_206 = arith.constant 0 : i32
        %dma_wait3A_207 = tpu.memref_slice %arg8[%run_scoped3A, %dma_wait3A_204, %dma_wait3A_205, %dma_wait3A_206] : memref<3x15625x4x128xf32, #tpu.memory_space<hbm>> -> memref<1x15625x4x128xf32, #tpu.memory_space<hbm>>
        %dma_wait3A_208 = tpu.memref_squeeze %dma_wait3A_207 : memref<1x15625x4x128xf32, #tpu.memory_space<hbm>> -> memref<15625x4x128xf32, #tpu.memory_space<hbm>>
        %dma_wait3A_209 = arith.constant 0 : i32
        %dma_wait3A_210 = arith.constant 0 : i32
        %dma_wait3A_211 = tpu.memref_slice %dma_wait3A_208[%mul3A_136, %dma_wait3A_209, %dma_wait3A_210] : memref<15625x4x128xf32, #tpu.memory_space<hbm>> -> memref<125x4x128xf32, #tpu.memory_space<hbm>>
        %dma_wait3A_212 = arith.constant 0 : i32
        %dma_wait3A_213 = arith.constant 0 : i32
        %dma_wait3A_214 = tpu.memref_slice %dma_wait3A_211[%dma_wait3A_212, %run_scoped3A_137, %dma_wait3A_213] : memref<125x4x128xf32, #tpu.memory_space<hbm>> -> memref<125x1x128xf32, #tpu.memory_space<hbm>>
        %dma_wait3A_215 = tpu.memref_squeeze %dma_wait3A_214 : memref<125x1x128xf32, #tpu.memory_space<hbm>> -> memref<125x128xf32, #tpu.memory_space<hbm>>
        tpu.wait_dma2 semaphore(%run_scoped3A_167 : memref<!tpu.dma_semaphore, #tpu.memory_space<semaphore_mem>>) src(%arg12 : memref<125x128xf32, #tpu.memory_space<vmem>>) dst(%dma_wait3A_215 : memref<125x128xf32, #tpu.memory_space<hbm>>)
        tpu.yield
      }) : () -> ()
      %dma_wait3A_138 = arith.constant 0 : i32
      %dma_wait3A_139 = tpu.memref_slice %arg6[%dma_wait3A_138] : memref<1000000xf32, #tpu.memory_space<hbm>> -> memref<1000000xf32, #tpu.memory_space<hbm>>
      tpu.wait_indirect_dma semaphore(%arg13 : memref<!tpu.dma_semaphore, #tpu.memory_space<semaphore_mem>>) src(%dma_wait3A_139 : memref<1000000xf32, #tpu.memory_space<hbm>>) dst(%arg11 : memref<16000xf32, #tpu.memory_space<vmem>>)
      %dma_start3A_140 = arith.constant 0 : i32
      %dma_start3A_141 = tpu.memref_slice %arg7[%dma_start3A_140] : memref<1000000xf32, #tpu.memory_space<hbm>> -> memref<1000000xf32, #tpu.memory_space<hbm>>
      tpu.enqueue_indirect_dma source(%dma_start3A_141 : memref<1000000xf32, #tpu.memory_space<hbm>>) target(%arg10 : memref<16000xf32, #tpu.memory_space<vmem>>) offsets(%arg9 : memref<16000xi32, #tpu.memory_space<vmem>>) semaphore(%arg13 : memref<!tpu.dma_semaphore, #tpu.memory_space<semaphore_mem>>)
      %scan3A_142 = arith.constant 0 : i32
      %scan3A_143 = arith.constant 0 : i32
      %scan3A_144 = arith.constant 125 : i32
      %scan3A_145 = arith.addi %scan3A_143, %scan3A_144 : i32
      %scan3A_146 = arith.constant 1 : i32
      %scan3A_147 = scf.for %scan3A_167 = %scan3A_143 to %scan3A_145 step %scan3A_146 iter_args(%scan3A_168 = %scan3A_142) -> (i32)  : i32 {
        %mul3A_169 = arith.constant 128 : i32
        %mul3A_170 = arith.muli %scan3A_167, %mul3A_169 : i32
        %add3A_171 = arith.constant 0 : i32
        %add3A_172 = arith.addi %mul3A_170, %add3A_171 : i32
        %get3A = arith.index_cast %add3A_172 : i32 to index
        %get3A_173 = tpu.vector_load %arg11[%get3A] {strides = array<i32>} : memref<16000xf32, #tpu.memory_space<vmem>>, vector<16xf32>,
        %get3A_174 = vector.shape_cast %get3A_173 : vector<16xf32> to vector<16xf32>
        %swap3A = arith.index_cast %scan3A_167 : i32 to index
        %swap3A_175 = arith.constant 0 : index
        %swap3A_176 = tpu.vector_load %arg12[%swap3A, %swap3A_175] {strides = array<i32>} : memref<125x128xf32, #tpu.memory_space<vmem>>, vector<1x16xf32>,
        %swap3A_177 = vector.shape_cast %swap3A_176 : vector<1x16xf32> to vector<16xf32>
        %swap3A_178 = vector.shape_cast %get3A_174 : vector<16xf32> to vector<1x16xf32>
        tpu.vector_store %arg12[%swap3A, %swap3A_175], %swap3A_178 {strides = array<i32>} : memref<125x128xf32, #tpu.memory_space<vmem>>, vector<1x16xf32>,
        %mul3A_179 = arith.constant 128 : i32
        %mul3A_180 = arith.muli %scan3A_167, %mul3A_179 : i32
        %add3A_181 = arith.constant 16 : i32
        %add3A_182 = arith.addi %mul3A_180, %add3A_181 : i32
        %get3A_183 = arith.index_cast %add3A_182 : i32 to index
        %get3A_184 = tpu.vector_load %arg11[%get3A_183] {strides = array<i32>} : memref<16000xf32, #tpu.memory_space<vmem>>, vector<16xf32>,
        %get3A_185 = vector.shape_cast %get3A_184 : vector<16xf32> to vector<16xf32>
        %swap3A_186 = arith.index_cast %scan3A_167 : i32 to index
        %swap3A_187 = arith.constant 16 : index
        %swap3A_188 = tpu.vector_load %arg12[%swap3A_186, %swap3A_187] {strides = array<i32>} : memref<125x128xf32, #tpu.memory_space<vmem>>, vector<1x16xf32>,
        %swap3A_189 = vector.shape_cast %swap3A_188 : vector<1x16xf32> to vector<16xf32>
        %swap3A_190 = vector.shape_cast %get3A_185 : vector<16xf32> to vector<1x16xf32>
        tpu.vector_store %arg12[%swap3A_186, %swap3A_187], %swap3A_190 {strides = array<i32>} : memref<125x128xf32, #tpu.memory_space<vmem>>, vector<1x16xf32>,
        %mul3A_191 = arith.constant 128 : i32
        %mul3A_192 = arith.muli %scan3A_167, %mul3A_191 : i32
        %add3A_193 = arith.constant 32 : i32
        %add3A_194 = arith.addi %mul3A_192, %add3A_193 : i32
        %get3A_195 = arith.index_cast %add3A_194 : i32 to index
        %get3A_196 = tpu.vector_load %arg11[%get3A_195] {strides = array<i32>} : memref<16000xf32, #tpu.memory_space<vmem>>, vector<16xf32>,
        %get3A_197 = vector.shape_cast %get3A_196 : vector<16xf32> to vector<16xf32>
        %swap3A_198 = arith.index_cast %scan3A_167 : i32 to index
        %swap3A_199 = arith.constant 32 : index
        %swap3A_200 = tpu.vector_load %arg12[%swap3A_198, %swap3A_199] {strides = array<i32>} : memref<125x128xf32, #tpu.memory_space<vmem>>, vector<1x16xf32>,
        %swap3A_201 = vector.shape_cast %swap3A_200 : vector<1x16xf32> to vector<16xf32>
        %swap3A_202 = vector.shape_cast %get3A_197 : vector<16xf32> to vector<1x16xf32>
        tpu.vector_store %arg12[%swap3A_198, %swap3A_199], %swap3A_202 {strides = array<i32>} : memref<125x128xf32, #tpu.memory_space<vmem>>, vector<1x16xf32>,
        %mul3A_203 = arith.constant 128 : i32
        %mul3A_204 = arith.muli %scan3A_167, %mul3A_203 : i32
        %add3A_205 = arith.constant 48 : i32
        %add3A_206 = arith.addi %mul3A_204, %add3A_205 : i32
        %get3A_207 = arith.index_cast %add3A_206 : i32 to index
        %get3A_208 = tpu.vector_load %arg11[%get3A_207] {strides = array<i32>} : memref<16000xf32, #tpu.memory_space<vmem>>, vector<16xf32>,
        %get3A_209 = vector.shape_cast %get3A_208 : vector<16xf32> to vector<16xf32>
        %swap3A_210 = arith.index_cast %scan3A_167 : i32 to index
        %swap3A_211 = arith.constant 48 : index
        %swap3A_212 = tpu.vector_load %arg12[%swap3A_210, %swap3A_211] {strides = array<i32>} : memref<125x128xf32, #tpu.memory_space<vmem>>, vector<1x16xf32>,
        %swap3A_213 = vector.shape_cast %swap3A_212 : vector<1x16xf32> to vector<16xf32>
        %swap3A_214 = vector.shape_cast %get3A_209 : vector<16xf32> to vector<1x16xf32>
        tpu.vector_store %arg12[%swap3A_210, %swap3A_211], %swap3A_214 {strides = array<i32>} : memref<125x128xf32, #tpu.memory_space<vmem>>, vector<1x16xf32>,
        %mul3A_215 = arith.constant 128 : i32
        %mul3A_216 = arith.muli %scan3A_167, %mul3A_215 : i32
        %add3A_217 = arith.constant 64 : i32
        %add3A_218 = arith.addi %mul3A_216, %add3A_217 : i32
        %get3A_219 = arith.index_cast %add3A_218 : i32 to index
        %get3A_220 = tpu.vector_load %arg11[%get3A_219] {strides = array<i32>} : memref<16000xf32, #tpu.memory_space<vmem>>, vector<16xf32>,
        %get3A_221 = vector.shape_cast %get3A_220 : vector<16xf32> to vector<16xf32>
        %swap3A_222 = arith.index_cast %scan3A_167 : i32 to index
        %swap3A_223 = arith.constant 64 : index
        %swap3A_224 = tpu.vector_load %arg12[%swap3A_222, %swap3A_223] {strides = array<i32>} : memref<125x128xf32, #tpu.memory_space<vmem>>, vector<1x16xf32>,
        %swap3A_225 = vector.shape_cast %swap3A_224 : vector<1x16xf32> to vector<16xf32>
        %swap3A_226 = vector.shape_cast %get3A_221 : vector<16xf32> to vector<1x16xf32>
        tpu.vector_store %arg12[%swap3A_222, %swap3A_223], %swap3A_226 {strides = array<i32>} : memref<125x128xf32, #tpu.memory_space<vmem>>, vector<1x16xf32>,
        %mul3A_227 = arith.constant 128 : i32
        %mul3A_228 = arith.muli %scan3A_167, %mul3A_227 : i32
        %add3A_229 = arith.constant 80 : i32
        %add3A_230 = arith.addi %mul3A_228, %add3A_229 : i32
        %get3A_231 = arith.index_cast %add3A_230 : i32 to index
        %get3A_232 = tpu.vector_load %arg11[%get3A_231] {strides = array<i32>} : memref<16000xf32, #tpu.memory_space<vmem>>, vector<16xf32>,
        %get3A_233 = vector.shape_cast %get3A_232 : vector<16xf32> to vector<16xf32>
        %swap3A_234 = arith.index_cast %scan3A_167 : i32 to index
        %swap3A_235 = arith.constant 80 : index
        %swap3A_236 = tpu.vector_load %arg12[%swap3A_234, %swap3A_235] {strides = array<i32>} : memref<125x128xf32, #tpu.memory_space<vmem>>, vector<1x16xf32>,
        %swap3A_237 = vector.shape_cast %swap3A_236 : vector<1x16xf32> to vector<16xf32>
        %swap3A_238 = vector.shape_cast %get3A_233 : vector<16xf32> to vector<1x16xf32>
        tpu.vector_store %arg12[%swap3A_234, %swap3A_235], %swap3A_238 {strides = array<i32>} : memref<125x128xf32, #tpu.memory_space<vmem>>, vector<1x16xf32>,
        %mul3A_239 = arith.constant 128 : i32
        %mul3A_240 = arith.muli %scan3A_167, %mul3A_239 : i32
        %add3A_241 = arith.constant 96 : i32
        %add3A_242 = arith.addi %mul3A_240, %add3A_241 : i32
        %get3A_243 = arith.index_cast %add3A_242 : i32 to index
        %get3A_244 = tpu.vector_load %arg11[%get3A_243] {strides = array<i32>} : memref<16000xf32, #tpu.memory_space<vmem>>, vector<16xf32>,
        %get3A_245 = vector.shape_cast %get3A_244 : vector<16xf32> to vector<16xf32>
        %swap3A_246 = arith.index_cast %scan3A_167 : i32 to index
        %swap3A_247 = arith.constant 96 : index
        %swap3A_248 = tpu.vector_load %arg12[%swap3A_246, %swap3A_247] {strides = array<i32>} : memref<125x128xf32, #tpu.memory_space<vmem>>, vector<1x16xf32>,
        %swap3A_249 = vector.shape_cast %swap3A_248 : vector<1x16xf32> to vector<16xf32>
        %swap3A_250 = vector.shape_cast %get3A_245 : vector<16xf32> to vector<1x16xf32>
        tpu.vector_store %arg12[%swap3A_246, %swap3A_247], %swap3A_250 {strides = array<i32>} : memref<125x128xf32, #tpu.memory_space<vmem>>, vector<1x16xf32>,
        %mul3A_251 = arith.constant 128 : i32
        %mul3A_252 = arith.muli %scan3A_167, %mul3A_251 : i32
        %add3A_253 = arith.constant 112 : i32
        %add3A_254 = arith.addi %mul3A_252, %add3A_253 : i32
        %get3A_255 = arith.index_cast %add3A_254 : i32 to index
        %get3A_256 = tpu.vector_load %arg11[%get3A_255] {strides = array<i32>} : memref<16000xf32, #tpu.memory_space<vmem>>, vector<16xf32>,
        %get3A_257 = vector.shape_cast %get3A_256 : vector<16xf32> to vector<16xf32>
        %swap3A_258 = arith.index_cast %scan3A_167 : i32 to index
        %swap3A_259 = arith.constant 112 : index
        %swap3A_260 = tpu.vector_load %arg12[%swap3A_258, %swap3A_259] {strides = array<i32>} : memref<125x128xf32, #tpu.memory_space<vmem>>, vector<1x16xf32>,
        %swap3A_261 = vector.shape_cast %swap3A_260 : vector<1x16xf32> to vector<16xf32>
        %swap3A_262 = vector.shape_cast %get3A_257 : vector<16xf32> to vector<1x16xf32>
        tpu.vector_store %arg12[%swap3A_258, %swap3A_259], %swap3A_262 {strides = array<i32>} : memref<125x128xf32, #tpu.memory_space<vmem>>, vector<1x16xf32>,
        %scan3A_263 = arith.constant 0 : i32
        scf.yield %scan3A_263 : i32
      }
      %scan3A_148 = arith.constant 125 : i32
      %mul3A_149 = arith.constant 125 : i32
      %mul3A_150 = arith.muli %add3A_122, %mul3A_149 : i32
      %run_scoped3A_151 = arith.constant 1 : i32
      %run_scoped3A_152 = arith.constant 1 : i32
      "tpu.region"() ({
        %run_scoped3A_167 = tpu.sem_alloc : memref<!tpu.dma_semaphore, #tpu.memory_space<semaphore_mem>>
        %dma_start3A_168 = arith.constant 0 : i32
        %dma_start3A_169 = arith.constant 0 : i32
        %dma_start3A_170 = arith.constant 0 : i32
        %dma_start3A_171 = tpu.memref_slice %arg8[%run_scoped3A_151, %dma_start3A_168, %dma_start3A_169, %dma_start3A_170] : memref<3x15625x4x128xf32, #tpu.memory_space<hbm>> -> memref<1x15625x4x128xf32, #tpu.memory_space<hbm>>
        %dma_start3A_172 = tpu.memref_squeeze %dma_start3A_171 : memref<1x15625x4x128xf32, #tpu.memory_space<hbm>> -> memref<15625x4x128xf32, #tpu.memory_space<hbm>>
        %dma_start3A_173 = arith.constant 0 : i32
        %dma_start3A_174 = arith.constant 0 : i32
        %dma_start3A_175 = tpu.memref_slice %dma_start3A_172[%mul3A_150, %dma_start3A_173, %dma_start3A_174] : memref<15625x4x128xf32, #tpu.memory_space<hbm>> -> memref<125x4x128xf32, #tpu.memory_space<hbm>>
        %dma_start3A_176 = arith.constant 0 : i32
        %dma_start3A_177 = arith.constant 0 : i32
        %dma_start3A_178 = tpu.memref_slice %dma_start3A_175[%dma_start3A_176, %run_scoped3A_152, %dma_start3A_177] : memref<125x4x128xf32, #tpu.memory_space<hbm>> -> memref<125x1x128xf32, #tpu.memory_space<hbm>>
        %dma_start3A_179 = tpu.memref_squeeze %dma_start3A_178 : memref<125x1x128xf32, #tpu.memory_space<hbm>> -> memref<125x128xf32, #tpu.memory_space<hbm>>
        %dma_start3A_180 = arith.constant 0 : i32
        %dma_start3A_181 = arith.constant 0 : i32
        %dma_start3A_182 = arith.constant 0 : i32
        %dma_start3A_183 = tpu.memref_slice %arg8[%run_scoped3A_151, %dma_start3A_180, %dma_start3A_181, %dma_start3A_182] : memref<3x15625x4x128xf32, #tpu.memory_space<hbm>> -> memref<1x15625x4x128xf32, #tpu.memory_space<hbm>>
        %dma_start3A_184 = tpu.memref_squeeze %dma_start3A_183 : memref<1x15625x4x128xf32, #tpu.memory_space<hbm>> -> memref<15625x4x128xf32, #tpu.memory_space<hbm>>
        %dma_start3A_185 = arith.constant 0 : i32
        %dma_start3A_186 = arith.constant 0 : i32
        %dma_start3A_187 = tpu.memref_slice %dma_start3A_184[%mul3A_150, %dma_start3A_185, %dma_start3A_186] : memref<15625x4x128xf32, #tpu.memory_space<hbm>> -> memref<125x4x128xf32, #tpu.memory_space<hbm>>
        %dma_start3A_188 = arith.constant 0 : i32
        %dma_start3A_189 = arith.constant 0 : i32
        %dma_start3A_190 = tpu.memref_slice %dma_start3A_187[%dma_start3A_188, %run_scoped3A_152, %dma_start3A_189] : memref<125x4x128xf32, #tpu.memory_space<hbm>> -> memref<125x1x128xf32, #tpu.memory_space<hbm>>
        %dma_start3A_191 = tpu.memref_squeeze %dma_start3A_190 : memref<125x1x128xf32, #tpu.memory_space<hbm>> -> memref<125x128xf32, #tpu.memory_space<hbm>>
        tpu.enqueue_dma source(%arg12 : memref<125x128xf32, #tpu.memory_space<vmem>>) target(%dma_start3A_191 : memref<125x128xf32, #tpu.memory_space<hbm>>) target_semaphore(%run_scoped3A_167 : memref<!tpu.dma_semaphore, #tpu.memory_space<semaphore_mem>>)
        %dma_wait3A_192 = arith.constant 0 : i32
        %dma_wait3A_193 = arith.constant 0 : i32
        %dma_wait3A_194 = arith.constant 0 : i32
        %dma_wait3A_195 = tpu.memref_slice %arg8[%run_scoped3A_151, %dma_wait3A_192, %dma_wait3A_193, %dma_wait3A_194] : memref<3x15625x4x128xf32, #tpu.memory_space<hbm>> -> memref<1x15625x4x128xf32, #tpu.memory_space<hbm>>
        %dma_wait3A_196 = tpu.memref_squeeze %dma_wait3A_195 : memref<1x15625x4x128xf32, #tpu.memory_space<hbm>> -> memref<15625x4x128xf32, #tpu.memory_space<hbm>>
        %dma_wait3A_197 = arith.constant 0 : i32
        %dma_wait3A_198 = arith.constant 0 : i32
        %dma_wait3A_199 = tpu.memref_slice %dma_wait3A_196[%mul3A_150, %dma_wait3A_197, %dma_wait3A_198] : memref<15625x4x128xf32, #tpu.memory_space<hbm>> -> memref<125x4x128xf32, #tpu.memory_space<hbm>>
        %dma_wait3A_200 = arith.constant 0 : i32
        %dma_wait3A_201 = arith.constant 0 : i32
        %dma_wait3A_202 = tpu.memref_slice %dma_wait3A_199[%dma_wait3A_200, %run_scoped3A_152, %dma_wait3A_201] : memref<125x4x128xf32, #tpu.memory_space<hbm>> -> memref<125x1x128xf32, #tpu.memory_space<hbm>>
        %dma_wait3A_203 = tpu.memref_squeeze %dma_wait3A_202 : memref<125x1x128xf32, #tpu.memory_space<hbm>> -> memref<125x128xf32, #tpu.memory_space<hbm>>
        %dma_wait3A_204 = arith.constant 0 : i32
        %dma_wait3A_205 = arith.constant 0 : i32
        %dma_wait3A_206 = arith.constant 0 : i32
        %dma_wait3A_207 = tpu.memref_slice %arg8[%run_scoped3A_151, %dma_wait3A_204, %dma_wait3A_205, %dma_wait3A_206] : memref<3x15625x4x128xf32, #tpu.memory_space<hbm>> -> memref<1x15625x4x128xf32, #tpu.memory_space<hbm>>
        %dma_wait3A_208 = tpu.memref_squeeze %dma_wait3A_207 : memref<1x15625x4x128xf32, #tpu.memory_space<hbm>> -> memref<15625x4x128xf32, #tpu.memory_space<hbm>>
        %dma_wait3A_209 = arith.constant 0 : i32
        %dma_wait3A_210 = arith.constant 0 : i32
        %dma_wait3A_211 = tpu.memref_slice %dma_wait3A_208[%mul3A_150, %dma_wait3A_209, %dma_wait3A_210] : memref<15625x4x128xf32, #tpu.memory_space<hbm>> -> memref<125x4x128xf32, #tpu.memory_space<hbm>>
        %dma_wait3A_212 = arith.constant 0 : i32
        %dma_wait3A_213 = arith.constant 0 : i32
        %dma_wait3A_214 = tpu.memref_slice %dma_wait3A_211[%dma_wait3A_212, %run_scoped3A_152, %dma_wait3A_213] : memref<125x4x128xf32, #tpu.memory_space<hbm>> -> memref<125x1x128xf32, #tpu.memory_space<hbm>>
        %dma_wait3A_215 = tpu.memref_squeeze %dma_wait3A_214 : memref<125x1x128xf32, #tpu.memory_space<hbm>> -> memref<125x128xf32, #tpu.memory_space<hbm>>
        tpu.wait_dma2 semaphore(%run_scoped3A_167 : memref<!tpu.dma_semaphore, #tpu.memory_space<semaphore_mem>>) src(%arg12 : memref<125x128xf32, #tpu.memory_space<vmem>>) dst(%dma_wait3A_215 : memref<125x128xf32, #tpu.memory_space<hbm>>)
        tpu.yield
      }) : () -> ()
      %dma_wait3A_153 = arith.constant 0 : i32
      %dma_wait3A_154 = tpu.memref_slice %arg7[%dma_wait3A_153] : memref<1000000xf32, #tpu.memory_space<hbm>> -> memref<1000000xf32, #tpu.memory_space<hbm>>
      tpu.wait_indirect_dma semaphore(%arg13 : memref<!tpu.dma_semaphore, #tpu.memory_space<semaphore_mem>>) src(%dma_wait3A_154 : memref<1000000xf32, #tpu.memory_space<hbm>>) dst(%arg10 : memref<16000xf32, #tpu.memory_space<vmem>>)
      %scan3A_155 = arith.constant 0 : i32
      %scan3A_156 = arith.constant 0 : i32
      %scan3A_157 = arith.constant 125 : i32
      %scan3A_158 = arith.addi %scan3A_156, %scan3A_157 : i32
      %scan3A_159 = arith.constant 1 : i32
      %scan3A_160 = scf.for %scan3A_167 = %scan3A_156 to %scan3A_158 step %scan3A_159 iter_args(%scan3A_168 = %scan3A_155) -> (i32)  : i32 {
        %mul3A_169 = arith.constant 128 : i32
        %mul3A_170 = arith.muli %scan3A_167, %mul3A_169 : i32
        %add3A_171 = arith.constant 0 : i32
        %add3A_172 = arith.addi %mul3A_170, %add3A_171 : i32
        %get3A = arith.index_cast %add3A_172 : i32 to index
        %get3A_173 = tpu.vector_load %arg10[%get3A] {strides = array<i32>} : memref<16000xf32, #tpu.memory_space<vmem>>, vector<16xf32>,
        %get3A_174 = vector.shape_cast %get3A_173 : vector<16xf32> to vector<16xf32>
        %swap3A = arith.index_cast %scan3A_167 : i32 to index
        %swap3A_175 = arith.constant 0 : index
        %swap3A_176 = tpu.vector_load %arg12[%swap3A, %swap3A_175] {strides = array<i32>} : memref<125x128xf32, #tpu.memory_space<vmem>>, vector<1x16xf32>,
        %swap3A_177 = vector.shape_cast %swap3A_176 : vector<1x16xf32> to vector<16xf32>
        %swap3A_178 = vector.shape_cast %get3A_174 : vector<16xf32> to vector<1x16xf32>
        tpu.vector_store %arg12[%swap3A, %swap3A_175], %swap3A_178 {strides = array<i32>} : memref<125x128xf32, #tpu.memory_space<vmem>>, vector<1x16xf32>,
        %mul3A_179 = arith.constant 128 : i32
        %mul3A_180 = arith.muli %scan3A_167, %mul3A_179 : i32
        %add3A_181 = arith.constant 16 : i32
        %add3A_182 = arith.addi %mul3A_180, %add3A_181 : i32
        %get3A_183 = arith.index_cast %add3A_182 : i32 to index
        %get3A_184 = tpu.vector_load %arg10[%get3A_183] {strides = array<i32>} : memref<16000xf32, #tpu.memory_space<vmem>>, vector<16xf32>,
        %get3A_185 = vector.shape_cast %get3A_184 : vector<16xf32> to vector<16xf32>
        %swap3A_186 = arith.index_cast %scan3A_167 : i32 to index
        %swap3A_187 = arith.constant 16 : index
        %swap3A_188 = tpu.vector_load %arg12[%swap3A_186, %swap3A_187] {strides = array<i32>} : memref<125x128xf32, #tpu.memory_space<vmem>>, vector<1x16xf32>,
        %swap3A_189 = vector.shape_cast %swap3A_188 : vector<1x16xf32> to vector<16xf32>
        %swap3A_190 = vector.shape_cast %get3A_185 : vector<16xf32> to vector<1x16xf32>
        tpu.vector_store %arg12[%swap3A_186, %swap3A_187], %swap3A_190 {strides = array<i32>} : memref<125x128xf32, #tpu.memory_space<vmem>>, vector<1x16xf32>,
        %mul3A_191 = arith.constant 128 : i32
        %mul3A_192 = arith.muli %scan3A_167, %mul3A_191 : i32
        %add3A_193 = arith.constant 32 : i32
        %add3A_194 = arith.addi %mul3A_192, %add3A_193 : i32
        %get3A_195 = arith.index_cast %add3A_194 : i32 to index
        %get3A_196 = tpu.vector_load %arg10[%get3A_195] {strides = array<i32>} : memref<16000xf32, #tpu.memory_space<vmem>>, vector<16xf32>,
        %get3A_197 = vector.shape_cast %get3A_196 : vector<16xf32> to vector<16xf32>
        %swap3A_198 = arith.index_cast %scan3A_167 : i32 to index
        %swap3A_199 = arith.constant 32 : index
        %swap3A_200 = tpu.vector_load %arg12[%swap3A_198, %swap3A_199] {strides = array<i32>} : memref<125x128xf32, #tpu.memory_space<vmem>>, vector<1x16xf32>,
        %swap3A_201 = vector.shape_cast %swap3A_200 : vector<1x16xf32> to vector<16xf32>
        %swap3A_202 = vector.shape_cast %get3A_197 : vector<16xf32> to vector<1x16xf32>
        tpu.vector_store %arg12[%swap3A_198, %swap3A_199], %swap3A_202 {strides = array<i32>} : memref<125x128xf32, #tpu.memory_space<vmem>>, vector<1x16xf32>,
        %mul3A_203 = arith.constant 128 : i32
        %mul3A_204 = arith.muli %scan3A_167, %mul3A_203 : i32
        %add3A_205 = arith.constant 48 : i32
        %add3A_206 = arith.addi %mul3A_204, %add3A_205 : i32
        %get3A_207 = arith.index_cast %add3A_206 : i32 to index
        %get3A_208 = tpu.vector_load %arg10[%get3A_207] {strides = array<i32>} : memref<16000xf32, #tpu.memory_space<vmem>>, vector<16xf32>,
        %get3A_209 = vector.shape_cast %get3A_208 : vector<16xf32> to vector<16xf32>
        %swap3A_210 = arith.index_cast %scan3A_167 : i32 to index
        %swap3A_211 = arith.constant 48 : index
        %swap3A_212 = tpu.vector_load %arg12[%swap3A_210, %swap3A_211] {strides = array<i32>} : memref<125x128xf32, #tpu.memory_space<vmem>>, vector<1x16xf32>,
        %swap3A_213 = vector.shape_cast %swap3A_212 : vector<1x16xf32> to vector<16xf32>
        %swap3A_214 = vector.shape_cast %get3A_209 : vector<16xf32> to vector<1x16xf32>
        tpu.vector_store %arg12[%swap3A_210, %swap3A_211], %swap3A_214 {strides = array<i32>} : memref<125x128xf32, #tpu.memory_space<vmem>>, vector<1x16xf32>,
        %mul3A_215 = arith.constant 128 : i32
        %mul3A_216 = arith.muli %scan3A_167, %mul3A_215 : i32
        %add3A_217 = arith.constant 64 : i32
        %add3A_218 = arith.addi %mul3A_216, %add3A_217 : i32
        %get3A_219 = arith.index_cast %add3A_218 : i32 to index
        %get3A_220 = tpu.vector_load %arg10[%get3A_219] {strides = array<i32>} : memref<16000xf32, #tpu.memory_space<vmem>>, vector<16xf32>,
        %get3A_221 = vector.shape_cast %get3A_220 : vector<16xf32> to vector<16xf32>
        %swap3A_222 = arith.index_cast %scan3A_167 : i32 to index
        %swap3A_223 = arith.constant 64 : index
        %swap3A_224 = tpu.vector_load %arg12[%swap3A_222, %swap3A_223] {strides = array<i32>} : memref<125x128xf32, #tpu.memory_space<vmem>>, vector<1x16xf32>,
        %swap3A_225 = vector.shape_cast %swap3A_224 : vector<1x16xf32> to vector<16xf32>
        %swap3A_226 = vector.shape_cast %get3A_221 : vector<16xf32> to vector<1x16xf32>
        tpu.vector_store %arg12[%swap3A_222, %swap3A_223], %swap3A_226 {strides = array<i32>} : memref<125x128xf32, #tpu.memory_space<vmem>>, vector<1x16xf32>,
        %mul3A_227 = arith.constant 128 : i32
        %mul3A_228 = arith.muli %scan3A_167, %mul3A_227 : i32
        %add3A_229 = arith.constant 80 : i32
        %add3A_230 = arith.addi %mul3A_228, %add3A_229 : i32
        %get3A_231 = arith.index_cast %add3A_230 : i32 to index
        %get3A_232 = tpu.vector_load %arg10[%get3A_231] {strides = array<i32>} : memref<16000xf32, #tpu.memory_space<vmem>>, vector<16xf32>,
        %get3A_233 = vector.shape_cast %get3A_232 : vector<16xf32> to vector<16xf32>
        %swap3A_234 = arith.index_cast %scan3A_167 : i32 to index
        %swap3A_235 = arith.constant 80 : index
        %swap3A_236 = tpu.vector_load %arg12[%swap3A_234, %swap3A_235] {strides = array<i32>} : memref<125x128xf32, #tpu.memory_space<vmem>>, vector<1x16xf32>,
        %swap3A_237 = vector.shape_cast %swap3A_236 : vector<1x16xf32> to vector<16xf32>
        %swap3A_238 = vector.shape_cast %get3A_233 : vector<16xf32> to vector<1x16xf32>
        tpu.vector_store %arg12[%swap3A_234, %swap3A_235], %swap3A_238 {strides = array<i32>} : memref<125x128xf32, #tpu.memory_space<vmem>>, vector<1x16xf32>,
        %mul3A_239 = arith.constant 128 : i32
        %mul3A_240 = arith.muli %scan3A_167, %mul3A_239 : i32
        %add3A_241 = arith.constant 96 : i32
        %add3A_242 = arith.addi %mul3A_240, %add3A_241 : i32
        %get3A_243 = arith.index_cast %add3A_242 : i32 to index
        %get3A_244 = tpu.vector_load %arg10[%get3A_243] {strides = array<i32>} : memref<16000xf32, #tpu.memory_space<vmem>>, vector<16xf32>,
        %get3A_245 = vector.shape_cast %get3A_244 : vector<16xf32> to vector<16xf32>
        %swap3A_246 = arith.index_cast %scan3A_167 : i32 to index
        %swap3A_247 = arith.constant 96 : index
        %swap3A_248 = tpu.vector_load %arg12[%swap3A_246, %swap3A_247] {strides = array<i32>} : memref<125x128xf32, #tpu.memory_space<vmem>>, vector<1x16xf32>,
        %swap3A_249 = vector.shape_cast %swap3A_248 : vector<1x16xf32> to vector<16xf32>
        %swap3A_250 = vector.shape_cast %get3A_245 : vector<16xf32> to vector<1x16xf32>
        tpu.vector_store %arg12[%swap3A_246, %swap3A_247], %swap3A_250 {strides = array<i32>} : memref<125x128xf32, #tpu.memory_space<vmem>>, vector<1x16xf32>,
        %mul3A_251 = arith.constant 128 : i32
        %mul3A_252 = arith.muli %scan3A_167, %mul3A_251 : i32
        %add3A_253 = arith.constant 112 : i32
        %add3A_254 = arith.addi %mul3A_252, %add3A_253 : i32
        %get3A_255 = arith.index_cast %add3A_254 : i32 to index
        %get3A_256 = tpu.vector_load %arg10[%get3A_255] {strides = array<i32>} : memref<16000xf32, #tpu.memory_space<vmem>>, vector<16xf32>,
        %get3A_257 = vector.shape_cast %get3A_256 : vector<16xf32> to vector<16xf32>
        %swap3A_258 = arith.index_cast %scan3A_167 : i32 to index
        %swap3A_259 = arith.constant 112 : index
        %swap3A_260 = tpu.vector_load %arg12[%swap3A_258, %swap3A_259] {strides = array<i32>} : memref<125x128xf32, #tpu.memory_space<vmem>>, vector<1x16xf32>,
        %swap3A_261 = vector.shape_cast %swap3A_260 : vector<1x16xf32> to vector<16xf32>
        %swap3A_262 = vector.shape_cast %get3A_257 : vector<16xf32> to vector<1x16xf32>
        tpu.vector_store %arg12[%swap3A_258, %swap3A_259], %swap3A_262 {strides = array<i32>} : memref<125x128xf32, #tpu.memory_space<vmem>>, vector<1x16xf32>,
        %scan3A_263 = arith.constant 0 : i32
        scf.yield %scan3A_263 : i32
      }
      %scan3A_161 = arith.constant 125 : i32
      %mul3A_162 = arith.constant 125 : i32
      %mul3A_163 = arith.muli %add3A_122, %mul3A_162 : i32
      %run_scoped3A_164 = arith.constant 1 : i32
      %run_scoped3A_165 = arith.constant 2 : i32
      "tpu.region"() ({
        %run_scoped3A_167 = tpu.sem_alloc : memref<!tpu.dma_semaphore, #tpu.memory_space<semaphore_mem>>
        %dma_start3A_168 = arith.constant 0 : i32
        %dma_start3A_169 = arith.constant 0 : i32
        %dma_start3A_170 = arith.constant 0 : i32
        %dma_start3A_171 = tpu.memref_slice %arg8[%run_scoped3A_164, %dma_start3A_168, %dma_start3A_169, %dma_start3A_170] : memref<3x15625x4x128xf32, #tpu.memory_space<hbm>> -> memref<1x15625x4x128xf32, #tpu.memory_space<hbm>>
        %dma_start3A_172 = tpu.memref_squeeze %dma_start3A_171 : memref<1x15625x4x128xf32, #tpu.memory_space<hbm>> -> memref<15625x4x128xf32, #tpu.memory_space<hbm>>
        %dma_start3A_173 = arith.constant 0 : i32
        %dma_start3A_174 = arith.constant 0 : i32
        %dma_start3A_175 = tpu.memref_slice %dma_start3A_172[%mul3A_163, %dma_start3A_173, %dma_start3A_174] : memref<15625x4x128xf32, #tpu.memory_space<hbm>> -> memref<125x4x128xf32, #tpu.memory_space<hbm>>
        %dma_start3A_176 = arith.constant 0 : i32
        %dma_start3A_177 = arith.constant 0 : i32
        %dma_start3A_178 = tpu.memref_slice %dma_start3A_175[%dma_start3A_176, %run_scoped3A_165, %dma_start3A_177] : memref<125x4x128xf32, #tpu.memory_space<hbm>> -> memref<125x1x128xf32, #tpu.memory_space<hbm>>
        %dma_start3A_179 = tpu.memref_squeeze %dma_start3A_178 : memref<125x1x128xf32, #tpu.memory_space<hbm>> -> memref<125x128xf32, #tpu.memory_space<hbm>>
        %dma_start3A_180 = arith.constant 0 : i32
        %dma_start3A_181 = arith.constant 0 : i32
        %dma_start3A_182 = arith.constant 0 : i32
        %dma_start3A_183 = tpu.memref_slice %arg8[%run_scoped3A_164, %dma_start3A_180, %dma_start3A_181, %dma_start3A_182] : memref<3x15625x4x128xf32, #tpu.memory_space<hbm>> -> memref<1x15625x4x128xf32, #tpu.memory_space<hbm>>
        %dma_start3A_184 = tpu.memref_squeeze %dma_start3A_183 : memref<1x15625x4x128xf32, #tpu.memory_space<hbm>> -> memref<15625x4x128xf32, #tpu.memory_space<hbm>>
        %dma_start3A_185 = arith.constant 0 : i32
        %dma_start3A_186 = arith.constant 0 : i32
        %dma_start3A_187 = tpu.memref_slice %dma_start3A_184[%mul3A_163, %dma_start3A_185, %dma_start3A_186] : memref<15625x4x128xf32, #tpu.memory_space<hbm>> -> memref<125x4x128xf32, #tpu.memory_space<hbm>>
        %dma_start3A_188 = arith.constant 0 : i32
        %dma_start3A_189 = arith.constant 0 : i32
        %dma_start3A_190 = tpu.memref_slice %dma_start3A_187[%dma_start3A_188, %run_scoped3A_165, %dma_start3A_189] : memref<125x4x128xf32, #tpu.memory_space<hbm>> -> memref<125x1x128xf32, #tpu.memory_space<hbm>>
        %dma_start3A_191 = tpu.memref_squeeze %dma_start3A_190 : memref<125x1x128xf32, #tpu.memory_space<hbm>> -> memref<125x128xf32, #tpu.memory_space<hbm>>
        tpu.enqueue_dma source(%arg12 : memref<125x128xf32, #tpu.memory_space<vmem>>) target(%dma_start3A_191 : memref<125x128xf32, #tpu.memory_space<hbm>>) target_semaphore(%run_scoped3A_167 : memref<!tpu.dma_semaphore, #tpu.memory_space<semaphore_mem>>)
        %dma_wait3A_192 = arith.constant 0 : i32
        %dma_wait3A_193 = arith.constant 0 : i32
        %dma_wait3A_194 = arith.constant 0 : i32
        %dma_wait3A_195 = tpu.memref_slice %arg8[%run_scoped3A_164, %dma_wait3A_192, %dma_wait3A_193, %dma_wait3A_194] : memref<3x15625x4x128xf32, #tpu.memory_space<hbm>> -> memref<1x15625x4x128xf32, #tpu.memory_space<hbm>>
        %dma_wait3A_196 = tpu.memref_squeeze %dma_wait3A_195 : memref<1x15625x4x128xf32, #tpu.memory_space<hbm>> -> memref<15625x4x128xf32, #tpu.memory_space<hbm>>
        %dma_wait3A_197 = arith.constant 0 : i32
        %dma_wait3A_198 = arith.constant 0 : i32
        %dma_wait3A_199 = tpu.memref_slice %dma_wait3A_196[%mul3A_163, %dma_wait3A_197, %dma_wait3A_198] : memref<15625x4x128xf32, #tpu.memory_space<hbm>> -> memref<125x4x128xf32, #tpu.memory_space<hbm>>
        %dma_wait3A_200 = arith.constant 0 : i32
        %dma_wait3A_201 = arith.constant 0 : i32
        %dma_wait3A_202 = tpu.memref_slice %dma_wait3A_199[%dma_wait3A_200, %run_scoped3A_165, %dma_wait3A_201] : memref<125x4x128xf32, #tpu.memory_space<hbm>> -> memref<125x1x128xf32, #tpu.memory_space<hbm>>
        %dma_wait3A_203 = tpu.memref_squeeze %dma_wait3A_202 : memref<125x1x128xf32, #tpu.memory_space<hbm>> -> memref<125x128xf32, #tpu.memory_space<hbm>>
        %dma_wait3A_204 = arith.constant 0 : i32
        %dma_wait3A_205 = arith.constant 0 : i32
        %dma_wait3A_206 = arith.constant 0 : i32
        %dma_wait3A_207 = tpu.memref_slice %arg8[%run_scoped3A_164, %dma_wait3A_204, %dma_wait3A_205, %dma_wait3A_206] : memref<3x15625x4x128xf32, #tpu.memory_space<hbm>> -> memref<1x15625x4x128xf32, #tpu.memory_space<hbm>>
        %dma_wait3A_208 = tpu.memref_squeeze %dma_wait3A_207 : memref<1x15625x4x128xf32, #tpu.memory_space<hbm>> -> memref<15625x4x128xf32, #tpu.memory_space<hbm>>
        %dma_wait3A_209 = arith.constant 0 : i32
        %dma_wait3A_210 = arith.constant 0 : i32
        %dma_wait3A_211 = tpu.memref_slice %dma_wait3A_208[%mul3A_163, %dma_wait3A_209, %dma_wait3A_210] : memref<15625x4x128xf32, #tpu.memory_space<hbm>> -> memref<125x4x128xf32, #tpu.memory_space<hbm>>
        %dma_wait3A_212 = arith.constant 0 : i32
        %dma_wait3A_213 = arith.constant 0 : i32
        %dma_wait3A_214 = tpu.memref_slice %dma_wait3A_211[%dma_wait3A_212, %run_scoped3A_165, %dma_wait3A_213] : memref<125x4x128xf32, #tpu.memory_space<hbm>> -> memref<125x1x128xf32, #tpu.memory_space<hbm>>
        %dma_wait3A_215 = tpu.memref_squeeze %dma_wait3A_214 : memref<125x1x128xf32, #tpu.memory_space<hbm>> -> memref<125x128xf32, #tpu.memory_space<hbm>>
        tpu.wait_dma2 semaphore(%run_scoped3A_167 : memref<!tpu.dma_semaphore, #tpu.memory_space<semaphore_mem>>) src(%arg12 : memref<125x128xf32, #tpu.memory_space<vmem>>) dst(%dma_wait3A_215 : memref<125x128xf32, #tpu.memory_space<hbm>>)
        tpu.yield
      }) : () -> ()
      %while3A_166 = arith.constant 0 : i32
      scf.yield %while3A_166 : i32
    }
    %while3A_74 = arith.constant 1 : i32
    %while3A_75 = scf.for %while3A_118 = %while3A_71 to %while3A_67 step %while3A_74 iter_args(%while3A_119 = %while3A_73) -> (i32)  : i32 {
      %mul3A_120 = arith.constant 32 : i32
      %mul3A_121 = arith.muli %while3A_118, %mul3A_120 : i32
      %add3A_122 = arith.addi %add3A, %mul3A_121 : i32
      %mul3A_123 = arith.constant 16000 : i32
      %mul3A_124 = arith.muli %add3A_122, %mul3A_123 : i32
      "tpu.region"() ({
        %run_scoped3A_167 = tpu.sem_alloc : memref<!tpu.dma_semaphore, #tpu.memory_space<semaphore_mem>>
        %dma_start3A_168 = tpu.memref_slice %arg3[%mul3A_124] : memref<2000000xi32, #tpu.memory_space<hbm>> -> memref<16000xi32, #tpu.memory_space<hbm>>
        %dma_start3A_169 = tpu.memref_slice %arg3[%mul3A_124] : memref<2000000xi32, #tpu.memory_space<hbm>> -> memref<16000xi32, #tpu.memory_space<hbm>>
        tpu.enqueue_dma source(%dma_start3A_169 : memref<16000xi32, #tpu.memory_space<hbm>>) target(%arg9 : memref<16000xi32, #tpu.memory_space<vmem>>) target_semaphore(%run_scoped3A_167 : memref<!tpu.dma_semaphore, #tpu.memory_space<semaphore_mem>>)
        %dma_wait3A_170 = tpu.memref_slice %arg3[%mul3A_124] : memref<2000000xi32, #tpu.memory_space<hbm>> -> memref<16000xi32, #tpu.memory_space<hbm>>
        %dma_wait3A_171 = tpu.memref_slice %arg3[%mul3A_124] : memref<2000000xi32, #tpu.memory_space<hbm>> -> memref<16000xi32, #tpu.memory_space<hbm>>
        tpu.wait_dma2 semaphore(%run_scoped3A_167 : memref<!tpu.dma_semaphore, #tpu.memory_space<semaphore_mem>>) src(%dma_wait3A_171 : memref<16000xi32, #tpu.memory_space<hbm>>) dst(%arg9 : memref<16000xi32, #tpu.memory_space<vmem>>)
        tpu.yield
      }) : () -> ()
      %dma_start3A = arith.constant 0 : i32
      %dma_start3A_125 = tpu.memref_slice %arg5[%dma_start3A] : memref<1000000xf32, #tpu.memory_space<hbm>> -> memref<1000000xf32, #tpu.memory_space<hbm>>
      tpu.enqueue_indirect_dma source(%dma_start3A_125 : memref<1000000xf32, #tpu.memory_space<hbm>>) target(%arg10 : memref<16000xf32, #tpu.memory_space<vmem>>) offsets(%arg9 : memref<16000xi32, #tpu.memory_space<vmem>>) semaphore(%arg13 : memref<!tpu.dma_semaphore, #tpu.memory_space<semaphore_mem>>)
      %dma_wait3A = arith.constant 0 : i32
      %dma_wait3A_126 = tpu.memref_slice %arg5[%dma_wait3A] : memref<1000000xf32, #tpu.memory_space<hbm>> -> memref<1000000xf32, #tpu.memory_space<hbm>>
      tpu.wait_indirect_dma semaphore(%arg13 : memref<!tpu.dma_semaphore, #tpu.memory_space<semaphore_mem>>) src(%dma_wait3A_126 : memref<1000000xf32, #tpu.memory_space<hbm>>) dst(%arg10 : memref<16000xf32, #tpu.memory_space<vmem>>)
      %dma_start3A_127 = arith.constant 0 : i32
      %dma_start3A_128 = tpu.memref_slice %arg6[%dma_start3A_127] : memref<1000000xf32, #tpu.memory_space<hbm>> -> memref<1000000xf32, #tpu.memory_space<hbm>>
      tpu.enqueue_indirect_dma source(%dma_start3A_128 : memref<1000000xf32, #tpu.memory_space<hbm>>) target(%arg11 : memref<16000xf32, #tpu.memory_space<vmem>>) offsets(%arg9 : memref<16000xi32, #tpu.memory_space<vmem>>) semaphore(%arg13 : memref<!tpu.dma_semaphore, #tpu.memory_space<semaphore_mem>>)
      %scan3A = arith.constant 0 : i32
      %scan3A_129 = arith.constant 0 : i32
      %scan3A_130 = arith.constant 125 : i32
      %scan3A_131 = arith.addi %scan3A_129, %scan3A_130 : i32
      %scan3A_132 = arith.constant 1 : i32
      %scan3A_133 = scf.for %scan3A_167 = %scan3A_129 to %scan3A_131 step %scan3A_132 iter_args(%scan3A_168 = %scan3A) -> (i32)  : i32 {
        %mul3A_169 = arith.constant 128 : i32
        %mul3A_170 = arith.muli %scan3A_167, %mul3A_169 : i32
        %add3A_171 = arith.constant 0 : i32
        %add3A_172 = arith.addi %mul3A_170, %add3A_171 : i32
        %get3A = arith.index_cast %add3A_172 : i32 to index
        %get3A_173 = tpu.vector_load %arg10[%get3A] {strides = array<i32>} : memref<16000xf32, #tpu.memory_space<vmem>>, vector<16xf32>,
        %get3A_174 = vector.shape_cast %get3A_173 : vector<16xf32> to vector<16xf32>
        %swap3A = arith.index_cast %scan3A_167 : i32 to index
        %swap3A_175 = arith.constant 0 : index
        %swap3A_176 = tpu.vector_load %arg12[%swap3A, %swap3A_175] {strides = array<i32>} : memref<125x128xf32, #tpu.memory_space<vmem>>, vector<1x16xf32>,
        %swap3A_177 = vector.shape_cast %swap3A_176 : vector<1x16xf32> to vector<16xf32>
        %swap3A_178 = vector.shape_cast %get3A_174 : vector<16xf32> to vector<1x16xf32>
        tpu.vector_store %arg12[%swap3A, %swap3A_175], %swap3A_178 {strides = array<i32>} : memref<125x128xf32, #tpu.memory_space<vmem>>, vector<1x16xf32>,
        %mul3A_179 = arith.constant 128 : i32
        %mul3A_180 = arith.muli %scan3A_167, %mul3A_179 : i32
        %add3A_181 = arith.constant 16 : i32
        %add3A_182 = arith.addi %mul3A_180, %add3A_181 : i32
        %get3A_183 = arith.index_cast %add3A_182 : i32 to index
        %get3A_184 = tpu.vector_load %arg10[%get3A_183] {strides = array<i32>} : memref<16000xf32, #tpu.memory_space<vmem>>, vector<16xf32>,
        %get3A_185 = vector.shape_cast %get3A_184 : vector<16xf32> to vector<16xf32>
        %swap3A_186 = arith.index_cast %scan3A_167 : i32 to index
        %swap3A_187 = arith.constant 16 : index
        %swap3A_188 = tpu.vector_load %arg12[%swap3A_186, %swap3A_187] {strides = array<i32>} : memref<125x128xf32, #tpu.memory_space<vmem>>, vector<1x16xf32>,
        %swap3A_189 = vector.shape_cast %swap3A_188 : vector<1x16xf32> to vector<16xf32>
        %swap3A_190 = vector.shape_cast %get3A_185 : vector<16xf32> to vector<1x16xf32>
        tpu.vector_store %arg12[%swap3A_186, %swap3A_187], %swap3A_190 {strides = array<i32>} : memref<125x128xf32, #tpu.memory_space<vmem>>, vector<1x16xf32>,
        %mul3A_191 = arith.constant 128 : i32
        %mul3A_192 = arith.muli %scan3A_167, %mul3A_191 : i32
        %add3A_193 = arith.constant 32 : i32
        %add3A_194 = arith.addi %mul3A_192, %add3A_193 : i32
        %get3A_195 = arith.index_cast %add3A_194 : i32 to index
        %get3A_196 = tpu.vector_load %arg10[%get3A_195] {strides = array<i32>} : memref<16000xf32, #tpu.memory_space<vmem>>, vector<16xf32>,
        %get3A_197 = vector.shape_cast %get3A_196 : vector<16xf32> to vector<16xf32>
        %swap3A_198 = arith.index_cast %scan3A_167 : i32 to index
        %swap3A_199 = arith.constant 32 : index
        %swap3A_200 = tpu.vector_load %arg12[%swap3A_198, %swap3A_199] {strides = array<i32>} : memref<125x128xf32, #tpu.memory_space<vmem>>, vector<1x16xf32>,
        %swap3A_201 = vector.shape_cast %swap3A_200 : vector<1x16xf32> to vector<16xf32>
        %swap3A_202 = vector.shape_cast %get3A_197 : vector<16xf32> to vector<1x16xf32>
        tpu.vector_store %arg12[%swap3A_198, %swap3A_199], %swap3A_202 {strides = array<i32>} : memref<125x128xf32, #tpu.memory_space<vmem>>, vector<1x16xf32>,
        %mul3A_203 = arith.constant 128 : i32
        %mul3A_204 = arith.muli %scan3A_167, %mul3A_203 : i32
        %add3A_205 = arith.constant 48 : i32
        %add3A_206 = arith.addi %mul3A_204, %add3A_205 : i32
        %get3A_207 = arith.index_cast %add3A_206 : i32 to index
        %get3A_208 = tpu.vector_load %arg10[%get3A_207] {strides = array<i32>} : memref<16000xf32, #tpu.memory_space<vmem>>, vector<16xf32>,
        %get3A_209 = vector.shape_cast %get3A_208 : vector<16xf32> to vector<16xf32>
        %swap3A_210 = arith.index_cast %scan3A_167 : i32 to index
        %swap3A_211 = arith.constant 48 : index
        %swap3A_212 = tpu.vector_load %arg12[%swap3A_210, %swap3A_211] {strides = array<i32>} : memref<125x128xf32, #tpu.memory_space<vmem>>, vector<1x16xf32>,
        %swap3A_213 = vector.shape_cast %swap3A_212 : vector<1x16xf32> to vector<16xf32>
        %swap3A_214 = vector.shape_cast %get3A_209 : vector<16xf32> to vector<1x16xf32>
        tpu.vector_store %arg12[%swap3A_210, %swap3A_211], %swap3A_214 {strides = array<i32>} : memref<125x128xf32, #tpu.memory_space<vmem>>, vector<1x16xf32>,
        %mul3A_215 = arith.constant 128 : i32
        %mul3A_216 = arith.muli %scan3A_167, %mul3A_215 : i32
        %add3A_217 = arith.constant 64 : i32
        %add3A_218 = arith.addi %mul3A_216, %add3A_217 : i32
        %get3A_219 = arith.index_cast %add3A_218 : i32 to index
        %get3A_220 = tpu.vector_load %arg10[%get3A_219] {strides = array<i32>} : memref<16000xf32, #tpu.memory_space<vmem>>, vector<16xf32>,
        %get3A_221 = vector.shape_cast %get3A_220 : vector<16xf32> to vector<16xf32>
        %swap3A_222 = arith.index_cast %scan3A_167 : i32 to index
        %swap3A_223 = arith.constant 64 : index
        %swap3A_224 = tpu.vector_load %arg12[%swap3A_222, %swap3A_223] {strides = array<i32>} : memref<125x128xf32, #tpu.memory_space<vmem>>, vector<1x16xf32>,
        %swap3A_225 = vector.shape_cast %swap3A_224 : vector<1x16xf32> to vector<16xf32>
        %swap3A_226 = vector.shape_cast %get3A_221 : vector<16xf32> to vector<1x16xf32>
        tpu.vector_store %arg12[%swap3A_222, %swap3A_223], %swap3A_226 {strides = array<i32>} : memref<125x128xf32, #tpu.memory_space<vmem>>, vector<1x16xf32>,
        %mul3A_227 = arith.constant 128 : i32
        %mul3A_228 = arith.muli %scan3A_167, %mul3A_227 : i32
        %add3A_229 = arith.constant 80 : i32
        %add3A_230 = arith.addi %mul3A_228, %add3A_229 : i32
        %get3A_231 = arith.index_cast %add3A_230 : i32 to index
        %get3A_232 = tpu.vector_load %arg10[%get3A_231] {strides = array<i32>} : memref<16000xf32, #tpu.memory_space<vmem>>, vector<16xf32>,
        %get3A_233 = vector.shape_cast %get3A_232 : vector<16xf32> to vector<16xf32>
        %swap3A_234 = arith.index_cast %scan3A_167 : i32 to index
        %swap3A_235 = arith.constant 80 : index
        %swap3A_236 = tpu.vector_load %arg12[%swap3A_234, %swap3A_235] {strides = array<i32>} : memref<125x128xf32, #tpu.memory_space<vmem>>, vector<1x16xf32>,
        %swap3A_237 = vector.shape_cast %swap3A_236 : vector<1x16xf32> to vector<16xf32>
        %swap3A_238 = vector.shape_cast %get3A_233 : vector<16xf32> to vector<1x16xf32>
        tpu.vector_store %arg12[%swap3A_234, %swap3A_235], %swap3A_238 {strides = array<i32>} : memref<125x128xf32, #tpu.memory_space<vmem>>, vector<1x16xf32>,
        %mul3A_239 = arith.constant 128 : i32
        %mul3A_240 = arith.muli %scan3A_167, %mul3A_239 : i32
        %add3A_241 = arith.constant 96 : i32
        %add3A_242 = arith.addi %mul3A_240, %add3A_241 : i32
        %get3A_243 = arith.index_cast %add3A_242 : i32 to index
        %get3A_244 = tpu.vector_load %arg10[%get3A_243] {strides = array<i32>} : memref<16000xf32, #tpu.memory_space<vmem>>, vector<16xf32>,
        %get3A_245 = vector.shape_cast %get3A_244 : vector<16xf32> to vector<16xf32>
        %swap3A_246 = arith.index_cast %scan3A_167 : i32 to index
        %swap3A_247 = arith.constant 96 : index
        %swap3A_248 = tpu.vector_load %arg12[%swap3A_246, %swap3A_247] {strides = array<i32>} : memref<125x128xf32, #tpu.memory_space<vmem>>, vector<1x16xf32>,
        %swap3A_249 = vector.shape_cast %swap3A_248 : vector<1x16xf32> to vector<16xf32>
        %swap3A_250 = vector.shape_cast %get3A_245 : vector<16xf32> to vector<1x16xf32>
        tpu.vector_store %arg12[%swap3A_246, %swap3A_247], %swap3A_250 {strides = array<i32>} : memref<125x128xf32, #tpu.memory_space<vmem>>, vector<1x16xf32>,
        %mul3A_251 = arith.constant 128 : i32
        %mul3A_252 = arith.muli %scan3A_167, %mul3A_251 : i32
        %add3A_253 = arith.constant 112 : i32
        %add3A_254 = arith.addi %mul3A_252, %add3A_253 : i32
        %get3A_255 = arith.index_cast %add3A_254 : i32 to index
        %get3A_256 = tpu.vector_load %arg10[%get3A_255] {strides = array<i32>} : memref<16000xf32, #tpu.memory_space<vmem>>, vector<16xf32>,
        %get3A_257 = vector.shape_cast %get3A_256 : vector<16xf32> to vector<16xf32>
        %swap3A_258 = arith.index_cast %scan3A_167 : i32 to index
        %swap3A_259 = arith.constant 112 : index
        %swap3A_260 = tpu.vector_load %arg12[%swap3A_258, %swap3A_259] {strides = array<i32>} : memref<125x128xf32, #tpu.memory_space<vmem>>, vector<1x16xf32>,
        %swap3A_261 = vector.shape_cast %swap3A_260 : vector<1x16xf32> to vector<16xf32>
        %swap3A_262 = vector.shape_cast %get3A_257 : vector<16xf32> to vector<1x16xf32>
        tpu.vector_store %arg12[%swap3A_258, %swap3A_259], %swap3A_262 {strides = array<i32>} : memref<125x128xf32, #tpu.memory_space<vmem>>, vector<1x16xf32>,
        %scan3A_263 = arith.constant 0 : i32
        scf.yield %scan3A_263 : i32
      }
      %scan3A_134 = arith.constant 125 : i32
      %mul3A_135 = arith.constant 125 : i32
      %mul3A_136 = arith.muli %add3A_122, %mul3A_135 : i32
      %run_scoped3A = arith.constant 1 : i32
      %run_scoped3A_137 = arith.constant 0 : i32
      "tpu.region"() ({
        %run_scoped3A_167 = tpu.sem_alloc : memref<!tpu.dma_semaphore, #tpu.memory_space<semaphore_mem>>
        %dma_start3A_168 = arith.constant 0 : i32
        %dma_start3A_169 = arith.constant 0 : i32
        %dma_start3A_170 = arith.constant 0 : i32
        %dma_start3A_171 = tpu.memref_slice %arg8[%run_scoped3A, %dma_start3A_168, %dma_start3A_169, %dma_start3A_170] : memref<3x15625x4x128xf32, #tpu.memory_space<hbm>> -> memref<1x15625x4x128xf32, #tpu.memory_space<hbm>>
        %dma_start3A_172 = tpu.memref_squeeze %dma_start3A_171 : memref<1x15625x4x128xf32, #tpu.memory_space<hbm>> -> memref<15625x4x128xf32, #tpu.memory_space<hbm>>
        %dma_start3A_173 = arith.constant 0 : i32
        %dma_start3A_174 = arith.constant 0 : i32
        %dma_start3A_175 = tpu.memref_slice %dma_start3A_172[%mul3A_136, %dma_start3A_173, %dma_start3A_174] : memref<15625x4x128xf32, #tpu.memory_space<hbm>> -> memref<125x4x128xf32, #tpu.memory_space<hbm>>
        %dma_start3A_176 = arith.constant 0 : i32
        %dma_start3A_177 = arith.constant 0 : i32
        %dma_start3A_178 = tpu.memref_slice %dma_start3A_175[%dma_start3A_176, %run_scoped3A_137, %dma_start3A_177] : memref<125x4x128xf32, #tpu.memory_space<hbm>> -> memref<125x1x128xf32, #tpu.memory_space<hbm>>
        %dma_start3A_179 = tpu.memref_squeeze %dma_start3A_178 : memref<125x1x128xf32, #tpu.memory_space<hbm>> -> memref<125x128xf32, #tpu.memory_space<hbm>>
        %dma_start3A_180 = arith.constant 0 : i32
        %dma_start3A_181 = arith.constant 0 : i32
        %dma_start3A_182 = arith.constant 0 : i32
        %dma_start3A_183 = tpu.memref_slice %arg8[%run_scoped3A, %dma_start3A_180, %dma_start3A_181, %dma_start3A_182] : memref<3x15625x4x128xf32, #tpu.memory_space<hbm>> -> memref<1x15625x4x128xf32, #tpu.memory_space<hbm>>
        %dma_start3A_184 = tpu.memref_squeeze %dma_start3A_183 : memref<1x15625x4x128xf32, #tpu.memory_space<hbm>> -> memref<15625x4x128xf32, #tpu.memory_space<hbm>>
        %dma_start3A_185 = arith.constant 0 : i32
        %dma_start3A_186 = arith.constant 0 : i32
        %dma_start3A_187 = tpu.memref_slice %dma_start3A_184[%mul3A_136, %dma_start3A_185, %dma_start3A_186] : memref<15625x4x128xf32, #tpu.memory_space<hbm>> -> memref<125x4x128xf32, #tpu.memory_space<hbm>>
        %dma_start3A_188 = arith.constant 0 : i32
        %dma_start3A_189 = arith.constant 0 : i32
        %dma_start3A_190 = tpu.memref_slice %dma_start3A_187[%dma_start3A_188, %run_scoped3A_137, %dma_start3A_189] : memref<125x4x128xf32, #tpu.memory_space<hbm>> -> memref<125x1x128xf32, #tpu.memory_space<hbm>>
        %dma_start3A_191 = tpu.memref_squeeze %dma_start3A_190 : memref<125x1x128xf32, #tpu.memory_space<hbm>> -> memref<125x128xf32, #tpu.memory_space<hbm>>
        tpu.enqueue_dma source(%arg12 : memref<125x128xf32, #tpu.memory_space<vmem>>) target(%dma_start3A_191 : memref<125x128xf32, #tpu.memory_space<hbm>>) target_semaphore(%run_scoped3A_167 : memref<!tpu.dma_semaphore, #tpu.memory_space<semaphore_mem>>)
        %dma_wait3A_192 = arith.constant 0 : i32
        %dma_wait3A_193 = arith.constant 0 : i32
        %dma_wait3A_194 = arith.constant 0 : i32
        %dma_wait3A_195 = tpu.memref_slice %arg8[%run_scoped3A, %dma_wait3A_192, %dma_wait3A_193, %dma_wait3A_194] : memref<3x15625x4x128xf32, #tpu.memory_space<hbm>> -> memref<1x15625x4x128xf32, #tpu.memory_space<hbm>>
        %dma_wait3A_196 = tpu.memref_squeeze %dma_wait3A_195 : memref<1x15625x4x128xf32, #tpu.memory_space<hbm>> -> memref<15625x4x128xf32, #tpu.memory_space<hbm>>
        %dma_wait3A_197 = arith.constant 0 : i32
        %dma_wait3A_198 = arith.constant 0 : i32
        %dma_wait3A_199 = tpu.memref_slice %dma_wait3A_196[%mul3A_136, %dma_wait3A_197, %dma_wait3A_198] : memref<15625x4x128xf32, #tpu.memory_space<hbm>> -> memref<125x4x128xf32, #tpu.memory_space<hbm>>
        %dma_wait3A_200 = arith.constant 0 : i32
        %dma_wait3A_201 = arith.constant 0 : i32
        %dma_wait3A_202 = tpu.memref_slice %dma_wait3A_199[%dma_wait3A_200, %run_scoped3A_137, %dma_wait3A_201] : memref<125x4x128xf32, #tpu.memory_space<hbm>> -> memref<125x1x128xf32, #tpu.memory_space<hbm>>
        %dma_wait3A_203 = tpu.memref_squeeze %dma_wait3A_202 : memref<125x1x128xf32, #tpu.memory_space<hbm>> -> memref<125x128xf32, #tpu.memory_space<hbm>>
        %dma_wait3A_204 = arith.constant 0 : i32
        %dma_wait3A_205 = arith.constant 0 : i32
        %dma_wait3A_206 = arith.constant 0 : i32
        %dma_wait3A_207 = tpu.memref_slice %arg8[%run_scoped3A, %dma_wait3A_204, %dma_wait3A_205, %dma_wait3A_206] : memref<3x15625x4x128xf32, #tpu.memory_space<hbm>> -> memref<1x15625x4x128xf32, #tpu.memory_space<hbm>>
        %dma_wait3A_208 = tpu.memref_squeeze %dma_wait3A_207 : memref<1x15625x4x128xf32, #tpu.memory_space<hbm>> -> memref<15625x4x128xf32, #tpu.memory_space<hbm>>
        %dma_wait3A_209 = arith.constant 0 : i32
        %dma_wait3A_210 = arith.constant 0 : i32
        %dma_wait3A_211 = tpu.memref_slice %dma_wait3A_208[%mul3A_136, %dma_wait3A_209, %dma_wait3A_210] : memref<15625x4x128xf32, #tpu.memory_space<hbm>> -> memref<125x4x128xf32, #tpu.memory_space<hbm>>
        %dma_wait3A_212 = arith.constant 0 : i32
        %dma_wait3A_213 = arith.constant 0 : i32
        %dma_wait3A_214 = tpu.memref_slice %dma_wait3A_211[%dma_wait3A_212, %run_scoped3A_137, %dma_wait3A_213] : memref<125x4x128xf32, #tpu.memory_space<hbm>> -> memref<125x1x128xf32, #tpu.memory_space<hbm>>
        %dma_wait3A_215 = tpu.memref_squeeze %dma_wait3A_214 : memref<125x1x128xf32, #tpu.memory_space<hbm>> -> memref<125x128xf32, #tpu.memory_space<hbm>>
        tpu.wait_dma2 semaphore(%run_scoped3A_167 : memref<!tpu.dma_semaphore, #tpu.memory_space<semaphore_mem>>) src(%arg12 : memref<125x128xf32, #tpu.memory_space<vmem>>) dst(%dma_wait3A_215 : memref<125x128xf32, #tpu.memory_space<hbm>>)
        tpu.yield
      }) : () -> ()
      %dma_wait3A_138 = arith.constant 0 : i32
      %dma_wait3A_139 = tpu.memref_slice %arg6[%dma_wait3A_138] : memref<1000000xf32, #tpu.memory_space<hbm>> -> memref<1000000xf32, #tpu.memory_space<hbm>>
      tpu.wait_indirect_dma semaphore(%arg13 : memref<!tpu.dma_semaphore, #tpu.memory_space<semaphore_mem>>) src(%dma_wait3A_139 : memref<1000000xf32, #tpu.memory_space<hbm>>) dst(%arg11 : memref<16000xf32, #tpu.memory_space<vmem>>)
      %dma_start3A_140 = arith.constant 0 : i32
      %dma_start3A_141 = tpu.memref_slice %arg7[%dma_start3A_140] : memref<1000000xf32, #tpu.memory_space<hbm>> -> memref<1000000xf32, #tpu.memory_space<hbm>>
      tpu.enqueue_indirect_dma source(%dma_start3A_141 : memref<1000000xf32, #tpu.memory_space<hbm>>) target(%arg10 : memref<16000xf32, #tpu.memory_space<vmem>>) offsets(%arg9 : memref<16000xi32, #tpu.memory_space<vmem>>) semaphore(%arg13 : memref<!tpu.dma_semaphore, #tpu.memory_space<semaphore_mem>>)
      %scan3A_142 = arith.constant 0 : i32
      %scan3A_143 = arith.constant 0 : i32
      %scan3A_144 = arith.constant 125 : i32
      %scan3A_145 = arith.addi %scan3A_143, %scan3A_144 : i32
      %scan3A_146 = arith.constant 1 : i32
      %scan3A_147 = scf.for %scan3A_167 = %scan3A_143 to %scan3A_145 step %scan3A_146 iter_args(%scan3A_168 = %scan3A_142) -> (i32)  : i32 {
        %mul3A_169 = arith.constant 128 : i32
        %mul3A_170 = arith.muli %scan3A_167, %mul3A_169 : i32
        %add3A_171 = arith.constant 0 : i32
        %add3A_172 = arith.addi %mul3A_170, %add3A_171 : i32
        %get3A = arith.index_cast %add3A_172 : i32 to index
        %get3A_173 = tpu.vector_load %arg11[%get3A] {strides = array<i32>} : memref<16000xf32, #tpu.memory_space<vmem>>, vector<16xf32>,
        %get3A_174 = vector.shape_cast %get3A_173 : vector<16xf32> to vector<16xf32>
        %swap3A = arith.index_cast %scan3A_167 : i32 to index
        %swap3A_175 = arith.constant 0 : index
        %swap3A_176 = tpu.vector_load %arg12[%swap3A, %swap3A_175] {strides = array<i32>} : memref<125x128xf32, #tpu.memory_space<vmem>>, vector<1x16xf32>,
        %swap3A_177 = vector.shape_cast %swap3A_176 : vector<1x16xf32> to vector<16xf32>
        %swap3A_178 = vector.shape_cast %get3A_174 : vector<16xf32> to vector<1x16xf32>
        tpu.vector_store %arg12[%swap3A, %swap3A_175], %swap3A_178 {strides = array<i32>} : memref<125x128xf32, #tpu.memory_space<vmem>>, vector<1x16xf32>,
        %mul3A_179 = arith.constant 128 : i32
        %mul3A_180 = arith.muli %scan3A_167, %mul3A_179 : i32
        %add3A_181 = arith.constant 16 : i32
        %add3A_182 = arith.addi %mul3A_180, %add3A_181 : i32
        %get3A_183 = arith.index_cast %add3A_182 : i32 to index
        %get3A_184 = tpu.vector_load %arg11[%get3A_183] {strides = array<i32>} : memref<16000xf32, #tpu.memory_space<vmem>>, vector<16xf32>,
        %get3A_185 = vector.shape_cast %get3A_184 : vector<16xf32> to vector<16xf32>
        %swap3A_186 = arith.index_cast %scan3A_167 : i32 to index
        %swap3A_187 = arith.constant 16 : index
        %swap3A_188 = tpu.vector_load %arg12[%swap3A_186, %swap3A_187] {strides = array<i32>} : memref<125x128xf32, #tpu.memory_space<vmem>>, vector<1x16xf32>,
        %swap3A_189 = vector.shape_cast %swap3A_188 : vector<1x16xf32> to vector<16xf32>
        %swap3A_190 = vector.shape_cast %get3A_185 : vector<16xf32> to vector<1x16xf32>
        tpu.vector_store %arg12[%swap3A_186, %swap3A_187], %swap3A_190 {strides = array<i32>} : memref<125x128xf32, #tpu.memory_space<vmem>>, vector<1x16xf32>,
        %mul3A_191 = arith.constant 128 : i32
        %mul3A_192 = arith.muli %scan3A_167, %mul3A_191 : i32
        %add3A_193 = arith.constant 32 : i32
        %add3A_194 = arith.addi %mul3A_192, %add3A_193 : i32
        %get3A_195 = arith.index_cast %add3A_194 : i32 to index
        %get3A_196 = tpu.vector_load %arg11[%get3A_195] {strides = array<i32>} : memref<16000xf32, #tpu.memory_space<vmem>>, vector<16xf32>,
        %get3A_197 = vector.shape_cast %get3A_196 : vector<16xf32> to vector<16xf32>
        %swap3A_198 = arith.index_cast %scan3A_167 : i32 to index
        %swap3A_199 = arith.constant 32 : index
        %swap3A_200 = tpu.vector_load %arg12[%swap3A_198, %swap3A_199] {strides = array<i32>} : memref<125x128xf32, #tpu.memory_space<vmem>>, vector<1x16xf32>,
        %swap3A_201 = vector.shape_cast %swap3A_200 : vector<1x16xf32> to vector<16xf32>
        %swap3A_202 = vector.shape_cast %get3A_197 : vector<16xf32> to vector<1x16xf32>
        tpu.vector_store %arg12[%swap3A_198, %swap3A_199], %swap3A_202 {strides = array<i32>} : memref<125x128xf32, #tpu.memory_space<vmem>>, vector<1x16xf32>,
        %mul3A_203 = arith.constant 128 : i32
        %mul3A_204 = arith.muli %scan3A_167, %mul3A_203 : i32
        %add3A_205 = arith.constant 48 : i32
        %add3A_206 = arith.addi %mul3A_204, %add3A_205 : i32
        %get3A_207 = arith.index_cast %add3A_206 : i32 to index
        %get3A_208 = tpu.vector_load %arg11[%get3A_207] {strides = array<i32>} : memref<16000xf32, #tpu.memory_space<vmem>>, vector<16xf32>,
        %get3A_209 = vector.shape_cast %get3A_208 : vector<16xf32> to vector<16xf32>
        %swap3A_210 = arith.index_cast %scan3A_167 : i32 to index
        %swap3A_211 = arith.constant 48 : index
        %swap3A_212 = tpu.vector_load %arg12[%swap3A_210, %swap3A_211] {strides = array<i32>} : memref<125x128xf32, #tpu.memory_space<vmem>>, vector<1x16xf32>,
        %swap3A_213 = vector.shape_cast %swap3A_212 : vector<1x16xf32> to vector<16xf32>
        %swap3A_214 = vector.shape_cast %get3A_209 : vector<16xf32> to vector<1x16xf32>
        tpu.vector_store %arg12[%swap3A_210, %swap3A_211], %swap3A_214 {strides = array<i32>} : memref<125x128xf32, #tpu.memory_space<vmem>>, vector<1x16xf32>,
        %mul3A_215 = arith.constant 128 : i32
        %mul3A_216 = arith.muli %scan3A_167, %mul3A_215 : i32
        %add3A_217 = arith.constant 64 : i32
        %add3A_218 = arith.addi %mul3A_216, %add3A_217 : i32
        %get3A_219 = arith.index_cast %add3A_218 : i32 to index
        %get3A_220 = tpu.vector_load %arg11[%get3A_219] {strides = array<i32>} : memref<16000xf32, #tpu.memory_space<vmem>>, vector<16xf32>,
        %get3A_221 = vector.shape_cast %get3A_220 : vector<16xf32> to vector<16xf32>
        %swap3A_222 = arith.index_cast %scan3A_167 : i32 to index
        %swap3A_223 = arith.constant 64 : index
        %swap3A_224 = tpu.vector_load %arg12[%swap3A_222, %swap3A_223] {strides = array<i32>} : memref<125x128xf32, #tpu.memory_space<vmem>>, vector<1x16xf32>,
        %swap3A_225 = vector.shape_cast %swap3A_224 : vector<1x16xf32> to vector<16xf32>
        %swap3A_226 = vector.shape_cast %get3A_221 : vector<16xf32> to vector<1x16xf32>
        tpu.vector_store %arg12[%swap3A_222, %swap3A_223], %swap3A_226 {strides = array<i32>} : memref<125x128xf32, #tpu.memory_space<vmem>>, vector<1x16xf32>,
        %mul3A_227 = arith.constant 128 : i32
        %mul3A_228 = arith.muli %scan3A_167, %mul3A_227 : i32
        %add3A_229 = arith.constant 80 : i32
        %add3A_230 = arith.addi %mul3A_228, %add3A_229 : i32
        %get3A_231 = arith.index_cast %add3A_230 : i32 to index
        %get3A_232 = tpu.vector_load %arg11[%get3A_231] {strides = array<i32>} : memref<16000xf32, #tpu.memory_space<vmem>>, vector<16xf32>,
        %get3A_233 = vector.shape_cast %get3A_232 : vector<16xf32> to vector<16xf32>
        %swap3A_234 = arith.index_cast %scan3A_167 : i32 to index
        %swap3A_235 = arith.constant 80 : index
        %swap3A_236 = tpu.vector_load %arg12[%swap3A_234, %swap3A_235] {strides = array<i32>} : memref<125x128xf32, #tpu.memory_space<vmem>>, vector<1x16xf32>,
        %swap3A_237 = vector.shape_cast %swap3A_236 : vector<1x16xf32> to vector<16xf32>
        %swap3A_238 = vector.shape_cast %get3A_233 : vector<16xf32> to vector<1x16xf32>
        tpu.vector_store %arg12[%swap3A_234, %swap3A_235], %swap3A_238 {strides = array<i32>} : memref<125x128xf32, #tpu.memory_space<vmem>>, vector<1x16xf32>,
        %mul3A_239 = arith.constant 128 : i32
        %mul3A_240 = arith.muli %scan3A_167, %mul3A_239 : i32
        %add3A_241 = arith.constant 96 : i32
        %add3A_242 = arith.addi %mul3A_240, %add3A_241 : i32
        %get3A_243 = arith.index_cast %add3A_242 : i32 to index
        %get3A_244 = tpu.vector_load %arg11[%get3A_243] {strides = array<i32>} : memref<16000xf32, #tpu.memory_space<vmem>>, vector<16xf32>,
        %get3A_245 = vector.shape_cast %get3A_244 : vector<16xf32> to vector<16xf32>
        %swap3A_246 = arith.index_cast %scan3A_167 : i32 to index
        %swap3A_247 = arith.constant 96 : index
        %swap3A_248 = tpu.vector_load %arg12[%swap3A_246, %swap3A_247] {strides = array<i32>} : memref<125x128xf32, #tpu.memory_space<vmem>>, vector<1x16xf32>,
        %swap3A_249 = vector.shape_cast %swap3A_248 : vector<1x16xf32> to vector<16xf32>
        %swap3A_250 = vector.shape_cast %get3A_245 : vector<16xf32> to vector<1x16xf32>
        tpu.vector_store %arg12[%swap3A_246, %swap3A_247], %swap3A_250 {strides = array<i32>} : memref<125x128xf32, #tpu.memory_space<vmem>>, vector<1x16xf32>,
        %mul3A_251 = arith.constant 128 : i32
        %mul3A_252 = arith.muli %scan3A_167, %mul3A_251 : i32
        %add3A_253 = arith.constant 112 : i32
        %add3A_254 = arith.addi %mul3A_252, %add3A_253 : i32
        %get3A_255 = arith.index_cast %add3A_254 : i32 to index
        %get3A_256 = tpu.vector_load %arg11[%get3A_255] {strides = array<i32>} : memref<16000xf32, #tpu.memory_space<vmem>>, vector<16xf32>,
        %get3A_257 = vector.shape_cast %get3A_256 : vector<16xf32> to vector<16xf32>
        %swap3A_258 = arith.index_cast %scan3A_167 : i32 to index
        %swap3A_259 = arith.constant 112 : index
        %swap3A_260 = tpu.vector_load %arg12[%swap3A_258, %swap3A_259] {strides = array<i32>} : memref<125x128xf32, #tpu.memory_space<vmem>>, vector<1x16xf32>,
        %swap3A_261 = vector.shape_cast %swap3A_260 : vector<1x16xf32> to vector<16xf32>
        %swap3A_262 = vector.shape_cast %get3A_257 : vector<16xf32> to vector<1x16xf32>
        tpu.vector_store %arg12[%swap3A_258, %swap3A_259], %swap3A_262 {strides = array<i32>} : memref<125x128xf32, #tpu.memory_space<vmem>>, vector<1x16xf32>,
        %scan3A_263 = arith.constant 0 : i32
        scf.yield %scan3A_263 : i32
      }
      %scan3A_148 = arith.constant 125 : i32
      %mul3A_149 = arith.constant 125 : i32
      %mul3A_150 = arith.muli %add3A_122, %mul3A_149 : i32
      %run_scoped3A_151 = arith.constant 1 : i32
      %run_scoped3A_152 = arith.constant 1 : i32
      "tpu.region"() ({
        %run_scoped3A_167 = tpu.sem_alloc : memref<!tpu.dma_semaphore, #tpu.memory_space<semaphore_mem>>
        %dma_start3A_168 = arith.constant 0 : i32
        %dma_start3A_169 = arith.constant 0 : i32
        %dma_start3A_170 = arith.constant 0 : i32
        %dma_start3A_171 = tpu.memref_slice %arg8[%run_scoped3A_151, %dma_start3A_168, %dma_start3A_169, %dma_start3A_170] : memref<3x15625x4x128xf32, #tpu.memory_space<hbm>> -> memref<1x15625x4x128xf32, #tpu.memory_space<hbm>>
        %dma_start3A_172 = tpu.memref_squeeze %dma_start3A_171 : memref<1x15625x4x128xf32, #tpu.memory_space<hbm>> -> memref<15625x4x128xf32, #tpu.memory_space<hbm>>
        %dma_start3A_173 = arith.constant 0 : i32
        %dma_start3A_174 = arith.constant 0 : i32
        %dma_start3A_175 = tpu.memref_slice %dma_start3A_172[%mul3A_150, %dma_start3A_173, %dma_start3A_174] : memref<15625x4x128xf32, #tpu.memory_space<hbm>> -> memref<125x4x128xf32, #tpu.memory_space<hbm>>
        %dma_start3A_176 = arith.constant 0 : i32
        %dma_start3A_177 = arith.constant 0 : i32
        %dma_start3A_178 = tpu.memref_slice %dma_start3A_175[%dma_start3A_176, %run_scoped3A_152, %dma_start3A_177] : memref<125x4x128xf32, #tpu.memory_space<hbm>> -> memref<125x1x128xf32, #tpu.memory_space<hbm>>
        %dma_start3A_179 = tpu.memref_squeeze %dma_start3A_178 : memref<125x1x128xf32, #tpu.memory_space<hbm>> -> memref<125x128xf32, #tpu.memory_space<hbm>>
        %dma_start3A_180 = arith.constant 0 : i32
        %dma_start3A_181 = arith.constant 0 : i32
        %dma_start3A_182 = arith.constant 0 : i32
        %dma_start3A_183 = tpu.memref_slice %arg8[%run_scoped3A_151, %dma_start3A_180, %dma_start3A_181, %dma_start3A_182] : memref<3x15625x4x128xf32, #tpu.memory_space<hbm>> -> memref<1x15625x4x128xf32, #tpu.memory_space<hbm>>
        %dma_start3A_184 = tpu.memref_squeeze %dma_start3A_183 : memref<1x15625x4x128xf32, #tpu.memory_space<hbm>> -> memref<15625x4x128xf32, #tpu.memory_space<hbm>>
        %dma_start3A_185 = arith.constant 0 : i32
        %dma_start3A_186 = arith.constant 0 : i32
        %dma_start3A_187 = tpu.memref_slice %dma_start3A_184[%mul3A_150, %dma_start3A_185, %dma_start3A_186] : memref<15625x4x128xf32, #tpu.memory_space<hbm>> -> memref<125x4x128xf32, #tpu.memory_space<hbm>>
        %dma_start3A_188 = arith.constant 0 : i32
        %dma_start3A_189 = arith.constant 0 : i32
        %dma_start3A_190 = tpu.memref_slice %dma_start3A_187[%dma_start3A_188, %run_scoped3A_152, %dma_start3A_189] : memref<125x4x128xf32, #tpu.memory_space<hbm>> -> memref<125x1x128xf32, #tpu.memory_space<hbm>>
        %dma_start3A_191 = tpu.memref_squeeze %dma_start3A_190 : memref<125x1x128xf32, #tpu.memory_space<hbm>> -> memref<125x128xf32, #tpu.memory_space<hbm>>
        tpu.enqueue_dma source(%arg12 : memref<125x128xf32, #tpu.memory_space<vmem>>) target(%dma_start3A_191 : memref<125x128xf32, #tpu.memory_space<hbm>>) target_semaphore(%run_scoped3A_167 : memref<!tpu.dma_semaphore, #tpu.memory_space<semaphore_mem>>)
        %dma_wait3A_192 = arith.constant 0 : i32
        %dma_wait3A_193 = arith.constant 0 : i32
        %dma_wait3A_194 = arith.constant 0 : i32
        %dma_wait3A_195 = tpu.memref_slice %arg8[%run_scoped3A_151, %dma_wait3A_192, %dma_wait3A_193, %dma_wait3A_194] : memref<3x15625x4x128xf32, #tpu.memory_space<hbm>> -> memref<1x15625x4x128xf32, #tpu.memory_space<hbm>>
        %dma_wait3A_196 = tpu.memref_squeeze %dma_wait3A_195 : memref<1x15625x4x128xf32, #tpu.memory_space<hbm>> -> memref<15625x4x128xf32, #tpu.memory_space<hbm>>
        %dma_wait3A_197 = arith.constant 0 : i32
        %dma_wait3A_198 = arith.constant 0 : i32
        %dma_wait3A_199 = tpu.memref_slice %dma_wait3A_196[%mul3A_150, %dma_wait3A_197, %dma_wait3A_198] : memref<15625x4x128xf32, #tpu.memory_space<hbm>> -> memref<125x4x128xf32, #tpu.memory_space<hbm>>
        %dma_wait3A_200 = arith.constant 0 : i32
        %dma_wait3A_201 = arith.constant 0 : i32
        %dma_wait3A_202 = tpu.memref_slice %dma_wait3A_199[%dma_wait3A_200, %run_scoped3A_152, %dma_wait3A_201] : memref<125x4x128xf32, #tpu.memory_space<hbm>> -> memref<125x1x128xf32, #tpu.memory_space<hbm>>
        %dma_wait3A_203 = tpu.memref_squeeze %dma_wait3A_202 : memref<125x1x128xf32, #tpu.memory_space<hbm>> -> memref<125x128xf32, #tpu.memory_space<hbm>>
        %dma_wait3A_204 = arith.constant 0 : i32
        %dma_wait3A_205 = arith.constant 0 : i32
        %dma_wait3A_206 = arith.constant 0 : i32
        %dma_wait3A_207 = tpu.memref_slice %arg8[%run_scoped3A_151, %dma_wait3A_204, %dma_wait3A_205, %dma_wait3A_206] : memref<3x15625x4x128xf32, #tpu.memory_space<hbm>> -> memref<1x15625x4x128xf32, #tpu.memory_space<hbm>>
        %dma_wait3A_208 = tpu.memref_squeeze %dma_wait3A_207 : memref<1x15625x4x128xf32, #tpu.memory_space<hbm>> -> memref<15625x4x128xf32, #tpu.memory_space<hbm>>
        %dma_wait3A_209 = arith.constant 0 : i32
        %dma_wait3A_210 = arith.constant 0 : i32
        %dma_wait3A_211 = tpu.memref_slice %dma_wait3A_208[%mul3A_150, %dma_wait3A_209, %dma_wait3A_210] : memref<15625x4x128xf32, #tpu.memory_space<hbm>> -> memref<125x4x128xf32, #tpu.memory_space<hbm>>
        %dma_wait3A_212 = arith.constant 0 : i32
        %dma_wait3A_213 = arith.constant 0 : i32
        %dma_wait3A_214 = tpu.memref_slice %dma_wait3A_211[%dma_wait3A_212, %run_scoped3A_152, %dma_wait3A_213] : memref<125x4x128xf32, #tpu.memory_space<hbm>> -> memref<125x1x128xf32, #tpu.memory_space<hbm>>
        %dma_wait3A_215 = tpu.memref_squeeze %dma_wait3A_214 : memref<125x1x128xf32, #tpu.memory_space<hbm>> -> memref<125x128xf32, #tpu.memory_space<hbm>>
        tpu.wait_dma2 semaphore(%run_scoped3A_167 : memref<!tpu.dma_semaphore, #tpu.memory_space<semaphore_mem>>) src(%arg12 : memref<125x128xf32, #tpu.memory_space<vmem>>) dst(%dma_wait3A_215 : memref<125x128xf32, #tpu.memory_space<hbm>>)
        tpu.yield
      }) : () -> ()
      %dma_wait3A_153 = arith.constant 0 : i32
      %dma_wait3A_154 = tpu.memref_slice %arg7[%dma_wait3A_153] : memref<1000000xf32, #tpu.memory_space<hbm>> -> memref<1000000xf32, #tpu.memory_space<hbm>>
      tpu.wait_indirect_dma semaphore(%arg13 : memref<!tpu.dma_semaphore, #tpu.memory_space<semaphore_mem>>) src(%dma_wait3A_154 : memref<1000000xf32, #tpu.memory_space<hbm>>) dst(%arg10 : memref<16000xf32, #tpu.memory_space<vmem>>)
      %scan3A_155 = arith.constant 0 : i32
      %scan3A_156 = arith.constant 0 : i32
      %scan3A_157 = arith.constant 125 : i32
      %scan3A_158 = arith.addi %scan3A_156, %scan3A_157 : i32
      %scan3A_159 = arith.constant 1 : i32
      %scan3A_160 = scf.for %scan3A_167 = %scan3A_156 to %scan3A_158 step %scan3A_159 iter_args(%scan3A_168 = %scan3A_155) -> (i32)  : i32 {
        %mul3A_169 = arith.constant 128 : i32
        %mul3A_170 = arith.muli %scan3A_167, %mul3A_169 : i32
        %add3A_171 = arith.constant 0 : i32
        %add3A_172 = arith.addi %mul3A_170, %add3A_171 : i32
        %get3A = arith.index_cast %add3A_172 : i32 to index
        %get3A_173 = tpu.vector_load %arg10[%get3A] {strides = array<i32>} : memref<16000xf32, #tpu.memory_space<vmem>>, vector<16xf32>,
        %get3A_174 = vector.shape_cast %get3A_173 : vector<16xf32> to vector<16xf32>
        %swap3A = arith.index_cast %scan3A_167 : i32 to index
        %swap3A_175 = arith.constant 0 : index
        %swap3A_176 = tpu.vector_load %arg12[%swap3A, %swap3A_175] {strides = array<i32>} : memref<125x128xf32, #tpu.memory_space<vmem>>, vector<1x16xf32>,
        %swap3A_177 = vector.shape_cast %swap3A_176 : vector<1x16xf32> to vector<16xf32>
        %swap3A_178 = vector.shape_cast %get3A_174 : vector<16xf32> to vector<1x16xf32>
        tpu.vector_store %arg12[%swap3A, %swap3A_175], %swap3A_178 {strides = array<i32>} : memref<125x128xf32, #tpu.memory_space<vmem>>, vector<1x16xf32>,
        %mul3A_179 = arith.constant 128 : i32
        %mul3A_180 = arith.muli %scan3A_167, %mul3A_179 : i32
        %add3A_181 = arith.constant 16 : i32
        %add3A_182 = arith.addi %mul3A_180, %add3A_181 : i32
        %get3A_183 = arith.index_cast %add3A_182 : i32 to index
        %get3A_184 = tpu.vector_load %arg10[%get3A_183] {strides = array<i32>} : memref<16000xf32, #tpu.memory_space<vmem>>, vector<16xf32>,
        %get3A_185 = vector.shape_cast %get3A_184 : vector<16xf32> to vector<16xf32>
        %swap3A_186 = arith.index_cast %scan3A_167 : i32 to index
        %swap3A_187 = arith.constant 16 : index
        %swap3A_188 = tpu.vector_load %arg12[%swap3A_186, %swap3A_187] {strides = array<i32>} : memref<125x128xf32, #tpu.memory_space<vmem>>, vector<1x16xf32>,
        %swap3A_189 = vector.shape_cast %swap3A_188 : vector<1x16xf32> to vector<16xf32>
        %swap3A_190 = vector.shape_cast %get3A_185 : vector<16xf32> to vector<1x16xf32>
        tpu.vector_store %arg12[%swap3A_186, %swap3A_187], %swap3A_190 {strides = array<i32>} : memref<125x128xf32, #tpu.memory_space<vmem>>, vector<1x16xf32>,
        %mul3A_191 = arith.constant 128 : i32
        %mul3A_192 = arith.muli %scan3A_167, %mul3A_191 : i32
        %add3A_193 = arith.constant 32 : i32
        %add3A_194 = arith.addi %mul3A_192, %add3A_193 : i32
        %get3A_195 = arith.index_cast %add3A_194 : i32 to index
        %get3A_196 = tpu.vector_load %arg10[%get3A_195] {strides = array<i32>} : memref<16000xf32, #tpu.memory_space<vmem>>, vector<16xf32>,
        %get3A_197 = vector.shape_cast %get3A_196 : vector<16xf32> to vector<16xf32>
        %swap3A_198 = arith.index_cast %scan3A_167 : i32 to index
        %swap3A_199 = arith.constant 32 : index
        %swap3A_200 = tpu.vector_load %arg12[%swap3A_198, %swap3A_199] {strides = array<i32>} : memref<125x128xf32, #tpu.memory_space<vmem>>, vector<1x16xf32>,
        %swap3A_201 = vector.shape_cast %swap3A_200 : vector<1x16xf32> to vector<16xf32>
        %swap3A_202 = vector.shape_cast %get3A_197 : vector<16xf32> to vector<1x16xf32>
        tpu.vector_store %arg12[%swap3A_198, %swap3A_199], %swap3A_202 {strides = array<i32>} : memref<125x128xf32, #tpu.memory_space<vmem>>, vector<1x16xf32>,
        %mul3A_203 = arith.constant 128 : i32
        %mul3A_204 = arith.muli %scan3A_167, %mul3A_203 : i32
        %add3A_205 = arith.constant 48 : i32
        %add3A_206 = arith.addi %mul3A_204, %add3A_205 : i32
        %get3A_207 = arith.index_cast %add3A_206 : i32 to index
        %get3A_208 = tpu.vector_load %arg10[%get3A_207] {strides = array<i32>} : memref<16000xf32, #tpu.memory_space<vmem>>, vector<16xf32>,
        %get3A_209 = vector.shape_cast %get3A_208 : vector<16xf32> to vector<16xf32>
        %swap3A_210 = arith.index_cast %scan3A_167 : i32 to index
        %swap3A_211 = arith.constant 48 : index
        %swap3A_212 = tpu.vector_load %arg12[%swap3A_210, %swap3A_211] {strides = array<i32>} : memref<125x128xf32, #tpu.memory_space<vmem>>, vector<1x16xf32>,
        %swap3A_213 = vector.shape_cast %swap3A_212 : vector<1x16xf32> to vector<16xf32>
        %swap3A_214 = vector.shape_cast %get3A_209 : vector<16xf32> to vector<1x16xf32>
        tpu.vector_store %arg12[%swap3A_210, %swap3A_211], %swap3A_214 {strides = array<i32>} : memref<125x128xf32, #tpu.memory_space<vmem>>, vector<1x16xf32>,
        %mul3A_215 = arith.constant 128 : i32
        %mul3A_216 = arith.muli %scan3A_167, %mul3A_215 : i32
        %add3A_217 = arith.constant 64 : i32
        %add3A_218 = arith.addi %mul3A_216, %add3A_217 : i32
        %get3A_219 = arith.index_cast %add3A_218 : i32 to index
        %get3A_220 = tpu.vector_load %arg10[%get3A_219] {strides = array<i32>} : memref<16000xf32, #tpu.memory_space<vmem>>, vector<16xf32>,
        %get3A_221 = vector.shape_cast %get3A_220 : vector<16xf32> to vector<16xf32>
        %swap3A_222 = arith.index_cast %scan3A_167 : i32 to index
        %swap3A_223 = arith.constant 64 : index
        %swap3A_224 = tpu.vector_load %arg12[%swap3A_222, %swap3A_223] {strides = array<i32>} : memref<125x128xf32, #tpu.memory_space<vmem>>, vector<1x16xf32>,
        %swap3A_225 = vector.shape_cast %swap3A_224 : vector<1x16xf32> to vector<16xf32>
        %swap3A_226 = vector.shape_cast %get3A_221 : vector<16xf32> to vector<1x16xf32>
        tpu.vector_store %arg12[%swap3A_222, %swap3A_223], %swap3A_226 {strides = array<i32>} : memref<125x128xf32, #tpu.memory_space<vmem>>, vector<1x16xf32>,
        %mul3A_227 = arith.constant 128 : i32
        %mul3A_228 = arith.muli %scan3A_167, %mul3A_227 : i32
        %add3A_229 = arith.constant 80 : i32
        %add3A_230 = arith.addi %mul3A_228, %add3A_229 : i32
        %get3A_231 = arith.index_cast %add3A_230 : i32 to index
        %get3A_232 = tpu.vector_load %arg10[%get3A_231] {strides = array<i32>} : memref<16000xf32, #tpu.memory_space<vmem>>, vector<16xf32>,
        %get3A_233 = vector.shape_cast %get3A_232 : vector<16xf32> to vector<16xf32>
        %swap3A_234 = arith.index_cast %scan3A_167 : i32 to index
        %swap3A_235 = arith.constant 80 : index
        %swap3A_236 = tpu.vector_load %arg12[%swap3A_234, %swap3A_235] {strides = array<i32>} : memref<125x128xf32, #tpu.memory_space<vmem>>, vector<1x16xf32>,
        %swap3A_237 = vector.shape_cast %swap3A_236 : vector<1x16xf32> to vector<16xf32>
        %swap3A_238 = vector.shape_cast %get3A_233 : vector<16xf32> to vector<1x16xf32>
        tpu.vector_store %arg12[%swap3A_234, %swap3A_235], %swap3A_238 {strides = array<i32>} : memref<125x128xf32, #tpu.memory_space<vmem>>, vector<1x16xf32>,
        %mul3A_239 = arith.constant 128 : i32
        %mul3A_240 = arith.muli %scan3A_167, %mul3A_239 : i32
        %add3A_241 = arith.constant 96 : i32
        %add3A_242 = arith.addi %mul3A_240, %add3A_241 : i32
        %get3A_243 = arith.index_cast %add3A_242 : i32 to index
        %get3A_244 = tpu.vector_load %arg10[%get3A_243] {strides = array<i32>} : memref<16000xf32, #tpu.memory_space<vmem>>, vector<16xf32>,
        %get3A_245 = vector.shape_cast %get3A_244 : vector<16xf32> to vector<16xf32>
        %swap3A_246 = arith.index_cast %scan3A_167 : i32 to index
        %swap3A_247 = arith.constant 96 : index
        %swap3A_248 = tpu.vector_load %arg12[%swap3A_246, %swap3A_247] {strides = array<i32>} : memref<125x128xf32, #tpu.memory_space<vmem>>, vector<1x16xf32>,
        %swap3A_249 = vector.shape_cast %swap3A_248 : vector<1x16xf32> to vector<16xf32>
        %swap3A_250 = vector.shape_cast %get3A_245 : vector<16xf32> to vector<1x16xf32>
        tpu.vector_store %arg12[%swap3A_246, %swap3A_247], %swap3A_250 {strides = array<i32>} : memref<125x128xf32, #tpu.memory_space<vmem>>, vector<1x16xf32>,
        %mul3A_251 = arith.constant 128 : i32
        %mul3A_252 = arith.muli %scan3A_167, %mul3A_251 : i32
        %add3A_253 = arith.constant 112 : i32
        %add3A_254 = arith.addi %mul3A_252, %add3A_253 : i32
        %get3A_255 = arith.index_cast %add3A_254 : i32 to index
        %get3A_256 = tpu.vector_load %arg10[%get3A_255] {strides = array<i32>} : memref<16000xf32, #tpu.memory_space<vmem>>, vector<16xf32>,
        %get3A_257 = vector.shape_cast %get3A_256 : vector<16xf32> to vector<16xf32>
        %swap3A_258 = arith.index_cast %scan3A_167 : i32 to index
        %swap3A_259 = arith.constant 112 : index
        %swap3A_260 = tpu.vector_load %arg12[%swap3A_258, %swap3A_259] {strides = array<i32>} : memref<125x128xf32, #tpu.memory_space<vmem>>, vector<1x16xf32>,
        %swap3A_261 = vector.shape_cast %swap3A_260 : vector<1x16xf32> to vector<16xf32>
        %swap3A_262 = vector.shape_cast %get3A_257 : vector<16xf32> to vector<1x16xf32>
        tpu.vector_store %arg12[%swap3A_258, %swap3A_259], %swap3A_262 {strides = array<i32>} : memref<125x128xf32, #tpu.memory_space<vmem>>, vector<1x16xf32>,
        %scan3A_263 = arith.constant 0 : i32
        scf.yield %scan3A_263 : i32
      }
      %scan3A_161 = arith.constant 125 : i32
      %mul3A_162 = arith.constant 125 : i32
      %mul3A_163 = arith.muli %add3A_122, %mul3A_162 : i32
      %run_scoped3A_164 = arith.constant 1 : i32
      %run_scoped3A_165 = arith.constant 2 : i32
      "tpu.region"() ({
        %run_scoped3A_167 = tpu.sem_alloc : memref<!tpu.dma_semaphore, #tpu.memory_space<semaphore_mem>>
        %dma_start3A_168 = arith.constant 0 : i32
        %dma_start3A_169 = arith.constant 0 : i32
        %dma_start3A_170 = arith.constant 0 : i32
        %dma_start3A_171 = tpu.memref_slice %arg8[%run_scoped3A_164, %dma_start3A_168, %dma_start3A_169, %dma_start3A_170] : memref<3x15625x4x128xf32, #tpu.memory_space<hbm>> -> memref<1x15625x4x128xf32, #tpu.memory_space<hbm>>
        %dma_start3A_172 = tpu.memref_squeeze %dma_start3A_171 : memref<1x15625x4x128xf32, #tpu.memory_space<hbm>> -> memref<15625x4x128xf32, #tpu.memory_space<hbm>>
        %dma_start3A_173 = arith.constant 0 : i32
        %dma_start3A_174 = arith.constant 0 : i32
        %dma_start3A_175 = tpu.memref_slice %dma_start3A_172[%mul3A_163, %dma_start3A_173, %dma_start3A_174] : memref<15625x4x128xf32, #tpu.memory_space<hbm>> -> memref<125x4x128xf32, #tpu.memory_space<hbm>>
        %dma_start3A_176 = arith.constant 0 : i32
        %dma_start3A_177 = arith.constant 0 : i32
        %dma_start3A_178 = tpu.memref_slice %dma_start3A_175[%dma_start3A_176, %run_scoped3A_165, %dma_start3A_177] : memref<125x4x128xf32, #tpu.memory_space<hbm>> -> memref<125x1x128xf32, #tpu.memory_space<hbm>>
        %dma_start3A_179 = tpu.memref_squeeze %dma_start3A_178 : memref<125x1x128xf32, #tpu.memory_space<hbm>> -> memref<125x128xf32, #tpu.memory_space<hbm>>
        %dma_start3A_180 = arith.constant 0 : i32
        %dma_start3A_181 = arith.constant 0 : i32
        %dma_start3A_182 = arith.constant 0 : i32
        %dma_start3A_183 = tpu.memref_slice %arg8[%run_scoped3A_164, %dma_start3A_180, %dma_start3A_181, %dma_start3A_182] : memref<3x15625x4x128xf32, #tpu.memory_space<hbm>> -> memref<1x15625x4x128xf32, #tpu.memory_space<hbm>>
        %dma_start3A_184 = tpu.memref_squeeze %dma_start3A_183 : memref<1x15625x4x128xf32, #tpu.memory_space<hbm>> -> memref<15625x4x128xf32, #tpu.memory_space<hbm>>
        %dma_start3A_185 = arith.constant 0 : i32
        %dma_start3A_186 = arith.constant 0 : i32
        %dma_start3A_187 = tpu.memref_slice %dma_start3A_184[%mul3A_163, %dma_start3A_185, %dma_start3A_186] : memref<15625x4x128xf32, #tpu.memory_space<hbm>> -> memref<125x4x128xf32, #tpu.memory_space<hbm>>
        %dma_start3A_188 = arith.constant 0 : i32
        %dma_start3A_189 = arith.constant 0 : i32
        %dma_start3A_190 = tpu.memref_slice %dma_start3A_187[%dma_start3A_188, %run_scoped3A_165, %dma_start3A_189] : memref<125x4x128xf32, #tpu.memory_space<hbm>> -> memref<125x1x128xf32, #tpu.memory_space<hbm>>
        %dma_start3A_191 = tpu.memref_squeeze %dma_start3A_190 : memref<125x1x128xf32, #tpu.memory_space<hbm>> -> memref<125x128xf32, #tpu.memory_space<hbm>>
        tpu.enqueue_dma source(%arg12 : memref<125x128xf32, #tpu.memory_space<vmem>>) target(%dma_start3A_191 : memref<125x128xf32, #tpu.memory_space<hbm>>) target_semaphore(%run_scoped3A_167 : memref<!tpu.dma_semaphore, #tpu.memory_space<semaphore_mem>>)
        %dma_wait3A_192 = arith.constant 0 : i32
        %dma_wait3A_193 = arith.constant 0 : i32
        %dma_wait3A_194 = arith.constant 0 : i32
        %dma_wait3A_195 = tpu.memref_slice %arg8[%run_scoped3A_164, %dma_wait3A_192, %dma_wait3A_193, %dma_wait3A_194] : memref<3x15625x4x128xf32, #tpu.memory_space<hbm>> -> memref<1x15625x4x128xf32, #tpu.memory_space<hbm>>
        %dma_wait3A_196 = tpu.memref_squeeze %dma_wait3A_195 : memref<1x15625x4x128xf32, #tpu.memory_space<hbm>> -> memref<15625x4x128xf32, #tpu.memory_space<hbm>>
        %dma_wait3A_197 = arith.constant 0 : i32
        %dma_wait3A_198 = arith.constant 0 : i32
        %dma_wait3A_199 = tpu.memref_slice %dma_wait3A_196[%mul3A_163, %dma_wait3A_197, %dma_wait3A_198] : memref<15625x4x128xf32, #tpu.memory_space<hbm>> -> memref<125x4x128xf32, #tpu.memory_space<hbm>>
        %dma_wait3A_200 = arith.constant 0 : i32
        %dma_wait3A_201 = arith.constant 0 : i32
        %dma_wait3A_202 = tpu.memref_slice %dma_wait3A_199[%dma_wait3A_200, %run_scoped3A_165, %dma_wait3A_201] : memref<125x4x128xf32, #tpu.memory_space<hbm>> -> memref<125x1x128xf32, #tpu.memory_space<hbm>>
        %dma_wait3A_203 = tpu.memref_squeeze %dma_wait3A_202 : memref<125x1x128xf32, #tpu.memory_space<hbm>> -> memref<125x128xf32, #tpu.memory_space<hbm>>
        %dma_wait3A_204 = arith.constant 0 : i32
        %dma_wait3A_205 = arith.constant 0 : i32
        %dma_wait3A_206 = arith.constant 0 : i32
        %dma_wait3A_207 = tpu.memref_slice %arg8[%run_scoped3A_164, %dma_wait3A_204, %dma_wait3A_205, %dma_wait3A_206] : memref<3x15625x4x128xf32, #tpu.memory_space<hbm>> -> memref<1x15625x4x128xf32, #tpu.memory_space<hbm>>
        %dma_wait3A_208 = tpu.memref_squeeze %dma_wait3A_207 : memref<1x15625x4x128xf32, #tpu.memory_space<hbm>> -> memref<15625x4x128xf32, #tpu.memory_space<hbm>>
        %dma_wait3A_209 = arith.constant 0 : i32
        %dma_wait3A_210 = arith.constant 0 : i32
        %dma_wait3A_211 = tpu.memref_slice %dma_wait3A_208[%mul3A_163, %dma_wait3A_209, %dma_wait3A_210] : memref<15625x4x128xf32, #tpu.memory_space<hbm>> -> memref<125x4x128xf32, #tpu.memory_space<hbm>>
        %dma_wait3A_212 = arith.constant 0 : i32
        %dma_wait3A_213 = arith.constant 0 : i32
        %dma_wait3A_214 = tpu.memref_slice %dma_wait3A_211[%dma_wait3A_212, %run_scoped3A_165, %dma_wait3A_213] : memref<125x4x128xf32, #tpu.memory_space<hbm>> -> memref<125x1x128xf32, #tpu.memory_space<hbm>>
        %dma_wait3A_215 = tpu.memref_squeeze %dma_wait3A_214 : memref<125x1x128xf32, #tpu.memory_space<hbm>> -> memref<125x128xf32, #tpu.memory_space<hbm>>
        tpu.wait_dma2 semaphore(%run_scoped3A_167 : memref<!tpu.dma_semaphore, #tpu.memory_space<semaphore_mem>>) src(%arg12 : memref<125x128xf32, #tpu.memory_space<vmem>>) dst(%dma_wait3A_215 : memref<125x128xf32, #tpu.memory_space<hbm>>)
        tpu.yield
      }) : () -> ()
      %while3A_166 = arith.constant 0 : i32
      scf.yield %while3A_166 : i32
    }
    %sub3A_76 = arith.constant 125 : i32
    %sub3A_77 = arith.subi %sub3A_76, %add3A : i32
    %add3A_78 = arith.constant 32 : i32
    %add3A_79 = arith.addi %sub3A_77, %add3A_78 : i32
    %sub3A_80 = arith.constant 1 : i32
    %sub3A_81 = arith.subi %add3A_79, %sub3A_80 : i32
    %jit3A_82 = arith.constant 32 : i32
    %div3A_83 = arith.divsi %sub3A_81, %jit3A_82 : i32
    %sign3A_84 = arith.constant 0 : i32
    %sign3A_85 = arith.cmpi sgt, %sub3A_81, %sign3A_84 : i32
    %sign3A_86 = arith.extui %sign3A_85 : i1 to i32
    %sign3A_87 = arith.constant 0 : i32
    %sign3A_88 = arith.cmpi slt, %sub3A_81, %sign3A_87 : i32
    %sign3A_89 = arith.extui %sign3A_88 : i1 to i32
    %sign3A_90 = arith.subi %sign3A_86, %sign3A_89 : i32
    %sign3A_91 = arith.constant 0 : i32
    %sign3A_92 = arith.cmpi sgt, %jit3A_82, %sign3A_91 : i32
    %sign3A_93 = arith.extui %sign3A_92 : i1 to i32
    %sign3A_94 = arith.constant 0 : i32
    %sign3A_95 = arith.cmpi slt, %jit3A_82, %sign3A_94 : i32
    %sign3A_96 = arith.extui %sign3A_95 : i1 to i32
    %sign3A_97 = arith.subi %sign3A_93, %sign3A_96 : i32
    %ne3A_98 = arith.cmpi ne, %sign3A_90, %sign3A_97 : i32
    %rem3A_99 = arith.remsi %sub3A_81, %jit3A_82 : i32
    %ne3A_100 = arith.constant 0 : i32
    %ne3A_101 = arith.cmpi ne, %rem3A_99, %ne3A_100 : i32
    %and3A_102 = arith.andi %ne3A_98, %ne3A_101 : i1
    %sub3A_103 = arith.constant 1 : i32
    %sub3A_104 = arith.subi %div3A_83, %sub3A_103 : i32
    %select_n3A_105 = arith.select %and3A_102, %sub3A_104, %div3A_83 : i32
    %while3A_106 = arith.constant 0 : i32
    %while3A_107 = arith.constant 0 : i32
    %while3A_108 = arith.subi %select_n3A_105, %while3A_106 : i32
    %while3A_109 = arith.addi %while3A_106, %while3A_108 : i32
    %while3A_110 = arith.constant 1 : i32
    %while3A_111 = arith.divsi %while3A_108, %while3A_110 : i32
    %while3A_112 = arith.muli %while3A_111, %while3A_110 : i32
    %while3A_113 = arith.addi %while3A_106, %while3A_112 : i32
    %while3A_114 = arith.constant 1 : i32
    %while3A_115 = scf.for %while3A_118 = %while3A_106 to %while3A_113 step %while3A_114 iter_args(%while3A_119 = %while3A_107) -> (i32)  : i32 {
      %mul3A_120 = arith.constant 32 : i32
      %mul3A_121 = arith.muli %while3A_118, %mul3A_120 : i32
      %add3A_122 = arith.addi %add3A, %mul3A_121 : i32
      %mul3A_123 = arith.constant 16000 : i32
      %mul3A_124 = arith.muli %add3A_122, %mul3A_123 : i32
      "tpu.region"() ({
        %run_scoped3A_167 = tpu.sem_alloc : memref<!tpu.dma_semaphore, #tpu.memory_space<semaphore_mem>>
        %dma_start3A_168 = tpu.memref_slice %arg4[%mul3A_124] : memref<2000000xi32, #tpu.memory_space<hbm>> -> memref<16000xi32, #tpu.memory_space<hbm>>
        %dma_start3A_169 = tpu.memref_slice %arg4[%mul3A_124] : memref<2000000xi32, #tpu.memory_space<hbm>> -> memref<16000xi32, #tpu.memory_space<hbm>>
        tpu.enqueue_dma source(%dma_start3A_169 : memref<16000xi32, #tpu.memory_space<hbm>>) target(%arg9 : memref<16000xi32, #tpu.memory_space<vmem>>) target_semaphore(%run_scoped3A_167 : memref<!tpu.dma_semaphore, #tpu.memory_space<semaphore_mem>>)
        %dma_wait3A_170 = tpu.memref_slice %arg4[%mul3A_124] : memref<2000000xi32, #tpu.memory_space<hbm>> -> memref<16000xi32, #tpu.memory_space<hbm>>
        %dma_wait3A_171 = tpu.memref_slice %arg4[%mul3A_124] : memref<2000000xi32, #tpu.memory_space<hbm>> -> memref<16000xi32, #tpu.memory_space<hbm>>
        tpu.wait_dma2 semaphore(%run_scoped3A_167 : memref<!tpu.dma_semaphore, #tpu.memory_space<semaphore_mem>>) src(%dma_wait3A_171 : memref<16000xi32, #tpu.memory_space<hbm>>) dst(%arg9 : memref<16000xi32, #tpu.memory_space<vmem>>)
        tpu.yield
      }) : () -> ()
      %dma_start3A = arith.constant 0 : i32
      %dma_start3A_125 = tpu.memref_slice %arg5[%dma_start3A] : memref<1000000xf32, #tpu.memory_space<hbm>> -> memref<1000000xf32, #tpu.memory_space<hbm>>
      tpu.enqueue_indirect_dma source(%dma_start3A_125 : memref<1000000xf32, #tpu.memory_space<hbm>>) target(%arg10 : memref<16000xf32, #tpu.memory_space<vmem>>) offsets(%arg9 : memref<16000xi32, #tpu.memory_space<vmem>>) semaphore(%arg13 : memref<!tpu.dma_semaphore, #tpu.memory_space<semaphore_mem>>)
      %dma_wait3A = arith.constant 0 : i32
      %dma_wait3A_126 = tpu.memref_slice %arg5[%dma_wait3A] : memref<1000000xf32, #tpu.memory_space<hbm>> -> memref<1000000xf32, #tpu.memory_space<hbm>>
      tpu.wait_indirect_dma semaphore(%arg13 : memref<!tpu.dma_semaphore, #tpu.memory_space<semaphore_mem>>) src(%dma_wait3A_126 : memref<1000000xf32, #tpu.memory_space<hbm>>) dst(%arg10 : memref<16000xf32, #tpu.memory_space<vmem>>)
      %dma_start3A_127 = arith.constant 0 : i32
      %dma_start3A_128 = tpu.memref_slice %arg6[%dma_start3A_127] : memref<1000000xf32, #tpu.memory_space<hbm>> -> memref<1000000xf32, #tpu.memory_space<hbm>>
      tpu.enqueue_indirect_dma source(%dma_start3A_128 : memref<1000000xf32, #tpu.memory_space<hbm>>) target(%arg11 : memref<16000xf32, #tpu.memory_space<vmem>>) offsets(%arg9 : memref<16000xi32, #tpu.memory_space<vmem>>) semaphore(%arg13 : memref<!tpu.dma_semaphore, #tpu.memory_space<semaphore_mem>>)
      %scan3A = arith.constant 0 : i32
      %scan3A_129 = arith.constant 0 : i32
      %scan3A_130 = arith.constant 125 : i32
      %scan3A_131 = arith.addi %scan3A_129, %scan3A_130 : i32
      %scan3A_132 = arith.constant 1 : i32
      %scan3A_133 = scf.for %scan3A_167 = %scan3A_129 to %scan3A_131 step %scan3A_132 iter_args(%scan3A_168 = %scan3A) -> (i32)  : i32 {
        %mul3A_169 = arith.constant 128 : i32
        %mul3A_170 = arith.muli %scan3A_167, %mul3A_169 : i32
        %add3A_171 = arith.constant 0 : i32
        %add3A_172 = arith.addi %mul3A_170, %add3A_171 : i32
        %get3A = arith.index_cast %add3A_172 : i32 to index
        %get3A_173 = tpu.vector_load %arg10[%get3A] {strides = array<i32>} : memref<16000xf32, #tpu.memory_space<vmem>>, vector<16xf32>,
        %get3A_174 = vector.shape_cast %get3A_173 : vector<16xf32> to vector<16xf32>
        %swap3A = arith.index_cast %scan3A_167 : i32 to index
        %swap3A_175 = arith.constant 0 : index
        %swap3A_176 = tpu.vector_load %arg12[%swap3A, %swap3A_175] {strides = array<i32>} : memref<125x128xf32, #tpu.memory_space<vmem>>, vector<1x16xf32>,
        %swap3A_177 = vector.shape_cast %swap3A_176 : vector<1x16xf32> to vector<16xf32>
        %swap3A_178 = vector.shape_cast %get3A_174 : vector<16xf32> to vector<1x16xf32>
        tpu.vector_store %arg12[%swap3A, %swap3A_175], %swap3A_178 {strides = array<i32>} : memref<125x128xf32, #tpu.memory_space<vmem>>, vector<1x16xf32>,
        %mul3A_179 = arith.constant 128 : i32
        %mul3A_180 = arith.muli %scan3A_167, %mul3A_179 : i32
        %add3A_181 = arith.constant 16 : i32
        %add3A_182 = arith.addi %mul3A_180, %add3A_181 : i32
        %get3A_183 = arith.index_cast %add3A_182 : i32 to index
        %get3A_184 = tpu.vector_load %arg10[%get3A_183] {strides = array<i32>} : memref<16000xf32, #tpu.memory_space<vmem>>, vector<16xf32>,
        %get3A_185 = vector.shape_cast %get3A_184 : vector<16xf32> to vector<16xf32>
        %swap3A_186 = arith.index_cast %scan3A_167 : i32 to index
        %swap3A_187 = arith.constant 16 : index
        %swap3A_188 = tpu.vector_load %arg12[%swap3A_186, %swap3A_187] {strides = array<i32>} : memref<125x128xf32, #tpu.memory_space<vmem>>, vector<1x16xf32>,
        %swap3A_189 = vector.shape_cast %swap3A_188 : vector<1x16xf32> to vector<16xf32>
        %swap3A_190 = vector.shape_cast %get3A_185 : vector<16xf32> to vector<1x16xf32>
        tpu.vector_store %arg12[%swap3A_186, %swap3A_187], %swap3A_190 {strides = array<i32>} : memref<125x128xf32, #tpu.memory_space<vmem>>, vector<1x16xf32>,
        %mul3A_191 = arith.constant 128 : i32
        %mul3A_192 = arith.muli %scan3A_167, %mul3A_191 : i32
        %add3A_193 = arith.constant 32 : i32
        %add3A_194 = arith.addi %mul3A_192, %add3A_193 : i32
        %get3A_195 = arith.index_cast %add3A_194 : i32 to index
        %get3A_196 = tpu.vector_load %arg10[%get3A_195] {strides = array<i32>} : memref<16000xf32, #tpu.memory_space<vmem>>, vector<16xf32>,
        %get3A_197 = vector.shape_cast %get3A_196 : vector<16xf32> to vector<16xf32>
        %swap3A_198 = arith.index_cast %scan3A_167 : i32 to index
        %swap3A_199 = arith.constant 32 : index
        %swap3A_200 = tpu.vector_load %arg12[%swap3A_198, %swap3A_199] {strides = array<i32>} : memref<125x128xf32, #tpu.memory_space<vmem>>, vector<1x16xf32>,
        %swap3A_201 = vector.shape_cast %swap3A_200 : vector<1x16xf32> to vector<16xf32>
        %swap3A_202 = vector.shape_cast %get3A_197 : vector<16xf32> to vector<1x16xf32>
        tpu.vector_store %arg12[%swap3A_198, %swap3A_199], %swap3A_202 {strides = array<i32>} : memref<125x128xf32, #tpu.memory_space<vmem>>, vector<1x16xf32>,
        %mul3A_203 = arith.constant 128 : i32
        %mul3A_204 = arith.muli %scan3A_167, %mul3A_203 : i32
        %add3A_205 = arith.constant 48 : i32
        %add3A_206 = arith.addi %mul3A_204, %add3A_205 : i32
        %get3A_207 = arith.index_cast %add3A_206 : i32 to index
        %get3A_208 = tpu.vector_load %arg10[%get3A_207] {strides = array<i32>} : memref<16000xf32, #tpu.memory_space<vmem>>, vector<16xf32>,
        %get3A_209 = vector.shape_cast %get3A_208 : vector<16xf32> to vector<16xf32>
        %swap3A_210 = arith.index_cast %scan3A_167 : i32 to index
        %swap3A_211 = arith.constant 48 : index
        %swap3A_212 = tpu.vector_load %arg12[%swap3A_210, %swap3A_211] {strides = array<i32>} : memref<125x128xf32, #tpu.memory_space<vmem>>, vector<1x16xf32>,
        %swap3A_213 = vector.shape_cast %swap3A_212 : vector<1x16xf32> to vector<16xf32>
        %swap3A_214 = vector.shape_cast %get3A_209 : vector<16xf32> to vector<1x16xf32>
        tpu.vector_store %arg12[%swap3A_210, %swap3A_211], %swap3A_214 {strides = array<i32>} : memref<125x128xf32, #tpu.memory_space<vmem>>, vector<1x16xf32>,
        %mul3A_215 = arith.constant 128 : i32
        %mul3A_216 = arith.muli %scan3A_167, %mul3A_215 : i32
        %add3A_217 = arith.constant 64 : i32
        %add3A_218 = arith.addi %mul3A_216, %add3A_217 : i32
        %get3A_219 = arith.index_cast %add3A_218 : i32 to index
        %get3A_220 = tpu.vector_load %arg10[%get3A_219] {strides = array<i32>} : memref<16000xf32, #tpu.memory_space<vmem>>, vector<16xf32>,
        %get3A_221 = vector.shape_cast %get3A_220 : vector<16xf32> to vector<16xf32>
        %swap3A_222 = arith.index_cast %scan3A_167 : i32 to index
        %swap3A_223 = arith.constant 64 : index
        %swap3A_224 = tpu.vector_load %arg12[%swap3A_222, %swap3A_223] {strides = array<i32>} : memref<125x128xf32, #tpu.memory_space<vmem>>, vector<1x16xf32>,
        %swap3A_225 = vector.shape_cast %swap3A_224 : vector<1x16xf32> to vector<16xf32>
        %swap3A_226 = vector.shape_cast %get3A_221 : vector<16xf32> to vector<1x16xf32>
        tpu.vector_store %arg12[%swap3A_222, %swap3A_223], %swap3A_226 {strides = array<i32>} : memref<125x128xf32, #tpu.memory_space<vmem>>, vector<1x16xf32>,
        %mul3A_227 = arith.constant 128 : i32
        %mul3A_228 = arith.muli %scan3A_167, %mul3A_227 : i32
        %add3A_229 = arith.constant 80 : i32
        %add3A_230 = arith.addi %mul3A_228, %add3A_229 : i32
        %get3A_231 = arith.index_cast %add3A_230 : i32 to index
        %get3A_232 = tpu.vector_load %arg10[%get3A_231] {strides = array<i32>} : memref<16000xf32, #tpu.memory_space<vmem>>, vector<16xf32>,
        %get3A_233 = vector.shape_cast %get3A_232 : vector<16xf32> to vector<16xf32>
        %swap3A_234 = arith.index_cast %scan3A_167 : i32 to index
        %swap3A_235 = arith.constant 80 : index
        %swap3A_236 = tpu.vector_load %arg12[%swap3A_234, %swap3A_235] {strides = array<i32>} : memref<125x128xf32, #tpu.memory_space<vmem>>, vector<1x16xf32>,
        %swap3A_237 = vector.shape_cast %swap3A_236 : vector<1x16xf32> to vector<16xf32>
        %swap3A_238 = vector.shape_cast %get3A_233 : vector<16xf32> to vector<1x16xf32>
        tpu.vector_store %arg12[%swap3A_234, %swap3A_235], %swap3A_238 {strides = array<i32>} : memref<125x128xf32, #tpu.memory_space<vmem>>, vector<1x16xf32>,
        %mul3A_239 = arith.constant 128 : i32
        %mul3A_240 = arith.muli %scan3A_167, %mul3A_239 : i32
        %add3A_241 = arith.constant 96 : i32
        %add3A_242 = arith.addi %mul3A_240, %add3A_241 : i32
        %get3A_243 = arith.index_cast %add3A_242 : i32 to index
        %get3A_244 = tpu.vector_load %arg10[%get3A_243] {strides = array<i32>} : memref<16000xf32, #tpu.memory_space<vmem>>, vector<16xf32>,
        %get3A_245 = vector.shape_cast %get3A_244 : vector<16xf32> to vector<16xf32>
        %swap3A_246 = arith.index_cast %scan3A_167 : i32 to index
        %swap3A_247 = arith.constant 96 : index
        %swap3A_248 = tpu.vector_load %arg12[%swap3A_246, %swap3A_247] {strides = array<i32>} : memref<125x128xf32, #tpu.memory_space<vmem>>, vector<1x16xf32>,
        %swap3A_249 = vector.shape_cast %swap3A_248 : vector<1x16xf32> to vector<16xf32>
        %swap3A_250 = vector.shape_cast %get3A_245 : vector<16xf32> to vector<1x16xf32>
        tpu.vector_store %arg12[%swap3A_246, %swap3A_247], %swap3A_250 {strides = array<i32>} : memref<125x128xf32, #tpu.memory_space<vmem>>, vector<1x16xf32>,
        %mul3A_251 = arith.constant 128 : i32
        %mul3A_252 = arith.muli %scan3A_167, %mul3A_251 : i32
        %add3A_253 = arith.constant 112 : i32
        %add3A_254 = arith.addi %mul3A_252, %add3A_253 : i32
        %get3A_255 = arith.index_cast %add3A_254 : i32 to index
        %get3A_256 = tpu.vector_load %arg10[%get3A_255] {strides = array<i32>} : memref<16000xf32, #tpu.memory_space<vmem>>, vector<16xf32>,
        %get3A_257 = vector.shape_cast %get3A_256 : vector<16xf32> to vector<16xf32>
        %swap3A_258 = arith.index_cast %scan3A_167 : i32 to index
        %swap3A_259 = arith.constant 112 : index
        %swap3A_260 = tpu.vector_load %arg12[%swap3A_258, %swap3A_259] {strides = array<i32>} : memref<125x128xf32, #tpu.memory_space<vmem>>, vector<1x16xf32>,
        %swap3A_261 = vector.shape_cast %swap3A_260 : vector<1x16xf32> to vector<16xf32>
        %swap3A_262 = vector.shape_cast %get3A_257 : vector<16xf32> to vector<1x16xf32>
        tpu.vector_store %arg12[%swap3A_258, %swap3A_259], %swap3A_262 {strides = array<i32>} : memref<125x128xf32, #tpu.memory_space<vmem>>, vector<1x16xf32>,
        %scan3A_263 = arith.constant 0 : i32
        scf.yield %scan3A_263 : i32
      }
      %scan3A_134 = arith.constant 125 : i32
      %mul3A_135 = arith.constant 125 : i32
      %mul3A_136 = arith.muli %add3A_122, %mul3A_135 : i32
      %run_scoped3A = arith.constant 2 : i32
      %run_scoped3A_137 = arith.constant 0 : i32
      "tpu.region"() ({
        %run_scoped3A_167 = tpu.sem_alloc : memref<!tpu.dma_semaphore, #tpu.memory_space<semaphore_mem>>
        %dma_start3A_168 = arith.constant 0 : i32
        %dma_start3A_169 = arith.constant 0 : i32
        %dma_start3A_170 = arith.constant 0 : i32
        %dma_start3A_171 = tpu.memref_slice %arg8[%run_scoped3A, %dma_start3A_168, %dma_start3A_169, %dma_start3A_170] : memref<3x15625x4x128xf32, #tpu.memory_space<hbm>> -> memref<1x15625x4x128xf32, #tpu.memory_space<hbm>>
        %dma_start3A_172 = tpu.memref_squeeze %dma_start3A_171 : memref<1x15625x4x128xf32, #tpu.memory_space<hbm>> -> memref<15625x4x128xf32, #tpu.memory_space<hbm>>
        %dma_start3A_173 = arith.constant 0 : i32
        %dma_start3A_174 = arith.constant 0 : i32
        %dma_start3A_175 = tpu.memref_slice %dma_start3A_172[%mul3A_136, %dma_start3A_173, %dma_start3A_174] : memref<15625x4x128xf32, #tpu.memory_space<hbm>> -> memref<125x4x128xf32, #tpu.memory_space<hbm>>
        %dma_start3A_176 = arith.constant 0 : i32
        %dma_start3A_177 = arith.constant 0 : i32
        %dma_start3A_178 = tpu.memref_slice %dma_start3A_175[%dma_start3A_176, %run_scoped3A_137, %dma_start3A_177] : memref<125x4x128xf32, #tpu.memory_space<hbm>> -> memref<125x1x128xf32, #tpu.memory_space<hbm>>
        %dma_start3A_179 = tpu.memref_squeeze %dma_start3A_178 : memref<125x1x128xf32, #tpu.memory_space<hbm>> -> memref<125x128xf32, #tpu.memory_space<hbm>>
        %dma_start3A_180 = arith.constant 0 : i32
        %dma_start3A_181 = arith.constant 0 : i32
        %dma_start3A_182 = arith.constant 0 : i32
        %dma_start3A_183 = tpu.memref_slice %arg8[%run_scoped3A, %dma_start3A_180, %dma_start3A_181, %dma_start3A_182] : memref<3x15625x4x128xf32, #tpu.memory_space<hbm>> -> memref<1x15625x4x128xf32, #tpu.memory_space<hbm>>
        %dma_start3A_184 = tpu.memref_squeeze %dma_start3A_183 : memref<1x15625x4x128xf32, #tpu.memory_space<hbm>> -> memref<15625x4x128xf32, #tpu.memory_space<hbm>>
        %dma_start3A_185 = arith.constant 0 : i32
        %dma_start3A_186 = arith.constant 0 : i32
        %dma_start3A_187 = tpu.memref_slice %dma_start3A_184[%mul3A_136, %dma_start3A_185, %dma_start3A_186] : memref<15625x4x128xf32, #tpu.memory_space<hbm>> -> memref<125x4x128xf32, #tpu.memory_space<hbm>>
        %dma_start3A_188 = arith.constant 0 : i32
        %dma_start3A_189 = arith.constant 0 : i32
        %dma_start3A_190 = tpu.memref_slice %dma_start3A_187[%dma_start3A_188, %run_scoped3A_137, %dma_start3A_189] : memref<125x4x128xf32, #tpu.memory_space<hbm>> -> memref<125x1x128xf32, #tpu.memory_space<hbm>>
        %dma_start3A_191 = tpu.memref_squeeze %dma_start3A_190 : memref<125x1x128xf32, #tpu.memory_space<hbm>> -> memref<125x128xf32, #tpu.memory_space<hbm>>
        tpu.enqueue_dma source(%arg12 : memref<125x128xf32, #tpu.memory_space<vmem>>) target(%dma_start3A_191 : memref<125x128xf32, #tpu.memory_space<hbm>>) target_semaphore(%run_scoped3A_167 : memref<!tpu.dma_semaphore, #tpu.memory_space<semaphore_mem>>)
        %dma_wait3A_192 = arith.constant 0 : i32
        %dma_wait3A_193 = arith.constant 0 : i32
        %dma_wait3A_194 = arith.constant 0 : i32
        %dma_wait3A_195 = tpu.memref_slice %arg8[%run_scoped3A, %dma_wait3A_192, %dma_wait3A_193, %dma_wait3A_194] : memref<3x15625x4x128xf32, #tpu.memory_space<hbm>> -> memref<1x15625x4x128xf32, #tpu.memory_space<hbm>>
        %dma_wait3A_196 = tpu.memref_squeeze %dma_wait3A_195 : memref<1x15625x4x128xf32, #tpu.memory_space<hbm>> -> memref<15625x4x128xf32, #tpu.memory_space<hbm>>
        %dma_wait3A_197 = arith.constant 0 : i32
        %dma_wait3A_198 = arith.constant 0 : i32
        %dma_wait3A_199 = tpu.memref_slice %dma_wait3A_196[%mul3A_136, %dma_wait3A_197, %dma_wait3A_198] : memref<15625x4x128xf32, #tpu.memory_space<hbm>> -> memref<125x4x128xf32, #tpu.memory_space<hbm>>
        %dma_wait3A_200 = arith.constant 0 : i32
        %dma_wait3A_201 = arith.constant 0 : i32
        %dma_wait3A_202 = tpu.memref_slice %dma_wait3A_199[%dma_wait3A_200, %run_scoped3A_137, %dma_wait3A_201] : memref<125x4x128xf32, #tpu.memory_space<hbm>> -> memref<125x1x128xf32, #tpu.memory_space<hbm>>
        %dma_wait3A_203 = tpu.memref_squeeze %dma_wait3A_202 : memref<125x1x128xf32, #tpu.memory_space<hbm>> -> memref<125x128xf32, #tpu.memory_space<hbm>>
        %dma_wait3A_204 = arith.constant 0 : i32
        %dma_wait3A_205 = arith.constant 0 : i32
        %dma_wait3A_206 = arith.constant 0 : i32
        %dma_wait3A_207 = tpu.memref_slice %arg8[%run_scoped3A, %dma_wait3A_204, %dma_wait3A_205, %dma_wait3A_206] : memref<3x15625x4x128xf32, #tpu.memory_space<hbm>> -> memref<1x15625x4x128xf32, #tpu.memory_space<hbm>>
        %dma_wait3A_208 = tpu.memref_squeeze %dma_wait3A_207 : memref<1x15625x4x128xf32, #tpu.memory_space<hbm>> -> memref<15625x4x128xf32, #tpu.memory_space<hbm>>
        %dma_wait3A_209 = arith.constant 0 : i32
        %dma_wait3A_210 = arith.constant 0 : i32
        %dma_wait3A_211 = tpu.memref_slice %dma_wait3A_208[%mul3A_136, %dma_wait3A_209, %dma_wait3A_210] : memref<15625x4x128xf32, #tpu.memory_space<hbm>> -> memref<125x4x128xf32, #tpu.memory_space<hbm>>
        %dma_wait3A_212 = arith.constant 0 : i32
        %dma_wait3A_213 = arith.constant 0 : i32
        %dma_wait3A_214 = tpu.memref_slice %dma_wait3A_211[%dma_wait3A_212, %run_scoped3A_137, %dma_wait3A_213] : memref<125x4x128xf32, #tpu.memory_space<hbm>> -> memref<125x1x128xf32, #tpu.memory_space<hbm>>
        %dma_wait3A_215 = tpu.memref_squeeze %dma_wait3A_214 : memref<125x1x128xf32, #tpu.memory_space<hbm>> -> memref<125x128xf32, #tpu.memory_space<hbm>>
        tpu.wait_dma2 semaphore(%run_scoped3A_167 : memref<!tpu.dma_semaphore, #tpu.memory_space<semaphore_mem>>) src(%arg12 : memref<125x128xf32, #tpu.memory_space<vmem>>) dst(%dma_wait3A_215 : memref<125x128xf32, #tpu.memory_space<hbm>>)
        tpu.yield
      }) : () -> ()
      %dma_wait3A_138 = arith.constant 0 : i32
      %dma_wait3A_139 = tpu.memref_slice %arg6[%dma_wait3A_138] : memref<1000000xf32, #tpu.memory_space<hbm>> -> memref<1000000xf32, #tpu.memory_space<hbm>>
      tpu.wait_indirect_dma semaphore(%arg13 : memref<!tpu.dma_semaphore, #tpu.memory_space<semaphore_mem>>) src(%dma_wait3A_139 : memref<1000000xf32, #tpu.memory_space<hbm>>) dst(%arg11 : memref<16000xf32, #tpu.memory_space<vmem>>)
      %dma_start3A_140 = arith.constant 0 : i32
      %dma_start3A_141 = tpu.memref_slice %arg7[%dma_start3A_140] : memref<1000000xf32, #tpu.memory_space<hbm>> -> memref<1000000xf32, #tpu.memory_space<hbm>>
      tpu.enqueue_indirect_dma source(%dma_start3A_141 : memref<1000000xf32, #tpu.memory_space<hbm>>) target(%arg10 : memref<16000xf32, #tpu.memory_space<vmem>>) offsets(%arg9 : memref<16000xi32, #tpu.memory_space<vmem>>) semaphore(%arg13 : memref<!tpu.dma_semaphore, #tpu.memory_space<semaphore_mem>>)
      %scan3A_142 = arith.constant 0 : i32
      %scan3A_143 = arith.constant 0 : i32
      %scan3A_144 = arith.constant 125 : i32
      %scan3A_145 = arith.addi %scan3A_143, %scan3A_144 : i32
      %scan3A_146 = arith.constant 1 : i32
      %scan3A_147 = scf.for %scan3A_167 = %scan3A_143 to %scan3A_145 step %scan3A_146 iter_args(%scan3A_168 = %scan3A_142) -> (i32)  : i32 {
        %mul3A_169 = arith.constant 128 : i32
        %mul3A_170 = arith.muli %scan3A_167, %mul3A_169 : i32
        %add3A_171 = arith.constant 0 : i32
        %add3A_172 = arith.addi %mul3A_170, %add3A_171 : i32
        %get3A = arith.index_cast %add3A_172 : i32 to index
        %get3A_173 = tpu.vector_load %arg11[%get3A] {strides = array<i32>} : memref<16000xf32, #tpu.memory_space<vmem>>, vector<16xf32>,
        %get3A_174 = vector.shape_cast %get3A_173 : vector<16xf32> to vector<16xf32>
        %swap3A = arith.index_cast %scan3A_167 : i32 to index
        %swap3A_175 = arith.constant 0 : index
        %swap3A_176 = tpu.vector_load %arg12[%swap3A, %swap3A_175] {strides = array<i32>} : memref<125x128xf32, #tpu.memory_space<vmem>>, vector<1x16xf32>,
        %swap3A_177 = vector.shape_cast %swap3A_176 : vector<1x16xf32> to vector<16xf32>
        %swap3A_178 = vector.shape_cast %get3A_174 : vector<16xf32> to vector<1x16xf32>
        tpu.vector_store %arg12[%swap3A, %swap3A_175], %swap3A_178 {strides = array<i32>} : memref<125x128xf32, #tpu.memory_space<vmem>>, vector<1x16xf32>,
        %mul3A_179 = arith.constant 128 : i32
        %mul3A_180 = arith.muli %scan3A_167, %mul3A_179 : i32
        %add3A_181 = arith.constant 16 : i32
        %add3A_182 = arith.addi %mul3A_180, %add3A_181 : i32
        %get3A_183 = arith.index_cast %add3A_182 : i32 to index
        %get3A_184 = tpu.vector_load %arg11[%get3A_183] {strides = array<i32>} : memref<16000xf32, #tpu.memory_space<vmem>>, vector<16xf32>,
        %get3A_185 = vector.shape_cast %get3A_184 : vector<16xf32> to vector<16xf32>
        %swap3A_186 = arith.index_cast %scan3A_167 : i32 to index
        %swap3A_187 = arith.constant 16 : index
        %swap3A_188 = tpu.vector_load %arg12[%swap3A_186, %swap3A_187] {strides = array<i32>} : memref<125x128xf32, #tpu.memory_space<vmem>>, vector<1x16xf32>,
        %swap3A_189 = vector.shape_cast %swap3A_188 : vector<1x16xf32> to vector<16xf32>
        %swap3A_190 = vector.shape_cast %get3A_185 : vector<16xf32> to vector<1x16xf32>
        tpu.vector_store %arg12[%swap3A_186, %swap3A_187], %swap3A_190 {strides = array<i32>} : memref<125x128xf32, #tpu.memory_space<vmem>>, vector<1x16xf32>,
        %mul3A_191 = arith.constant 128 : i32
        %mul3A_192 = arith.muli %scan3A_167, %mul3A_191 : i32
        %add3A_193 = arith.constant 32 : i32
        %add3A_194 = arith.addi %mul3A_192, %add3A_193 : i32
        %get3A_195 = arith.index_cast %add3A_194 : i32 to index
        %get3A_196 = tpu.vector_load %arg11[%get3A_195] {strides = array<i32>} : memref<16000xf32, #tpu.memory_space<vmem>>, vector<16xf32>,
        %get3A_197 = vector.shape_cast %get3A_196 : vector<16xf32> to vector<16xf32>
        %swap3A_198 = arith.index_cast %scan3A_167 : i32 to index
        %swap3A_199 = arith.constant 32 : index
        %swap3A_200 = tpu.vector_load %arg12[%swap3A_198, %swap3A_199] {strides = array<i32>} : memref<125x128xf32, #tpu.memory_space<vmem>>, vector<1x16xf32>,
        %swap3A_201 = vector.shape_cast %swap3A_200 : vector<1x16xf32> to vector<16xf32>
        %swap3A_202 = vector.shape_cast %get3A_197 : vector<16xf32> to vector<1x16xf32>
        tpu.vector_store %arg12[%swap3A_198, %swap3A_199], %swap3A_202 {strides = array<i32>} : memref<125x128xf32, #tpu.memory_space<vmem>>, vector<1x16xf32>,
        %mul3A_203 = arith.constant 128 : i32
        %mul3A_204 = arith.muli %scan3A_167, %mul3A_203 : i32
        %add3A_205 = arith.constant 48 : i32
        %add3A_206 = arith.addi %mul3A_204, %add3A_205 : i32
        %get3A_207 = arith.index_cast %add3A_206 : i32 to index
        %get3A_208 = tpu.vector_load %arg11[%get3A_207] {strides = array<i32>} : memref<16000xf32, #tpu.memory_space<vmem>>, vector<16xf32>,
        %get3A_209 = vector.shape_cast %get3A_208 : vector<16xf32> to vector<16xf32>
        %swap3A_210 = arith.index_cast %scan3A_167 : i32 to index
        %swap3A_211 = arith.constant 48 : index
        %swap3A_212 = tpu.vector_load %arg12[%swap3A_210, %swap3A_211] {strides = array<i32>} : memref<125x128xf32, #tpu.memory_space<vmem>>, vector<1x16xf32>,
        %swap3A_213 = vector.shape_cast %swap3A_212 : vector<1x16xf32> to vector<16xf32>
        %swap3A_214 = vector.shape_cast %get3A_209 : vector<16xf32> to vector<1x16xf32>
        tpu.vector_store %arg12[%swap3A_210, %swap3A_211], %swap3A_214 {strides = array<i32>} : memref<125x128xf32, #tpu.memory_space<vmem>>, vector<1x16xf32>,
        %mul3A_215 = arith.constant 128 : i32
        %mul3A_216 = arith.muli %scan3A_167, %mul3A_215 : i32
        %add3A_217 = arith.constant 64 : i32
        %add3A_218 = arith.addi %mul3A_216, %add3A_217 : i32
        %get3A_219 = arith.index_cast %add3A_218 : i32 to index
        %get3A_220 = tpu.vector_load %arg11[%get3A_219] {strides = array<i32>} : memref<16000xf32, #tpu.memory_space<vmem>>, vector<16xf32>,
        %get3A_221 = vector.shape_cast %get3A_220 : vector<16xf32> to vector<16xf32>
        %swap3A_222 = arith.index_cast %scan3A_167 : i32 to index
        %swap3A_223 = arith.constant 64 : index
        %swap3A_224 = tpu.vector_load %arg12[%swap3A_222, %swap3A_223] {strides = array<i32>} : memref<125x128xf32, #tpu.memory_space<vmem>>, vector<1x16xf32>,
        %swap3A_225 = vector.shape_cast %swap3A_224 : vector<1x16xf32> to vector<16xf32>
        %swap3A_226 = vector.shape_cast %get3A_221 : vector<16xf32> to vector<1x16xf32>
        tpu.vector_store %arg12[%swap3A_222, %swap3A_223], %swap3A_226 {strides = array<i32>} : memref<125x128xf32, #tpu.memory_space<vmem>>, vector<1x16xf32>,
        %mul3A_227 = arith.constant 128 : i32
        %mul3A_228 = arith.muli %scan3A_167, %mul3A_227 : i32
        %add3A_229 = arith.constant 80 : i32
        %add3A_230 = arith.addi %mul3A_228, %add3A_229 : i32
        %get3A_231 = arith.index_cast %add3A_230 : i32 to index
        %get3A_232 = tpu.vector_load %arg11[%get3A_231] {strides = array<i32>} : memref<16000xf32, #tpu.memory_space<vmem>>, vector<16xf32>,
        %get3A_233 = vector.shape_cast %get3A_232 : vector<16xf32> to vector<16xf32>
        %swap3A_234 = arith.index_cast %scan3A_167 : i32 to index
        %swap3A_235 = arith.constant 80 : index
        %swap3A_236 = tpu.vector_load %arg12[%swap3A_234, %swap3A_235] {strides = array<i32>} : memref<125x128xf32, #tpu.memory_space<vmem>>, vector<1x16xf32>,
        %swap3A_237 = vector.shape_cast %swap3A_236 : vector<1x16xf32> to vector<16xf32>
        %swap3A_238 = vector.shape_cast %get3A_233 : vector<16xf32> to vector<1x16xf32>
        tpu.vector_store %arg12[%swap3A_234, %swap3A_235], %swap3A_238 {strides = array<i32>} : memref<125x128xf32, #tpu.memory_space<vmem>>, vector<1x16xf32>,
        %mul3A_239 = arith.constant 128 : i32
        %mul3A_240 = arith.muli %scan3A_167, %mul3A_239 : i32
        %add3A_241 = arith.constant 96 : i32
        %add3A_242 = arith.addi %mul3A_240, %add3A_241 : i32
        %get3A_243 = arith.index_cast %add3A_242 : i32 to index
        %get3A_244 = tpu.vector_load %arg11[%get3A_243] {strides = array<i32>} : memref<16000xf32, #tpu.memory_space<vmem>>, vector<16xf32>,
        %get3A_245 = vector.shape_cast %get3A_244 : vector<16xf32> to vector<16xf32>
        %swap3A_246 = arith.index_cast %scan3A_167 : i32 to index
        %swap3A_247 = arith.constant 96 : index
        %swap3A_248 = tpu.vector_load %arg12[%swap3A_246, %swap3A_247] {strides = array<i32>} : memref<125x128xf32, #tpu.memory_space<vmem>>, vector<1x16xf32>,
        %swap3A_249 = vector.shape_cast %swap3A_248 : vector<1x16xf32> to vector<16xf32>
        %swap3A_250 = vector.shape_cast %get3A_245 : vector<16xf32> to vector<1x16xf32>
        tpu.vector_store %arg12[%swap3A_246, %swap3A_247], %swap3A_250 {strides = array<i32>} : memref<125x128xf32, #tpu.memory_space<vmem>>, vector<1x16xf32>,
        %mul3A_251 = arith.constant 128 : i32
        %mul3A_252 = arith.muli %scan3A_167, %mul3A_251 : i32
        %add3A_253 = arith.constant 112 : i32
        %add3A_254 = arith.addi %mul3A_252, %add3A_253 : i32
        %get3A_255 = arith.index_cast %add3A_254 : i32 to index
        %get3A_256 = tpu.vector_load %arg11[%get3A_255] {strides = array<i32>} : memref<16000xf32, #tpu.memory_space<vmem>>, vector<16xf32>,
        %get3A_257 = vector.shape_cast %get3A_256 : vector<16xf32> to vector<16xf32>
        %swap3A_258 = arith.index_cast %scan3A_167 : i32 to index
        %swap3A_259 = arith.constant 112 : index
        %swap3A_260 = tpu.vector_load %arg12[%swap3A_258, %swap3A_259] {strides = array<i32>} : memref<125x128xf32, #tpu.memory_space<vmem>>, vector<1x16xf32>,
        %swap3A_261 = vector.shape_cast %swap3A_260 : vector<1x16xf32> to vector<16xf32>
        %swap3A_262 = vector.shape_cast %get3A_257 : vector<16xf32> to vector<1x16xf32>
        tpu.vector_store %arg12[%swap3A_258, %swap3A_259], %swap3A_262 {strides = array<i32>} : memref<125x128xf32, #tpu.memory_space<vmem>>, vector<1x16xf32>,
        %scan3A_263 = arith.constant 0 : i32
        scf.yield %scan3A_263 : i32
      }
      %scan3A_148 = arith.constant 125 : i32
      %mul3A_149 = arith.constant 125 : i32
      %mul3A_150 = arith.muli %add3A_122, %mul3A_149 : i32
      %run_scoped3A_151 = arith.constant 2 : i32
      %run_scoped3A_152 = arith.constant 1 : i32
      "tpu.region"() ({
        %run_scoped3A_167 = tpu.sem_alloc : memref<!tpu.dma_semaphore, #tpu.memory_space<semaphore_mem>>
        %dma_start3A_168 = arith.constant 0 : i32
        %dma_start3A_169 = arith.constant 0 : i32
        %dma_start3A_170 = arith.constant 0 : i32
        %dma_start3A_171 = tpu.memref_slice %arg8[%run_scoped3A_151, %dma_start3A_168, %dma_start3A_169, %dma_start3A_170] : memref<3x15625x4x128xf32, #tpu.memory_space<hbm>> -> memref<1x15625x4x128xf32, #tpu.memory_space<hbm>>
        %dma_start3A_172 = tpu.memref_squeeze %dma_start3A_171 : memref<1x15625x4x128xf32, #tpu.memory_space<hbm>> -> memref<15625x4x128xf32, #tpu.memory_space<hbm>>
        %dma_start3A_173 = arith.constant 0 : i32
        %dma_start3A_174 = arith.constant 0 : i32
        %dma_start3A_175 = tpu.memref_slice %dma_start3A_172[%mul3A_150, %dma_start3A_173, %dma_start3A_174] : memref<15625x4x128xf32, #tpu.memory_space<hbm>> -> memref<125x4x128xf32, #tpu.memory_space<hbm>>
        %dma_start3A_176 = arith.constant 0 : i32
        %dma_start3A_177 = arith.constant 0 : i32
        %dma_start3A_178 = tpu.memref_slice %dma_start3A_175[%dma_start3A_176, %run_scoped3A_152, %dma_start3A_177] : memref<125x4x128xf32, #tpu.memory_space<hbm>> -> memref<125x1x128xf32, #tpu.memory_space<hbm>>
        %dma_start3A_179 = tpu.memref_squeeze %dma_start3A_178 : memref<125x1x128xf32, #tpu.memory_space<hbm>> -> memref<125x128xf32, #tpu.memory_space<hbm>>
        %dma_start3A_180 = arith.constant 0 : i32
        %dma_start3A_181 = arith.constant 0 : i32
        %dma_start3A_182 = arith.constant 0 : i32
        %dma_start3A_183 = tpu.memref_slice %arg8[%run_scoped3A_151, %dma_start3A_180, %dma_start3A_181, %dma_start3A_182] : memref<3x15625x4x128xf32, #tpu.memory_space<hbm>> -> memref<1x15625x4x128xf32, #tpu.memory_space<hbm>>
        %dma_start3A_184 = tpu.memref_squeeze %dma_start3A_183 : memref<1x15625x4x128xf32, #tpu.memory_space<hbm>> -> memref<15625x4x128xf32, #tpu.memory_space<hbm>>
        %dma_start3A_185 = arith.constant 0 : i32
        %dma_start3A_186 = arith.constant 0 : i32
        %dma_start3A_187 = tpu.memref_slice %dma_start3A_184[%mul3A_150, %dma_start3A_185, %dma_start3A_186] : memref<15625x4x128xf32, #tpu.memory_space<hbm>> -> memref<125x4x128xf32, #tpu.memory_space<hbm>>
        %dma_start3A_188 = arith.constant 0 : i32
        %dma_start3A_189 = arith.constant 0 : i32
        %dma_start3A_190 = tpu.memref_slice %dma_start3A_187[%dma_start3A_188, %run_scoped3A_152, %dma_start3A_189] : memref<125x4x128xf32, #tpu.memory_space<hbm>> -> memref<125x1x128xf32, #tpu.memory_space<hbm>>
        %dma_start3A_191 = tpu.memref_squeeze %dma_start3A_190 : memref<125x1x128xf32, #tpu.memory_space<hbm>> -> memref<125x128xf32, #tpu.memory_space<hbm>>
        tpu.enqueue_dma source(%arg12 : memref<125x128xf32, #tpu.memory_space<vmem>>) target(%dma_start3A_191 : memref<125x128xf32, #tpu.memory_space<hbm>>) target_semaphore(%run_scoped3A_167 : memref<!tpu.dma_semaphore, #tpu.memory_space<semaphore_mem>>)
        %dma_wait3A_192 = arith.constant 0 : i32
        %dma_wait3A_193 = arith.constant 0 : i32
        %dma_wait3A_194 = arith.constant 0 : i32
        %dma_wait3A_195 = tpu.memref_slice %arg8[%run_scoped3A_151, %dma_wait3A_192, %dma_wait3A_193, %dma_wait3A_194] : memref<3x15625x4x128xf32, #tpu.memory_space<hbm>> -> memref<1x15625x4x128xf32, #tpu.memory_space<hbm>>
        %dma_wait3A_196 = tpu.memref_squeeze %dma_wait3A_195 : memref<1x15625x4x128xf32, #tpu.memory_space<hbm>> -> memref<15625x4x128xf32, #tpu.memory_space<hbm>>
        %dma_wait3A_197 = arith.constant 0 : i32
        %dma_wait3A_198 = arith.constant 0 : i32
        %dma_wait3A_199 = tpu.memref_slice %dma_wait3A_196[%mul3A_150, %dma_wait3A_197, %dma_wait3A_198] : memref<15625x4x128xf32, #tpu.memory_space<hbm>> -> memref<125x4x128xf32, #tpu.memory_space<hbm>>
        %dma_wait3A_200 = arith.constant 0 : i32
        %dma_wait3A_201 = arith.constant 0 : i32
        %dma_wait3A_202 = tpu.memref_slice %dma_wait3A_199[%dma_wait3A_200, %run_scoped3A_152, %dma_wait3A_201] : memref<125x4x128xf32, #tpu.memory_space<hbm>> -> memref<125x1x128xf32, #tpu.memory_space<hbm>>
        %dma_wait3A_203 = tpu.memref_squeeze %dma_wait3A_202 : memref<125x1x128xf32, #tpu.memory_space<hbm>> -> memref<125x128xf32, #tpu.memory_space<hbm>>
        %dma_wait3A_204 = arith.constant 0 : i32
        %dma_wait3A_205 = arith.constant 0 : i32
        %dma_wait3A_206 = arith.constant 0 : i32
        %dma_wait3A_207 = tpu.memref_slice %arg8[%run_scoped3A_151, %dma_wait3A_204, %dma_wait3A_205, %dma_wait3A_206] : memref<3x15625x4x128xf32, #tpu.memory_space<hbm>> -> memref<1x15625x4x128xf32, #tpu.memory_space<hbm>>
        %dma_wait3A_208 = tpu.memref_squeeze %dma_wait3A_207 : memref<1x15625x4x128xf32, #tpu.memory_space<hbm>> -> memref<15625x4x128xf32, #tpu.memory_space<hbm>>
        %dma_wait3A_209 = arith.constant 0 : i32
        %dma_wait3A_210 = arith.constant 0 : i32
        %dma_wait3A_211 = tpu.memref_slice %dma_wait3A_208[%mul3A_150, %dma_wait3A_209, %dma_wait3A_210] : memref<15625x4x128xf32, #tpu.memory_space<hbm>> -> memref<125x4x128xf32, #tpu.memory_space<hbm>>
        %dma_wait3A_212 = arith.constant 0 : i32
        %dma_wait3A_213 = arith.constant 0 : i32
        %dma_wait3A_214 = tpu.memref_slice %dma_wait3A_211[%dma_wait3A_212, %run_scoped3A_152, %dma_wait3A_213] : memref<125x4x128xf32, #tpu.memory_space<hbm>> -> memref<125x1x128xf32, #tpu.memory_space<hbm>>
        %dma_wait3A_215 = tpu.memref_squeeze %dma_wait3A_214 : memref<125x1x128xf32, #tpu.memory_space<hbm>> -> memref<125x128xf32, #tpu.memory_space<hbm>>
        tpu.wait_dma2 semaphore(%run_scoped3A_167 : memref<!tpu.dma_semaphore, #tpu.memory_space<semaphore_mem>>) src(%arg12 : memref<125x128xf32, #tpu.memory_space<vmem>>) dst(%dma_wait3A_215 : memref<125x128xf32, #tpu.memory_space<hbm>>)
        tpu.yield
      }) : () -> ()
      %dma_wait3A_153 = arith.constant 0 : i32
      %dma_wait3A_154 = tpu.memref_slice %arg7[%dma_wait3A_153] : memref<1000000xf32, #tpu.memory_space<hbm>> -> memref<1000000xf32, #tpu.memory_space<hbm>>
      tpu.wait_indirect_dma semaphore(%arg13 : memref<!tpu.dma_semaphore, #tpu.memory_space<semaphore_mem>>) src(%dma_wait3A_154 : memref<1000000xf32, #tpu.memory_space<hbm>>) dst(%arg10 : memref<16000xf32, #tpu.memory_space<vmem>>)
      %scan3A_155 = arith.constant 0 : i32
      %scan3A_156 = arith.constant 0 : i32
      %scan3A_157 = arith.constant 125 : i32
      %scan3A_158 = arith.addi %scan3A_156, %scan3A_157 : i32
      %scan3A_159 = arith.constant 1 : i32
      %scan3A_160 = scf.for %scan3A_167 = %scan3A_156 to %scan3A_158 step %scan3A_159 iter_args(%scan3A_168 = %scan3A_155) -> (i32)  : i32 {
        %mul3A_169 = arith.constant 128 : i32
        %mul3A_170 = arith.muli %scan3A_167, %mul3A_169 : i32
        %add3A_171 = arith.constant 0 : i32
        %add3A_172 = arith.addi %mul3A_170, %add3A_171 : i32
        %get3A = arith.index_cast %add3A_172 : i32 to index
        %get3A_173 = tpu.vector_load %arg10[%get3A] {strides = array<i32>} : memref<16000xf32, #tpu.memory_space<vmem>>, vector<16xf32>,
        %get3A_174 = vector.shape_cast %get3A_173 : vector<16xf32> to vector<16xf32>
        %swap3A = arith.index_cast %scan3A_167 : i32 to index
        %swap3A_175 = arith.constant 0 : index
        %swap3A_176 = tpu.vector_load %arg12[%swap3A, %swap3A_175] {strides = array<i32>} : memref<125x128xf32, #tpu.memory_space<vmem>>, vector<1x16xf32>,
        %swap3A_177 = vector.shape_cast %swap3A_176 : vector<1x16xf32> to vector<16xf32>
        %swap3A_178 = vector.shape_cast %get3A_174 : vector<16xf32> to vector<1x16xf32>
        tpu.vector_store %arg12[%swap3A, %swap3A_175], %swap3A_178 {strides = array<i32>} : memref<125x128xf32, #tpu.memory_space<vmem>>, vector<1x16xf32>,
        %mul3A_179 = arith.constant 128 : i32
        %mul3A_180 = arith.muli %scan3A_167, %mul3A_179 : i32
        %add3A_181 = arith.constant 16 : i32
        %add3A_182 = arith.addi %mul3A_180, %add3A_181 : i32
        %get3A_183 = arith.index_cast %add3A_182 : i32 to index
        %get3A_184 = tpu.vector_load %arg10[%get3A_183] {strides = array<i32>} : memref<16000xf32, #tpu.memory_space<vmem>>, vector<16xf32>,
        %get3A_185 = vector.shape_cast %get3A_184 : vector<16xf32> to vector<16xf32>
        %swap3A_186 = arith.index_cast %scan3A_167 : i32 to index
        %swap3A_187 = arith.constant 16 : index
        %swap3A_188 = tpu.vector_load %arg12[%swap3A_186, %swap3A_187] {strides = array<i32>} : memref<125x128xf32, #tpu.memory_space<vmem>>, vector<1x16xf32>,
        %swap3A_189 = vector.shape_cast %swap3A_188 : vector<1x16xf32> to vector<16xf32>
        %swap3A_190 = vector.shape_cast %get3A_185 : vector<16xf32> to vector<1x16xf32>
        tpu.vector_store %arg12[%swap3A_186, %swap3A_187], %swap3A_190 {strides = array<i32>} : memref<125x128xf32, #tpu.memory_space<vmem>>, vector<1x16xf32>,
        %mul3A_191 = arith.constant 128 : i32
        %mul3A_192 = arith.muli %scan3A_167, %mul3A_191 : i32
        %add3A_193 = arith.constant 32 : i32
        %add3A_194 = arith.addi %mul3A_192, %add3A_193 : i32
        %get3A_195 = arith.index_cast %add3A_194 : i32 to index
        %get3A_196 = tpu.vector_load %arg10[%get3A_195] {strides = array<i32>} : memref<16000xf32, #tpu.memory_space<vmem>>, vector<16xf32>,
        %get3A_197 = vector.shape_cast %get3A_196 : vector<16xf32> to vector<16xf32>
        %swap3A_198 = arith.index_cast %scan3A_167 : i32 to index
        %swap3A_199 = arith.constant 32 : index
        %swap3A_200 = tpu.vector_load %arg12[%swap3A_198, %swap3A_199] {strides = array<i32>} : memref<125x128xf32, #tpu.memory_space<vmem>>, vector<1x16xf32>,
        %swap3A_201 = vector.shape_cast %swap3A_200 : vector<1x16xf32> to vector<16xf32>
        %swap3A_202 = vector.shape_cast %get3A_197 : vector<16xf32> to vector<1x16xf32>
        tpu.vector_store %arg12[%swap3A_198, %swap3A_199], %swap3A_202 {strides = array<i32>} : memref<125x128xf32, #tpu.memory_space<vmem>>, vector<1x16xf32>,
        %mul3A_203 = arith.constant 128 : i32
        %mul3A_204 = arith.muli %scan3A_167, %mul3A_203 : i32
        %add3A_205 = arith.constant 48 : i32
        %add3A_206 = arith.addi %mul3A_204, %add3A_205 : i32
        %get3A_207 = arith.index_cast %add3A_206 : i32 to index
        %get3A_208 = tpu.vector_load %arg10[%get3A_207] {strides = array<i32>} : memref<16000xf32, #tpu.memory_space<vmem>>, vector<16xf32>,
        %get3A_209 = vector.shape_cast %get3A_208 : vector<16xf32> to vector<16xf32>
        %swap3A_210 = arith.index_cast %scan3A_167 : i32 to index
        %swap3A_211 = arith.constant 48 : index
        %swap3A_212 = tpu.vector_load %arg12[%swap3A_210, %swap3A_211] {strides = array<i32>} : memref<125x128xf32, #tpu.memory_space<vmem>>, vector<1x16xf32>,
        %swap3A_213 = vector.shape_cast %swap3A_212 : vector<1x16xf32> to vector<16xf32>
        %swap3A_214 = vector.shape_cast %get3A_209 : vector<16xf32> to vector<1x16xf32>
        tpu.vector_store %arg12[%swap3A_210, %swap3A_211], %swap3A_214 {strides = array<i32>} : memref<125x128xf32, #tpu.memory_space<vmem>>, vector<1x16xf32>,
        %mul3A_215 = arith.constant 128 : i32
        %mul3A_216 = arith.muli %scan3A_167, %mul3A_215 : i32
        %add3A_217 = arith.constant 64 : i32
        %add3A_218 = arith.addi %mul3A_216, %add3A_217 : i32
        %get3A_219 = arith.index_cast %add3A_218 : i32 to index
        %get3A_220 = tpu.vector_load %arg10[%get3A_219] {strides = array<i32>} : memref<16000xf32, #tpu.memory_space<vmem>>, vector<16xf32>,
        %get3A_221 = vector.shape_cast %get3A_220 : vector<16xf32> to vector<16xf32>
        %swap3A_222 = arith.index_cast %scan3A_167 : i32 to index
        %swap3A_223 = arith.constant 64 : index
        %swap3A_224 = tpu.vector_load %arg12[%swap3A_222, %swap3A_223] {strides = array<i32>} : memref<125x128xf32, #tpu.memory_space<vmem>>, vector<1x16xf32>,
        %swap3A_225 = vector.shape_cast %swap3A_224 : vector<1x16xf32> to vector<16xf32>
        %swap3A_226 = vector.shape_cast %get3A_221 : vector<16xf32> to vector<1x16xf32>
        tpu.vector_store %arg12[%swap3A_222, %swap3A_223], %swap3A_226 {strides = array<i32>} : memref<125x128xf32, #tpu.memory_space<vmem>>, vector<1x16xf32>,
        %mul3A_227 = arith.constant 128 : i32
        %mul3A_228 = arith.muli %scan3A_167, %mul3A_227 : i32
        %add3A_229 = arith.constant 80 : i32
        %add3A_230 = arith.addi %mul3A_228, %add3A_229 : i32
        %get3A_231 = arith.index_cast %add3A_230 : i32 to index
        %get3A_232 = tpu.vector_load %arg10[%get3A_231] {strides = array<i32>} : memref<16000xf32, #tpu.memory_space<vmem>>, vector<16xf32>,
        %get3A_233 = vector.shape_cast %get3A_232 : vector<16xf32> to vector<16xf32>
        %swap3A_234 = arith.index_cast %scan3A_167 : i32 to index
        %swap3A_235 = arith.constant 80 : index
        %swap3A_236 = tpu.vector_load %arg12[%swap3A_234, %swap3A_235] {strides = array<i32>} : memref<125x128xf32, #tpu.memory_space<vmem>>, vector<1x16xf32>,
        %swap3A_237 = vector.shape_cast %swap3A_236 : vector<1x16xf32> to vector<16xf32>
        %swap3A_238 = vector.shape_cast %get3A_233 : vector<16xf32> to vector<1x16xf32>
        tpu.vector_store %arg12[%swap3A_234, %swap3A_235], %swap3A_238 {strides = array<i32>} : memref<125x128xf32, #tpu.memory_space<vmem>>, vector<1x16xf32>,
        %mul3A_239 = arith.constant 128 : i32
        %mul3A_240 = arith.muli %scan3A_167, %mul3A_239 : i32
        %add3A_241 = arith.constant 96 : i32
        %add3A_242 = arith.addi %mul3A_240, %add3A_241 : i32
        %get3A_243 = arith.index_cast %add3A_242 : i32 to index
        %get3A_244 = tpu.vector_load %arg10[%get3A_243] {strides = array<i32>} : memref<16000xf32, #tpu.memory_space<vmem>>, vector<16xf32>,
        %get3A_245 = vector.shape_cast %get3A_244 : vector<16xf32> to vector<16xf32>
        %swap3A_246 = arith.index_cast %scan3A_167 : i32 to index
        %swap3A_247 = arith.constant 96 : index
        %swap3A_248 = tpu.vector_load %arg12[%swap3A_246, %swap3A_247] {strides = array<i32>} : memref<125x128xf32, #tpu.memory_space<vmem>>, vector<1x16xf32>,
        %swap3A_249 = vector.shape_cast %swap3A_248 : vector<1x16xf32> to vector<16xf32>
        %swap3A_250 = vector.shape_cast %get3A_245 : vector<16xf32> to vector<1x16xf32>
        tpu.vector_store %arg12[%swap3A_246, %swap3A_247], %swap3A_250 {strides = array<i32>} : memref<125x128xf32, #tpu.memory_space<vmem>>, vector<1x16xf32>,
        %mul3A_251 = arith.constant 128 : i32
        %mul3A_252 = arith.muli %scan3A_167, %mul3A_251 : i32
        %add3A_253 = arith.constant 112 : i32
        %add3A_254 = arith.addi %mul3A_252, %add3A_253 : i32
        %get3A_255 = arith.index_cast %add3A_254 : i32 to index
        %get3A_256 = tpu.vector_load %arg10[%get3A_255] {strides = array<i32>} : memref<16000xf32, #tpu.memory_space<vmem>>, vector<16xf32>,
        %get3A_257 = vector.shape_cast %get3A_256 : vector<16xf32> to vector<16xf32>
        %swap3A_258 = arith.index_cast %scan3A_167 : i32 to index
        %swap3A_259 = arith.constant 112 : index
        %swap3A_260 = tpu.vector_load %arg12[%swap3A_258, %swap3A_259] {strides = array<i32>} : memref<125x128xf32, #tpu.memory_space<vmem>>, vector<1x16xf32>,
        %swap3A_261 = vector.shape_cast %swap3A_260 : vector<1x16xf32> to vector<16xf32>
        %swap3A_262 = vector.shape_cast %get3A_257 : vector<16xf32> to vector<1x16xf32>
        tpu.vector_store %arg12[%swap3A_258, %swap3A_259], %swap3A_262 {strides = array<i32>} : memref<125x128xf32, #tpu.memory_space<vmem>>, vector<1x16xf32>,
        %scan3A_263 = arith.constant 0 : i32
        scf.yield %scan3A_263 : i32
      }
      %scan3A_161 = arith.constant 125 : i32
      %mul3A_162 = arith.constant 125 : i32
      %mul3A_163 = arith.muli %add3A_122, %mul3A_162 : i32
      %run_scoped3A_164 = arith.constant 2 : i32
      %run_scoped3A_165 = arith.constant 2 : i32
      "tpu.region"() ({
        %run_scoped3A_167 = tpu.sem_alloc : memref<!tpu.dma_semaphore, #tpu.memory_space<semaphore_mem>>
        %dma_start3A_168 = arith.constant 0 : i32
        %dma_start3A_169 = arith.constant 0 : i32
        %dma_start3A_170 = arith.constant 0 : i32
        %dma_start3A_171 = tpu.memref_slice %arg8[%run_scoped3A_164, %dma_start3A_168, %dma_start3A_169, %dma_start3A_170] : memref<3x15625x4x128xf32, #tpu.memory_space<hbm>> -> memref<1x15625x4x128xf32, #tpu.memory_space<hbm>>
        %dma_start3A_172 = tpu.memref_squeeze %dma_start3A_171 : memref<1x15625x4x128xf32, #tpu.memory_space<hbm>> -> memref<15625x4x128xf32, #tpu.memory_space<hbm>>
        %dma_start3A_173 = arith.constant 0 : i32
        %dma_start3A_174 = arith.constant 0 : i32
        %dma_start3A_175 = tpu.memref_slice %dma_start3A_172[%mul3A_163, %dma_start3A_173, %dma_start3A_174] : memref<15625x4x128xf32, #tpu.memory_space<hbm>> -> memref<125x4x128xf32, #tpu.memory_space<hbm>>
        %dma_start3A_176 = arith.constant 0 : i32
        %dma_start3A_177 = arith.constant 0 : i32
        %dma_start3A_178 = tpu.memref_slice %dma_start3A_175[%dma_start3A_176, %run_scoped3A_165, %dma_start3A_177] : memref<125x4x128xf32, #tpu.memory_space<hbm>> -> memref<125x1x128xf32, #tpu.memory_space<hbm>>
        %dma_start3A_179 = tpu.memref_squeeze %dma_start3A_178 : memref<125x1x128xf32, #tpu.memory_space<hbm>> -> memref<125x128xf32, #tpu.memory_space<hbm>>
        %dma_start3A_180 = arith.constant 0 : i32
        %dma_start3A_181 = arith.constant 0 : i32
        %dma_start3A_182 = arith.constant 0 : i32
        %dma_start3A_183 = tpu.memref_slice %arg8[%run_scoped3A_164, %dma_start3A_180, %dma_start3A_181, %dma_start3A_182] : memref<3x15625x4x128xf32, #tpu.memory_space<hbm>> -> memref<1x15625x4x128xf32, #tpu.memory_space<hbm>>
        %dma_start3A_184 = tpu.memref_squeeze %dma_start3A_183 : memref<1x15625x4x128xf32, #tpu.memory_space<hbm>> -> memref<15625x4x128xf32, #tpu.memory_space<hbm>>
        %dma_start3A_185 = arith.constant 0 : i32
        %dma_start3A_186 = arith.constant 0 : i32
        %dma_start3A_187 = tpu.memref_slice %dma_start3A_184[%mul3A_163, %dma_start3A_185, %dma_start3A_186] : memref<15625x4x128xf32, #tpu.memory_space<hbm>> -> memref<125x4x128xf32, #tpu.memory_space<hbm>>
        %dma_start3A_188 = arith.constant 0 : i32
        %dma_start3A_189 = arith.constant 0 : i32
        %dma_start3A_190 = tpu.memref_slice %dma_start3A_187[%dma_start3A_188, %run_scoped3A_165, %dma_start3A_189] : memref<125x4x128xf32, #tpu.memory_space<hbm>> -> memref<125x1x128xf32, #tpu.memory_space<hbm>>
        %dma_start3A_191 = tpu.memref_squeeze %dma_start3A_190 : memref<125x1x128xf32, #tpu.memory_space<hbm>> -> memref<125x128xf32, #tpu.memory_space<hbm>>
        tpu.enqueue_dma source(%arg12 : memref<125x128xf32, #tpu.memory_space<vmem>>) target(%dma_start3A_191 : memref<125x128xf32, #tpu.memory_space<hbm>>) target_semaphore(%run_scoped3A_167 : memref<!tpu.dma_semaphore, #tpu.memory_space<semaphore_mem>>)
        %dma_wait3A_192 = arith.constant 0 : i32
        %dma_wait3A_193 = arith.constant 0 : i32
        %dma_wait3A_194 = arith.constant 0 : i32
        %dma_wait3A_195 = tpu.memref_slice %arg8[%run_scoped3A_164, %dma_wait3A_192, %dma_wait3A_193, %dma_wait3A_194] : memref<3x15625x4x128xf32, #tpu.memory_space<hbm>> -> memref<1x15625x4x128xf32, #tpu.memory_space<hbm>>
        %dma_wait3A_196 = tpu.memref_squeeze %dma_wait3A_195 : memref<1x15625x4x128xf32, #tpu.memory_space<hbm>> -> memref<15625x4x128xf32, #tpu.memory_space<hbm>>
        %dma_wait3A_197 = arith.constant 0 : i32
        %dma_wait3A_198 = arith.constant 0 : i32
        %dma_wait3A_199 = tpu.memref_slice %dma_wait3A_196[%mul3A_163, %dma_wait3A_197, %dma_wait3A_198] : memref<15625x4x128xf32, #tpu.memory_space<hbm>> -> memref<125x4x128xf32, #tpu.memory_space<hbm>>
        %dma_wait3A_200 = arith.constant 0 : i32
        %dma_wait3A_201 = arith.constant 0 : i32
        %dma_wait3A_202 = tpu.memref_slice %dma_wait3A_199[%dma_wait3A_200, %run_scoped3A_165, %dma_wait3A_201] : memref<125x4x128xf32, #tpu.memory_space<hbm>> -> memref<125x1x128xf32, #tpu.memory_space<hbm>>
        %dma_wait3A_203 = tpu.memref_squeeze %dma_wait3A_202 : memref<125x1x128xf32, #tpu.memory_space<hbm>> -> memref<125x128xf32, #tpu.memory_space<hbm>>
        %dma_wait3A_204 = arith.constant 0 : i32
        %dma_wait3A_205 = arith.constant 0 : i32
        %dma_wait3A_206 = arith.constant 0 : i32
        %dma_wait3A_207 = tpu.memref_slice %arg8[%run_scoped3A_164, %dma_wait3A_204, %dma_wait3A_205, %dma_wait3A_206] : memref<3x15625x4x128xf32, #tpu.memory_space<hbm>> -> memref<1x15625x4x128xf32, #tpu.memory_space<hbm>>
        %dma_wait3A_208 = tpu.memref_squeeze %dma_wait3A_207 : memref<1x15625x4x128xf32, #tpu.memory_space<hbm>> -> memref<15625x4x128xf32, #tpu.memory_space<hbm>>
        %dma_wait3A_209 = arith.constant 0 : i32
        %dma_wait3A_210 = arith.constant 0 : i32
        %dma_wait3A_211 = tpu.memref_slice %dma_wait3A_208[%mul3A_163, %dma_wait3A_209, %dma_wait3A_210] : memref<15625x4x128xf32, #tpu.memory_space<hbm>> -> memref<125x4x128xf32, #tpu.memory_space<hbm>>
        %dma_wait3A_212 = arith.constant 0 : i32
        %dma_wait3A_213 = arith.constant 0 : i32
        %dma_wait3A_214 = tpu.memref_slice %dma_wait3A_211[%dma_wait3A_212, %run_scoped3A_165, %dma_wait3A_213] : memref<125x4x128xf32, #tpu.memory_space<hbm>> -> memref<125x1x128xf32, #tpu.memory_space<hbm>>
        %dma_wait3A_215 = tpu.memref_squeeze %dma_wait3A_214 : memref<125x1x128xf32, #tpu.memory_space<hbm>> -> memref<125x128xf32, #tpu.memory_space<hbm>>
        tpu.wait_dma2 semaphore(%run_scoped3A_167 : memref<!tpu.dma_semaphore, #tpu.memory_space<semaphore_mem>>) src(%arg12 : memref<125x128xf32, #tpu.memory_space<vmem>>) dst(%dma_wait3A_215 : memref<125x128xf32, #tpu.memory_space<hbm>>)
        tpu.yield
      }) : () -> ()
      %while3A_166 = arith.constant 0 : i32
      scf.yield %while3A_166 : i32
    }
    %while3A_116 = arith.constant 1 : i32
    %while3A_117 = scf.for %while3A_118 = %while3A_113 to %while3A_109 step %while3A_116 iter_args(%while3A_119 = %while3A_115) -> (i32)  : i32 {
      %mul3A_120 = arith.constant 32 : i32
      %mul3A_121 = arith.muli %while3A_118, %mul3A_120 : i32
      %add3A_122 = arith.addi %add3A, %mul3A_121 : i32
      %mul3A_123 = arith.constant 16000 : i32
      %mul3A_124 = arith.muli %add3A_122, %mul3A_123 : i32
      "tpu.region"() ({
        %run_scoped3A_167 = tpu.sem_alloc : memref<!tpu.dma_semaphore, #tpu.memory_space<semaphore_mem>>
        %dma_start3A_168 = tpu.memref_slice %arg4[%mul3A_124] : memref<2000000xi32, #tpu.memory_space<hbm>> -> memref<16000xi32, #tpu.memory_space<hbm>>
        %dma_start3A_169 = tpu.memref_slice %arg4[%mul3A_124] : memref<2000000xi32, #tpu.memory_space<hbm>> -> memref<16000xi32, #tpu.memory_space<hbm>>
        tpu.enqueue_dma source(%dma_start3A_169 : memref<16000xi32, #tpu.memory_space<hbm>>) target(%arg9 : memref<16000xi32, #tpu.memory_space<vmem>>) target_semaphore(%run_scoped3A_167 : memref<!tpu.dma_semaphore, #tpu.memory_space<semaphore_mem>>)
        %dma_wait3A_170 = tpu.memref_slice %arg4[%mul3A_124] : memref<2000000xi32, #tpu.memory_space<hbm>> -> memref<16000xi32, #tpu.memory_space<hbm>>
        %dma_wait3A_171 = tpu.memref_slice %arg4[%mul3A_124] : memref<2000000xi32, #tpu.memory_space<hbm>> -> memref<16000xi32, #tpu.memory_space<hbm>>
        tpu.wait_dma2 semaphore(%run_scoped3A_167 : memref<!tpu.dma_semaphore, #tpu.memory_space<semaphore_mem>>) src(%dma_wait3A_171 : memref<16000xi32, #tpu.memory_space<hbm>>) dst(%arg9 : memref<16000xi32, #tpu.memory_space<vmem>>)
        tpu.yield
      }) : () -> ()
      %dma_start3A = arith.constant 0 : i32
      %dma_start3A_125 = tpu.memref_slice %arg5[%dma_start3A] : memref<1000000xf32, #tpu.memory_space<hbm>> -> memref<1000000xf32, #tpu.memory_space<hbm>>
      tpu.enqueue_indirect_dma source(%dma_start3A_125 : memref<1000000xf32, #tpu.memory_space<hbm>>) target(%arg10 : memref<16000xf32, #tpu.memory_space<vmem>>) offsets(%arg9 : memref<16000xi32, #tpu.memory_space<vmem>>) semaphore(%arg13 : memref<!tpu.dma_semaphore, #tpu.memory_space<semaphore_mem>>)
      %dma_wait3A = arith.constant 0 : i32
      %dma_wait3A_126 = tpu.memref_slice %arg5[%dma_wait3A] : memref<1000000xf32, #tpu.memory_space<hbm>> -> memref<1000000xf32, #tpu.memory_space<hbm>>
      tpu.wait_indirect_dma semaphore(%arg13 : memref<!tpu.dma_semaphore, #tpu.memory_space<semaphore_mem>>) src(%dma_wait3A_126 : memref<1000000xf32, #tpu.memory_space<hbm>>) dst(%arg10 : memref<16000xf32, #tpu.memory_space<vmem>>)
      %dma_start3A_127 = arith.constant 0 : i32
      %dma_start3A_128 = tpu.memref_slice %arg6[%dma_start3A_127] : memref<1000000xf32, #tpu.memory_space<hbm>> -> memref<1000000xf32, #tpu.memory_space<hbm>>
      tpu.enqueue_indirect_dma source(%dma_start3A_128 : memref<1000000xf32, #tpu.memory_space<hbm>>) target(%arg11 : memref<16000xf32, #tpu.memory_space<vmem>>) offsets(%arg9 : memref<16000xi32, #tpu.memory_space<vmem>>) semaphore(%arg13 : memref<!tpu.dma_semaphore, #tpu.memory_space<semaphore_mem>>)
      %scan3A = arith.constant 0 : i32
      %scan3A_129 = arith.constant 0 : i32
      %scan3A_130 = arith.constant 125 : i32
      %scan3A_131 = arith.addi %scan3A_129, %scan3A_130 : i32
      %scan3A_132 = arith.constant 1 : i32
      %scan3A_133 = scf.for %scan3A_167 = %scan3A_129 to %scan3A_131 step %scan3A_132 iter_args(%scan3A_168 = %scan3A) -> (i32)  : i32 {
        %mul3A_169 = arith.constant 128 : i32
        %mul3A_170 = arith.muli %scan3A_167, %mul3A_169 : i32
        %add3A_171 = arith.constant 0 : i32
        %add3A_172 = arith.addi %mul3A_170, %add3A_171 : i32
        %get3A = arith.index_cast %add3A_172 : i32 to index
        %get3A_173 = tpu.vector_load %arg10[%get3A] {strides = array<i32>} : memref<16000xf32, #tpu.memory_space<vmem>>, vector<16xf32>,
        %get3A_174 = vector.shape_cast %get3A_173 : vector<16xf32> to vector<16xf32>
        %swap3A = arith.index_cast %scan3A_167 : i32 to index
        %swap3A_175 = arith.constant 0 : index
        %swap3A_176 = tpu.vector_load %arg12[%swap3A, %swap3A_175] {strides = array<i32>} : memref<125x128xf32, #tpu.memory_space<vmem>>, vector<1x16xf32>,
        %swap3A_177 = vector.shape_cast %swap3A_176 : vector<1x16xf32> to vector<16xf32>
        %swap3A_178 = vector.shape_cast %get3A_174 : vector<16xf32> to vector<1x16xf32>
        tpu.vector_store %arg12[%swap3A, %swap3A_175], %swap3A_178 {strides = array<i32>} : memref<125x128xf32, #tpu.memory_space<vmem>>, vector<1x16xf32>,
        %mul3A_179 = arith.constant 128 : i32
        %mul3A_180 = arith.muli %scan3A_167, %mul3A_179 : i32
        %add3A_181 = arith.constant 16 : i32
        %add3A_182 = arith.addi %mul3A_180, %add3A_181 : i32
        %get3A_183 = arith.index_cast %add3A_182 : i32 to index
        %get3A_184 = tpu.vector_load %arg10[%get3A_183] {strides = array<i32>} : memref<16000xf32, #tpu.memory_space<vmem>>, vector<16xf32>,
        %get3A_185 = vector.shape_cast %get3A_184 : vector<16xf32> to vector<16xf32>
        %swap3A_186 = arith.index_cast %scan3A_167 : i32 to index
        %swap3A_187 = arith.constant 16 : index
        %swap3A_188 = tpu.vector_load %arg12[%swap3A_186, %swap3A_187] {strides = array<i32>} : memref<125x128xf32, #tpu.memory_space<vmem>>, vector<1x16xf32>,
        %swap3A_189 = vector.shape_cast %swap3A_188 : vector<1x16xf32> to vector<16xf32>
        %swap3A_190 = vector.shape_cast %get3A_185 : vector<16xf32> to vector<1x16xf32>
        tpu.vector_store %arg12[%swap3A_186, %swap3A_187], %swap3A_190 {strides = array<i32>} : memref<125x128xf32, #tpu.memory_space<vmem>>, vector<1x16xf32>,
        %mul3A_191 = arith.constant 128 : i32
        %mul3A_192 = arith.muli %scan3A_167, %mul3A_191 : i32
        %add3A_193 = arith.constant 32 : i32
        %add3A_194 = arith.addi %mul3A_192, %add3A_193 : i32
        %get3A_195 = arith.index_cast %add3A_194 : i32 to index
        %get3A_196 = tpu.vector_load %arg10[%get3A_195] {strides = array<i32>} : memref<16000xf32, #tpu.memory_space<vmem>>, vector<16xf32>,
        %get3A_197 = vector.shape_cast %get3A_196 : vector<16xf32> to vector<16xf32>
        %swap3A_198 = arith.index_cast %scan3A_167 : i32 to index
        %swap3A_199 = arith.constant 32 : index
        %swap3A_200 = tpu.vector_load %arg12[%swap3A_198, %swap3A_199] {strides = array<i32>} : memref<125x128xf32, #tpu.memory_space<vmem>>, vector<1x16xf32>,
        %swap3A_201 = vector.shape_cast %swap3A_200 : vector<1x16xf32> to vector<16xf32>
        %swap3A_202 = vector.shape_cast %get3A_197 : vector<16xf32> to vector<1x16xf32>
        tpu.vector_store %arg12[%swap3A_198, %swap3A_199], %swap3A_202 {strides = array<i32>} : memref<125x128xf32, #tpu.memory_space<vmem>>, vector<1x16xf32>,
        %mul3A_203 = arith.constant 128 : i32
        %mul3A_204 = arith.muli %scan3A_167, %mul3A_203 : i32
        %add3A_205 = arith.constant 48 : i32
        %add3A_206 = arith.addi %mul3A_204, %add3A_205 : i32
        %get3A_207 = arith.index_cast %add3A_206 : i32 to index
        %get3A_208 = tpu.vector_load %arg10[%get3A_207] {strides = array<i32>} : memref<16000xf32, #tpu.memory_space<vmem>>, vector<16xf32>,
        %get3A_209 = vector.shape_cast %get3A_208 : vector<16xf32> to vector<16xf32>
        %swap3A_210 = arith.index_cast %scan3A_167 : i32 to index
        %swap3A_211 = arith.constant 48 : index
        %swap3A_212 = tpu.vector_load %arg12[%swap3A_210, %swap3A_211] {strides = array<i32>} : memref<125x128xf32, #tpu.memory_space<vmem>>, vector<1x16xf32>,
        %swap3A_213 = vector.shape_cast %swap3A_212 : vector<1x16xf32> to vector<16xf32>
        %swap3A_214 = vector.shape_cast %get3A_209 : vector<16xf32> to vector<1x16xf32>
        tpu.vector_store %arg12[%swap3A_210, %swap3A_211], %swap3A_214 {strides = array<i32>} : memref<125x128xf32, #tpu.memory_space<vmem>>, vector<1x16xf32>,
        %mul3A_215 = arith.constant 128 : i32
        %mul3A_216 = arith.muli %scan3A_167, %mul3A_215 : i32
        %add3A_217 = arith.constant 64 : i32
        %add3A_218 = arith.addi %mul3A_216, %add3A_217 : i32
        %get3A_219 = arith.index_cast %add3A_218 : i32 to index
        %get3A_220 = tpu.vector_load %arg10[%get3A_219] {strides = array<i32>} : memref<16000xf32, #tpu.memory_space<vmem>>, vector<16xf32>,
        %get3A_221 = vector.shape_cast %get3A_220 : vector<16xf32> to vector<16xf32>
        %swap3A_222 = arith.index_cast %scan3A_167 : i32 to index
        %swap3A_223 = arith.constant 64 : index
        %swap3A_224 = tpu.vector_load %arg12[%swap3A_222, %swap3A_223] {strides = array<i32>} : memref<125x128xf32, #tpu.memory_space<vmem>>, vector<1x16xf32>,
        %swap3A_225 = vector.shape_cast %swap3A_224 : vector<1x16xf32> to vector<16xf32>
        %swap3A_226 = vector.shape_cast %get3A_221 : vector<16xf32> to vector<1x16xf32>
        tpu.vector_store %arg12[%swap3A_222, %swap3A_223], %swap3A_226 {strides = array<i32>} : memref<125x128xf32, #tpu.memory_space<vmem>>, vector<1x16xf32>,
        %mul3A_227 = arith.constant 128 : i32
        %mul3A_228 = arith.muli %scan3A_167, %mul3A_227 : i32
        %add3A_229 = arith.constant 80 : i32
        %add3A_230 = arith.addi %mul3A_228, %add3A_229 : i32
        %get3A_231 = arith.index_cast %add3A_230 : i32 to index
        %get3A_232 = tpu.vector_load %arg10[%get3A_231] {strides = array<i32>} : memref<16000xf32, #tpu.memory_space<vmem>>, vector<16xf32>,
        %get3A_233 = vector.shape_cast %get3A_232 : vector<16xf32> to vector<16xf32>
        %swap3A_234 = arith.index_cast %scan3A_167 : i32 to index
        %swap3A_235 = arith.constant 80 : index
        %swap3A_236 = tpu.vector_load %arg12[%swap3A_234, %swap3A_235] {strides = array<i32>} : memref<125x128xf32, #tpu.memory_space<vmem>>, vector<1x16xf32>,
        %swap3A_237 = vector.shape_cast %swap3A_236 : vector<1x16xf32> to vector<16xf32>
        %swap3A_238 = vector.shape_cast %get3A_233 : vector<16xf32> to vector<1x16xf32>
        tpu.vector_store %arg12[%swap3A_234, %swap3A_235], %swap3A_238 {strides = array<i32>} : memref<125x128xf32, #tpu.memory_space<vmem>>, vector<1x16xf32>,
        %mul3A_239 = arith.constant 128 : i32
        %mul3A_240 = arith.muli %scan3A_167, %mul3A_239 : i32
        %add3A_241 = arith.constant 96 : i32
        %add3A_242 = arith.addi %mul3A_240, %add3A_241 : i32
        %get3A_243 = arith.index_cast %add3A_242 : i32 to index
        %get3A_244 = tpu.vector_load %arg10[%get3A_243] {strides = array<i32>} : memref<16000xf32, #tpu.memory_space<vmem>>, vector<16xf32>,
        %get3A_245 = vector.shape_cast %get3A_244 : vector<16xf32> to vector<16xf32>
        %swap3A_246 = arith.index_cast %scan3A_167 : i32 to index
        %swap3A_247 = arith.constant 96 : index
        %swap3A_248 = tpu.vector_load %arg12[%swap3A_246, %swap3A_247] {strides = array<i32>} : memref<125x128xf32, #tpu.memory_space<vmem>>, vector<1x16xf32>,
        %swap3A_249 = vector.shape_cast %swap3A_248 : vector<1x16xf32> to vector<16xf32>
        %swap3A_250 = vector.shape_cast %get3A_245 : vector<16xf32> to vector<1x16xf32>
        tpu.vector_store %arg12[%swap3A_246, %swap3A_247], %swap3A_250 {strides = array<i32>} : memref<125x128xf32, #tpu.memory_space<vmem>>, vector<1x16xf32>,
        %mul3A_251 = arith.constant 128 : i32
        %mul3A_252 = arith.muli %scan3A_167, %mul3A_251 : i32
        %add3A_253 = arith.constant 112 : i32
        %add3A_254 = arith.addi %mul3A_252, %add3A_253 : i32
        %get3A_255 = arith.index_cast %add3A_254 : i32 to index
        %get3A_256 = tpu.vector_load %arg10[%get3A_255] {strides = array<i32>} : memref<16000xf32, #tpu.memory_space<vmem>>, vector<16xf32>,
        %get3A_257 = vector.shape_cast %get3A_256 : vector<16xf32> to vector<16xf32>
        %swap3A_258 = arith.index_cast %scan3A_167 : i32 to index
        %swap3A_259 = arith.constant 112 : index
        %swap3A_260 = tpu.vector_load %arg12[%swap3A_258, %swap3A_259] {strides = array<i32>} : memref<125x128xf32, #tpu.memory_space<vmem>>, vector<1x16xf32>,
        %swap3A_261 = vector.shape_cast %swap3A_260 : vector<1x16xf32> to vector<16xf32>
        %swap3A_262 = vector.shape_cast %get3A_257 : vector<16xf32> to vector<1x16xf32>
        tpu.vector_store %arg12[%swap3A_258, %swap3A_259], %swap3A_262 {strides = array<i32>} : memref<125x128xf32, #tpu.memory_space<vmem>>, vector<1x16xf32>,
        %scan3A_263 = arith.constant 0 : i32
        scf.yield %scan3A_263 : i32
      }
      %scan3A_134 = arith.constant 125 : i32
      %mul3A_135 = arith.constant 125 : i32
      %mul3A_136 = arith.muli %add3A_122, %mul3A_135 : i32
      %run_scoped3A = arith.constant 2 : i32
      %run_scoped3A_137 = arith.constant 0 : i32
      "tpu.region"() ({
        %run_scoped3A_167 = tpu.sem_alloc : memref<!tpu.dma_semaphore, #tpu.memory_space<semaphore_mem>>
        %dma_start3A_168 = arith.constant 0 : i32
        %dma_start3A_169 = arith.constant 0 : i32
        %dma_start3A_170 = arith.constant 0 : i32
        %dma_start3A_171 = tpu.memref_slice %arg8[%run_scoped3A, %dma_start3A_168, %dma_start3A_169, %dma_start3A_170] : memref<3x15625x4x128xf32, #tpu.memory_space<hbm>> -> memref<1x15625x4x128xf32, #tpu.memory_space<hbm>>
        %dma_start3A_172 = tpu.memref_squeeze %dma_start3A_171 : memref<1x15625x4x128xf32, #tpu.memory_space<hbm>> -> memref<15625x4x128xf32, #tpu.memory_space<hbm>>
        %dma_start3A_173 = arith.constant 0 : i32
        %dma_start3A_174 = arith.constant 0 : i32
        %dma_start3A_175 = tpu.memref_slice %dma_start3A_172[%mul3A_136, %dma_start3A_173, %dma_start3A_174] : memref<15625x4x128xf32, #tpu.memory_space<hbm>> -> memref<125x4x128xf32, #tpu.memory_space<hbm>>
        %dma_start3A_176 = arith.constant 0 : i32
        %dma_start3A_177 = arith.constant 0 : i32
        %dma_start3A_178 = tpu.memref_slice %dma_start3A_175[%dma_start3A_176, %run_scoped3A_137, %dma_start3A_177] : memref<125x4x128xf32, #tpu.memory_space<hbm>> -> memref<125x1x128xf32, #tpu.memory_space<hbm>>
        %dma_start3A_179 = tpu.memref_squeeze %dma_start3A_178 : memref<125x1x128xf32, #tpu.memory_space<hbm>> -> memref<125x128xf32, #tpu.memory_space<hbm>>
        %dma_start3A_180 = arith.constant 0 : i32
        %dma_start3A_181 = arith.constant 0 : i32
        %dma_start3A_182 = arith.constant 0 : i32
        %dma_start3A_183 = tpu.memref_slice %arg8[%run_scoped3A, %dma_start3A_180, %dma_start3A_181, %dma_start3A_182] : memref<3x15625x4x128xf32, #tpu.memory_space<hbm>> -> memref<1x15625x4x128xf32, #tpu.memory_space<hbm>>
        %dma_start3A_184 = tpu.memref_squeeze %dma_start3A_183 : memref<1x15625x4x128xf32, #tpu.memory_space<hbm>> -> memref<15625x4x128xf32, #tpu.memory_space<hbm>>
        %dma_start3A_185 = arith.constant 0 : i32
        %dma_start3A_186 = arith.constant 0 : i32
        %dma_start3A_187 = tpu.memref_slice %dma_start3A_184[%mul3A_136, %dma_start3A_185, %dma_start3A_186] : memref<15625x4x128xf32, #tpu.memory_space<hbm>> -> memref<125x4x128xf32, #tpu.memory_space<hbm>>
        %dma_start3A_188 = arith.constant 0 : i32
        %dma_start3A_189 = arith.constant 0 : i32
        %dma_start3A_190 = tpu.memref_slice %dma_start3A_187[%dma_start3A_188, %run_scoped3A_137, %dma_start3A_189] : memref<125x4x128xf32, #tpu.memory_space<hbm>> -> memref<125x1x128xf32, #tpu.memory_space<hbm>>
        %dma_start3A_191 = tpu.memref_squeeze %dma_start3A_190 : memref<125x1x128xf32, #tpu.memory_space<hbm>> -> memref<125x128xf32, #tpu.memory_space<hbm>>
        tpu.enqueue_dma source(%arg12 : memref<125x128xf32, #tpu.memory_space<vmem>>) target(%dma_start3A_191 : memref<125x128xf32, #tpu.memory_space<hbm>>) target_semaphore(%run_scoped3A_167 : memref<!tpu.dma_semaphore, #tpu.memory_space<semaphore_mem>>)
        %dma_wait3A_192 = arith.constant 0 : i32
        %dma_wait3A_193 = arith.constant 0 : i32
        %dma_wait3A_194 = arith.constant 0 : i32
        %dma_wait3A_195 = tpu.memref_slice %arg8[%run_scoped3A, %dma_wait3A_192, %dma_wait3A_193, %dma_wait3A_194] : memref<3x15625x4x128xf32, #tpu.memory_space<hbm>> -> memref<1x15625x4x128xf32, #tpu.memory_space<hbm>>
        %dma_wait3A_196 = tpu.memref_squeeze %dma_wait3A_195 : memref<1x15625x4x128xf32, #tpu.memory_space<hbm>> -> memref<15625x4x128xf32, #tpu.memory_space<hbm>>
        %dma_wait3A_197 = arith.constant 0 : i32
        %dma_wait3A_198 = arith.constant 0 : i32
        %dma_wait3A_199 = tpu.memref_slice %dma_wait3A_196[%mul3A_136, %dma_wait3A_197, %dma_wait3A_198] : memref<15625x4x128xf32, #tpu.memory_space<hbm>> -> memref<125x4x128xf32, #tpu.memory_space<hbm>>
        %dma_wait3A_200 = arith.constant 0 : i32
        %dma_wait3A_201 = arith.constant 0 : i32
        %dma_wait3A_202 = tpu.memref_slice %dma_wait3A_199[%dma_wait3A_200, %run_scoped3A_137, %dma_wait3A_201] : memref<125x4x128xf32, #tpu.memory_space<hbm>> -> memref<125x1x128xf32, #tpu.memory_space<hbm>>
        %dma_wait3A_203 = tpu.memref_squeeze %dma_wait3A_202 : memref<125x1x128xf32, #tpu.memory_space<hbm>> -> memref<125x128xf32, #tpu.memory_space<hbm>>
        %dma_wait3A_204 = arith.constant 0 : i32
        %dma_wait3A_205 = arith.constant 0 : i32
        %dma_wait3A_206 = arith.constant 0 : i32
        %dma_wait3A_207 = tpu.memref_slice %arg8[%run_scoped3A, %dma_wait3A_204, %dma_wait3A_205, %dma_wait3A_206] : memref<3x15625x4x128xf32, #tpu.memory_space<hbm>> -> memref<1x15625x4x128xf32, #tpu.memory_space<hbm>>
        %dma_wait3A_208 = tpu.memref_squeeze %dma_wait3A_207 : memref<1x15625x4x128xf32, #tpu.memory_space<hbm>> -> memref<15625x4x128xf32, #tpu.memory_space<hbm>>
        %dma_wait3A_209 = arith.constant 0 : i32
        %dma_wait3A_210 = arith.constant 0 : i32
        %dma_wait3A_211 = tpu.memref_slice %dma_wait3A_208[%mul3A_136, %dma_wait3A_209, %dma_wait3A_210] : memref<15625x4x128xf32, #tpu.memory_space<hbm>> -> memref<125x4x128xf32, #tpu.memory_space<hbm>>
        %dma_wait3A_212 = arith.constant 0 : i32
        %dma_wait3A_213 = arith.constant 0 : i32
        %dma_wait3A_214 = tpu.memref_slice %dma_wait3A_211[%dma_wait3A_212, %run_scoped3A_137, %dma_wait3A_213] : memref<125x4x128xf32, #tpu.memory_space<hbm>> -> memref<125x1x128xf32, #tpu.memory_space<hbm>>
        %dma_wait3A_215 = tpu.memref_squeeze %dma_wait3A_214 : memref<125x1x128xf32, #tpu.memory_space<hbm>> -> memref<125x128xf32, #tpu.memory_space<hbm>>
        tpu.wait_dma2 semaphore(%run_scoped3A_167 : memref<!tpu.dma_semaphore, #tpu.memory_space<semaphore_mem>>) src(%arg12 : memref<125x128xf32, #tpu.memory_space<vmem>>) dst(%dma_wait3A_215 : memref<125x128xf32, #tpu.memory_space<hbm>>)
        tpu.yield
      }) : () -> ()
      %dma_wait3A_138 = arith.constant 0 : i32
      %dma_wait3A_139 = tpu.memref_slice %arg6[%dma_wait3A_138] : memref<1000000xf32, #tpu.memory_space<hbm>> -> memref<1000000xf32, #tpu.memory_space<hbm>>
      tpu.wait_indirect_dma semaphore(%arg13 : memref<!tpu.dma_semaphore, #tpu.memory_space<semaphore_mem>>) src(%dma_wait3A_139 : memref<1000000xf32, #tpu.memory_space<hbm>>) dst(%arg11 : memref<16000xf32, #tpu.memory_space<vmem>>)
      %dma_start3A_140 = arith.constant 0 : i32
      %dma_start3A_141 = tpu.memref_slice %arg7[%dma_start3A_140] : memref<1000000xf32, #tpu.memory_space<hbm>> -> memref<1000000xf32, #tpu.memory_space<hbm>>
      tpu.enqueue_indirect_dma source(%dma_start3A_141 : memref<1000000xf32, #tpu.memory_space<hbm>>) target(%arg10 : memref<16000xf32, #tpu.memory_space<vmem>>) offsets(%arg9 : memref<16000xi32, #tpu.memory_space<vmem>>) semaphore(%arg13 : memref<!tpu.dma_semaphore, #tpu.memory_space<semaphore_mem>>)
      %scan3A_142 = arith.constant 0 : i32
      %scan3A_143 = arith.constant 0 : i32
      %scan3A_144 = arith.constant 125 : i32
      %scan3A_145 = arith.addi %scan3A_143, %scan3A_144 : i32
      %scan3A_146 = arith.constant 1 : i32
      %scan3A_147 = scf.for %scan3A_167 = %scan3A_143 to %scan3A_145 step %scan3A_146 iter_args(%scan3A_168 = %scan3A_142) -> (i32)  : i32 {
        %mul3A_169 = arith.constant 128 : i32
        %mul3A_170 = arith.muli %scan3A_167, %mul3A_169 : i32
        %add3A_171 = arith.constant 0 : i32
        %add3A_172 = arith.addi %mul3A_170, %add3A_171 : i32
        %get3A = arith.index_cast %add3A_172 : i32 to index
        %get3A_173 = tpu.vector_load %arg11[%get3A] {strides = array<i32>} : memref<16000xf32, #tpu.memory_space<vmem>>, vector<16xf32>,
        %get3A_174 = vector.shape_cast %get3A_173 : vector<16xf32> to vector<16xf32>
        %swap3A = arith.index_cast %scan3A_167 : i32 to index
        %swap3A_175 = arith.constant 0 : index
        %swap3A_176 = tpu.vector_load %arg12[%swap3A, %swap3A_175] {strides = array<i32>} : memref<125x128xf32, #tpu.memory_space<vmem>>, vector<1x16xf32>,
        %swap3A_177 = vector.shape_cast %swap3A_176 : vector<1x16xf32> to vector<16xf32>
        %swap3A_178 = vector.shape_cast %get3A_174 : vector<16xf32> to vector<1x16xf32>
        tpu.vector_store %arg12[%swap3A, %swap3A_175], %swap3A_178 {strides = array<i32>} : memref<125x128xf32, #tpu.memory_space<vmem>>, vector<1x16xf32>,
        %mul3A_179 = arith.constant 128 : i32
        %mul3A_180 = arith.muli %scan3A_167, %mul3A_179 : i32
        %add3A_181 = arith.constant 16 : i32
        %add3A_182 = arith.addi %mul3A_180, %add3A_181 : i32
        %get3A_183 = arith.index_cast %add3A_182 : i32 to index
        %get3A_184 = tpu.vector_load %arg11[%get3A_183] {strides = array<i32>} : memref<16000xf32, #tpu.memory_space<vmem>>, vector<16xf32>,
        %get3A_185 = vector.shape_cast %get3A_184 : vector<16xf32> to vector<16xf32>
        %swap3A_186 = arith.index_cast %scan3A_167 : i32 to index
        %swap3A_187 = arith.constant 16 : index
        %swap3A_188 = tpu.vector_load %arg12[%swap3A_186, %swap3A_187] {strides = array<i32>} : memref<125x128xf32, #tpu.memory_space<vmem>>, vector<1x16xf32>,
        %swap3A_189 = vector.shape_cast %swap3A_188 : vector<1x16xf32> to vector<16xf32>
        %swap3A_190 = vector.shape_cast %get3A_185 : vector<16xf32> to vector<1x16xf32>
        tpu.vector_store %arg12[%swap3A_186, %swap3A_187], %swap3A_190 {strides = array<i32>} : memref<125x128xf32, #tpu.memory_space<vmem>>, vector<1x16xf32>,
        %mul3A_191 = arith.constant 128 : i32
        %mul3A_192 = arith.muli %scan3A_167, %mul3A_191 : i32
        %add3A_193 = arith.constant 32 : i32
        %add3A_194 = arith.addi %mul3A_192, %add3A_193 : i32
        %get3A_195 = arith.index_cast %add3A_194 : i32 to index
        %get3A_196 = tpu.vector_load %arg11[%get3A_195] {strides = array<i32>} : memref<16000xf32, #tpu.memory_space<vmem>>, vector<16xf32>,
        %get3A_197 = vector.shape_cast %get3A_196 : vector<16xf32> to vector<16xf32>
        %swap3A_198 = arith.index_cast %scan3A_167 : i32 to index
        %swap3A_199 = arith.constant 32 : index
        %swap3A_200 = tpu.vector_load %arg12[%swap3A_198, %swap3A_199] {strides = array<i32>} : memref<125x128xf32, #tpu.memory_space<vmem>>, vector<1x16xf32>,
        %swap3A_201 = vector.shape_cast %swap3A_200 : vector<1x16xf32> to vector<16xf32>
        %swap3A_202 = vector.shape_cast %get3A_197 : vector<16xf32> to vector<1x16xf32>
        tpu.vector_store %arg12[%swap3A_198, %swap3A_199], %swap3A_202 {strides = array<i32>} : memref<125x128xf32, #tpu.memory_space<vmem>>, vector<1x16xf32>,
        %mul3A_203 = arith.constant 128 : i32
        %mul3A_204 = arith.muli %scan3A_167, %mul3A_203 : i32
        %add3A_205 = arith.constant 48 : i32
        %add3A_206 = arith.addi %mul3A_204, %add3A_205 : i32
        %get3A_207 = arith.index_cast %add3A_206 : i32 to index
        %get3A_208 = tpu.vector_load %arg11[%get3A_207] {strides = array<i32>} : memref<16000xf32, #tpu.memory_space<vmem>>, vector<16xf32>,
        %get3A_209 = vector.shape_cast %get3A_208 : vector<16xf32> to vector<16xf32>
        %swap3A_210 = arith.index_cast %scan3A_167 : i32 to index
        %swap3A_211 = arith.constant 48 : index
        %swap3A_212 = tpu.vector_load %arg12[%swap3A_210, %swap3A_211] {strides = array<i32>} : memref<125x128xf32, #tpu.memory_space<vmem>>, vector<1x16xf32>,
        %swap3A_213 = vector.shape_cast %swap3A_212 : vector<1x16xf32> to vector<16xf32>
        %swap3A_214 = vector.shape_cast %get3A_209 : vector<16xf32> to vector<1x16xf32>
        tpu.vector_store %arg12[%swap3A_210, %swap3A_211], %swap3A_214 {strides = array<i32>} : memref<125x128xf32, #tpu.memory_space<vmem>>, vector<1x16xf32>,
        %mul3A_215 = arith.constant 128 : i32
        %mul3A_216 = arith.muli %scan3A_167, %mul3A_215 : i32
        %add3A_217 = arith.constant 64 : i32
        %add3A_218 = arith.addi %mul3A_216, %add3A_217 : i32
        %get3A_219 = arith.index_cast %add3A_218 : i32 to index
        %get3A_220 = tpu.vector_load %arg11[%get3A_219] {strides = array<i32>} : memref<16000xf32, #tpu.memory_space<vmem>>, vector<16xf32>,
        %get3A_221 = vector.shape_cast %get3A_220 : vector<16xf32> to vector<16xf32>
        %swap3A_222 = arith.index_cast %scan3A_167 : i32 to index
        %swap3A_223 = arith.constant 64 : index
        %swap3A_224 = tpu.vector_load %arg12[%swap3A_222, %swap3A_223] {strides = array<i32>} : memref<125x128xf32, #tpu.memory_space<vmem>>, vector<1x16xf32>,
        %swap3A_225 = vector.shape_cast %swap3A_224 : vector<1x16xf32> to vector<16xf32>
        %swap3A_226 = vector.shape_cast %get3A_221 : vector<16xf32> to vector<1x16xf32>
        tpu.vector_store %arg12[%swap3A_222, %swap3A_223], %swap3A_226 {strides = array<i32>} : memref<125x128xf32, #tpu.memory_space<vmem>>, vector<1x16xf32>,
        %mul3A_227 = arith.constant 128 : i32
        %mul3A_228 = arith.muli %scan3A_167, %mul3A_227 : i32
        %add3A_229 = arith.constant 80 : i32
        %add3A_230 = arith.addi %mul3A_228, %add3A_229 : i32
        %get3A_231 = arith.index_cast %add3A_230 : i32 to index
        %get3A_232 = tpu.vector_load %arg11[%get3A_231] {strides = array<i32>} : memref<16000xf32, #tpu.memory_space<vmem>>, vector<16xf32>,
        %get3A_233 = vector.shape_cast %get3A_232 : vector<16xf32> to vector<16xf32>
        %swap3A_234 = arith.index_cast %scan3A_167 : i32 to index
        %swap3A_235 = arith.constant 80 : index
        %swap3A_236 = tpu.vector_load %arg12[%swap3A_234, %swap3A_235] {strides = array<i32>} : memref<125x128xf32, #tpu.memory_space<vmem>>, vector<1x16xf32>,
        %swap3A_237 = vector.shape_cast %swap3A_236 : vector<1x16xf32> to vector<16xf32>
        %swap3A_238 = vector.shape_cast %get3A_233 : vector<16xf32> to vector<1x16xf32>
        tpu.vector_store %arg12[%swap3A_234, %swap3A_235], %swap3A_238 {strides = array<i32>} : memref<125x128xf32, #tpu.memory_space<vmem>>, vector<1x16xf32>,
        %mul3A_239 = arith.constant 128 : i32
        %mul3A_240 = arith.muli %scan3A_167, %mul3A_239 : i32
        %add3A_241 = arith.constant 96 : i32
        %add3A_242 = arith.addi %mul3A_240, %add3A_241 : i32
        %get3A_243 = arith.index_cast %add3A_242 : i32 to index
        %get3A_244 = tpu.vector_load %arg11[%get3A_243] {strides = array<i32>} : memref<16000xf32, #tpu.memory_space<vmem>>, vector<16xf32>,
        %get3A_245 = vector.shape_cast %get3A_244 : vector<16xf32> to vector<16xf32>
        %swap3A_246 = arith.index_cast %scan3A_167 : i32 to index
        %swap3A_247 = arith.constant 96 : index
        %swap3A_248 = tpu.vector_load %arg12[%swap3A_246, %swap3A_247] {strides = array<i32>} : memref<125x128xf32, #tpu.memory_space<vmem>>, vector<1x16xf32>,
        %swap3A_249 = vector.shape_cast %swap3A_248 : vector<1x16xf32> to vector<16xf32>
        %swap3A_250 = vector.shape_cast %get3A_245 : vector<16xf32> to vector<1x16xf32>
        tpu.vector_store %arg12[%swap3A_246, %swap3A_247], %swap3A_250 {strides = array<i32>} : memref<125x128xf32, #tpu.memory_space<vmem>>, vector<1x16xf32>,
        %mul3A_251 = arith.constant 128 : i32
        %mul3A_252 = arith.muli %scan3A_167, %mul3A_251 : i32
        %add3A_253 = arith.constant 112 : i32
        %add3A_254 = arith.addi %mul3A_252, %add3A_253 : i32
        %get3A_255 = arith.index_cast %add3A_254 : i32 to index
        %get3A_256 = tpu.vector_load %arg11[%get3A_255] {strides = array<i32>} : memref<16000xf32, #tpu.memory_space<vmem>>, vector<16xf32>,
        %get3A_257 = vector.shape_cast %get3A_256 : vector<16xf32> to vector<16xf32>
        %swap3A_258 = arith.index_cast %scan3A_167 : i32 to index
        %swap3A_259 = arith.constant 112 : index
        %swap3A_260 = tpu.vector_load %arg12[%swap3A_258, %swap3A_259] {strides = array<i32>} : memref<125x128xf32, #tpu.memory_space<vmem>>, vector<1x16xf32>,
        %swap3A_261 = vector.shape_cast %swap3A_260 : vector<1x16xf32> to vector<16xf32>
        %swap3A_262 = vector.shape_cast %get3A_257 : vector<16xf32> to vector<1x16xf32>
        tpu.vector_store %arg12[%swap3A_258, %swap3A_259], %swap3A_262 {strides = array<i32>} : memref<125x128xf32, #tpu.memory_space<vmem>>, vector<1x16xf32>,
        %scan3A_263 = arith.constant 0 : i32
        scf.yield %scan3A_263 : i32
      }
      %scan3A_148 = arith.constant 125 : i32
      %mul3A_149 = arith.constant 125 : i32
      %mul3A_150 = arith.muli %add3A_122, %mul3A_149 : i32
      %run_scoped3A_151 = arith.constant 2 : i32
      %run_scoped3A_152 = arith.constant 1 : i32
      "tpu.region"() ({
        %run_scoped3A_167 = tpu.sem_alloc : memref<!tpu.dma_semaphore, #tpu.memory_space<semaphore_mem>>
        %dma_start3A_168 = arith.constant 0 : i32
        %dma_start3A_169 = arith.constant 0 : i32
        %dma_start3A_170 = arith.constant 0 : i32
        %dma_start3A_171 = tpu.memref_slice %arg8[%run_scoped3A_151, %dma_start3A_168, %dma_start3A_169, %dma_start3A_170] : memref<3x15625x4x128xf32, #tpu.memory_space<hbm>> -> memref<1x15625x4x128xf32, #tpu.memory_space<hbm>>
        %dma_start3A_172 = tpu.memref_squeeze %dma_start3A_171 : memref<1x15625x4x128xf32, #tpu.memory_space<hbm>> -> memref<15625x4x128xf32, #tpu.memory_space<hbm>>
        %dma_start3A_173 = arith.constant 0 : i32
        %dma_start3A_174 = arith.constant 0 : i32
        %dma_start3A_175 = tpu.memref_slice %dma_start3A_172[%mul3A_150, %dma_start3A_173, %dma_start3A_174] : memref<15625x4x128xf32, #tpu.memory_space<hbm>> -> memref<125x4x128xf32, #tpu.memory_space<hbm>>
        %dma_start3A_176 = arith.constant 0 : i32
        %dma_start3A_177 = arith.constant 0 : i32
        %dma_start3A_178 = tpu.memref_slice %dma_start3A_175[%dma_start3A_176, %run_scoped3A_152, %dma_start3A_177] : memref<125x4x128xf32, #tpu.memory_space<hbm>> -> memref<125x1x128xf32, #tpu.memory_space<hbm>>
        %dma_start3A_179 = tpu.memref_squeeze %dma_start3A_178 : memref<125x1x128xf32, #tpu.memory_space<hbm>> -> memref<125x128xf32, #tpu.memory_space<hbm>>
        %dma_start3A_180 = arith.constant 0 : i32
        %dma_start3A_181 = arith.constant 0 : i32
        %dma_start3A_182 = arith.constant 0 : i32
        %dma_start3A_183 = tpu.memref_slice %arg8[%run_scoped3A_151, %dma_start3A_180, %dma_start3A_181, %dma_start3A_182] : memref<3x15625x4x128xf32, #tpu.memory_space<hbm>> -> memref<1x15625x4x128xf32, #tpu.memory_space<hbm>>
        %dma_start3A_184 = tpu.memref_squeeze %dma_start3A_183 : memref<1x15625x4x128xf32, #tpu.memory_space<hbm>> -> memref<15625x4x128xf32, #tpu.memory_space<hbm>>
        %dma_start3A_185 = arith.constant 0 : i32
        %dma_start3A_186 = arith.constant 0 : i32
        %dma_start3A_187 = tpu.memref_slice %dma_start3A_184[%mul3A_150, %dma_start3A_185, %dma_start3A_186] : memref<15625x4x128xf32, #tpu.memory_space<hbm>> -> memref<125x4x128xf32, #tpu.memory_space<hbm>>
        %dma_start3A_188 = arith.constant 0 : i32
        %dma_start3A_189 = arith.constant 0 : i32
        %dma_start3A_190 = tpu.memref_slice %dma_start3A_187[%dma_start3A_188, %run_scoped3A_152, %dma_start3A_189] : memref<125x4x128xf32, #tpu.memory_space<hbm>> -> memref<125x1x128xf32, #tpu.memory_space<hbm>>
        %dma_start3A_191 = tpu.memref_squeeze %dma_start3A_190 : memref<125x1x128xf32, #tpu.memory_space<hbm>> -> memref<125x128xf32, #tpu.memory_space<hbm>>
        tpu.enqueue_dma source(%arg12 : memref<125x128xf32, #tpu.memory_space<vmem>>) target(%dma_start3A_191 : memref<125x128xf32, #tpu.memory_space<hbm>>) target_semaphore(%run_scoped3A_167 : memref<!tpu.dma_semaphore, #tpu.memory_space<semaphore_mem>>)
        %dma_wait3A_192 = arith.constant 0 : i32
        %dma_wait3A_193 = arith.constant 0 : i32
        %dma_wait3A_194 = arith.constant 0 : i32
        %dma_wait3A_195 = tpu.memref_slice %arg8[%run_scoped3A_151, %dma_wait3A_192, %dma_wait3A_193, %dma_wait3A_194] : memref<3x15625x4x128xf32, #tpu.memory_space<hbm>> -> memref<1x15625x4x128xf32, #tpu.memory_space<hbm>>
        %dma_wait3A_196 = tpu.memref_squeeze %dma_wait3A_195 : memref<1x15625x4x128xf32, #tpu.memory_space<hbm>> -> memref<15625x4x128xf32, #tpu.memory_space<hbm>>
        %dma_wait3A_197 = arith.constant 0 : i32
        %dma_wait3A_198 = arith.constant 0 : i32
        %dma_wait3A_199 = tpu.memref_slice %dma_wait3A_196[%mul3A_150, %dma_wait3A_197, %dma_wait3A_198] : memref<15625x4x128xf32, #tpu.memory_space<hbm>> -> memref<125x4x128xf32, #tpu.memory_space<hbm>>
        %dma_wait3A_200 = arith.constant 0 : i32
        %dma_wait3A_201 = arith.constant 0 : i32
        %dma_wait3A_202 = tpu.memref_slice %dma_wait3A_199[%dma_wait3A_200, %run_scoped3A_152, %dma_wait3A_201] : memref<125x4x128xf32, #tpu.memory_space<hbm>> -> memref<125x1x128xf32, #tpu.memory_space<hbm>>
        %dma_wait3A_203 = tpu.memref_squeeze %dma_wait3A_202 : memref<125x1x128xf32, #tpu.memory_space<hbm>> -> memref<125x128xf32, #tpu.memory_space<hbm>>
        %dma_wait3A_204 = arith.constant 0 : i32
        %dma_wait3A_205 = arith.constant 0 : i32
        %dma_wait3A_206 = arith.constant 0 : i32
        %dma_wait3A_207 = tpu.memref_slice %arg8[%run_scoped3A_151, %dma_wait3A_204, %dma_wait3A_205, %dma_wait3A_206] : memref<3x15625x4x128xf32, #tpu.memory_space<hbm>> -> memref<1x15625x4x128xf32, #tpu.memory_space<hbm>>
        %dma_wait3A_208 = tpu.memref_squeeze %dma_wait3A_207 : memref<1x15625x4x128xf32, #tpu.memory_space<hbm>> -> memref<15625x4x128xf32, #tpu.memory_space<hbm>>
        %dma_wait3A_209 = arith.constant 0 : i32
        %dma_wait3A_210 = arith.constant 0 : i32
        %dma_wait3A_211 = tpu.memref_slice %dma_wait3A_208[%mul3A_150, %dma_wait3A_209, %dma_wait3A_210] : memref<15625x4x128xf32, #tpu.memory_space<hbm>> -> memref<125x4x128xf32, #tpu.memory_space<hbm>>
        %dma_wait3A_212 = arith.constant 0 : i32
        %dma_wait3A_213 = arith.constant 0 : i32
        %dma_wait3A_214 = tpu.memref_slice %dma_wait3A_211[%dma_wait3A_212, %run_scoped3A_152, %dma_wait3A_213] : memref<125x4x128xf32, #tpu.memory_space<hbm>> -> memref<125x1x128xf32, #tpu.memory_space<hbm>>
        %dma_wait3A_215 = tpu.memref_squeeze %dma_wait3A_214 : memref<125x1x128xf32, #tpu.memory_space<hbm>> -> memref<125x128xf32, #tpu.memory_space<hbm>>
        tpu.wait_dma2 semaphore(%run_scoped3A_167 : memref<!tpu.dma_semaphore, #tpu.memory_space<semaphore_mem>>) src(%arg12 : memref<125x128xf32, #tpu.memory_space<vmem>>) dst(%dma_wait3A_215 : memref<125x128xf32, #tpu.memory_space<hbm>>)
        tpu.yield
      }) : () -> ()
      %dma_wait3A_153 = arith.constant 0 : i32
      %dma_wait3A_154 = tpu.memref_slice %arg7[%dma_wait3A_153] : memref<1000000xf32, #tpu.memory_space<hbm>> -> memref<1000000xf32, #tpu.memory_space<hbm>>
      tpu.wait_indirect_dma semaphore(%arg13 : memref<!tpu.dma_semaphore, #tpu.memory_space<semaphore_mem>>) src(%dma_wait3A_154 : memref<1000000xf32, #tpu.memory_space<hbm>>) dst(%arg10 : memref<16000xf32, #tpu.memory_space<vmem>>)
      %scan3A_155 = arith.constant 0 : i32
      %scan3A_156 = arith.constant 0 : i32
      %scan3A_157 = arith.constant 125 : i32
      %scan3A_158 = arith.addi %scan3A_156, %scan3A_157 : i32
      %scan3A_159 = arith.constant 1 : i32
      %scan3A_160 = scf.for %scan3A_167 = %scan3A_156 to %scan3A_158 step %scan3A_159 iter_args(%scan3A_168 = %scan3A_155) -> (i32)  : i32 {
        %mul3A_169 = arith.constant 128 : i32
        %mul3A_170 = arith.muli %scan3A_167, %mul3A_169 : i32
        %add3A_171 = arith.constant 0 : i32
        %add3A_172 = arith.addi %mul3A_170, %add3A_171 : i32
        %get3A = arith.index_cast %add3A_172 : i32 to index
        %get3A_173 = tpu.vector_load %arg10[%get3A] {strides = array<i32>} : memref<16000xf32, #tpu.memory_space<vmem>>, vector<16xf32>,
        %get3A_174 = vector.shape_cast %get3A_173 : vector<16xf32> to vector<16xf32>
        %swap3A = arith.index_cast %scan3A_167 : i32 to index
        %swap3A_175 = arith.constant 0 : index
        %swap3A_176 = tpu.vector_load %arg12[%swap3A, %swap3A_175] {strides = array<i32>} : memref<125x128xf32, #tpu.memory_space<vmem>>, vector<1x16xf32>,
        %swap3A_177 = vector.shape_cast %swap3A_176 : vector<1x16xf32> to vector<16xf32>
        %swap3A_178 = vector.shape_cast %get3A_174 : vector<16xf32> to vector<1x16xf32>
        tpu.vector_store %arg12[%swap3A, %swap3A_175], %swap3A_178 {strides = array<i32>} : memref<125x128xf32, #tpu.memory_space<vmem>>, vector<1x16xf32>,
        %mul3A_179 = arith.constant 128 : i32
        %mul3A_180 = arith.muli %scan3A_167, %mul3A_179 : i32
        %add3A_181 = arith.constant 16 : i32
        %add3A_182 = arith.addi %mul3A_180, %add3A_181 : i32
        %get3A_183 = arith.index_cast %add3A_182 : i32 to index
        %get3A_184 = tpu.vector_load %arg10[%get3A_183] {strides = array<i32>} : memref<16000xf32, #tpu.memory_space<vmem>>, vector<16xf32>,
        %get3A_185 = vector.shape_cast %get3A_184 : vector<16xf32> to vector<16xf32>
        %swap3A_186 = arith.index_cast %scan3A_167 : i32 to index
        %swap3A_187 = arith.constant 16 : index
        %swap3A_188 = tpu.vector_load %arg12[%swap3A_186, %swap3A_187] {strides = array<i32>} : memref<125x128xf32, #tpu.memory_space<vmem>>, vector<1x16xf32>,
        %swap3A_189 = vector.shape_cast %swap3A_188 : vector<1x16xf32> to vector<16xf32>
        %swap3A_190 = vector.shape_cast %get3A_185 : vector<16xf32> to vector<1x16xf32>
        tpu.vector_store %arg12[%swap3A_186, %swap3A_187], %swap3A_190 {strides = array<i32>} : memref<125x128xf32, #tpu.memory_space<vmem>>, vector<1x16xf32>,
        %mul3A_191 = arith.constant 128 : i32
        %mul3A_192 = arith.muli %scan3A_167, %mul3A_191 : i32
        %add3A_193 = arith.constant 32 : i32
        %add3A_194 = arith.addi %mul3A_192, %add3A_193 : i32
        %get3A_195 = arith.index_cast %add3A_194 : i32 to index
        %get3A_196 = tpu.vector_load %arg10[%get3A_195] {strides = array<i32>} : memref<16000xf32, #tpu.memory_space<vmem>>, vector<16xf32>,
        %get3A_197 = vector.shape_cast %get3A_196 : vector<16xf32> to vector<16xf32>
        %swap3A_198 = arith.index_cast %scan3A_167 : i32 to index
        %swap3A_199 = arith.constant 32 : index
        %swap3A_200 = tpu.vector_load %arg12[%swap3A_198, %swap3A_199] {strides = array<i32>} : memref<125x128xf32, #tpu.memory_space<vmem>>, vector<1x16xf32>,
        %swap3A_201 = vector.shape_cast %swap3A_200 : vector<1x16xf32> to vector<16xf32>
        %swap3A_202 = vector.shape_cast %get3A_197 : vector<16xf32> to vector<1x16xf32>
        tpu.vector_store %arg12[%swap3A_198, %swap3A_199], %swap3A_202 {strides = array<i32>} : memref<125x128xf32, #tpu.memory_space<vmem>>, vector<1x16xf32>,
        %mul3A_203 = arith.constant 128 : i32
        %mul3A_204 = arith.muli %scan3A_167, %mul3A_203 : i32
        %add3A_205 = arith.constant 48 : i32
        %add3A_206 = arith.addi %mul3A_204, %add3A_205 : i32
        %get3A_207 = arith.index_cast %add3A_206 : i32 to index
        %get3A_208 = tpu.vector_load %arg10[%get3A_207] {strides = array<i32>} : memref<16000xf32, #tpu.memory_space<vmem>>, vector<16xf32>,
        %get3A_209 = vector.shape_cast %get3A_208 : vector<16xf32> to vector<16xf32>
        %swap3A_210 = arith.index_cast %scan3A_167 : i32 to index
        %swap3A_211 = arith.constant 48 : index
        %swap3A_212 = tpu.vector_load %arg12[%swap3A_210, %swap3A_211] {strides = array<i32>} : memref<125x128xf32, #tpu.memory_space<vmem>>, vector<1x16xf32>,
        %swap3A_213 = vector.shape_cast %swap3A_212 : vector<1x16xf32> to vector<16xf32>
        %swap3A_214 = vector.shape_cast %get3A_209 : vector<16xf32> to vector<1x16xf32>
        tpu.vector_store %arg12[%swap3A_210, %swap3A_211], %swap3A_214 {strides = array<i32>} : memref<125x128xf32, #tpu.memory_space<vmem>>, vector<1x16xf32>,
        %mul3A_215 = arith.constant 128 : i32
        %mul3A_216 = arith.muli %scan3A_167, %mul3A_215 : i32
        %add3A_217 = arith.constant 64 : i32
        %add3A_218 = arith.addi %mul3A_216, %add3A_217 : i32
        %get3A_219 = arith.index_cast %add3A_218 : i32 to index
        %get3A_220 = tpu.vector_load %arg10[%get3A_219] {strides = array<i32>} : memref<16000xf32, #tpu.memory_space<vmem>>, vector<16xf32>,
        %get3A_221 = vector.shape_cast %get3A_220 : vector<16xf32> to vector<16xf32>
        %swap3A_222 = arith.index_cast %scan3A_167 : i32 to index
        %swap3A_223 = arith.constant 64 : index
        %swap3A_224 = tpu.vector_load %arg12[%swap3A_222, %swap3A_223] {strides = array<i32>} : memref<125x128xf32, #tpu.memory_space<vmem>>, vector<1x16xf32>,
        %swap3A_225 = vector.shape_cast %swap3A_224 : vector<1x16xf32> to vector<16xf32>
        %swap3A_226 = vector.shape_cast %get3A_221 : vector<16xf32> to vector<1x16xf32>
        tpu.vector_store %arg12[%swap3A_222, %swap3A_223], %swap3A_226 {strides = array<i32>} : memref<125x128xf32, #tpu.memory_space<vmem>>, vector<1x16xf32>,
        %mul3A_227 = arith.constant 128 : i32
        %mul3A_228 = arith.muli %scan3A_167, %mul3A_227 : i32
        %add3A_229 = arith.constant 80 : i32
        %add3A_230 = arith.addi %mul3A_228, %add3A_229 : i32
        %get3A_231 = arith.index_cast %add3A_230 : i32 to index
        %get3A_232 = tpu.vector_load %arg10[%get3A_231] {strides = array<i32>} : memref<16000xf32, #tpu.memory_space<vmem>>, vector<16xf32>,
        %get3A_233 = vector.shape_cast %get3A_232 : vector<16xf32> to vector<16xf32>
        %swap3A_234 = arith.index_cast %scan3A_167 : i32 to index
        %swap3A_235 = arith.constant 80 : index
        %swap3A_236 = tpu.vector_load %arg12[%swap3A_234, %swap3A_235] {strides = array<i32>} : memref<125x128xf32, #tpu.memory_space<vmem>>, vector<1x16xf32>,
        %swap3A_237 = vector.shape_cast %swap3A_236 : vector<1x16xf32> to vector<16xf32>
        %swap3A_238 = vector.shape_cast %get3A_233 : vector<16xf32> to vector<1x16xf32>
        tpu.vector_store %arg12[%swap3A_234, %swap3A_235], %swap3A_238 {strides = array<i32>} : memref<125x128xf32, #tpu.memory_space<vmem>>, vector<1x16xf32>,
        %mul3A_239 = arith.constant 128 : i32
        %mul3A_240 = arith.muli %scan3A_167, %mul3A_239 : i32
        %add3A_241 = arith.constant 96 : i32
        %add3A_242 = arith.addi %mul3A_240, %add3A_241 : i32
        %get3A_243 = arith.index_cast %add3A_242 : i32 to index
        %get3A_244 = tpu.vector_load %arg10[%get3A_243] {strides = array<i32>} : memref<16000xf32, #tpu.memory_space<vmem>>, vector<16xf32>,
        %get3A_245 = vector.shape_cast %get3A_244 : vector<16xf32> to vector<16xf32>
        %swap3A_246 = arith.index_cast %scan3A_167 : i32 to index
        %swap3A_247 = arith.constant 96 : index
        %swap3A_248 = tpu.vector_load %arg12[%swap3A_246, %swap3A_247] {strides = array<i32>} : memref<125x128xf32, #tpu.memory_space<vmem>>, vector<1x16xf32>,
        %swap3A_249 = vector.shape_cast %swap3A_248 : vector<1x16xf32> to vector<16xf32>
        %swap3A_250 = vector.shape_cast %get3A_245 : vector<16xf32> to vector<1x16xf32>
        tpu.vector_store %arg12[%swap3A_246, %swap3A_247], %swap3A_250 {strides = array<i32>} : memref<125x128xf32, #tpu.memory_space<vmem>>, vector<1x16xf32>,
        %mul3A_251 = arith.constant 128 : i32
        %mul3A_252 = arith.muli %scan3A_167, %mul3A_251 : i32
        %add3A_253 = arith.constant 112 : i32
        %add3A_254 = arith.addi %mul3A_252, %add3A_253 : i32
        %get3A_255 = arith.index_cast %add3A_254 : i32 to index
        %get3A_256 = tpu.vector_load %arg10[%get3A_255] {strides = array<i32>} : memref<16000xf32, #tpu.memory_space<vmem>>, vector<16xf32>,
        %get3A_257 = vector.shape_cast %get3A_256 : vector<16xf32> to vector<16xf32>
        %swap3A_258 = arith.index_cast %scan3A_167 : i32 to index
        %swap3A_259 = arith.constant 112 : index
        %swap3A_260 = tpu.vector_load %arg12[%swap3A_258, %swap3A_259] {strides = array<i32>} : memref<125x128xf32, #tpu.memory_space<vmem>>, vector<1x16xf32>,
        %swap3A_261 = vector.shape_cast %swap3A_260 : vector<1x16xf32> to vector<16xf32>
        %swap3A_262 = vector.shape_cast %get3A_257 : vector<16xf32> to vector<1x16xf32>
        tpu.vector_store %arg12[%swap3A_258, %swap3A_259], %swap3A_262 {strides = array<i32>} : memref<125x128xf32, #tpu.memory_space<vmem>>, vector<1x16xf32>,
        %scan3A_263 = arith.constant 0 : i32
        scf.yield %scan3A_263 : i32
      }
      %scan3A_161 = arith.constant 125 : i32
      %mul3A_162 = arith.constant 125 : i32
      %mul3A_163 = arith.muli %add3A_122, %mul3A_162 : i32
      %run_scoped3A_164 = arith.constant 2 : i32
      %run_scoped3A_165 = arith.constant 2 : i32
      "tpu.region"() ({
        %run_scoped3A_167 = tpu.sem_alloc : memref<!tpu.dma_semaphore, #tpu.memory_space<semaphore_mem>>
        %dma_start3A_168 = arith.constant 0 : i32
        %dma_start3A_169 = arith.constant 0 : i32
        %dma_start3A_170 = arith.constant 0 : i32
        %dma_start3A_171 = tpu.memref_slice %arg8[%run_scoped3A_164, %dma_start3A_168, %dma_start3A_169, %dma_start3A_170] : memref<3x15625x4x128xf32, #tpu.memory_space<hbm>> -> memref<1x15625x4x128xf32, #tpu.memory_space<hbm>>
        %dma_start3A_172 = tpu.memref_squeeze %dma_start3A_171 : memref<1x15625x4x128xf32, #tpu.memory_space<hbm>> -> memref<15625x4x128xf32, #tpu.memory_space<hbm>>
        %dma_start3A_173 = arith.constant 0 : i32
        %dma_start3A_174 = arith.constant 0 : i32
        %dma_start3A_175 = tpu.memref_slice %dma_start3A_172[%mul3A_163, %dma_start3A_173, %dma_start3A_174] : memref<15625x4x128xf32, #tpu.memory_space<hbm>> -> memref<125x4x128xf32, #tpu.memory_space<hbm>>
        %dma_start3A_176 = arith.constant 0 : i32
        %dma_start3A_177 = arith.constant 0 : i32
        %dma_start3A_178 = tpu.memref_slice %dma_start3A_175[%dma_start3A_176, %run_scoped3A_165, %dma_start3A_177] : memref<125x4x128xf32, #tpu.memory_space<hbm>> -> memref<125x1x128xf32, #tpu.memory_space<hbm>>
        %dma_start3A_179 = tpu.memref_squeeze %dma_start3A_178 : memref<125x1x128xf32, #tpu.memory_space<hbm>> -> memref<125x128xf32, #tpu.memory_space<hbm>>
        %dma_start3A_180 = arith.constant 0 : i32
        %dma_start3A_181 = arith.constant 0 : i32
        %dma_start3A_182 = arith.constant 0 : i32
        %dma_start3A_183 = tpu.memref_slice %arg8[%run_scoped3A_164, %dma_start3A_180, %dma_start3A_181, %dma_start3A_182] : memref<3x15625x4x128xf32, #tpu.memory_space<hbm>> -> memref<1x15625x4x128xf32, #tpu.memory_space<hbm>>
        %dma_start3A_184 = tpu.memref_squeeze %dma_start3A_183 : memref<1x15625x4x128xf32, #tpu.memory_space<hbm>> -> memref<15625x4x128xf32, #tpu.memory_space<hbm>>
        %dma_start3A_185 = arith.constant 0 : i32
        %dma_start3A_186 = arith.constant 0 : i32
        %dma_start3A_187 = tpu.memref_slice %dma_start3A_184[%mul3A_163, %dma_start3A_185, %dma_start3A_186] : memref<15625x4x128xf32, #tpu.memory_space<hbm>> -> memref<125x4x128xf32, #tpu.memory_space<hbm>>
        %dma_start3A_188 = arith.constant 0 : i32
        %dma_start3A_189 = arith.constant 0 : i32
        %dma_start3A_190 = tpu.memref_slice %dma_start3A_187[%dma_start3A_188, %run_scoped3A_165, %dma_start3A_189] : memref<125x4x128xf32, #tpu.memory_space<hbm>> -> memref<125x1x128xf32, #tpu.memory_space<hbm>>
        %dma_start3A_191 = tpu.memref_squeeze %dma_start3A_190 : memref<125x1x128xf32, #tpu.memory_space<hbm>> -> memref<125x128xf32, #tpu.memory_space<hbm>>
        tpu.enqueue_dma source(%arg12 : memref<125x128xf32, #tpu.memory_space<vmem>>) target(%dma_start3A_191 : memref<125x128xf32, #tpu.memory_space<hbm>>) target_semaphore(%run_scoped3A_167 : memref<!tpu.dma_semaphore, #tpu.memory_space<semaphore_mem>>)
        %dma_wait3A_192 = arith.constant 0 : i32
        %dma_wait3A_193 = arith.constant 0 : i32
        %dma_wait3A_194 = arith.constant 0 : i32
        %dma_wait3A_195 = tpu.memref_slice %arg8[%run_scoped3A_164, %dma_wait3A_192, %dma_wait3A_193, %dma_wait3A_194] : memref<3x15625x4x128xf32, #tpu.memory_space<hbm>> -> memref<1x15625x4x128xf32, #tpu.memory_space<hbm>>
        %dma_wait3A_196 = tpu.memref_squeeze %dma_wait3A_195 : memref<1x15625x4x128xf32, #tpu.memory_space<hbm>> -> memref<15625x4x128xf32, #tpu.memory_space<hbm>>
        %dma_wait3A_197 = arith.constant 0 : i32
        %dma_wait3A_198 = arith.constant 0 : i32
        %dma_wait3A_199 = tpu.memref_slice %dma_wait3A_196[%mul3A_163, %dma_wait3A_197, %dma_wait3A_198] : memref<15625x4x128xf32, #tpu.memory_space<hbm>> -> memref<125x4x128xf32, #tpu.memory_space<hbm>>
        %dma_wait3A_200 = arith.constant 0 : i32
        %dma_wait3A_201 = arith.constant 0 : i32
        %dma_wait3A_202 = tpu.memref_slice %dma_wait3A_199[%dma_wait3A_200, %run_scoped3A_165, %dma_wait3A_201] : memref<125x4x128xf32, #tpu.memory_space<hbm>> -> memref<125x1x128xf32, #tpu.memory_space<hbm>>
        %dma_wait3A_203 = tpu.memref_squeeze %dma_wait3A_202 : memref<125x1x128xf32, #tpu.memory_space<hbm>> -> memref<125x128xf32, #tpu.memory_space<hbm>>
        %dma_wait3A_204 = arith.constant 0 : i32
        %dma_wait3A_205 = arith.constant 0 : i32
        %dma_wait3A_206 = arith.constant 0 : i32
        %dma_wait3A_207 = tpu.memref_slice %arg8[%run_scoped3A_164, %dma_wait3A_204, %dma_wait3A_205, %dma_wait3A_206] : memref<3x15625x4x128xf32, #tpu.memory_space<hbm>> -> memref<1x15625x4x128xf32, #tpu.memory_space<hbm>>
        %dma_wait3A_208 = tpu.memref_squeeze %dma_wait3A_207 : memref<1x15625x4x128xf32, #tpu.memory_space<hbm>> -> memref<15625x4x128xf32, #tpu.memory_space<hbm>>
        %dma_wait3A_209 = arith.constant 0 : i32
        %dma_wait3A_210 = arith.constant 0 : i32
        %dma_wait3A_211 = tpu.memref_slice %dma_wait3A_208[%mul3A_163, %dma_wait3A_209, %dma_wait3A_210] : memref<15625x4x128xf32, #tpu.memory_space<hbm>> -> memref<125x4x128xf32, #tpu.memory_space<hbm>>
        %dma_wait3A_212 = arith.constant 0 : i32
        %dma_wait3A_213 = arith.constant 0 : i32
        %dma_wait3A_214 = tpu.memref_slice %dma_wait3A_211[%dma_wait3A_212, %run_scoped3A_165, %dma_wait3A_213] : memref<125x4x128xf32, #tpu.memory_space<hbm>> -> memref<125x1x128xf32, #tpu.memory_space<hbm>>
        %dma_wait3A_215 = tpu.memref_squeeze %dma_wait3A_214 : memref<125x1x128xf32, #tpu.memory_space<hbm>> -> memref<125x128xf32, #tpu.memory_space<hbm>>
        tpu.wait_dma2 semaphore(%run_scoped3A_167 : memref<!tpu.dma_semaphore, #tpu.memory_space<semaphore_mem>>) src(%arg12 : memref<125x128xf32, #tpu.memory_space<vmem>>) dst(%dma_wait3A_215 : memref<125x128xf32, #tpu.memory_space<hbm>>)
        tpu.yield
      }) : () -> ()
      %while3A_166 = arith.constant 0 : i32
      scf.yield %while3A_166 : i32
    }
    return
  }
}

</mosaic_0001>

<sc_bundles>
// kernel: _gather.3.cloned.1.call-start
scs
__scs_entry_jumppad:
0x0: {  	(pc) =	sbr.rel $0x88, $3  }
0x1: {  	(tag) =	ssettag $0x0;
	lr =	simm.s32 $0x1  }
0x2: {  	[smem:$0x3F9B] =	sst lr;
	_ =	strace $0xD0000000  }
0x3: {  	_ = 	snop  }
0x4: {  	_ = 	snop  }
0x5: {  	_ = 	snop  }
0x6: {  	_ = 	snop  }
0x7: {  	_ = 	snop  }
__scs_overlays_trampoline_lowered:
0x8: {  	[smem:$0x3FAA] =	sst s0  }
0x9: {  	[smem:$0x3FAB] =	sst s1  }
0xa: {  	[smem:$0x3FAC] =	sst s2  }
0xb: {  	[smem:$0x3FAD] =	sst s3  }
0xc: {  	[smem:$0x3FAE] =	sst s4  }
0xd: {  	[smem:$0x3FAF] =	sst s5  }
0xe: {  	[smem:$0x3FB0] =	sst s6  }
0xf: {  	[smem:$0x3FB1] =	sst s7  }
0x10: {  	[smem:$0x3FB2] =	sst s8  }
0x11: {  	[smem:$0x3FB3] =	sst s9;
	s0 =	simm.s32 @!p0 $0x0  }
0x12: {  	s1 =	sld [smem:$0x3F99];
	s0 =	simm.s32 @p0 $0x1  }
0x13: {  	[smem:$0x3FB4] =	sst s0;
	s0 =	simm.s32 @!p1 $0x0  }
0x14: {  	s2 =	sld [smem:$0x3F98];
	s0 =	simm.s32 @p1 $0x1  }
0x15: {  	[smem:$0x3FB5] =	sst s0;
	s0 =	simm.s32 @!p2 $0x0  }
0x16: {  	s3 =	sld [smem:$0x3FDB];
	s0 =	simm.s32 @p2 $0x1  }
0x17: {  	s4 =	simm.s32 $0x1BF5;
	[smem:$0x3FB7] =	sst s0  }
0x18: {  	s0 =	sld [smem:$0x3F9A];
	_ =	swait.ge [sflag:s4], $0x0  }
0x19: {  	s7 =	sld [smem:$0x3F9B]  }
0x1a: {  	s8 =	sadd.s32 $0xFFFFE003, lr  }
0x1b: {  	s9 =	sadd.s32 $0xFFFFFEF7, lr;
	s5 =	simm.s32 $0xFFFFFFFF;
	p2 =	slt.u32 s8, $0xFFFFF086  }
0x1c: {  	p1 =	slt.u32 s9, $0xF7A;
	s5 =	simm.s32 @!p2 $0x0  }
0x1d: {  	s5 =	simm.s32 @p1 $0x1;
	p0 =	seq.s32 s7, s2  }
0x1e: {  	s7 =	smul.u32 @!p0 $0xF7A, s2;
	p2 =	seq.s32 @!p0 s5, $0x0  }
0x1f: {  	s9 =	smul.u32 $0xF7A, s1;
	s8 =	simm.s32 @!p0 $0x1BF5;
	p2 =	por !p2, p0  }
0x20: {  	[sflag:s8] =	ssyncset.s32 @!p0 $0xFFFFF086;
	s6 =	sadd.s32 @!p0 s3, s7;
	s7 =	simm.s32 @!p0 $0x108  }
0x21: {  	s3 =	sadd.s32 s3, s9;
	s6 =	sadd.s32 @!p0 $0x88, s6;
	s7 =	simm.s32 @p2 $0x1082  }
0x22: {  	[simem:s7], [sflag:s8] =	dma.local @!p0 [hbm:s6], $0xF7A  }
0x23: {  	s9 =	sor.u32 $0xD0000000, s2;
	s6 =	simm.s32 $0x108;
	_ =	swait.ge @!p0 [sflag:s8], $0x0  }
0x24: {  	s3 =	sadd.s32 $0x88, s3;
	s6 =	simm.s32 @!p1 $0x1082;
	[sflag:s4] =	ssyncset.s32 $0xFFFFF086  }
0x25: {  	[simem:s6], [sflag:s4] =	dma.local [hbm:s3], $0xF7A  }
0x26: {  	[smem:$0x3F9B] =	sst s1;
	(tag) =	ssettag s2;
	_ =	strace s9  }
0x27: {  	s1 =	sld [smem:$0x3FAB]  }
0x28: {  	s2 =	sld [smem:$0x3FAC]  }
0x29: {  	s4 =	sld [smem:$0x3FAE]  }
0x2a: {  	p0 =	seq.s32 s5, $0x0;
	s5 =	sld [smem:$0x3FAF]  }
0x2b: {  	s6 =	sld [smem:$0x3FB0]  }
0x2c: {  	s7 =	sld [smem:$0x3FB1]  }
0x2d: {  	s3 =	simm.s32 $0x108;
	s8 =	sld [smem:$0x3FB2]  }
0x2e: {  	s3 =	simm.s32 @!p0 $0x1082;
	s9 =	sld [smem:$0x3FB3]  }
0x2f: {  	lr =	sadd.s32 s0, s3;
	s0 =	sld [smem:$0x3FAA]  }
0x30: {  	s3 =	sld [smem:$0x3FAD]  }
0x31: {  	[smem:$0x3FB6] =	sst s10  }
0x32: {  	s10 =	sld [smem:$0x3FB4];
	_ =	sdelay $0x3  }
0x33: {  	p0 =	seq.s32 s10, $0x1;
	s10 =	sld [smem:$0x3FB6];
	_ =	sdelay $0x3  }
0x34: {  	[smem:$0x3FB6] =	sst s10  }
0x35: {  	s10 =	sld [smem:$0x3FB5];
	_ =	sdelay $0x3  }
0x36: {  	p1 =	seq.s32 s10, $0x1;
	s10 =	sld [smem:$0x3FB6];
	_ =	sdelay $0x3  }
0x37: {  	[smem:$0x3FB6] =	sst s10  }
0x38: {  	s10 =	sld [smem:$0x3FB7]  }
0x39: {  	_ = 	snop;
	(pc) =	sbr.ind lr, $3  }
0x3a: {  	_ = 	snop  }
0x3b: {  	_ = 	snop  }
0x3c: {  	p2 =	seq.s32 s10, $0x1;
	s10 =	sld [smem:$0x3FB6]  }
0x3d: {  	_ =	shalt  }
0x3e: {  	_ =	shalt  }
0x3f: {  	_ =	shalt  }
0x40: {  	_ =	shalt  }
0x41: {  	_ =	shalt  }
0x42: {  	_ =	shalt  }
0x43: {  	_ =	shalt  }
0x44: {  	_ =	shalt  }
0x45: {  	_ =	shalt  }
0x46: {  	_ =	shalt  }
0x47: {  	_ =	shalt  }
0x48: {  	_ =	shalt  }
0x49: {  	_ =	shalt  }
0x4a: {  	_ =	shalt  }
0x4b: {  	_ =	shalt  }
0x4c: {  	_ =	shalt  }
0x4d: {  	_ =	shalt  }
0x4e: {  	_ =	shalt  }
0x4f: {  	_ =	shalt  }
0x50: {  	_ =	shalt  }
0x51: {  	_ =	shalt  }
0x52: {  	_ =	shalt  }
0x53: {  	_ =	shalt  }
0x54: {  	_ =	shalt  }
0x55: {  	_ =	shalt  }
0x56: {  	_ =	shalt  }
0x57: {  	_ =	shalt  }
0x58: {  	_ =	shalt  }
0x59: {  	_ =	shalt  }
0x5a: {  	_ =	shalt  }
0x5b: {  	_ =	shalt  }
0x5c: {  	_ =	shalt  }
0x5d: {  	_ =	shalt  }
0x5e: {  	_ =	shalt  }
0x5f: {  	_ =	shalt  }
0x60: {  	_ =	shalt  }
0x61: {  	_ =	shalt  }
0x62: {  	_ =	shalt  }
0x63: {  	_ =	shalt  }
0x64: {  	_ =	shalt  }
0x65: {  	_ =	shalt  }
0x66: {  	_ =	shalt  }
0x67: {  	_ =	shalt  }
0x68: {  	_ =	shalt  }
0x69: {  	_ =	shalt  }
0x6a: {  	_ =	shalt  }
0x6b: {  	_ =	shalt  }
0x6c: {  	_ =	shalt  }
0x6d: {  	_ =	shalt  }
0x6e: {  	_ =	shalt  }
0x6f: {  	_ =	shalt  }
0x70: {  	_ =	shalt  }
0x71: {  	_ =	shalt  }
0x72: {  	_ =	shalt  }
0x73: {  	_ =	shalt  }
0x74: {  	_ =	shalt  }
0x75: {  	_ =	shalt  }
0x76: {  	_ =	shalt  }
0x77: {  	_ =	shalt  }
0x78: {  	_ =	shalt  }
0x79: {  	_ =	shalt  }
0x7a: {  	_ =	shalt  }
0x7b: {  	_ =	shalt  }
0x7c: {  	_ =	shalt  }
0x7d: {  	_ =	shalt  }
0x7e: {  	_ =	shalt  }
0x7f: {  	_ =	shalt  }
0x80: {  	_ =	shalt  }
0x81: {  	_ =	shalt  }
0x82: {  	_ =	shalt  }
0x83: {  	_ =	shalt  }
0x84: {  	_ =	shalt  }
0x85: {  	_ =	shalt  }
0x86: {  	_ =	shalt  }
0x87: {  	_ =	shalt  }
.Lfunc_end0:
.L_simem_size_0:
called_computation_lowered:
.L_overlay_start_0:
0x88: {  	s2 =	sld [smem:$0x3FD9]  }
0x89: {  	s3 =	sld [smem:$0x3FFE];
	_ =	sdelay $0x1  }
0x8a: {  	s1 =	srdreg.scid  }
0x8b: {  	s0 =	sand.u32 $0x1, s1  }
0x8c: {  	s17 =	sshll.u32 s0, $0xA;
	s2 =	sadd.s32 s3, s2  }
0x8d: {  	s2 =	sadd.s32 s2, s17  }
0x8e: {  	[smem:$0x3FC2] =	sst s2  }
0x8f: {  	_ = 	snop  }
0x90: {  	s2 =	sld [smem:$0x3FC9]  }
0x91: {  	s18 =	sld [smem:$0x3FC8]  }
0x92: {  	s4 =	sld [smem:$0x3FC7]  }
0x93: {  	s5 =	sld [smem:$0x3FC6]  }
0x94: {  	s6 =	sld [smem:$0x3FC5]  }
0x95: {  	s7 =	sld [smem:$0x3FC4];
	(tm) =	ssettm $0x1  }
0x96: {  	s8 =	sld [smem:$0x3FFB];
	_ =	sdelay $0x3  }
0x97: {  	_ =	strace s8  }
0x98: {  	s8 =	sld [smem:$0x3FFC];
	_ =	sdelay $0x3  }
0x99: {  	_ =	strace s8  }
0x9a: {  	s8 =	sld [smem:$0x3FFD];
	_ =	sdelay $0x3  }
0x9b: {  	_ =	strace s8  }
0x9c: {  	_ =	strace $0x8FFFFFFF  }
0x9d: {  	s19 =	sld [smem:$0x3FDB];
	_ =	sdelay $0x1  }
0x9e: {  	s9 =	simm.s32 $_scs_section_size  }
0x9f: {  	s10 =	simm.s32 $_size__tile_overlayer_lowered;
	s11 =	simm.s32 $_tile_overlayer_lowered  }
0xa0: {  	s22 =	simm.s32 $0x1BFF;
	s21 =	sshll.u32 s11, $0x1;
	s8 =	sadd.s32 s9, s19  }
0xa1: {  	s12 =	simm.s32 $0x0;
	s20 =	sshll.u32 s10, $0x1;
	s10 =	sadd.s32 s21, s8  }
0xa2: {  	[timem:s12], [sflag:s22] =	dma.local [hbm:s10], s20  }
0xa3: {  	_ =	swait.ge [sflag:s22], s20  }
0xa4: {  	s9 =	ssub.s32 $0x0, s20;
	[sflag:s22] =	ssyncset.done $0x0  }
0xa5: {  	[sflag:s22] =	ssyncadd.s32 s9;
	_ =	sdelay $0x1  }
0xa6: {  	s23 =	simm.s32 $0x1B8B  }
0xa7: {  	_ =	swait.ge [sflag:s23], $0x1  }
0xa8: {  	[sflag:s23] =	ssyncset.done $0x0  }
0xa9: {  	s25 =	simm.s32 $0x1B8E;
	s24 =	sld [smem:$0x3FFE];
	[sflag:s23] =	ssyncadd.s32 $0xFFFFFFFF  }
0xaa: {  	s26 =	simm.s32 $execute0_lowered;
	[smem:$0x3FD2] =	sst s25  }
0xab: {  	s10 =	sshll.u32 s26, $0x1;
	_ =	strace $0x80000046;
	[dreg:$0x1] =	wrdreg $0xFFFFFFFF  }
0xac: {  	s28 =	simm.s32 $_size_execute0_lowered;
	s8 =	sadd.s32 s8, s10;
	[dreg:$0x0] =	wrdreg $0x0  }
0xad: {  	s10 =	sshll.u32 s28, $0x1;
	[dreg:$0x2] =	wrdreg s8  }
0xae: {  	[dreg:$0x3] =	wrdreg s10  }
0xaf: {  	[dreg:$0x4] =	wrdreg $0xC0  }
0xb0: {  	_ =	task [dreg:s12], $0x5FFFF  }
0xb1: {  	[dreg:$0x1] =	wrdreg $0xFFFFFFFF  }
0xb2: {  	[dreg:$0x0] =	wrdreg $0x60  }
0xb3: {  	[dreg:$0x2] =	wrdreg s2  }
0xb4: {  	[dreg:$0x3] =	wrdreg s18  }
0xb5: {  	[dreg:$0x4] =	wrdreg s4  }
0xb6: {  	[dreg:$0x5] =	wrdreg s5  }
0xb7: {  	[dreg:$0x6] =	wrdreg s6  }
0xb8: {  	[dreg:$0x7] =	wrdreg s7  }
0xb9: {  	[dreg:$0x8] =	wrdreg s24  }
0xba: {  	[dreg:$0x9] =	wrdreg $0x9  }
0xbb: {  	_ =	task.clear_ibuf [dreg:s12], $0xAFFFF;
	_ =	strace $0x90000046  }
0xbc: {  	s29 =	simm.s32 $0x9;
	_ =	strace $0x80000048  }
0xbd: {  	_ =	swait.ge [sflag:s29], $0x1  }
0xbe: {  	[sflag:s29] =	ssyncadd.s32 $0xFFFFFFFF  }
0xbf: {  	_ =	strace $0x90000048  }
0xc0: {  	_ =	sfence  }
0xc1: {  	s30 =	sld [smem:$0x0];
	_ =	sdelay $0x2  }
0xc2: {  	s31 =	sshll.u32 s1, $0xD;
	s1 =	sshrl.u32 s1, $0x2  }
0xc3: {  	s3 =	sand.u32 $0x4000, s31;
	s1 =	sadd.s32 s1, s30  }
0xc4: {  	s0 =	sor.u32 s3, s0;
	s1 =	sshll.u32 s1, $0x11  }
0xc5: {  	s0 =	sor.u32 s1, s0  }
0xc6: {  	s0 =	sadd.s32 $0x8F2B, s0  }
0xc7: {  	[sflag:s0] =	ssyncadd.remote.s32 $0x1  }
0xc8: {  	_ =	sfence.sel $0xFFFF  }
0xc9: {  	[dreg:$0x0] =	wrdreg $0xFFFFFFFF;
	(pc) =	sbr.abs _section_cstart, $3  }
0xca: {  	[dreg:$0x1] =	wrdreg $0xFFFFFFFF  }
0xcb: {  	_ =	task.clear_ibuf [dreg:s12], $0x2FFFF;
	_ =	strace $0x9FFFFFFF  }
0xcc: {  	(tm) =	ssettm $0x7FFFFFFF  }
0xcd: {  	_ =	shalt  }
tec
execute0_lowered:
.L_overlay_start_1:
0x0: {  	(tag) =	ssettag $0x1  }
0x1: {  	s0 =	rddreg [dreg:$0x0]  }
0x2: {  	s2 =	rddreg [dreg:$0x1]  }
0x3: {  	s3 =	rddreg [dreg:$0x2]  }
0x4: {  	s4 =	rddreg [dreg:$0x3]  }
0x5: {  	s5 =	rddreg [dreg:$0x4]  }
0x6: {  	s6 =	rddreg [dreg:$0x5]  }
0x7: {  	s13 =	rddreg [dreg:$0x6]  }
0x8: {  	s1 =	rddreg [dreg:$0x7]  }
0x9: {  	s8 =	simm.s32 $0x0;
	s9 =	srdreg.scid;
	s7 =	stileid.u32  }
0xa: {  	s16 =	simm.s32 $0x3E80;
	s17 =	simm.s32 $0x1;
	s18 =	simm.s32 $0x7D00  }
0xb: {  	s19 =	simm.s32 $0x80;
	s20 =	simm.s32 $0x200;
	s21 =	simm.s32 $0xBB80  }
0xc: {  	[smem:$0x7FF] =	sst s8;
	s9 =	sand.u32 $0x1, s9;
	s10 =	sshll.u32 s7, $0x1  }
0xd: {  	_ =	strace $0x80000047;
	s11 =	ssub.s32 $0x2, s9;
	s9 =	sor.u32 s9, s10  }
0xe: {  	s10 =	sadd.s32 $0x400, s13;
	s12 =	sshrl.u32 s11, $0x1;
	s14 =	ssub.s32 $0x9C, s9  }
0xf: {  	s15 =	ssub.s32 s11, s12;
	s11 =	sshrl.u32 s14, $0x5;
	s12 =	sadd.s32 $0xF4640, s13  }
0x10: {  	s13 =	sadd.s32 $0x1E8880, s13;
	s14 =	smax.u32 s15, $0x1;
	s15 =	simm.s32 $0x2  }
.LBB2_1:
0x11: {  	s23 =	simm.s32 $0x0  }
.LBB2_2:
0x12: {  	s22 =	sshll.u32 s23, $0x5  }
0x13: {  	s22 =	sor.u32 s9, s22  }
0x14: {  	s24 =	smul.u32 $0x3E80, s22;
	_ =	sdelay $0x1  }
0x15: {  	s24 =	sshrl.u32 s24, $0x3  }
0x16: {  	s25 =	simm.s32 $0x0;
	s24 =	sadd.s32 s0, s24  }
0x17: {  	[tilespmem:s25], [sflag:$0x2] =	stream.linear.gather [hbm4b:s24+s25], $0x3E80, $0x38;
	[tilespmem:$0xFA00] =	vst v63  }
0x18: {  	_ =	swait.ge [sflag:s15], $0x3E80  }
0x19: {  	[sflag:s15] =	ssyncset.done $0x0  }
0x1a: {  	[sflag:s15] =	ssyncadd.s32 $0xFFFFC180  }
0x1b: {  	[tilespmem:s16], [sflag:$0x1] =	stream.indirect.gather [hbm4b:s4+s16], $0x1, s25, s16, $0xb8;
	[tilespmem:$0xFA00] =	vst v63  }
0x1c: {  	_ =	swait.ge [sflag:s17], $0x3E80  }
0x1d: {  	[sflag:s17] =	ssyncset.done $0x0  }
0x1e: {  	s24 =	simm.s32 $0x0;
	[sflag:s17] =	ssyncadd.s32 $0xFFFFC180  }
0x1f: {  	[tilespmem:s18], [sflag:$0x1] =	stream.indirect.gather [hbm4b:s5+s16], $0x1, s25, s16, $0xb8;
	[tilespmem:$0xFA00] =	vst v63  }
0x20: {  	v3 =	vld [tilespmem:s24+$0x3EF0]  }
0x21: {  	v4 =	vld [tilespmem:s24+$0x3E80]  }
0x22: {  	v5 =	vld [tilespmem:s24+$0x3E90]  }
0x23: {  	v2 =	vld [tilespmem:s24+$0x3EA0]  }
0x24: {  	v0 =	vld [tilespmem:s24+$0x3EB0]  }
0x25: {  	v1 =	vld [tilespmem:s24+$0x3EC0];
	[tilespmem:s24+$0xBBF0] =	vst v3  }
0x26: {  	[tilespmem:s24+$0xBB80] =	vst v4;
	v3 =	vld [tilespmem:s24+$0x3ED0]  }
0x27: {  	s26 =	simm.s32 $0x400;
	s25 =	simm.s32 $0x80;
	[tilespmem:s24+$0xBB90] =	vst v5;
	v4 =	vld [tilespmem:s24+$0x3EE0]  }
.LBB2_3:
0x28: {  	p0 =	sne.s32 s26, $0xF800;
	v5 =	vld [tilespmem:s25+$0x3EF0];
	[tilespmem:s24+$0xBBA0] =	vst v2  }
0x29: {  	v6 =	vld [tilespmem:s25+$0x3E80];
	[tilespmem:s24+$0xBBB0] =	vst v0  }
0x2a: {  	v7 =	vld [tilespmem:s25+$0x3E90];
	[tilespmem:s24+$0xBBC0] =	vst v1  }
.Ltmp0:
0x2b: {  	v2 =	vld [tilespmem:s25+$0x3EA0];
	[tilespmem:s24+$0xBBD0] =	vst v3;
	(pc) =	sbr.rel @p0 .LBB2_3-.Ltmp0, $4  }
0x2c: {  	v0 =	vld [tilespmem:s25+$0x3EB0];
	[tilespmem:s24+$0xBBE0] =	vst v4;
	s24 =	smov.u32 s25  }
0x2d: {  	v1 =	vld [tilespmem:s24+$0x3EC0];
	[tilespmem:s24+$0xBBF0] =	vst v5  }
0x2e: {  	[tilespmem:s24+$0xBB80] =	vst v6;
	v3 =	vld [tilespmem:s24+$0x3ED0]  }
0x2f: {  	s25 =	sshra.s32 s26, $0x2;
	s26 =	sadd.s32 $0x200, s26;
	[tilespmem:s24+$0xBB90] =	vst v7;
	v4 =	vld [tilespmem:s24+$0x3EE0]  }
0x30: {  	v5 =	vld [tilespmem:s25+$0x3EF0];
	[tilespmem:s24+$0xBBA0] =	vst v2  }
0x31: {  	v2 =	vld [tilespmem:s25+$0x3E80];
	[tilespmem:s24+$0xBBB0] =	vst v0  }
0x32: {  	v0 =	vld [tilespmem:s25+$0x3E90];
	[tilespmem:s24+$0xBBC0] =	vst v1  }
0x33: {  	v1 =	vld [tilespmem:s25+$0x3EA0];
	[tilespmem:s24+$0xBBD0] =	vst v3  }
0x34: {  	v3 =	vld [tilespmem:s25+$0x3EB0];
	[tilespmem:s24+$0xBBE0] =	vst v4  }
0x35: {  	v4 =	vld [tilespmem:s25+$0x3EC0];
	[tilespmem:s25+$0xBBF0] =	vst v5  }
0x36: {  	[tilespmem:s25+$0xBB80] =	vst v2;
	v2 =	vld [tilespmem:s25+$0x3ED0]  }
0x37: {  	[tilespmem:s25+$0xBB90] =	vst v0;
	v0 =	vld [tilespmem:s25+$0x3EE0]  }
0x38: {  	[tilespmem:s25+$0xBBA0] =	vst v1  }
0x39: {  	s22 =	smul.u32 $0xFA00, s22;
	[tilespmem:s25+$0xBBB0] =	vst v3  }
0x3a: {  	[tilespmem:s25+$0xBBC0] =	vst v4  }
0x3b: {  	s22 =	sshrl.u32 s22, $0x3;
	[tilespmem:s25+$0xBBD0] =	vst v2  }
0x3c: {  	s22 =	sadd.s32 s10, s22;
	[tilespmem:s25+$0xBBE0] =	vst v0  }
0x3d: {  	[hbm4b:s22+s19] =	stream.strided.scatter [tilespmem:s21], [sflag:$0x2], $0x3E80, s20, s19, $0x38;
	[tilespmem:$0xFA00] =	vst v63  }
0x3e: {  	_ =	swait.ge [sflag:s15], $0x3E80  }
0x3f: {  	[sflag:s15] =	ssyncset.done $0x0  }
0x40: {  	[sflag:s15] =	ssyncadd.s32 $0xFFFFC180  }
0x41: {  	_ =	swait.ge [sflag:s17], $0x3E80  }
0x42: {  	[sflag:s17] =	ssyncset.done $0x0  }
0x43: {  	s31 =	simm.s32 $0x0;
	s24 =	simm.s32 $0x0;
	[sflag:s17] =	ssyncadd.s32 $0xFFFFC180  }
0x44: {  	[tilespmem:s16], [sflag:$0x1] =	stream.indirect.gather [hbm4b:s6+s16], $0x1, s31, s16, $0xb8;
	[tilespmem:$0xFA00] =	vst v63  }
0x45: {  	v3 =	vld [tilespmem:s24+$0x7D70]  }
0x46: {  	v4 =	vld [tilespmem:s24+$0x7D00]  }
0x47: {  	v5 =	vld [tilespmem:s24+$0x7D10]  }
0x48: {  	v2 =	vld [tilespmem:s24+$0x7D20]  }
0x49: {  	v0 =	vld [tilespmem:s24+$0x7D30]  }
0x4a: {  	v1 =	vld [tilespmem:s24+$0x7D40];
	[tilespmem:s24+$0xBBF0] =	vst v3  }
0x4b: {  	[tilespmem:s24+$0xBB80] =	vst v4;
	v3 =	vld [tilespmem:s24+$0x7D50]  }
0x4c: {  	s26 =	simm.s32 $0x400;
	s25 =	simm.s32 $0x80;
	[tilespmem:s24+$0xBB90] =	vst v5;
	v4 =	vld [tilespmem:s24+$0x7D60]  }
.LBB2_5:
0x4d: {  	p0 =	sne.s32 s26, $0xF800;
	v5 =	vld [tilespmem:s25+$0x7D70];
	[tilespmem:s24+$0xBBA0] =	vst v2  }
0x4e: {  	v6 =	vld [tilespmem:s25+$0x7D00];
	[tilespmem:s24+$0xBBB0] =	vst v0  }
0x4f: {  	v7 =	vld [tilespmem:s25+$0x7D10];
	[tilespmem:s24+$0xBBC0] =	vst v1  }
.Ltmp1:
0x50: {  	v2 =	vld [tilespmem:s25+$0x7D20];
	[tilespmem:s24+$0xBBD0] =	vst v3;
	(pc) =	sbr.rel @p0 .LBB2_5-.Ltmp1, $4  }
0x51: {  	v0 =	vld [tilespmem:s25+$0x7D30];
	[tilespmem:s24+$0xBBE0] =	vst v4;
	s24 =	smov.u32 s25  }
0x52: {  	v1 =	vld [tilespmem:s24+$0x7D40];
	[tilespmem:s24+$0xBBF0] =	vst v5  }
0x53: {  	[tilespmem:s24+$0xBB80] =	vst v6;
	v3 =	vld [tilespmem:s24+$0x7D50]  }
0x54: {  	s25 =	sshra.s32 s26, $0x2;
	s26 =	sadd.s32 $0x200, s26;
	[tilespmem:s24+$0xBB90] =	vst v7;
	v4 =	vld [tilespmem:s24+$0x7D60]  }
0x55: {  	v5 =	vld [tilespmem:s25+$0x7D70];
	[tilespmem:s24+$0xBBA0] =	vst v2  }
0x56: {  	v2 =	vld [tilespmem:s25+$0x7D00];
	[tilespmem:s24+$0xBBB0] =	vst v0  }
0x57: {  	v0 =	vld [tilespmem:s25+$0x7D10];
	[tilespmem:s24+$0xBBC0] =	vst v1  }
0x58: {  	v1 =	vld [tilespmem:s25+$0x7D20];
	[tilespmem:s24+$0xBBD0] =	vst v3  }
0x59: {  	v3 =	vld [tilespmem:s25+$0x7D30];
	[tilespmem:s24+$0xBBE0] =	vst v4  }
0x5a: {  	v4 =	vld [tilespmem:s25+$0x7D40];
	[tilespmem:s25+$0xBBF0] =	vst v5  }
0x5b: {  	[tilespmem:s25+$0xBB80] =	vst v2;
	v2 =	vld [tilespmem:s25+$0x7D50]  }
0x5c: {  	[tilespmem:s25+$0xBB90] =	vst v0;
	v0 =	vld [tilespmem:s25+$0x7D60]  }
0x5d: {  	[tilespmem:s25+$0xBBA0] =	vst v1  }
0x5e: {  	[tilespmem:s25+$0xBBB0] =	vst v3  }
0x5f: {  	[tilespmem:s25+$0xBBC0] =	vst v4  }
0x60: {  	[tilespmem:s25+$0xBBD0] =	vst v2  }
0x61: {  	s31 =	sadd.s32 $0x10, s22;
	[tilespmem:s25+$0xBBE0] =	vst v0  }
0x62: {  	[hbm4b:s31+s19] =	stream.strided.scatter [tilespmem:s21], [sflag:$0x2], $0x3E80, s20, s19, $0x38;
	[tilespmem:$0xFA00] =	vst v63  }
0x63: {  	_ =	swait.ge [sflag:s15], $0x3E80  }
0x64: {  	[sflag:s15] =	ssyncset.done $0x0  }
0x65: {  	[sflag:s15] =	ssyncadd.s32 $0xFFFFC180  }
0x66: {  	_ =	swait.ge [sflag:s17], $0x3E80  }
0x67: {  	[sflag:s17] =	ssyncset.done $0x0  }
0x68: {  	s24 =	simm.s32 $0x0;
	[sflag:s17] =	ssyncadd.s32 $0xFFFFC180  }
0x69: {  	v3 =	vld [tilespmem:s24+$0x3EF0]  }
0x6a: {  	v4 =	vld [tilespmem:s24+$0x3E80]  }
0x6b: {  	v5 =	vld [tilespmem:s24+$0x3E90]  }
0x6c: {  	v2 =	vld [tilespmem:s24+$0x3EA0]  }
0x6d: {  	v0 =	vld [tilespmem:s24+$0x3EB0]  }
0x6e: {  	v1 =	vld [tilespmem:s24+$0x3EC0];
	[tilespmem:s24+$0xBBF0] =	vst v3  }
0x6f: {  	[tilespmem:s24+$0xBB80] =	vst v4;
	v3 =	vld [tilespmem:s24+$0x3ED0]  }
0x70: {  	s26 =	simm.s32 $0x400;
	s25 =	simm.s32 $0x80;
	[tilespmem:s24+$0xBB90] =	vst v5;
	v4 =	vld [tilespmem:s24+$0x3EE0]  }
.LBB2_7:
0x71: {  	p0 =	sne.s32 s26, $0xF800;
	v5 =	vld [tilespmem:s25+$0x3EF0];
	[tilespmem:s24+$0xBBA0] =	vst v2  }
0x72: {  	v6 =	vld [tilespmem:s25+$0x3E80];
	[tilespmem:s24+$0xBBB0] =	vst v0  }
0x73: {  	v7 =	vld [tilespmem:s25+$0x3E90];
	[tilespmem:s24+$0xBBC0] =	vst v1  }
.Ltmp2:
0x74: {  	v2 =	vld [tilespmem:s25+$0x3EA0];
	[tilespmem:s24+$0xBBD0] =	vst v3;
	(pc) =	sbr.rel @p0 .LBB2_7-.Ltmp2, $4  }
0x75: {  	v0 =	vld [tilespmem:s25+$0x3EB0];
	[tilespmem:s24+$0xBBE0] =	vst v4;
	s24 =	smov.u32 s25  }
0x76: {  	v1 =	vld [tilespmem:s24+$0x3EC0];
	[tilespmem:s24+$0xBBF0] =	vst v5  }
0x77: {  	[tilespmem:s24+$0xBB80] =	vst v6;
	v3 =	vld [tilespmem:s24+$0x3ED0]  }
0x78: {  	s25 =	sshra.s32 s26, $0x2;
	s26 =	sadd.s32 $0x200, s26;
	[tilespmem:s24+$0xBB90] =	vst v7;
	v4 =	vld [tilespmem:s24+$0x3EE0]  }
0x79: {  	v5 =	vld [tilespmem:s25+$0x3EF0];
	[tilespmem:s24+$0xBBA0] =	vst v2  }
0x7a: {  	v2 =	vld [tilespmem:s25+$0x3E80];
	[tilespmem:s24+$0xBBB0] =	vst v0  }
0x7b: {  	v0 =	vld [tilespmem:s25+$0x3E90];
	[tilespmem:s24+$0xBBC0] =	vst v1  }
0x7c: {  	v1 =	vld [tilespmem:s25+$0x3EA0];
	[tilespmem:s24+$0xBBD0] =	vst v3  }
0x7d: {  	v3 =	vld [tilespmem:s25+$0x3EB0];
	[tilespmem:s24+$0xBBE0] =	vst v4  }
0x7e: {  	v4 =	vld [tilespmem:s25+$0x3EC0];
	[tilespmem:s25+$0xBBF0] =	vst v5  }
0x7f: {  	v62 =	vld [tilespmem:s25+$0x3ED0];
	[tilespmem:s25+$0xBB80] =	vst v2  }
0x80: {  	v63 =	vld [tilespmem:s25+$0x3EE0];
	[tilespmem:s25+$0xBB90] =	vst v0  }
0x81: {  	[tilespmem:s25+$0xBBA0] =	vst v1  }
0x82: {  	[tilespmem:s25+$0xBBB0] =	vst v3  }
0x83: {  	s23 =	sadd.s32 $0x1, s23;
	[tilespmem:s25+$0xBBC0] =	vst v4  }
0x84: {  	p0 =	sne.s32 s23, s11;
	[tilespmem:s25+$0xBBD0] =	vst v62  }
.Ltmp3:
0x85: {  	s22 =	sadd.s32 $0x20, s22;
	[tilespmem:s25+$0xBBE0] =	vst v63;
	(pc) =	sbr.rel @p0 .LBB2_2-.Ltmp3, $4  }
0x86: {  	[hbm4b:s22+s19] =	stream.strided.scatter [tilespmem:s21], [sflag:$0x2], $0x3E80, s20, s19, $0x38;
	[tilespmem:$0xFA00] =	vst v63  }
0x87: {  	_ =	swait.ge [sflag:s15], $0x3E80  }
0x88: {  	[sflag:s15] =	ssyncset.done $0x0  }
0x89: {  	s22 =	simm.s32 $0x0;
	[sflag:s15] =	ssyncadd.s32 $0xFFFFC180  }
0x8a: {  	s24 =	simm.s32 $0x0  }
.LBB2_10:
0x8b: {  	s23 =	sshll.u32 s24, $0x5  }
0x8c: {  	s23 =	sor.u32 s9, s23  }
0x8d: {  	s25 =	smul.u32 $0x3E80, s23;
	_ =	sdelay $0x1  }
0x8e: {  	s25 =	sshrl.u32 s25, $0x3  }
0x8f: {  	s25 =	sadd.s32 s2, s25  }
0x90: {  	[tilespmem:s22], [sflag:$0x2] =	stream.linear.gather [hbm4b:s25+s22], $0x3E80, $0x38;
	[tilespmem:$0xFA00] =	vst v63  }
0x91: {  	_ =	swait.ge [sflag:s15], $0x3E80  }
0x92: {  	[sflag:s15] =	ssyncset.done $0x0  }
0x93: {  	[sflag:s15] =	ssyncadd.s32 $0xFFFFC180  }
0x94: {  	[tilespmem:s16], [sflag:$0x1] =	stream.indirect.gather [hbm4b:s4+s16], $0x1, s22, s16, $0xb8;
	[tilespmem:$0xFA00] =	vst v63  }
0x95: {  	_ =	swait.ge [sflag:s17], $0x3E80  }
0x96: {  	[sflag:s17] =	ssyncset.done $0x0  }
0x97: {  	s25 =	simm.s32 $0x0;
	[sflag:s17] =	ssyncadd.s32 $0xFFFFC180  }
0x98: {  	[tilespmem:s18], [sflag:$0x1] =	stream.indirect.gather [hbm4b:s5+s16], $0x1, s22, s16, $0xb8;
	[tilespmem:$0xFA00] =	vst v63  }
0x99: {  	v3 =	vld [tilespmem:s25+$0x3EF0]  }
0x9a: {  	v4 =	vld [tilespmem:s25+$0x3E80]  }
0x9b: {  	v5 =	vld [tilespmem:s25+$0x3E90]  }
0x9c: {  	v2 =	vld [tilespmem:s25+$0x3EA0]  }
0x9d: {  	v0 =	vld [tilespmem:s25+$0x3EB0]  }
0x9e: {  	v1 =	vld [tilespmem:s25+$0x3EC0];
	[tilespmem:s25+$0xBBF0] =	vst v3  }
0x9f: {  	[tilespmem:s25+$0xBB80] =	vst v4;
	v3 =	vld [tilespmem:s25+$0x3ED0]  }
0xa0: {  	s26 =	simm.s32 $0x80;
	s28 =	simm.s32 $0x400;
	[tilespmem:s25+$0xBB90] =	vst v5;
	v4 =	vld [tilespmem:s25+$0x3EE0]  }
.LBB2_11:
0xa1: {  	p0 =	sne.s32 s28, $0xF800;
	v5 =	vld [tilespmem:s26+$0x3EF0];
	[tilespmem:s25+$0xBBA0] =	vst v2  }
0xa2: {  	v6 =	vld [tilespmem:s26+$0x3E80];
	[tilespmem:s25+$0xBBB0] =	vst v0  }
0xa3: {  	v7 =	vld [tilespmem:s26+$0x3E90];
	[tilespmem:s25+$0xBBC0] =	vst v1  }
.Ltmp4:
0xa4: {  	v2 =	vld [tilespmem:s26+$0x3EA0];
	[tilespmem:s25+$0xBBD0] =	vst v3;
	(pc) =	sbr.rel @p0 .LBB2_11-.Ltmp4, $4  }
0xa5: {  	v0 =	vld [tilespmem:s26+$0x3EB0];
	[tilespmem:s25+$0xBBE0] =	vst v4;
	s25 =	smov.u32 s26  }
0xa6: {  	v1 =	vld [tilespmem:s25+$0x3EC0];
	[tilespmem:s25+$0xBBF0] =	vst v5  }
0xa7: {  	[tilespmem:s25+$0xBB80] =	vst v6;
	v3 =	vld [tilespmem:s25+$0x3ED0]  }
0xa8: {  	s26 =	sshra.s32 s28, $0x2;
	s28 =	sadd.s32 $0x200, s28;
	[tilespmem:s25+$0xBB90] =	vst v7;
	v4 =	vld [tilespmem:s25+$0x3EE0]  }
0xa9: {  	v5 =	vld [tilespmem:s26+$0x3EF0];
	[tilespmem:s25+$0xBBA0] =	vst v2  }
0xaa: {  	v2 =	vld [tilespmem:s26+$0x3E80];
	[tilespmem:s25+$0xBBB0] =	vst v0  }
0xab: {  	v0 =	vld [tilespmem:s26+$0x3E90];
	[tilespmem:s25+$0xBBC0] =	vst v1  }
0xac: {  	v1 =	vld [tilespmem:s26+$0x3EA0];
	[tilespmem:s25+$0xBBD0] =	vst v3  }
0xad: {  	v3 =	vld [tilespmem:s26+$0x3EB0];
	[tilespmem:s25+$0xBBE0] =	vst v4  }
0xae: {  	v4 =	vld [tilespmem:s26+$0x3EC0];
	[tilespmem:s26+$0xBBF0] =	vst v5  }
0xaf: {  	[tilespmem:s26+$0xBB80] =	vst v2;
	v2 =	vld [tilespmem:s26+$0x3ED0]  }
0xb0: {  	[tilespmem:s26+$0xBB90] =	vst v0;
	v0 =	vld [tilespmem:s26+$0x3EE0]  }
0xb1: {  	[tilespmem:s26+$0xBBA0] =	vst v1  }
0xb2: {  	s23 =	smul.u32 $0xFA00, s23;
	[tilespmem:s26+$0xBBB0] =	vst v3  }
0xb3: {  	[tilespmem:s26+$0xBBC0] =	vst v4  }
0xb4: {  	s23 =	sshrl.u32 s23, $0x3;
	[tilespmem:s26+$0xBBD0] =	vst v2  }
0xb5: {  	s23 =	sadd.s32 s23, s12;
	[tilespmem:s26+$0xBBE0] =	vst v0  }
0xb6: {  	[hbm4b:s23+s19] =	stream.strided.scatter [tilespmem:s21], [sflag:$0x2], $0x3E80, s20, s19, $0x38;
	[tilespmem:$0xFA00] =	vst v63  }
0xb7: {  	_ =	swait.ge [sflag:s15], $0x3E80  }
0xb8: {  	[sflag:s15] =	ssyncset.done $0x0  }
0xb9: {  	[sflag:s15] =	ssyncadd.s32 $0xFFFFC180  }
0xba: {  	_ =	swait.ge [sflag:s17], $0x3E80  }
0xbb: {  	[sflag:s17] =	ssyncset.done $0x0  }
0xbc: {  	s31 =	simm.s32 $0x0;
	s25 =	simm.s32 $0x0;
	[sflag:s17] =	ssyncadd.s32 $0xFFFFC180  }
0xbd: {  	[tilespmem:s16], [sflag:$0x1] =	stream.indirect.gather [hbm4b:s6+s16], $0x1, s31, s16, $0xb8;
	[tilespmem:$0xFA00] =	vst v63  }
0xbe: {  	v3 =	vld [tilespmem:s25+$0x7D70]  }
0xbf: {  	v4 =	vld [tilespmem:s25+$0x7D00]  }
0xc0: {  	v5 =	vld [tilespmem:s25+$0x7D10]  }
0xc1: {  	v2 =	vld [tilespmem:s25+$0x7D20]  }
0xc2: {  	v0 =	vld [tilespmem:s25+$0x7D30]  }
0xc3: {  	v1 =	vld [tilespmem:s25+$0x7D40];
	[tilespmem:s25+$0xBBF0] =	vst v3  }
0xc4: {  	[tilespmem:s25+$0xBB80] =	vst v4;
	v3 =	vld [tilespmem:s25+$0x7D50]  }
0xc5: {  	s28 =	simm.s32 $0x400;
	s26 =	simm.s32 $0x80;
	[tilespmem:s25+$0xBB90] =	vst v5;
	v4 =	vld [tilespmem:s25+$0x7D60]  }
.LBB2_13:
0xc6: {  	p0 =	sne.s32 s28, $0xF800;
	v5 =	vld [tilespmem:s26+$0x7D70];
	[tilespmem:s25+$0xBBA0] =	vst v2  }
0xc7: {  	v6 =	vld [tilespmem:s26+$0x7D00];
	[tilespmem:s25+$0xBBB0] =	vst v0  }
0xc8: {  	v7 =	vld [tilespmem:s26+$0x7D10];
	[tilespmem:s25+$0xBBC0] =	vst v1  }
.Ltmp5:
0xc9: {  	v2 =	vld [tilespmem:s26+$0x7D20];
	[tilespmem:s25+$0xBBD0] =	vst v3;
	(pc) =	sbr.rel @p0 .LBB2_13-.Ltmp5, $4  }
0xca: {  	v0 =	vld [tilespmem:s26+$0x7D30];
	[tilespmem:s25+$0xBBE0] =	vst v4;
	s25 =	smov.u32 s26  }
0xcb: {  	v1 =	vld [tilespmem:s25+$0x7D40];
	[tilespmem:s25+$0xBBF0] =	vst v5  }
0xcc: {  	[tilespmem:s25+$0xBB80] =	vst v6;
	v3 =	vld [tilespmem:s25+$0x7D50]  }
0xcd: {  	s26 =	sshra.s32 s28, $0x2;
	s28 =	sadd.s32 $0x200, s28;
	[tilespmem:s25+$0xBB90] =	vst v7;
	v4 =	vld [tilespmem:s25+$0x7D60]  }
0xce: {  	v5 =	vld [tilespmem:s26+$0x7D70];
	[tilespmem:s25+$0xBBA0] =	vst v2  }
0xcf: {  	v2 =	vld [tilespmem:s26+$0x7D00];
	[tilespmem:s25+$0xBBB0] =	vst v0  }
0xd0: {  	v0 =	vld [tilespmem:s26+$0x7D10];
	[tilespmem:s25+$0xBBC0] =	vst v1  }
0xd1: {  	v1 =	vld [tilespmem:s26+$0x7D20];
	[tilespmem:s25+$0xBBD0] =	vst v3  }
0xd2: {  	v3 =	vld [tilespmem:s26+$0x7D30];
	[tilespmem:s25+$0xBBE0] =	vst v4  }
0xd3: {  	v4 =	vld [tilespmem:s26+$0x7D40];
	[tilespmem:s26+$0xBBF0] =	vst v5  }
0xd4: {  	[tilespmem:s26+$0xBB80] =	vst v2;
	v2 =	vld [tilespmem:s26+$0x7D50]  }
0xd5: {  	[tilespmem:s26+$0xBB90] =	vst v0;
	v0 =	vld [tilespmem:s26+$0x7D60]  }
0xd6: {  	[tilespmem:s26+$0xBBA0] =	vst v1  }
0xd7: {  	[tilespmem:s26+$0xBBB0] =	vst v3  }
0xd8: {  	[tilespmem:s26+$0xBBC0] =	vst v4  }
0xd9: {  	[tilespmem:s26+$0xBBD0] =	vst v2  }
0xda: {  	s31 =	sadd.s32 $0x10, s23;
	[tilespmem:s26+$0xBBE0] =	vst v0  }
0xdb: {  	[hbm4b:s31+s19] =	stream.strided.scatter [tilespmem:s21], [sflag:$0x2], $0x3E80, s20, s19, $0x38;
	[tilespmem:$0xFA00] =	vst v63  }
0xdc: {  	_ =	swait.ge [sflag:s15], $0x3E80  }
0xdd: {  	[sflag:s15] =	ssyncset.done $0x0  }
0xde: {  	[sflag:s15] =	ssyncadd.s32 $0xFFFFC180  }
0xdf: {  	_ =	swait.ge [sflag:s17], $0x3E80  }
0xe0: {  	[sflag:s17] =	ssyncset.done $0x0  }
0xe1: {  	s25 =	simm.s32 $0x0;
	[sflag:s17] =	ssyncadd.s32 $0xFFFFC180  }
0xe2: {  	v3 =	vld [tilespmem:s25+$0x3EF0]  }
0xe3: {  	v4 =	vld [tilespmem:s25+$0x3E80]  }
0xe4: {  	v5 =	vld [tilespmem:s25+$0x3E90]  }
0xe5: {  	v2 =	vld [tilespmem:s25+$0x3EA0]  }
0xe6: {  	v0 =	vld [tilespmem:s25+$0x3EB0]  }
0xe7: {  	v1 =	vld [tilespmem:s25+$0x3EC0];
	[tilespmem:s25+$0xBBF0] =	vst v3  }
0xe8: {  	[tilespmem:s25+$0xBB80] =	vst v4;
	v3 =	vld [tilespmem:s25+$0x3ED0]  }
0xe9: {  	s28 =	simm.s32 $0x400;
	s26 =	simm.s32 $0x80;
	[tilespmem:s25+$0xBB90] =	vst v5;
	v4 =	vld [tilespmem:s25+$0x3EE0]  }
.LBB2_15:
0xea: {  	p0 =	sne.s32 s28, $0xF800;
	v5 =	vld [tilespmem:s26+$0x3EF0];
	[tilespmem:s25+$0xBBA0] =	vst v2  }
0xeb: {  	v6 =	vld [tilespmem:s26+$0x3E80];
	[tilespmem:s25+$0xBBB0] =	vst v0  }
0xec: {  	v7 =	vld [tilespmem:s26+$0x3E90];
	[tilespmem:s25+$0xBBC0] =	vst v1  }
.Ltmp6:
0xed: {  	v2 =	vld [tilespmem:s26+$0x3EA0];
	[tilespmem:s25+$0xBBD0] =	vst v3;
	(pc) =	sbr.rel @p0 .LBB2_15-.Ltmp6, $4  }
0xee: {  	v0 =	vld [tilespmem:s26+$0x3EB0];
	[tilespmem:s25+$0xBBE0] =	vst v4;
	s25 =	smov.u32 s26  }
0xef: {  	v1 =	vld [tilespmem:s25+$0x3EC0];
	[tilespmem:s25+$0xBBF0] =	vst v5  }
0xf0: {  	[tilespmem:s25+$0xBB80] =	vst v6;
	v3 =	vld [tilespmem:s25+$0x3ED0]  }
0xf1: {  	s26 =	sshra.s32 s28, $0x2;
	s28 =	sadd.s32 $0x200, s28;
	[tilespmem:s25+$0xBB90] =	vst v7;
	v4 =	vld [tilespmem:s25+$0x3EE0]  }
0xf2: {  	v5 =	vld [tilespmem:s26+$0x3EF0];
	[tilespmem:s25+$0xBBA0] =	vst v2  }
0xf3: {  	v2 =	vld [tilespmem:s26+$0x3E80];
	[tilespmem:s25+$0xBBB0] =	vst v0  }
0xf4: {  	v0 =	vld [tilespmem:s26+$0x3E90];
	[tilespmem:s25+$0xBBC0] =	vst v1  }
0xf5: {  	v1 =	vld [tilespmem:s26+$0x3EA0];
	[tilespmem:s25+$0xBBD0] =	vst v3  }
0xf6: {  	v3 =	vld [tilespmem:s26+$0x3EB0];
	[tilespmem:s25+$0xBBE0] =	vst v4  }
0xf7: {  	v4 =	vld [tilespmem:s26+$0x3EC0];
	[tilespmem:s26+$0xBBF0] =	vst v5  }
0xf8: {  	v62 =	vld [tilespmem:s26+$0x3ED0];
	[tilespmem:s26+$0xBB80] =	vst v2  }
0xf9: {  	v63 =	vld [tilespmem:s26+$0x3EE0];
	[tilespmem:s26+$0xBB90] =	vst v0  }
0xfa: {  	[tilespmem:s26+$0xBBA0] =	vst v1  }
0xfb: {  	[tilespmem:s26+$0xBBB0] =	vst v3  }
0xfc: {  	s24 =	sadd.s32 $0x1, s24;
	[tilespmem:s26+$0xBBC0] =	vst v4  }
0xfd: {  	p0 =	sne.s32 s24, s11;
	[tilespmem:s26+$0xBBD0] =	vst v62  }
.Ltmp7:
0xfe: {  	s23 =	sadd.s32 $0x20, s23;
	[tilespmem:s26+$0xBBE0] =	vst v63;
	(pc) =	sbr.rel @p0 .LBB2_10-.Ltmp7, $4  }
0xff: {  	[hbm4b:s23+s19] =	stream.strided.scatter [tilespmem:s21], [sflag:$0x2], $0x3E80, s20, s19, $0x38;
	[tilespmem:$0xFA00] =	vst v63  }
0x100: {  	_ =	swait.ge [sflag:s15], $0x3E80  }
0x101: {  	[sflag:s15] =	ssyncset.done $0x0  }
0x102: {  	s23 =	simm.s32 $0x0;
	[sflag:s15] =	ssyncadd.s32 $0xFFFFC180  }
0x103: {  	s22 =	simm.s32 $0x0  }
.LBB2_18:
0x104: {  	s24 =	sshll.u32 s22, $0x5  }
0x105: {  	s24 =	sor.u32 s9, s24  }
0x106: {  	s25 =	smul.u32 $0x3E80, s24;
	_ =	sdelay $0x1  }
0x107: {  	s25 =	sshrl.u32 s25, $0x3  }
0x108: {  	s25 =	sadd.s32 s3, s25  }
0x109: {  	[tilespmem:s23], [sflag:$0x2] =	stream.linear.gather [hbm4b:s25+s23], $0x3E80, $0x38;
	[tilespmem:$0xFA00] =	vst v63  }
0x10a: {  	_ =	swait.ge [sflag:s15], $0x3E80  }
0x10b: {  	[sflag:s15] =	ssyncset.done $0x0  }
0x10c: {  	[sflag:s15] =	ssyncadd.s32 $0xFFFFC180  }
0x10d: {  	[tilespmem:s16], [sflag:$0x1] =	stream.indirect.gather [hbm4b:s4+s16], $0x1, s23, s16, $0xb8;
	[tilespmem:$0xFA00] =	vst v63  }
0x10e: {  	_ =	swait.ge [sflag:s17], $0x3E80  }
0x10f: {  	[sflag:s17] =	ssyncset.done $0x0  }
0x110: {  	s25 =	simm.s32 $0x0;
	[sflag:s17] =	ssyncadd.s32 $0xFFFFC180  }
0x111: {  	[tilespmem:s18], [sflag:$0x1] =	stream.indirect.gather [hbm4b:s5+s16], $0x1, s23, s16, $0xb8;
	[tilespmem:$0xFA00] =	vst v63  }
0x112: {  	v3 =	vld [tilespmem:s25+$0x3EF0]  }
0x113: {  	v4 =	vld [tilespmem:s25+$0x3E80]  }
0x114: {  	v5 =	vld [tilespmem:s25+$0x3E90]  }
0x115: {  	v2 =	vld [tilespmem:s25+$0x3EA0]  }
0x116: {  	v0 =	vld [tilespmem:s25+$0x3EB0]  }
0x117: {  	v1 =	vld [tilespmem:s25+$0x3EC0];
	[tilespmem:s25+$0xBBF0] =	vst v3  }
0x118: {  	[tilespmem:s25+$0xBB80] =	vst v4;
	v3 =	vld [tilespmem:s25+$0x3ED0]  }
0x119: {  	s26 =	simm.s32 $0x80;
	s28 =	simm.s32 $0x400;
	[tilespmem:s25+$0xBB90] =	vst v5;
	v4 =	vld [tilespmem:s25+$0x3EE0]  }
.LBB2_19:
0x11a: {  	p0 =	sne.s32 s28, $0xF800;
	v5 =	vld [tilespmem:s26+$0x3EF0];
	[tilespmem:s25+$0xBBA0] =	vst v2  }
0x11b: {  	v6 =	vld [tilespmem:s26+$0x3E80];
	[tilespmem:s25+$0xBBB0] =	vst v0  }
0x11c: {  	v7 =	vld [tilespmem:s26+$0x3E90];
	[tilespmem:s25+$0xBBC0] =	vst v1  }
.Ltmp8:
0x11d: {  	v2 =	vld [tilespmem:s26+$0x3EA0];
	[tilespmem:s25+$0xBBD0] =	vst v3;
	(pc) =	sbr.rel @p0 .LBB2_19-.Ltmp8, $4  }
0x11e: {  	v0 =	vld [tilespmem:s26+$0x3EB0];
	[tilespmem:s25+$0xBBE0] =	vst v4;
	s25 =	smov.u32 s26  }
0x11f: {  	v1 =	vld [tilespmem:s25+$0x3EC0];
	[tilespmem:s25+$0xBBF0] =	vst v5  }
0x120: {  	[tilespmem:s25+$0xBB80] =	vst v6;
	v3 =	vld [tilespmem:s25+$0x3ED0]  }
0x121: {  	s26 =	sshra.s32 s28, $0x2;
	s28 =	sadd.s32 $0x200, s28;
	[tilespmem:s25+$0xBB90] =	vst v7;
	v4 =	vld [tilespmem:s25+$0x3EE0]  }
0x122: {  	v5 =	vld [tilespmem:s26+$0x3EF0];
	[tilespmem:s25+$0xBBA0] =	vst v2  }
0x123: {  	v2 =	vld [tilespmem:s26+$0x3E80];
	[tilespmem:s25+$0xBBB0] =	vst v0  }
0x124: {  	v0 =	vld [tilespmem:s26+$0x3E90];
	[tilespmem:s25+$0xBBC0] =	vst v1  }
0x125: {  	v1 =	vld [tilespmem:s26+$0x3EA0];
	[tilespmem:s25+$0xBBD0] =	vst v3  }
0x126: {  	v3 =	vld [tilespmem:s26+$0x3EB0];
	[tilespmem:s25+$0xBBE0] =	vst v4  }
0x127: {  	v4 =	vld [tilespmem:s26+$0x3EC0];
	[tilespmem:s26+$0xBBF0] =	vst v5  }
0x128: {  	[tilespmem:s26+$0xBB80] =	vst v2;
	v2 =	vld [tilespmem:s26+$0x3ED0]  }
0x129: {  	[tilespmem:s26+$0xBB90] =	vst v0;
	v0 =	vld [tilespmem:s26+$0x3EE0]  }
0x12a: {  	[tilespmem:s26+$0xBBA0] =	vst v1  }
0x12b: {  	s24 =	smul.u32 $0xFA00, s24;
	[tilespmem:s26+$0xBBB0] =	vst v3  }
0x12c: {  	[tilespmem:s26+$0xBBC0] =	vst v4  }
0x12d: {  	s24 =	sshrl.u32 s24, $0x3;
	[tilespmem:s26+$0xBBD0] =	vst v2  }
0x12e: {  	s24 =	sadd.s32 s24, s13;
	[tilespmem:s26+$0xBBE0] =	vst v0  }
0x12f: {  	[hbm4b:s24+s19] =	stream.strided.scatter [tilespmem:s21], [sflag:$0x2], $0x3E80, s20, s19, $0x38;
	[tilespmem:$0xFA00] =	vst v63  }
0x130: {  	_ =	swait.ge [sflag:s15], $0x3E80  }
0x131: {  	[sflag:s15] =	ssyncset.done $0x0  }
0x132: {  	[sflag:s15] =	ssyncadd.s32 $0xFFFFC180  }
0x133: {  	_ =	swait.ge [sflag:s17], $0x3E80  }
0x134: {  	[sflag:s17] =	ssyncset.done $0x0  }
0x135: {  	s31 =	simm.s32 $0x0;
	s25 =	simm.s32 $0x0;
	[sflag:s17] =	ssyncadd.s32 $0xFFFFC180  }
0x136: {  	[tilespmem:s16], [sflag:$0x1] =	stream.indirect.gather [hbm4b:s6+s16], $0x1, s31, s16, $0xb8;
	[tilespmem:$0xFA00] =	vst v63  }
0x137: {  	v3 =	vld [tilespmem:s25+$0x7D70]  }
0x138: {  	v4 =	vld [tilespmem:s25+$0x7D00]  }
0x139: {  	v5 =	vld [tilespmem:s25+$0x7D10]  }
0x13a: {  	v2 =	vld [tilespmem:s25+$0x7D20]  }
0x13b: {  	v0 =	vld [tilespmem:s25+$0x7D30]  }
0x13c: {  	v1 =	vld [tilespmem:s25+$0x7D40];
	[tilespmem:s25+$0xBBF0] =	vst v3  }
0x13d: {  	[tilespmem:s25+$0xBB80] =	vst v4;
	v3 =	vld [tilespmem:s25+$0x7D50]  }
0x13e: {  	s28 =	simm.s32 $0x400;
	s26 =	simm.s32 $0x80;
	[tilespmem:s25+$0xBB90] =	vst v5;
	v4 =	vld [tilespmem:s25+$0x7D60]  }
.LBB2_21:
0x13f: {  	p0 =	sne.s32 s28, $0xF800;
	v5 =	vld [tilespmem:s26+$0x7D70];
	[tilespmem:s25+$0xBBA0] =	vst v2  }
0x140: {  	v6 =	vld [tilespmem:s26+$0x7D00];
	[tilespmem:s25+$0xBBB0] =	vst v0  }
0x141: {  	v7 =	vld [tilespmem:s26+$0x7D10];
	[tilespmem:s25+$0xBBC0] =	vst v1  }
.Ltmp9:
0x142: {  	v2 =	vld [tilespmem:s26+$0x7D20];
	[tilespmem:s25+$0xBBD0] =	vst v3;
	(pc) =	sbr.rel @p0 .LBB2_21-.Ltmp9, $4  }
0x143: {  	v0 =	vld [tilespmem:s26+$0x7D30];
	[tilespmem:s25+$0xBBE0] =	vst v4;
	s25 =	smov.u32 s26  }
0x144: {  	v1 =	vld [tilespmem:s25+$0x7D40];
	[tilespmem:s25+$0xBBF0] =	vst v5  }
0x145: {  	[tilespmem:s25+$0xBB80] =	vst v6;
	v3 =	vld [tilespmem:s25+$0x7D50]  }
0x146: {  	s26 =	sshra.s32 s28, $0x2;
	s28 =	sadd.s32 $0x200, s28;
	[tilespmem:s25+$0xBB90] =	vst v7;
	v4 =	vld [tilespmem:s25+$0x7D60]  }
0x147: {  	v5 =	vld [tilespmem:s26+$0x7D70];
	[tilespmem:s25+$0xBBA0] =	vst v2  }
0x148: {  	v2 =	vld [tilespmem:s26+$0x7D00];
	[tilespmem:s25+$0xBBB0] =	vst v0  }
0x149: {  	v0 =	vld [tilespmem:s26+$0x7D10];
	[tilespmem:s25+$0xBBC0] =	vst v1  }
0x14a: {  	v1 =	vld [tilespmem:s26+$0x7D20];
	[tilespmem:s25+$0xBBD0] =	vst v3  }
0x14b: {  	v3 =	vld [tilespmem:s26+$0x7D30];
	[tilespmem:s25+$0xBBE0] =	vst v4  }
0x14c: {  	v4 =	vld [tilespmem:s26+$0x7D40];
	[tilespmem:s26+$0xBBF0] =	vst v5  }
0x14d: {  	[tilespmem:s26+$0xBB80] =	vst v2;
	v2 =	vld [tilespmem:s26+$0x7D50]  }
0x14e: {  	[tilespmem:s26+$0xBB90] =	vst v0;
	v0 =	vld [tilespmem:s26+$0x7D60]  }
0x14f: {  	[tilespmem:s26+$0xBBA0] =	vst v1  }
0x150: {  	[tilespmem:s26+$0xBBB0] =	vst v3  }
0x151: {  	[tilespmem:s26+$0xBBC0] =	vst v4  }
0x152: {  	[tilespmem:s26+$0xBBD0] =	vst v2  }
0x153: {  	s31 =	sadd.s32 $0x10, s24;
	[tilespmem:s26+$0xBBE0] =	vst v0  }
0x154: {  	[hbm4b:s31+s19] =	stream.strided.scatter [tilespmem:s21], [sflag:$0x2], $0x3E80, s20, s19, $0x38;
	[tilespmem:$0xFA00] =	vst v63  }
0x155: {  	_ =	swait.ge [sflag:s15], $0x3E80  }
0x156: {  	[sflag:s15] =	ssyncset.done $0x0  }
0x157: {  	[sflag:s15] =	ssyncadd.s32 $0xFFFFC180  }
0x158: {  	_ =	swait.ge [sflag:s17], $0x3E80  }
0x159: {  	[sflag:s17] =	ssyncset.done $0x0  }
0x15a: {  	s25 =	simm.s32 $0x0;
	[sflag:s17] =	ssyncadd.s32 $0xFFFFC180  }
0x15b: {  	v3 =	vld [tilespmem:s25+$0x3EF0]  }
0x15c: {  	v4 =	vld [tilespmem:s25+$0x3E80]  }
0x15d: {  	v5 =	vld [tilespmem:s25+$0x3E90]  }
0x15e: {  	v2 =	vld [tilespmem:s25+$0x3EA0]  }
0x15f: {  	v0 =	vld [tilespmem:s25+$0x3EB0]  }
0x160: {  	v1 =	vld [tilespmem:s25+$0x3EC0];
	[tilespmem:s25+$0xBBF0] =	vst v3  }
0x161: {  	[tilespmem:s25+$0xBB80] =	vst v4;
	v3 =	vld [tilespmem:s25+$0x3ED0]  }
0x162: {  	s28 =	simm.s32 $0x400;
	s26 =	simm.s32 $0x80;
	[tilespmem:s25+$0xBB90] =	vst v5;
	v4 =	vld [tilespmem:s25+$0x3EE0]  }
.LBB2_23:
0x163: {  	p0 =	sne.s32 s28, $0xF800;
	v5 =	vld [tilespmem:s26+$0x3EF0];
	[tilespmem:s25+$0xBBA0] =	vst v2  }
0x164: {  	v6 =	vld [tilespmem:s26+$0x3E80];
	[tilespmem:s25+$0xBBB0] =	vst v0  }
0x165: {  	v7 =	vld [tilespmem:s26+$0x3E90];
	[tilespmem:s25+$0xBBC0] =	vst v1  }
.Ltmp10:
0x166: {  	v2 =	vld [tilespmem:s26+$0x3EA0];
	[tilespmem:s25+$0xBBD0] =	vst v3;
	(pc) =	sbr.rel @p0 .LBB2_23-.Ltmp10, $4  }
0x167: {  	v0 =	vld [tilespmem:s26+$0x3EB0];
	[tilespmem:s25+$0xBBE0] =	vst v4;
	s25 =	smov.u32 s26  }
0x168: {  	v1 =	vld [tilespmem:s25+$0x3EC0];
	[tilespmem:s25+$0xBBF0] =	vst v5  }
0x169: {  	[tilespmem:s25+$0xBB80] =	vst v6;
	v3 =	vld [tilespmem:s25+$0x3ED0]  }
0x16a: {  	s26 =	sshra.s32 s28, $0x2;
	s28 =	sadd.s32 $0x200, s28;
	[tilespmem:s25+$0xBB90] =	vst v7;
	v4 =	vld [tilespmem:s25+$0x3EE0]  }
0x16b: {  	v5 =	vld [tilespmem:s26+$0x3EF0];
	[tilespmem:s25+$0xBBA0] =	vst v2  }
0x16c: {  	v2 =	vld [tilespmem:s26+$0x3E80];
	[tilespmem:s25+$0xBBB0] =	vst v0  }
0x16d: {  	v0 =	vld [tilespmem:s26+$0x3E90];
	[tilespmem:s25+$0xBBC0] =	vst v1  }
0x16e: {  	v1 =	vld [tilespmem:s26+$0x3EA0];
	[tilespmem:s25+$0xBBD0] =	vst v3  }
0x16f: {  	v3 =	vld [tilespmem:s26+$0x3EB0];
	[tilespmem:s25+$0xBBE0] =	vst v4  }
0x170: {  	v4 =	vld [tilespmem:s26+$0x3EC0];
	[tilespmem:s26+$0xBBF0] =	vst v5  }
0x171: {  	v62 =	vld [tilespmem:s26+$0x3ED0];
	[tilespmem:s26+$0xBB80] =	vst v2  }
0x172: {  	v63 =	vld [tilespmem:s26+$0x3EE0];
	[tilespmem:s26+$0xBB90] =	vst v0  }
0x173: {  	[tilespmem:s26+$0xBBA0] =	vst v1  }
0x174: {  	[tilespmem:s26+$0xBBB0] =	vst v3  }
0x175: {  	s22 =	sadd.s32 $0x1, s22;
	[tilespmem:s26+$0xBBC0] =	vst v4  }
0x176: {  	p0 =	sne.s32 s22, s11;
	[tilespmem:s26+$0xBBD0] =	vst v62  }
.Ltmp11:
0x177: {  	s24 =	sadd.s32 $0x20, s24;
	[tilespmem:s26+$0xBBE0] =	vst v63;
	(pc) =	sbr.rel @p0 .LBB2_18-.Ltmp11, $4  }
0x178: {  	[hbm4b:s24+s19] =	stream.strided.scatter [tilespmem:s21], [sflag:$0x2], $0x3E80, s20, s19, $0x38;
	[tilespmem:$0xFA00] =	vst v63  }
0x179: {  	_ =	swait.ge [sflag:s15], $0x3E80  }
0x17a: {  	[sflag:s15] =	ssyncset.done $0x0  }
0x17b: {  	[sflag:s15] =	ssyncadd.s32 $0xFFFFC180  }
0x17c: {  	s8 =	sadd.s32 $0x1, s8  }
0x17d: {  	p0 =	sne.s32 s8, s14  }
.Ltmp12:
0x17e: {  	_ = 	snop;
	(pc) =	sbr.rel @p0 .LBB2_1-.Ltmp12, $1  }
0x17f: {  	_ =	sdelay $0x3  }
0x180: {  	_ =	sfence.sel $0x180000  }
0x181: {  	[bflag:$0x0] =	sbarrier.arrive $0xFFFF  }
0x182: {  	p0 =	sne.s32 s7, $0x0;
	_ =	strace $0x90000047  }
0x183: {  	s0 =	sadd.s32 @!p0 $0x100000, s1;
	[bflag:$0x2] =	sbarrier.arrive $0xFFFF  }
0x184: {  	[sflag:s0] =	ssyncadd.tile.s32 @!p0 $0x1;
	_ =	shalt  }
.Lfunc_end2:
_tile_overlayer_lowered:
.L_overlay_start_2:
0x185: {  	(tag) =	ssettag $0x2  }
0x186: {  	s0 =	rddreg [dreg:$0x0];
	s2 =	stileid.u32  }
0x187: {  	s1 =	rddreg [dreg:$0x1];
	p0 =	sne.s32 s2, $0x0  }
0x188: {  	s3 =	rddreg [dreg:$0x2];
	[bflag:$0x3] =	sbarrier.arrive $0xFFFF;
	s2 =	simm.s32 @!p0 $0x1C02  }
0x189: {  	[timem:s3], [sflag:s2] =	dma.local @!p0 [hbm:s0], s1  }
0x18a: {  	s0 =	simm.s32 @!p0 $0x2  }
0x18b: {  	_ =	swait.ge @!p0 [sflag:s0], s1  }
0x18c: {  	s1 =	ssub.s32 @!p0 $0x0, s1;
	[sflag:s0] =	ssyncset.done @!p0 $0x0  }
0x18d: {  	[sflag:s0] =	ssyncadd.s32 @!p0 s1  }
0x18e: {  	[bflag:$0x3] =	sbarrier.arrive $0xFFFF  }
0x18f: {  	_ =	shalt  }

</sc_bundles>
